<compile_context>
chip_gen: v7x
topology: tpu7x:2x2x1
jax: 0.10.2.dev20260603
libtpu: 0.0.44.dev20260713+nightly
codegen_flags: <defaults>
</compile_context>

<pallas_src>
import functools

import jax
import jax.numpy as jnp
from jax import lax
from jax.experimental import pallas as pl
from jax.experimental.pallas import tpu as pltpu
from jax.experimental.pallas import tpu_sc as plsc

NU = 25000
NI = 25000
NN = NU + NI
D = 64
E = 800000

NC = 2
NS = 16
HALF = 25000
PAD = 88
HALF_PAD = HALF + PAD
NPAD = 2 * HALF_PAD
RPT = HALF_PAD // NS

EPC = 128
GPS = 8
SUPER = EPC * GPS
E_PAD = 819200
EPT = E_PAD // NS
NSUP = EPT // SUPER
E_IDX = E_PAD + 2 * SUPER

_f32 = jnp.float32
_i32 = jnp.int32



UB = 1000
IB = 1000


def _ln_leaky(h, g, beta):
    mu = jnp.mean(h, axis=-1, keepdims=True)
    var = jnp.mean((h - mu) ** 2, axis=-1, keepdims=True)
    h = (h - mu) * lax.rsqrt(var + 1e-5) * g + beta
    return jnp.where(h >= 0, h, 0.2 * h)


def _user_stats_body(feat2, utab, W, b, g, beta, m2sum, usum):
    i = pl.program_id(0)
    h = jnp.dot(feat2[...], W[...], preferred_element_type=_f32) + b[...]
    h = _ln_leaky(h, g[...], beta[...])

    @pl.when(i == 0)
    def _():
        m2sum[...] = jnp.zeros_like(m2sum)
        usum[...] = jnp.zeros_like(usum)

    m2sum[...] += jnp.sum(h, axis=0, keepdims=True)
    usum[...] += jnp.sum(utab[...], axis=0, keepdims=True)


def _user_stats(feat2, utab, W, b, g, beta):
    grid = (NU // UB,)
    full = lambda *s: pl.BlockSpec(s, lambda i: (0,) * len(s))
    return pl.pallas_call(
        _user_stats_body,
        grid=grid,
        in_specs=[
            pl.BlockSpec((UB, 128), lambda i: (i, 0)),
            pl.BlockSpec((UB, D), lambda i: (i, 0)),
            full(128, D), full(1, D), full(1, D), full(1, D),
        ],
        out_specs=(full(1, D), full(1, D)),
        out_shape=(jax.ShapeDtypeStruct((1, D), _f32),
                   jax.ShapeDtypeStruct((1, D), _f32)),
    )(feat2, utab, W, b, g, beta)


def _item_fuse_body(feat0, feat1, itab,
                    W0, b0, g0, be0, W1, b1, g1, be1,
                    aW1u, aW1i, ab1, aW2, ab2, m2sum, usum, out):
    m0 = _ln_leaky(jnp.dot(feat0[...], W0[...], preferred_element_type=_f32)
                   + b0[...], g0[...], be0[...])
    m1 = _ln_leaky(jnp.dot(feat1[...], W1[...], preferred_element_type=_f32)
                   + b1[...], g1[...], be1[...])
    m2m = m2sum[...] * (1.0 / NU)
    um = usum[...] * (1.0 / NU)
    it = itab[...]
    h = jnp.tanh(jnp.dot(it, aW1i[...], preferred_element_type=_f32)
                 + jnp.dot(um, aW1u[...], preferred_element_type=_f32)
                 + ab1[...])
    logits = jnp.dot(h, aW2[...], preferred_element_type=_f32) + ab2[...]
    mx = jnp.max(logits, axis=-1, keepdims=True)
    ex = jnp.exp(logits - mx)
    sm = ex / jnp.sum(ex, axis=-1, keepdims=True)
    out[...] = (it + sm[:, 0:1] * m0 + sm[:, 1:2] * m1 + sm[:, 2:3] * m2m)


def _item_fuse(feat0, feat1, itab, W0, b0, g0, be0, W1, b1, g1, be1,
               aW1u, aW1i, ab1, aW2, ab2, m2sum, usum):
    grid = (NI // IB,)
    full = lambda *s: pl.BlockSpec(s, lambda i: (0,) * len(s))
    return pl.pallas_call(
        _item_fuse_body,
        grid=grid,
        in_specs=[
            pl.BlockSpec((IB, 512), lambda i: (i, 0)),
            pl.BlockSpec((IB, 384), lambda i: (i, 0)),
            pl.BlockSpec((IB, D), lambda i: (i, 0)),
            full(512, D), full(1, D), full(1, D), full(1, D),
            full(384, D), full(1, D), full(1, D), full(1, D),
            full(D, D), full(D, D), full(1, D),
            full(D, 128), full(1, 128),
            full(1, D), full(1, D),
        ],
        out_specs=pl.BlockSpec((IB, D), lambda i: (i, 0)),
        out_shape=jax.ShapeDtypeStruct((NI, D), _f32),
    )(feat0, feat1, itab, W0, b0, g0, be0, W1, b1, g1, be1,
      aW1u, aW1i, ab1, aW2, ab2, m2sum, usum)


def _mean3_body(a, b, c, out):
    out[...] = (a[...] + b[...] + c[...]) * (1.0 / 3.0)


def _mean3(a, b, c):
    grid = (a.shape[0] // UB,)
    return pl.pallas_call(
        _mean3_body,
        grid=grid,
        in_specs=[pl.BlockSpec((UB, D), lambda i: (i, 0))] * 3,
        out_specs=pl.BlockSpec((UB, D), lambda i: (i, 0)),
        out_shape=jax.ShapeDtypeStruct(a.shape, _f32),
    )(a, b, c)



def _prop_body(emb, rows2d, cols2d, vals1d, out,
               acc, ridx0, cidx0, valv0, ridx1, cidx1, valv1,
               rbuf0, rbuf1, sidx,
               semI0, semI1, semG0, semG1, semS0, semS1):
    c = lax.axis_index("c")
    s = lax.axis_index("s")
    base = c * HALF
    rbufs = (rbuf0, rbuf1)
    semG = (semG0, semG1)
    semS = (semS0, semS1)
    slots = ((ridx0, cidx0, valv0, semI0), (ridx1, cidx1, valv1, semI1))
    zv = jnp.zeros((16,), _f32)
    civ = lax.iota(_i32, 16)
    ebase = s * EPT

    def zb(i, carry):
        for q in range(D // 16):
            rbuf0[i, pl.ds(16 * q, 16)] = zv
            rbuf1[i, pl.ds(16 * q, 16)] = zv
        return carry

    lax.fori_loop(0, EPC, zb, 0)
    for b in range(2):
        def sin(q, carry, _b=b):
            sidx[_b, pl.ds(16 * q, 16)] = jnp.full((16,), HALF, _i32) + civ
            return carry
        lax.fori_loop(0, EPC // 16, sin, 0)

    nfull = RPT // EPC
    rem = RPT - nfull * EPC
    for z in range(nfull):
        pltpu.sync_copy(rbuf0, acc.at[pl.ds(s * RPT + z * EPC, EPC)])
    if rem:
        pltpu.sync_copy(rbuf0.at[pl.ds(0, rem)],
                        acc.at[pl.ds(s * RPT + nfull * EPC, rem)])
    plsc.subcore_barrier()

    def issue_idx(m, slot):
        ridx_r, cidx_r, valv_r, semI = slot
        g0 = pl.multiple_of((ebase + m * SUPER) // EPC, GPS)
        e0_ = pl.multiple_of(ebase + m * SUPER, SUPER)
        pltpu.async_copy(rows2d.at[pl.ds(g0, GPS)], ridx_r, semI)
        pltpu.async_copy(cols2d.at[pl.ds(g0, GPS)], cidx_r, semI)
        pltpu.async_copy(vals1d.at[pl.ds(e0_, SUPER)], valv_r, semI)

    def wait_idx(m, slot):
        ridx_r, cidx_r, valv_r, semI = slot
        g0 = pl.multiple_of((ebase + m * SUPER) // EPC, GPS)
        e0_ = pl.multiple_of(ebase + m * SUPER, SUPER)
        pltpu.make_async_copy(rows2d.at[pl.ds(g0, GPS)], ridx_r, semI).wait()
        pltpu.make_async_copy(cols2d.at[pl.ds(g0, GPS)], cidx_r, semI).wait()
        pltpu.make_async_copy(vals1d.at[pl.ds(e0_, SUPER)], valv_r, semI).wait()

    def remap_copy(slot, g, b):
        ridx_r, cidx_r, valv_r, _ = slot

        @functools.partial(plsc.parallel_loop, 0, EPC // 16)
        def rq(q):
            sl = pl.ds(16 * q, 16)
            cid = cidx_r[g, sl]
            cidx_r[g, sl] = jnp.where(cid >= HALF, cid + PAD, cid)
            rid = ridx_r[g, sl]
            inh = (rid >= base) & (rid < base + HALF)
            dummy = jnp.full((16,), HALF, _i32) + 16 * (q & 3) + civ
            lloc = jnp.where(inh, rid - base, dummy)
            ridx_r[g, sl] = lloc
            sidx[b, sl] = lloc
            fl = pl.ds(g * EPC + 16 * q, 16)
            vv = valv_r[fl]
            valv_r[fl] = jnp.where(inh, vv, zv)

    def mul(slot, g, b):
        valv_r = slot[2]
        rb = rbufs[b]

        @functools.partial(plsc.parallel_loop, 0, EPC // 16)
        def mbody(j16):
            jb = j16 * 16
            v16 = valv_r[pl.ds(g * EPC + jb, 16)]
            for i in range(16):
                vi = v16[i]
                for q in range(D // 16):
                    sl2 = pl.ds(16 * q, 16)
                    rb[jb + i, sl2] = rb[jb + i, sl2] * vi

    def do_super(m, slot, cs):
        wait_idx(m, slot)
        cg = [None, None]
        for g in (0, 1):
            b = g & 1
            if cs[b] is not None:
                cs[b].wait()
            remap_copy(slot, g, b)
            cg[b] = pltpu.async_copy(emb.at[slot[1].at[g]], rbufs[b], semG[b])
        for g in range(GPS):
            b = g & 1
            cg[b].wait()
            mul(slot, g, b)
            cs[b] = pltpu.async_copy(rbufs[b], acc.at[sidx.at[b]], semS[b],
                                     add=True)
            if g + 2 < GPS:
                cs[b].wait()
                cs[b] = None
                remap_copy(slot, g + 2, b)
                cg[b] = pltpu.async_copy(emb.at[slot[1].at[g + 2]],
                                         rbufs[b], semG[b])
        issue_idx(m + 2, slot)
        return cs

    issue_idx(0, slots[0])
    issue_idx(1, slots[1])

    def body(i, carry):
        cs = do_super(2 * i, slots[0], [None, None])
        cs = do_super(2 * i + 1, slots[1], cs)
        cs[0].wait()
        cs[1].wait()
        return carry

    lax.fori_loop(0, NSUP // 2, body, 0)

    wait_idx(NSUP, slots[0])
    wait_idx(NSUP + 1, slots[1])
    plsc.subcore_barrier()
    pltpu.sync_copy(acc.at[pl.ds(s * RPT, RPT)],
                    out.at[pl.ds(c * HALF_PAD + s * RPT, RPT)])


_propagate = functools.partial(
    pl.kernel,
    out_type=jax.ShapeDtypeStruct((NPAD, D), _f32),
    mesh=plsc.VectorSubcoreMesh(core_axis_name="c", subcore_axis_name="s"),
    compiler_params=pltpu.CompilerParams(use_tc_tiling_on_sc=False),
    scratch_types=[
        pltpu.VMEM_SHARED((HALF_PAD, D), _f32),
        pltpu.VMEM((GPS, EPC), _i32),
        pltpu.VMEM((GPS, EPC), _i32),
        pltpu.VMEM((SUPER,), _f32),
        pltpu.VMEM((GPS, EPC), _i32),
        pltpu.VMEM((GPS, EPC), _i32),
        pltpu.VMEM((SUPER,), _f32),
        pltpu.VMEM((EPC, D), _f32),
        pltpu.VMEM((EPC, D), _f32),
        pltpu.VMEM((2, EPC), _i32),
        pltpu.SemaphoreType.DMA,
        pltpu.SemaphoreType.DMA,
        pltpu.SemaphoreType.DMA,
        pltpu.SemaphoreType.DMA,
        pltpu.SemaphoreType.DMA,
        pltpu.SemaphoreType.DMA,
    ],
)(_prop_body)



def kernel(user_table, item_table, feat0, feat1, feat2,
           enc0_W, enc0_b, enc0_g, enc0_beta,
           enc1_W, enc1_b, enc1_g, enc1_beta,
           enc2_W, enc2_b, enc2_g, enc2_beta,
           att_W1, att_b1, att_W2, att_b2,
           adj_row, adj_col, adj_val):
    r1 = lambda v: v.reshape(1, -1)
    m2sum, usum = _user_stats(feat2, user_table, enc2_W, r1(enc2_b),
                              r1(enc2_g), r1(enc2_beta))
    aW2 = jnp.pad(att_W2, ((0, 0), (0, 128 - 3)))
    ab2 = jnp.pad(att_b2, (0, 128 - 3), constant_values=-1e30).reshape(1, -1)
    item_emb = _item_fuse(
        feat0, feat1, item_table,
        enc0_W, r1(enc0_b), r1(enc0_g), r1(enc0_beta),
        enc1_W, r1(enc1_b), r1(enc1_g), r1(enc1_beta),
        att_W1[:D], att_W1[D:], r1(att_b1), aW2, ab2, m2sum, usum)

    z = jnp.zeros((PAD, D), _f32)
    e0 = jnp.concatenate([user_table, z, item_emb, z], axis=0)

    npad = E_IDX - E
    rows2d = jnp.pad(adj_row.astype(_i32), (0, npad)).reshape(-1, EPC)
    cols2d = jnp.pad(adj_col.astype(_i32), (0, npad)).reshape(-1, EPC)
    vals1d = jnp.pad(adj_val, (0, npad))

    e1 = _propagate(e0, rows2d, cols2d, vals1d)
    e2 = _propagate(e1, rows2d, cols2d, vals1d)

    u_out = _mean3(user_table, e1[:NU], e2[:NU])
    i_out = _mean3(item_emb, e1[HALF_PAD:HALF_PAD + NI],
                   e2[HALF_PAD:HALF_PAD + NI])
    return u_out, i_out

# --- scband reference (transcript-rebuilt; emitter-appended) ---
"""Pipeline reference for scband-gclkg-35553739276533 (READ-ONLY COPY).

The authoritative reference and input builder live on the scoring server;
editing this copy changes nothing except your own understanding.
"""

import jax, jax.numpy as jnp
import numpy as np

N_USERS = 25000
N_ITEMS = 25000
N_NODES = N_USERS + N_ITEMS
D = 64
E = 800000
F0, F1, F2 = 512, 384, 128
N_LAYERS = 2


def _layernorm(x, g, b, eps=1e-5):
    mu = x.mean(axis=-1, keepdims=True)
    var = ((x - mu) ** 2).mean(axis=-1, keepdims=True)
    return (x - mu) / jnp.sqrt(var + eps) * g + b


def _leaky_relu(x):
    return jnp.where(x >= 0, x, 0.2 * x)


def _encoder(x, W, b, g, beta):
    # Linear -> LayerNorm -> LeakyReLU(0.2) -> Dropout(eval: identity)
    h = x @ W + b
    h = _layernorm(h, g, beta)
    return _leaky_relu(h)


def setup_inputs(seed: int = 0) -> dict:
    key = jax.random.key(seed)
    ks = jax.random.split(key, 16)
    inp = {}
    inp['user_table'] = jax.random.normal(ks[0], (N_USERS, D), dtype=jnp.float32) * 0.1
    inp['item_table'] = jax.random.normal(ks[1], (N_ITEMS, D), dtype=jnp.float32) * 0.1
    inp['feat0'] = jax.random.normal(ks[2], (N_ITEMS, F0), dtype=jnp.float32)
    inp['feat1'] = jax.random.normal(ks[3], (N_ITEMS, F1), dtype=jnp.float32)
    inp['feat2'] = jax.random.normal(ks[4], (N_USERS, F2), dtype=jnp.float32)
    for m, f in enumerate([F0, F1, F2]):
        inp['enc%d_W' % m] = jax.random.normal(ks[5 + m], (f, D), dtype=jnp.float32) * (1.0 / np.sqrt(f))
        inp['enc%d_b' % m] = jnp.zeros((D,), dtype=jnp.float32)
        inp['enc%d_g' % m] = jnp.ones((D,), dtype=jnp.float32)
        inp['enc%d_beta' % m] = jnp.zeros((D,), dtype=jnp.float32)
    inp['att_W1'] = jax.random.normal(ks[8], (2 * D, D), dtype=jnp.float32) * (1.0 / np.sqrt(2 * D))
    inp['att_b1'] = jnp.zeros((D,), dtype=jnp.float32)
    inp['att_W2'] = jax.random.normal(ks[9], (D, 3), dtype=jnp.float32) * (1.0 / np.sqrt(D))
    inp['att_b2'] = jnp.zeros((3,), dtype=jnp.float32)
    inp['adj_row'] = jax.random.randint(ks[10], (E,), 0, N_NODES)
    inp['adj_col'] = jax.random.randint(ks[11], (E,), 0, N_NODES)
    inp['adj_val'] = jax.random.uniform(ks[12], (E,), dtype=jnp.float32) * 0.01
    return inp


def reference(user_table, item_table, feat0, feat1, feat2,
              enc0_W, enc0_b, enc0_g, enc0_beta,
              enc1_W, enc1_b, enc1_g, enc1_beta,
              enc2_W, enc2_b, enc2_g, enc2_beta,
              att_W1, att_b1, att_W2, att_b2,
              adj_row, adj_col, adj_val):
    # modal encoders: m<2 are item modalities, m=2 is a user modality
    m0 = _encoder(feat0, enc0_W, enc0_b, enc0_g, enc0_beta)
    m1 = _encoder(feat1, enc1_W, enc1_b, enc1_g, enc1_beta)
    user_modal = _encoder(feat2, enc2_W, enc2_b, enc2_g, enc2_beta)
    m2 = jnp.broadcast_to(user_modal.mean(axis=0, keepdims=True), (N_ITEMS, D))
    item_modal_fused = jnp.stack([m0, m1, m2], axis=1)  # [n_items, 3, D]
    # modal attention over (mean user emb, item emb)
    u_mean = jnp.broadcast_to(user_table.mean(axis=0, keepdims=True), (N_ITEMS, D))
    att_in = jnp.concatenate([u_mean, item_table], axis=1)  # [n_items, 2D]
    h = jnp.tanh(att_in @ att_W1 + att_b1)
    modal_weights = jax.nn.softmax(h @ att_W2 + att_b2, axis=-1)  # [n_items, 3]
    item_modal_weighted = (item_modal_fused * modal_weights[:, :, None]).sum(axis=1)
    user_emb = user_table
    item_emb = item_table + item_modal_weighted
    all_emb = jnp.concatenate([user_emb, item_emb], axis=0)  # [N_NODES, D]
    all_embs = [all_emb]
    for _ in range(N_LAYERS):
        # sparse adj @ all_emb: gather src rows, scale by edge value, scatter-add to dst
        gathered = all_emb[adj_col] * adj_val[:, None]
        all_emb = jnp.zeros((N_NODES, D), dtype=all_emb.dtype).at[adj_row].add(gathered)
        all_embs.append(all_emb)
    out = jnp.stack(all_embs, axis=0).mean(axis=0)
    return out[:N_USERS], out[N_USERS:]

if __name__ == "__main__":
    import jax
    _d = setup_inputs()
    print(jax.jit(kernel)(*tuple(_d.values())))

</pallas_src>

<mosaic_0001>
#map = affine_map<(d0, d1) -> (0, 0)>
#map1 = affine_map<(d0, d1) -> (0)>
module attributes {stable_mosaic.version = 14 : i64} {
  func.func @_prop_body(%arg0: i32, %arg1: i32, %arg2: memref<50176x64xf32, #tpu.memory_space<hbm>>, %arg3: memref<6416x128xi32, #tpu.memory_space<hbm>>, %arg4: memref<6416x128xi32, #tpu.memory_space<hbm>>, %arg5: memref<821248xf32, #tpu.memory_space<hbm>>, %arg6: memref<50176x64xf32, #tpu.memory_space<hbm>>, %arg7: memref<25088x64xf32, #tpu.memory_space<vmem_shared>>, %arg8: memref<8x128xi32, #tpu.memory_space<vmem>>, %arg9: memref<8x128xi32, #tpu.memory_space<vmem>>, %arg10: memref<1024xf32, #tpu.memory_space<vmem>>, %arg11: memref<8x128xi32, #tpu.memory_space<vmem>>, %arg12: memref<8x128xi32, #tpu.memory_space<vmem>>, %arg13: memref<1024xf32, #tpu.memory_space<vmem>>, %arg14: memref<128x64xf32, #tpu.memory_space<vmem>>, %arg15: memref<128x64xf32, #tpu.memory_space<vmem>>, %arg16: memref<2x128xi32, #tpu.memory_space<vmem>>, %arg17: memref<!tpu.dma_semaphore, #tpu.memory_space<semaphore_mem>>, %arg18: memref<!tpu.dma_semaphore, #tpu.memory_space<semaphore_mem>>, %arg19: memref<!tpu.dma_semaphore, #tpu.memory_space<semaphore_mem>>, %arg20: memref<!tpu.dma_semaphore, #tpu.memory_space<semaphore_mem>>, %arg21: memref<!tpu.dma_semaphore, #tpu.memory_space<semaphore_mem>>, %arg22: memref<!tpu.dma_semaphore, #tpu.memory_space<semaphore_mem>>) attributes {dimension_semantics = [#tpu.dimension_semantics<core_parallel>, #tpu.dimension_semantics<subcore_parallel>], iteration_bounds = array<i64: 2, 16>, scalar_prefetch = 0 : i64, scratch_operands = 16 : i64, tpu.core_type = #tpu.core_type<sc_vector_subcore>, window_params = [{transform_indices = #map}, {transform_indices = #map}, {transform_indices = #map}, {transform_indices = #map1}, {transform_indices = #map}]} {
    %mul3A = arith.constant 25000 : i32
    %mul3A_0 = arith.muli %arg0, %mul3A : i32
    %broadcast_in_dim3A = arith.constant 0.000000e+00 : f32
    %broadcast_in_dim3A_1 = vector.broadcast %broadcast_in_dim3A : f32 to vector<16xf32>
    %iota3A = tpu.iota {dimensions = array<i32: 0>} : vector<16xi32>
    %mul3A_2 = arith.constant 51200 : i32
    %mul3A_3 = arith.muli %arg1, %mul3A_2 : i32
    %scan3A = arith.constant 0 : i32
    %scan3A_4 = arith.constant 0 : i32
    %scan3A_5 = arith.constant 128 : i32
    %scan3A_6 = arith.addi %scan3A_4, %scan3A_5 : i32
    %scan3A_7 = arith.constant 1 : i32
    scf.for %scan3A_235 = %scan3A_4 to %scan3A_6 step %scan3A_7  : i32 {
      %swap3A = arith.index_cast %scan3A_235 : i32 to index
      %swap3A_236 = arith.constant 0 : index
      %swap3A_237 = tpu.vector_load %arg14[%swap3A, %swap3A_236] {strides = array<i32>} : memref<128x64xf32, #tpu.memory_space<vmem>>, vector<1x16xf32>,
      %swap3A_238 = vector.shape_cast %swap3A_237 : vector<1x16xf32> to vector<16xf32>
      %swap3A_239 = vector.shape_cast %broadcast_in_dim3A_1 : vector<16xf32> to vector<1x16xf32>
      tpu.vector_store %arg14[%swap3A, %swap3A_236], %swap3A_239 {strides = array<i32>} : memref<128x64xf32, #tpu.memory_space<vmem>>, vector<1x16xf32>,
      %swap3A_240 = arith.index_cast %scan3A_235 : i32 to index
      %swap3A_241 = arith.constant 0 : index
      %swap3A_242 = tpu.vector_load %arg15[%swap3A_240, %swap3A_241] {strides = array<i32>} : memref<128x64xf32, #tpu.memory_space<vmem>>, vector<1x16xf32>,
      %swap3A_243 = vector.shape_cast %swap3A_242 : vector<1x16xf32> to vector<16xf32>
      %swap3A_244 = vector.shape_cast %broadcast_in_dim3A_1 : vector<16xf32> to vector<1x16xf32>
      tpu.vector_store %arg15[%swap3A_240, %swap3A_241], %swap3A_244 {strides = array<i32>} : memref<128x64xf32, #tpu.memory_space<vmem>>, vector<1x16xf32>,
      %swap3A_245 = arith.index_cast %scan3A_235 : i32 to index
      %swap3A_246 = arith.constant 16 : index
      %swap3A_247 = tpu.vector_load %arg14[%swap3A_245, %swap3A_246] {strides = array<i32>} : memref<128x64xf32, #tpu.memory_space<vmem>>, vector<1x16xf32>,
      %swap3A_248 = vector.shape_cast %swap3A_247 : vector<1x16xf32> to vector<16xf32>
      %swap3A_249 = vector.shape_cast %broadcast_in_dim3A_1 : vector<16xf32> to vector<1x16xf32>
      tpu.vector_store %arg14[%swap3A_245, %swap3A_246], %swap3A_249 {strides = array<i32>} : memref<128x64xf32, #tpu.memory_space<vmem>>, vector<1x16xf32>,
      %swap3A_250 = arith.index_cast %scan3A_235 : i32 to index
      %swap3A_251 = arith.constant 16 : index
      %swap3A_252 = tpu.vector_load %arg15[%swap3A_250, %swap3A_251] {strides = array<i32>} : memref<128x64xf32, #tpu.memory_space<vmem>>, vector<1x16xf32>,
      %swap3A_253 = vector.shape_cast %swap3A_252 : vector<1x16xf32> to vector<16xf32>
      %swap3A_254 = vector.shape_cast %broadcast_in_dim3A_1 : vector<16xf32> to vector<1x16xf32>
      tpu.vector_store %arg15[%swap3A_250, %swap3A_251], %swap3A_254 {strides = array<i32>} : memref<128x64xf32, #tpu.memory_space<vmem>>, vector<1x16xf32>,
      %swap3A_255 = arith.index_cast %scan3A_235 : i32 to index
      %swap3A_256 = arith.constant 32 : index
      %swap3A_257 = tpu.vector_load %arg14[%swap3A_255, %swap3A_256] {strides = array<i32>} : memref<128x64xf32, #tpu.memory_space<vmem>>, vector<1x16xf32>,
      %swap3A_258 = vector.shape_cast %swap3A_257 : vector<1x16xf32> to vector<16xf32>
      %swap3A_259 = vector.shape_cast %broadcast_in_dim3A_1 : vector<16xf32> to vector<1x16xf32>
      tpu.vector_store %arg14[%swap3A_255, %swap3A_256], %swap3A_259 {strides = array<i32>} : memref<128x64xf32, #tpu.memory_space<vmem>>, vector<1x16xf32>,
      %swap3A_260 = arith.index_cast %scan3A_235 : i32 to index
      %swap3A_261 = arith.constant 32 : index
      %swap3A_262 = tpu.vector_load %arg15[%swap3A_260, %swap3A_261] {strides = array<i32>} : memref<128x64xf32, #tpu.memory_space<vmem>>, vector<1x16xf32>,
      %swap3A_263 = vector.shape_cast %swap3A_262 : vector<1x16xf32> to vector<16xf32>
      %swap3A_264 = vector.shape_cast %broadcast_in_dim3A_1 : vector<16xf32> to vector<1x16xf32>
      tpu.vector_store %arg15[%swap3A_260, %swap3A_261], %swap3A_264 {strides = array<i32>} : memref<128x64xf32, #tpu.memory_space<vmem>>, vector<1x16xf32>,
      %swap3A_265 = arith.index_cast %scan3A_235 : i32 to index
      %swap3A_266 = arith.constant 48 : index
      %swap3A_267 = tpu.vector_load %arg14[%swap3A_265, %swap3A_266] {strides = array<i32>} : memref<128x64xf32, #tpu.memory_space<vmem>>, vector<1x16xf32>,
      %swap3A_268 = vector.shape_cast %swap3A_267 : vector<1x16xf32> to vector<16xf32>
      %swap3A_269 = vector.shape_cast %broadcast_in_dim3A_1 : vector<16xf32> to vector<1x16xf32>
      tpu.vector_store %arg14[%swap3A_265, %swap3A_266], %swap3A_269 {strides = array<i32>} : memref<128x64xf32, #tpu.memory_space<vmem>>, vector<1x16xf32>,
      %swap3A_270 = arith.index_cast %scan3A_235 : i32 to index
      %swap3A_271 = arith.constant 48 : index
      %swap3A_272 = tpu.vector_load %arg15[%swap3A_270, %swap3A_271] {strides = array<i32>} : memref<128x64xf32, #tpu.memory_space<vmem>>, vector<1x16xf32>,
      %swap3A_273 = vector.shape_cast %swap3A_272 : vector<1x16xf32> to vector<16xf32>
      %swap3A_274 = vector.shape_cast %broadcast_in_dim3A_1 : vector<16xf32> to vector<1x16xf32>
      tpu.vector_store %arg15[%swap3A_270, %swap3A_271], %swap3A_274 {strides = array<i32>} : memref<128x64xf32, #tpu.memory_space<vmem>>, vector<1x16xf32>,
    }
    %scan3A_8 = arith.constant 128 : i32
    %scan3A_9 = arith.constant 0 : i32
    %scan3A_10 = arith.constant 0 : i32
    %scan3A_11 = arith.constant 8 : i32
    %scan3A_12 = arith.addi %scan3A_10, %scan3A_11 : i32
    %scan3A_13 = arith.constant 1 : i32
    scf.for %scan3A_235 = %scan3A_10 to %scan3A_12 step %scan3A_13  : i32 {
      %broadcast_in_dim3A_236 = arith.constant 25000 : i32
      %broadcast_in_dim3A_237 = vector.broadcast %broadcast_in_dim3A_236 : i32 to vector<16xi32>
      %add3A_238 = arith.addi %broadcast_in_dim3A_237, %iota3A : vector<16xi32>
      %mul3A_239 = arith.constant 16 : i32
      %mul3A_240 = arith.muli %mul3A_239, %scan3A_235 : i32
      %swap3A = arith.constant 0 : i32
      %swap3A_241 = arith.index_cast %swap3A : i32 to index
      %swap3A_242 = arith.index_cast %mul3A_240 : i32 to index
      %swap3A_243 = tpu.vector_load %arg16[%swap3A_241, %swap3A_242] {strides = array<i32>} : memref<2x128xi32, #tpu.memory_space<vmem>>, vector<1x16xi32>,
      %swap3A_244 = vector.shape_cast %swap3A_243 : vector<1x16xi32> to vector<16xi32>
      %swap3A_245 = vector.shape_cast %add3A_238 : vector<16xi32> to vector<1x16xi32>
      tpu.vector_store %arg16[%swap3A_241, %swap3A_242], %swap3A_245 {strides = array<i32>} : memref<2x128xi32, #tpu.memory_space<vmem>>, vector<1x16xi32>,
    }
    %scan3A_14 = arith.constant 8 : i32
    %scan3A_15 = arith.constant 0 : i32
    %scan3A_16 = arith.constant 0 : i32
    %scan3A_17 = arith.constant 8 : i32
    %scan3A_18 = arith.addi %scan3A_16, %scan3A_17 : i32
    %scan3A_19 = arith.constant 1 : i32
    scf.for %scan3A_235 = %scan3A_16 to %scan3A_18 step %scan3A_19  : i32 {
      %broadcast_in_dim3A_236 = arith.constant 25000 : i32
      %broadcast_in_dim3A_237 = vector.broadcast %broadcast_in_dim3A_236 : i32 to vector<16xi32>
      %add3A_238 = arith.addi %broadcast_in_dim3A_237, %iota3A : vector<16xi32>
      %mul3A_239 = arith.constant 16 : i32
      %mul3A_240 = arith.muli %mul3A_239, %scan3A_235 : i32
      %swap3A = arith.constant 1 : i32
      %swap3A_241 = arith.index_cast %swap3A : i32 to index
      %swap3A_242 = arith.index_cast %mul3A_240 : i32 to index
      %swap3A_243 = tpu.vector_load %arg16[%swap3A_241, %swap3A_242] {strides = array<i32>} : memref<2x128xi32, #tpu.memory_space<vmem>>, vector<1x16xi32>,
      %swap3A_244 = vector.shape_cast %swap3A_243 : vector<1x16xi32> to vector<16xi32>
      %swap3A_245 = vector.shape_cast %add3A_238 : vector<16xi32> to vector<1x16xi32>
      tpu.vector_store %arg16[%swap3A_241, %swap3A_242], %swap3A_245 {strides = array<i32>} : memref<2x128xi32, #tpu.memory_space<vmem>>, vector<1x16xi32>,
    }
    %scan3A_20 = arith.constant 8 : i32
    %mul3A_21 = arith.constant 1568 : i32
    %mul3A_22 = arith.muli %arg1, %mul3A_21 : i32
    %add3A = arith.constant 0 : i32
    %add3A_23 = arith.addi %mul3A_22, %add3A : i32
    "tpu.region"() ({
      %run_scoped3A = tpu.sem_alloc : memref<!tpu.dma_semaphore, #tpu.memory_space<semaphore_mem>>
      %dma_start3A_235 = arith.constant 0 : i32
      %dma_start3A_236 = tpu.memref_slice %arg7[%add3A_23, %dma_start3A_235] : memref<25088x64xf32, #tpu.memory_space<vmem_shared>> -> memref<128x64xf32, #tpu.memory_space<vmem_shared>>
      %dma_start3A_237 = arith.constant 0 : i32
      %dma_start3A_238 = tpu.memref_slice %arg7[%add3A_23, %dma_start3A_237] : memref<25088x64xf32, #tpu.memory_space<vmem_shared>> -> memref<128x64xf32, #tpu.memory_space<vmem_shared>>
      tpu.enqueue_dma source(%arg14 : memref<128x64xf32, #tpu.memory_space<vmem>>) target(%dma_start3A_238 : memref<128x64xf32, #tpu.memory_space<vmem_shared>>) target_semaphore(%run_scoped3A : memref<!tpu.dma_semaphore, #tpu.memory_space<semaphore_mem>>)
      %dma_wait3A_239 = arith.constant 0 : i32
      %dma_wait3A_240 = tpu.memref_slice %arg7[%add3A_23, %dma_wait3A_239] : memref<25088x64xf32, #tpu.memory_space<vmem_shared>> -> memref<128x64xf32, #tpu.memory_space<vmem_shared>>
      %dma_wait3A_241 = arith.constant 0 : i32
      %dma_wait3A_242 = tpu.memref_slice %arg7[%add3A_23, %dma_wait3A_241] : memref<25088x64xf32, #tpu.memory_space<vmem_shared>> -> memref<128x64xf32, #tpu.memory_space<vmem_shared>>
      tpu.wait_dma2 semaphore(%run_scoped3A : memref<!tpu.dma_semaphore, #tpu.memory_space<semaphore_mem>>) src(%arg14 : memref<128x64xf32, #tpu.memory_space<vmem>>) dst(%dma_wait3A_242 : memref<128x64xf32, #tpu.memory_space<vmem_shared>>)
      tpu.yield
    }) : () -> ()
    %mul3A_24 = arith.constant 1568 : i32
    %mul3A_25 = arith.muli %arg1, %mul3A_24 : i32
    %add3A_26 = arith.constant 128 : i32
    %add3A_27 = arith.addi %mul3A_25, %add3A_26 : i32
    "tpu.region"() ({
      %run_scoped3A = tpu.sem_alloc : memref<!tpu.dma_semaphore, #tpu.memory_space<semaphore_mem>>
      %dma_start3A_235 = arith.constant 0 : i32
      %dma_start3A_236 = tpu.memref_slice %arg7[%add3A_27, %dma_start3A_235] : memref<25088x64xf32, #tpu.memory_space<vmem_shared>> -> memref<128x64xf32, #tpu.memory_space<vmem_shared>>
      %dma_start3A_237 = arith.constant 0 : i32
      %dma_start3A_238 = tpu.memref_slice %arg7[%add3A_27, %dma_start3A_237] : memref<25088x64xf32, #tpu.memory_space<vmem_shared>> -> memref<128x64xf32, #tpu.memory_space<vmem_shared>>
      tpu.enqueue_dma source(%arg14 : memref<128x64xf32, #tpu.memory_space<vmem>>) target(%dma_start3A_238 : memref<128x64xf32, #tpu.memory_space<vmem_shared>>) target_semaphore(%run_scoped3A : memref<!tpu.dma_semaphore, #tpu.memory_space<semaphore_mem>>)
      %dma_wait3A_239 = arith.constant 0 : i32
      %dma_wait3A_240 = tpu.memref_slice %arg7[%add3A_27, %dma_wait3A_239] : memref<25088x64xf32, #tpu.memory_space<vmem_shared>> -> memref<128x64xf32, #tpu.memory_space<vmem_shared>>
      %dma_wait3A_241 = arith.constant 0 : i32
      %dma_wait3A_242 = tpu.memref_slice %arg7[%add3A_27, %dma_wait3A_241] : memref<25088x64xf32, #tpu.memory_space<vmem_shared>> -> memref<128x64xf32, #tpu.memory_space<vmem_shared>>
      tpu.wait_dma2 semaphore(%run_scoped3A : memref<!tpu.dma_semaphore, #tpu.memory_space<semaphore_mem>>) src(%arg14 : memref<128x64xf32, #tpu.memory_space<vmem>>) dst(%dma_wait3A_242 : memref<128x64xf32, #tpu.memory_space<vmem_shared>>)
      tpu.yield
    }) : () -> ()
    %mul3A_28 = arith.constant 1568 : i32
    %mul3A_29 = arith.muli %arg1, %mul3A_28 : i32
    %add3A_30 = arith.constant 256 : i32
    %add3A_31 = arith.addi %mul3A_29, %add3A_30 : i32
    "tpu.region"() ({
      %run_scoped3A = tpu.sem_alloc : memref<!tpu.dma_semaphore, #tpu.memory_space<semaphore_mem>>
      %dma_start3A_235 = arith.constant 0 : i32
      %dma_start3A_236 = tpu.memref_slice %arg7[%add3A_31, %dma_start3A_235] : memref<25088x64xf32, #tpu.memory_space<vmem_shared>> -> memref<128x64xf32, #tpu.memory_space<vmem_shared>>
      %dma_start3A_237 = arith.constant 0 : i32
      %dma_start3A_238 = tpu.memref_slice %arg7[%add3A_31, %dma_start3A_237] : memref<25088x64xf32, #tpu.memory_space<vmem_shared>> -> memref<128x64xf32, #tpu.memory_space<vmem_shared>>
      tpu.enqueue_dma source(%arg14 : memref<128x64xf32, #tpu.memory_space<vmem>>) target(%dma_start3A_238 : memref<128x64xf32, #tpu.memory_space<vmem_shared>>) target_semaphore(%run_scoped3A : memref<!tpu.dma_semaphore, #tpu.memory_space<semaphore_mem>>)
      %dma_wait3A_239 = arith.constant 0 : i32
      %dma_wait3A_240 = tpu.memref_slice %arg7[%add3A_31, %dma_wait3A_239] : memref<25088x64xf32, #tpu.memory_space<vmem_shared>> -> memref<128x64xf32, #tpu.memory_space<vmem_shared>>
      %dma_wait3A_241 = arith.constant 0 : i32
      %dma_wait3A_242 = tpu.memref_slice %arg7[%add3A_31, %dma_wait3A_241] : memref<25088x64xf32, #tpu.memory_space<vmem_shared>> -> memref<128x64xf32, #tpu.memory_space<vmem_shared>>
      tpu.wait_dma2 semaphore(%run_scoped3A : memref<!tpu.dma_semaphore, #tpu.memory_space<semaphore_mem>>) src(%arg14 : memref<128x64xf32, #tpu.memory_space<vmem>>) dst(%dma_wait3A_242 : memref<128x64xf32, #tpu.memory_space<vmem_shared>>)
      tpu.yield
    }) : () -> ()
    %mul3A_32 = arith.constant 1568 : i32
    %mul3A_33 = arith.muli %arg1, %mul3A_32 : i32
    %add3A_34 = arith.constant 384 : i32
    %add3A_35 = arith.addi %mul3A_33, %add3A_34 : i32
    "tpu.region"() ({
      %run_scoped3A = tpu.sem_alloc : memref<!tpu.dma_semaphore, #tpu.memory_space<semaphore_mem>>
      %dma_start3A_235 = arith.constant 0 : i32
      %dma_start3A_236 = tpu.memref_slice %arg7[%add3A_35, %dma_start3A_235] : memref<25088x64xf32, #tpu.memory_space<vmem_shared>> -> memref<128x64xf32, #tpu.memory_space<vmem_shared>>
      %dma_start3A_237 = arith.constant 0 : i32
      %dma_start3A_238 = tpu.memref_slice %arg7[%add3A_35, %dma_start3A_237] : memref<25088x64xf32, #tpu.memory_space<vmem_shared>> -> memref<128x64xf32, #tpu.memory_space<vmem_shared>>
      tpu.enqueue_dma source(%arg14 : memref<128x64xf32, #tpu.memory_space<vmem>>) target(%dma_start3A_238 : memref<128x64xf32, #tpu.memory_space<vmem_shared>>) target_semaphore(%run_scoped3A : memref<!tpu.dma_semaphore, #tpu.memory_space<semaphore_mem>>)
      %dma_wait3A_239 = arith.constant 0 : i32
      %dma_wait3A_240 = tpu.memref_slice %arg7[%add3A_35, %dma_wait3A_239] : memref<25088x64xf32, #tpu.memory_space<vmem_shared>> -> memref<128x64xf32, #tpu.memory_space<vmem_shared>>
      %dma_wait3A_241 = arith.constant 0 : i32
      %dma_wait3A_242 = tpu.memref_slice %arg7[%add3A_35, %dma_wait3A_241] : memref<25088x64xf32, #tpu.memory_space<vmem_shared>> -> memref<128x64xf32, #tpu.memory_space<vmem_shared>>
      tpu.wait_dma2 semaphore(%run_scoped3A : memref<!tpu.dma_semaphore, #tpu.memory_space<semaphore_mem>>) src(%arg14 : memref<128x64xf32, #tpu.memory_space<vmem>>) dst(%dma_wait3A_242 : memref<128x64xf32, #tpu.memory_space<vmem_shared>>)
      tpu.yield
    }) : () -> ()
    %mul3A_36 = arith.constant 1568 : i32
    %mul3A_37 = arith.muli %arg1, %mul3A_36 : i32
    %add3A_38 = arith.constant 512 : i32
    %add3A_39 = arith.addi %mul3A_37, %add3A_38 : i32
    "tpu.region"() ({
      %run_scoped3A = tpu.sem_alloc : memref<!tpu.dma_semaphore, #tpu.memory_space<semaphore_mem>>
      %dma_start3A_235 = arith.constant 0 : i32
      %dma_start3A_236 = tpu.memref_slice %arg7[%add3A_39, %dma_start3A_235] : memref<25088x64xf32, #tpu.memory_space<vmem_shared>> -> memref<128x64xf32, #tpu.memory_space<vmem_shared>>
      %dma_start3A_237 = arith.constant 0 : i32
      %dma_start3A_238 = tpu.memref_slice %arg7[%add3A_39, %dma_start3A_237] : memref<25088x64xf32, #tpu.memory_space<vmem_shared>> -> memref<128x64xf32, #tpu.memory_space<vmem_shared>>
      tpu.enqueue_dma source(%arg14 : memref<128x64xf32, #tpu.memory_space<vmem>>) target(%dma_start3A_238 : memref<128x64xf32, #tpu.memory_space<vmem_shared>>) target_semaphore(%run_scoped3A : memref<!tpu.dma_semaphore, #tpu.memory_space<semaphore_mem>>)
      %dma_wait3A_239 = arith.constant 0 : i32
      %dma_wait3A_240 = tpu.memref_slice %arg7[%add3A_39, %dma_wait3A_239] : memref<25088x64xf32, #tpu.memory_space<vmem_shared>> -> memref<128x64xf32, #tpu.memory_space<vmem_shared>>
      %dma_wait3A_241 = arith.constant 0 : i32
      %dma_wait3A_242 = tpu.memref_slice %arg7[%add3A_39, %dma_wait3A_241] : memref<25088x64xf32, #tpu.memory_space<vmem_shared>> -> memref<128x64xf32, #tpu.memory_space<vmem_shared>>
      tpu.wait_dma2 semaphore(%run_scoped3A : memref<!tpu.dma_semaphore, #tpu.memory_space<semaphore_mem>>) src(%arg14 : memref<128x64xf32, #tpu.memory_space<vmem>>) dst(%dma_wait3A_242 : memref<128x64xf32, #tpu.memory_space<vmem_shared>>)
      tpu.yield
    }) : () -> ()
    %mul3A_40 = arith.constant 1568 : i32
    %mul3A_41 = arith.muli %arg1, %mul3A_40 : i32
    %add3A_42 = arith.constant 640 : i32
    %add3A_43 = arith.addi %mul3A_41, %add3A_42 : i32
    "tpu.region"() ({
      %run_scoped3A = tpu.sem_alloc : memref<!tpu.dma_semaphore, #tpu.memory_space<semaphore_mem>>
      %dma_start3A_235 = arith.constant 0 : i32
      %dma_start3A_236 = tpu.memref_slice %arg7[%add3A_43, %dma_start3A_235] : memref<25088x64xf32, #tpu.memory_space<vmem_shared>> -> memref<128x64xf32, #tpu.memory_space<vmem_shared>>
      %dma_start3A_237 = arith.constant 0 : i32
      %dma_start3A_238 = tpu.memref_slice %arg7[%add3A_43, %dma_start3A_237] : memref<25088x64xf32, #tpu.memory_space<vmem_shared>> -> memref<128x64xf32, #tpu.memory_space<vmem_shared>>
      tpu.enqueue_dma source(%arg14 : memref<128x64xf32, #tpu.memory_space<vmem>>) target(%dma_start3A_238 : memref<128x64xf32, #tpu.memory_space<vmem_shared>>) target_semaphore(%run_scoped3A : memref<!tpu.dma_semaphore, #tpu.memory_space<semaphore_mem>>)
      %dma_wait3A_239 = arith.constant 0 : i32
      %dma_wait3A_240 = tpu.memref_slice %arg7[%add3A_43, %dma_wait3A_239] : memref<25088x64xf32, #tpu.memory_space<vmem_shared>> -> memref<128x64xf32, #tpu.memory_space<vmem_shared>>
      %dma_wait3A_241 = arith.constant 0 : i32
      %dma_wait3A_242 = tpu.memref_slice %arg7[%add3A_43, %dma_wait3A_241] : memref<25088x64xf32, #tpu.memory_space<vmem_shared>> -> memref<128x64xf32, #tpu.memory_space<vmem_shared>>
      tpu.wait_dma2 semaphore(%run_scoped3A : memref<!tpu.dma_semaphore, #tpu.memory_space<semaphore_mem>>) src(%arg14 : memref<128x64xf32, #tpu.memory_space<vmem>>) dst(%dma_wait3A_242 : memref<128x64xf32, #tpu.memory_space<vmem_shared>>)
      tpu.yield
    }) : () -> ()
    %mul3A_44 = arith.constant 1568 : i32
    %mul3A_45 = arith.muli %arg1, %mul3A_44 : i32
    %add3A_46 = arith.constant 768 : i32
    %add3A_47 = arith.addi %mul3A_45, %add3A_46 : i32
    "tpu.region"() ({
      %run_scoped3A = tpu.sem_alloc : memref<!tpu.dma_semaphore, #tpu.memory_space<semaphore_mem>>
      %dma_start3A_235 = arith.constant 0 : i32
      %dma_start3A_236 = tpu.memref_slice %arg7[%add3A_47, %dma_start3A_235] : memref<25088x64xf32, #tpu.memory_space<vmem_shared>> -> memref<128x64xf32, #tpu.memory_space<vmem_shared>>
      %dma_start3A_237 = arith.constant 0 : i32
      %dma_start3A_238 = tpu.memref_slice %arg7[%add3A_47, %dma_start3A_237] : memref<25088x64xf32, #tpu.memory_space<vmem_shared>> -> memref<128x64xf32, #tpu.memory_space<vmem_shared>>
      tpu.enqueue_dma source(%arg14 : memref<128x64xf32, #tpu.memory_space<vmem>>) target(%dma_start3A_238 : memref<128x64xf32, #tpu.memory_space<vmem_shared>>) target_semaphore(%run_scoped3A : memref<!tpu.dma_semaphore, #tpu.memory_space<semaphore_mem>>)
      %dma_wait3A_239 = arith.constant 0 : i32
      %dma_wait3A_240 = tpu.memref_slice %arg7[%add3A_47, %dma_wait3A_239] : memref<25088x64xf32, #tpu.memory_space<vmem_shared>> -> memref<128x64xf32, #tpu.memory_space<vmem_shared>>
      %dma_wait3A_241 = arith.constant 0 : i32
      %dma_wait3A_242 = tpu.memref_slice %arg7[%add3A_47, %dma_wait3A_241] : memref<25088x64xf32, #tpu.memory_space<vmem_shared>> -> memref<128x64xf32, #tpu.memory_space<vmem_shared>>
      tpu.wait_dma2 semaphore(%run_scoped3A : memref<!tpu.dma_semaphore, #tpu.memory_space<semaphore_mem>>) src(%arg14 : memref<128x64xf32, #tpu.memory_space<vmem>>) dst(%dma_wait3A_242 : memref<128x64xf32, #tpu.memory_space<vmem_shared>>)
      tpu.yield
    }) : () -> ()
    %mul3A_48 = arith.constant 1568 : i32
    %mul3A_49 = arith.muli %arg1, %mul3A_48 : i32
    %add3A_50 = arith.constant 896 : i32
    %add3A_51 = arith.addi %mul3A_49, %add3A_50 : i32
    "tpu.region"() ({
      %run_scoped3A = tpu.sem_alloc : memref<!tpu.dma_semaphore, #tpu.memory_space<semaphore_mem>>
      %dma_start3A_235 = arith.constant 0 : i32
      %dma_start3A_236 = tpu.memref_slice %arg7[%add3A_51, %dma_start3A_235] : memref<25088x64xf32, #tpu.memory_space<vmem_shared>> -> memref<128x64xf32, #tpu.memory_space<vmem_shared>>
      %dma_start3A_237 = arith.constant 0 : i32
      %dma_start3A_238 = tpu.memref_slice %arg7[%add3A_51, %dma_start3A_237] : memref<25088x64xf32, #tpu.memory_space<vmem_shared>> -> memref<128x64xf32, #tpu.memory_space<vmem_shared>>
      tpu.enqueue_dma source(%arg14 : memref<128x64xf32, #tpu.memory_space<vmem>>) target(%dma_start3A_238 : memref<128x64xf32, #tpu.memory_space<vmem_shared>>) target_semaphore(%run_scoped3A : memref<!tpu.dma_semaphore, #tpu.memory_space<semaphore_mem>>)
      %dma_wait3A_239 = arith.constant 0 : i32
      %dma_wait3A_240 = tpu.memref_slice %arg7[%add3A_51, %dma_wait3A_239] : memref<25088x64xf32, #tpu.memory_space<vmem_shared>> -> memref<128x64xf32, #tpu.memory_space<vmem_shared>>
      %dma_wait3A_241 = arith.constant 0 : i32
      %dma_wait3A_242 = tpu.memref_slice %arg7[%add3A_51, %dma_wait3A_241] : memref<25088x64xf32, #tpu.memory_space<vmem_shared>> -> memref<128x64xf32, #tpu.memory_space<vmem_shared>>
      tpu.wait_dma2 semaphore(%run_scoped3A : memref<!tpu.dma_semaphore, #tpu.memory_space<semaphore_mem>>) src(%arg14 : memref<128x64xf32, #tpu.memory_space<vmem>>) dst(%dma_wait3A_242 : memref<128x64xf32, #tpu.memory_space<vmem_shared>>)
      tpu.yield
    }) : () -> ()
    %mul3A_52 = arith.constant 1568 : i32
    %mul3A_53 = arith.muli %arg1, %mul3A_52 : i32
    %add3A_54 = arith.constant 1024 : i32
    %add3A_55 = arith.addi %mul3A_53, %add3A_54 : i32
    "tpu.region"() ({
      %run_scoped3A = tpu.sem_alloc : memref<!tpu.dma_semaphore, #tpu.memory_space<semaphore_mem>>
      %dma_start3A_235 = arith.constant 0 : i32
      %dma_start3A_236 = tpu.memref_slice %arg7[%add3A_55, %dma_start3A_235] : memref<25088x64xf32, #tpu.memory_space<vmem_shared>> -> memref<128x64xf32, #tpu.memory_space<vmem_shared>>
      %dma_start3A_237 = arith.constant 0 : i32
      %dma_start3A_238 = tpu.memref_slice %arg7[%add3A_55, %dma_start3A_237] : memref<25088x64xf32, #tpu.memory_space<vmem_shared>> -> memref<128x64xf32, #tpu.memory_space<vmem_shared>>
      tpu.enqueue_dma source(%arg14 : memref<128x64xf32, #tpu.memory_space<vmem>>) target(%dma_start3A_238 : memref<128x64xf32, #tpu.memory_space<vmem_shared>>) target_semaphore(%run_scoped3A : memref<!tpu.dma_semaphore, #tpu.memory_space<semaphore_mem>>)
      %dma_wait3A_239 = arith.constant 0 : i32
      %dma_wait3A_240 = tpu.memref_slice %arg7[%add3A_55, %dma_wait3A_239] : memref<25088x64xf32, #tpu.memory_space<vmem_shared>> -> memref<128x64xf32, #tpu.memory_space<vmem_shared>>
      %dma_wait3A_241 = arith.constant 0 : i32
      %dma_wait3A_242 = tpu.memref_slice %arg7[%add3A_55, %dma_wait3A_241] : memref<25088x64xf32, #tpu.memory_space<vmem_shared>> -> memref<128x64xf32, #tpu.memory_space<vmem_shared>>
      tpu.wait_dma2 semaphore(%run_scoped3A : memref<!tpu.dma_semaphore, #tpu.memory_space<semaphore_mem>>) src(%arg14 : memref<128x64xf32, #tpu.memory_space<vmem>>) dst(%dma_wait3A_242 : memref<128x64xf32, #tpu.memory_space<vmem_shared>>)
      tpu.yield
    }) : () -> ()
    %mul3A_56 = arith.constant 1568 : i32
    %mul3A_57 = arith.muli %arg1, %mul3A_56 : i32
    %add3A_58 = arith.constant 1152 : i32
    %add3A_59 = arith.addi %mul3A_57, %add3A_58 : i32
    "tpu.region"() ({
      %run_scoped3A = tpu.sem_alloc : memref<!tpu.dma_semaphore, #tpu.memory_space<semaphore_mem>>
      %dma_start3A_235 = arith.constant 0 : i32
      %dma_start3A_236 = tpu.memref_slice %arg7[%add3A_59, %dma_start3A_235] : memref<25088x64xf32, #tpu.memory_space<vmem_shared>> -> memref<128x64xf32, #tpu.memory_space<vmem_shared>>
      %dma_start3A_237 = arith.constant 0 : i32
      %dma_start3A_238 = tpu.memref_slice %arg7[%add3A_59, %dma_start3A_237] : memref<25088x64xf32, #tpu.memory_space<vmem_shared>> -> memref<128x64xf32, #tpu.memory_space<vmem_shared>>
      tpu.enqueue_dma source(%arg14 : memref<128x64xf32, #tpu.memory_space<vmem>>) target(%dma_start3A_238 : memref<128x64xf32, #tpu.memory_space<vmem_shared>>) target_semaphore(%run_scoped3A : memref<!tpu.dma_semaphore, #tpu.memory_space<semaphore_mem>>)
      %dma_wait3A_239 = arith.constant 0 : i32
      %dma_wait3A_240 = tpu.memref_slice %arg7[%add3A_59, %dma_wait3A_239] : memref<25088x64xf32, #tpu.memory_space<vmem_shared>> -> memref<128x64xf32, #tpu.memory_space<vmem_shared>>
      %dma_wait3A_241 = arith.constant 0 : i32
      %dma_wait3A_242 = tpu.memref_slice %arg7[%add3A_59, %dma_wait3A_241] : memref<25088x64xf32, #tpu.memory_space<vmem_shared>> -> memref<128x64xf32, #tpu.memory_space<vmem_shared>>
      tpu.wait_dma2 semaphore(%run_scoped3A : memref<!tpu.dma_semaphore, #tpu.memory_space<semaphore_mem>>) src(%arg14 : memref<128x64xf32, #tpu.memory_space<vmem>>) dst(%dma_wait3A_242 : memref<128x64xf32, #tpu.memory_space<vmem_shared>>)
      tpu.yield
    }) : () -> ()
    %mul3A_60 = arith.constant 1568 : i32
    %mul3A_61 = arith.muli %arg1, %mul3A_60 : i32
    %add3A_62 = arith.constant 1280 : i32
    %add3A_63 = arith.addi %mul3A_61, %add3A_62 : i32
    "tpu.region"() ({
      %run_scoped3A = tpu.sem_alloc : memref<!tpu.dma_semaphore, #tpu.memory_space<semaphore_mem>>
      %dma_start3A_235 = arith.constant 0 : i32
      %dma_start3A_236 = tpu.memref_slice %arg7[%add3A_63, %dma_start3A_235] : memref<25088x64xf32, #tpu.memory_space<vmem_shared>> -> memref<128x64xf32, #tpu.memory_space<vmem_shared>>
      %dma_start3A_237 = arith.constant 0 : i32
      %dma_start3A_238 = tpu.memref_slice %arg7[%add3A_63, %dma_start3A_237] : memref<25088x64xf32, #tpu.memory_space<vmem_shared>> -> memref<128x64xf32, #tpu.memory_space<vmem_shared>>
      tpu.enqueue_dma source(%arg14 : memref<128x64xf32, #tpu.memory_space<vmem>>) target(%dma_start3A_238 : memref<128x64xf32, #tpu.memory_space<vmem_shared>>) target_semaphore(%run_scoped3A : memref<!tpu.dma_semaphore, #tpu.memory_space<semaphore_mem>>)
      %dma_wait3A_239 = arith.constant 0 : i32
      %dma_wait3A_240 = tpu.memref_slice %arg7[%add3A_63, %dma_wait3A_239] : memref<25088x64xf32, #tpu.memory_space<vmem_shared>> -> memref<128x64xf32, #tpu.memory_space<vmem_shared>>
      %dma_wait3A_241 = arith.constant 0 : i32
      %dma_wait3A_242 = tpu.memref_slice %arg7[%add3A_63, %dma_wait3A_241] : memref<25088x64xf32, #tpu.memory_space<vmem_shared>> -> memref<128x64xf32, #tpu.memory_space<vmem_shared>>
      tpu.wait_dma2 semaphore(%run_scoped3A : memref<!tpu.dma_semaphore, #tpu.memory_space<semaphore_mem>>) src(%arg14 : memref<128x64xf32, #tpu.memory_space<vmem>>) dst(%dma_wait3A_242 : memref<128x64xf32, #tpu.memory_space<vmem_shared>>)
      tpu.yield
    }) : () -> ()
    %mul3A_64 = arith.constant 1568 : i32
    %mul3A_65 = arith.muli %arg1, %mul3A_64 : i32
    %add3A_66 = arith.constant 1408 : i32
    %add3A_67 = arith.addi %mul3A_65, %add3A_66 : i32
    "tpu.region"() ({
      %run_scoped3A = tpu.sem_alloc : memref<!tpu.dma_semaphore, #tpu.memory_space<semaphore_mem>>
      %dma_start3A_235 = arith.constant 0 : i32
      %dma_start3A_236 = tpu.memref_slice %arg7[%add3A_67, %dma_start3A_235] : memref<25088x64xf32, #tpu.memory_space<vmem_shared>> -> memref<128x64xf32, #tpu.memory_space<vmem_shared>>
      %dma_start3A_237 = arith.constant 0 : i32
      %dma_start3A_238 = tpu.memref_slice %arg7[%add3A_67, %dma_start3A_237] : memref<25088x64xf32, #tpu.memory_space<vmem_shared>> -> memref<128x64xf32, #tpu.memory_space<vmem_shared>>
      tpu.enqueue_dma source(%arg14 : memref<128x64xf32, #tpu.memory_space<vmem>>) target(%dma_start3A_238 : memref<128x64xf32, #tpu.memory_space<vmem_shared>>) target_semaphore(%run_scoped3A : memref<!tpu.dma_semaphore, #tpu.memory_space<semaphore_mem>>)
      %dma_wait3A_239 = arith.constant 0 : i32
      %dma_wait3A_240 = tpu.memref_slice %arg7[%add3A_67, %dma_wait3A_239] : memref<25088x64xf32, #tpu.memory_space<vmem_shared>> -> memref<128x64xf32, #tpu.memory_space<vmem_shared>>
      %dma_wait3A_241 = arith.constant 0 : i32
      %dma_wait3A_242 = tpu.memref_slice %arg7[%add3A_67, %dma_wait3A_241] : memref<25088x64xf32, #tpu.memory_space<vmem_shared>> -> memref<128x64xf32, #tpu.memory_space<vmem_shared>>
      tpu.wait_dma2 semaphore(%run_scoped3A : memref<!tpu.dma_semaphore, #tpu.memory_space<semaphore_mem>>) src(%arg14 : memref<128x64xf32, #tpu.memory_space<vmem>>) dst(%dma_wait3A_242 : memref<128x64xf32, #tpu.memory_space<vmem_shared>>)
      tpu.yield
    }) : () -> ()
    %mul3A_68 = arith.constant 1568 : i32
    %mul3A_69 = arith.muli %arg1, %mul3A_68 : i32
    %add3A_70 = arith.constant 1536 : i32
    %add3A_71 = arith.addi %mul3A_69, %add3A_70 : i32
    "tpu.region"() ({
      %run_scoped3A = tpu.sem_alloc : memref<!tpu.dma_semaphore, #tpu.memory_space<semaphore_mem>>
      %dma_start3A_235 = arith.constant 0 : i32
      %dma_start3A_236 = arith.constant 0 : i32
      %dma_start3A_237 = tpu.memref_slice %arg14[%dma_start3A_235, %dma_start3A_236] : memref<128x64xf32, #tpu.memory_space<vmem>> -> memref<32x64xf32, #tpu.memory_space<vmem>>
      %dma_start3A_238 = arith.constant 0 : i32
      %dma_start3A_239 = tpu.memref_slice %arg7[%add3A_71, %dma_start3A_238] : memref<25088x64xf32, #tpu.memory_space<vmem_shared>> -> memref<32x64xf32, #tpu.memory_space<vmem_shared>>
      %dma_start3A_240 = arith.constant 0 : i32
      %dma_start3A_241 = tpu.memref_slice %arg7[%add3A_71, %dma_start3A_240] : memref<25088x64xf32, #tpu.memory_space<vmem_shared>> -> memref<32x64xf32, #tpu.memory_space<vmem_shared>>
      %dma_start3A_242 = arith.constant 0 : i32
      %dma_start3A_243 = arith.constant 0 : i32
      %dma_start3A_244 = tpu.memref_slice %arg14[%dma_start3A_242, %dma_start3A_243] : memref<128x64xf32, #tpu.memory_space<vmem>> -> memref<32x64xf32, #tpu.memory_space<vmem>>
      tpu.enqueue_dma source(%dma_start3A_244 : memref<32x64xf32, #tpu.memory_space<vmem>>) target(%dma_start3A_241 : memref<32x64xf32, #tpu.memory_space<vmem_shared>>) target_semaphore(%run_scoped3A : memref<!tpu.dma_semaphore, #tpu.memory_space<semaphore_mem>>)
      %dma_wait3A_245 = arith.constant 0 : i32
      %dma_wait3A_246 = arith.constant 0 : i32
      %dma_wait3A_247 = tpu.memref_slice %arg14[%dma_wait3A_245, %dma_wait3A_246] : memref<128x64xf32, #tpu.memory_space<vmem>> -> memref<32x64xf32, #tpu.memory_space<vmem>>
      %dma_wait3A_248 = arith.constant 0 : i32
      %dma_wait3A_249 = tpu.memref_slice %arg7[%add3A_71, %dma_wait3A_248] : memref<25088x64xf32, #tpu.memory_space<vmem_shared>> -> memref<32x64xf32, #tpu.memory_space<vmem_shared>>
      %dma_wait3A_250 = arith.constant 0 : i32
      %dma_wait3A_251 = tpu.memref_slice %arg7[%add3A_71, %dma_wait3A_250] : memref<25088x64xf32, #tpu.memory_space<vmem_shared>> -> memref<32x64xf32, #tpu.memory_space<vmem_shared>>
      %dma_wait3A_252 = arith.constant 0 : i32
      %dma_wait3A_253 = arith.constant 0 : i32
      %dma_wait3A_254 = tpu.memref_slice %arg14[%dma_wait3A_252, %dma_wait3A_253] : memref<128x64xf32, #tpu.memory_space<vmem>> -> memref<32x64xf32, #tpu.memory_space<vmem>>
      tpu.wait_dma2 semaphore(%run_scoped3A : memref<!tpu.dma_semaphore, #tpu.memory_space<semaphore_mem>>) src(%dma_wait3A_254 : memref<32x64xf32, #tpu.memory_space<vmem>>) dst(%dma_wait3A_251 : memref<32x64xf32, #tpu.memory_space<vmem_shared>>)
      tpu.yield
    }) : () -> ()
    %barrier3A = arith.constant 0 : index
    tpu.barrier barrier_id(%barrier3A)
    %add3A_72 = arith.constant 0 : i32
    %add3A_73 = arith.addi %mul3A_3, %add3A_72 : i32
    %jit3A = arith.constant 128 : i32
    %div3A = arith.divsi %add3A_73, %jit3A : i32
    %sign3A = arith.constant 0 : i32
    %sign3A_74 = arith.cmpi sgt, %add3A_73, %sign3A : i32
    %sign3A_75 = arith.extui %sign3A_74 : i1 to i32
    %sign3A_76 = arith.constant 0 : i32
    %sign3A_77 = arith.cmpi slt, %add3A_73, %sign3A_76 : i32
    %sign3A_78 = arith.extui %sign3A_77 : i1 to i32
    %sign3A_79 = arith.subi %sign3A_75, %sign3A_78 : i32
    %sign3A_80 = arith.constant 0 : i32
    %sign3A_81 = arith.cmpi sgt, %jit3A, %sign3A_80 : i32
    %sign3A_82 = arith.extui %sign3A_81 : i1 to i32
    %sign3A_83 = arith.constant 0 : i32
    %sign3A_84 = arith.cmpi slt, %jit3A, %sign3A_83 : i32
    %sign3A_85 = arith.extui %sign3A_84 : i1 to i32
    %sign3A_86 = arith.subi %sign3A_82, %sign3A_85 : i32
    %ne3A = arith.cmpi ne, %sign3A_79, %sign3A_86 : i32
    %rem3A = arith.remsi %add3A_73, %jit3A : i32
    %ne3A_87 = arith.constant 0 : i32
    %ne3A_88 = arith.cmpi ne, %rem3A, %ne3A_87 : i32
    %and3A = arith.andi %ne3A, %ne3A_88 : i1
    %sub3A = arith.constant 1 : i32
    %sub3A_89 = arith.subi %div3A, %sub3A : i32
    %select_n3A = arith.select %and3A, %sub3A_89, %div3A : i32
    %multiple_of3A = tpu.assume_multiple %select_n3A, 8 : i32
    %add3A_90 = arith.constant 0 : i32
    %add3A_91 = arith.addi %mul3A_3, %add3A_90 : i32
    %multiple_of3A_92 = tpu.assume_multiple %add3A_91, 1024 : i32
    %dma_start3A = arith.constant 0 : i32
    %dma_start3A_93 = tpu.memref_slice %arg3[%multiple_of3A, %dma_start3A] : memref<6416x128xi32, #tpu.memory_space<hbm>> -> memref<8x128xi32, #tpu.memory_space<hbm>>
    %dma_start3A_94 = arith.constant 0 : i32
    %dma_start3A_95 = tpu.memref_slice %arg3[%multiple_of3A, %dma_start3A_94] : memref<6416x128xi32, #tpu.memory_space<hbm>> -> memref<8x128xi32, #tpu.memory_space<hbm>>
    tpu.enqueue_dma source(%dma_start3A_95 : memref<8x128xi32, #tpu.memory_space<hbm>>) target(%arg8 : memref<8x128xi32, #tpu.memory_space<vmem>>) target_semaphore(%arg17 : memref<!tpu.dma_semaphore, #tpu.memory_space<semaphore_mem>>)
    %dma_start3A_96 = arith.constant 0 : i32
    %dma_start3A_97 = tpu.memref_slice %arg4[%multiple_of3A, %dma_start3A_96] : memref<6416x128xi32, #tpu.memory_space<hbm>> -> memref<8x128xi32, #tpu.memory_space<hbm>>
    %dma_start3A_98 = arith.constant 0 : i32
    %dma_start3A_99 = tpu.memref_slice %arg4[%multiple_of3A, %dma_start3A_98] : memref<6416x128xi32, #tpu.memory_space<hbm>> -> memref<8x128xi32, #tpu.memory_space<hbm>>
    tpu.enqueue_dma source(%dma_start3A_99 : memref<8x128xi32, #tpu.memory_space<hbm>>) target(%arg9 : memref<8x128xi32, #tpu.memory_space<vmem>>) target_semaphore(%arg17 : memref<!tpu.dma_semaphore, #tpu.memory_space<semaphore_mem>>)
    %dma_start3A_100 = tpu.memref_slice %arg5[%multiple_of3A_92] : memref<821248xf32, #tpu.memory_space<hbm>> -> memref<1024xf32, #tpu.memory_space<hbm>>
    %dma_start3A_101 = tpu.memref_slice %arg5[%multiple_of3A_92] : memref<821248xf32, #tpu.memory_space<hbm>> -> memref<1024xf32, #tpu.memory_space<hbm>>
    tpu.enqueue_dma source(%dma_start3A_101 : memref<1024xf32, #tpu.memory_space<hbm>>) target(%arg10 : memref<1024xf32, #tpu.memory_space<vmem>>) target_semaphore(%arg17 : memref<!tpu.dma_semaphore, #tpu.memory_space<semaphore_mem>>)
    %add3A_102 = arith.constant 1024 : i32
    %add3A_103 = arith.addi %mul3A_3, %add3A_102 : i32
    %jit3A_104 = arith.constant 128 : i32
    %div3A_105 = arith.divsi %add3A_103, %jit3A_104 : i32
    %sign3A_106 = arith.constant 0 : i32
    %sign3A_107 = arith.cmpi sgt, %add3A_103, %sign3A_106 : i32
    %sign3A_108 = arith.extui %sign3A_107 : i1 to i32
    %sign3A_109 = arith.constant 0 : i32
    %sign3A_110 = arith.cmpi slt, %add3A_103, %sign3A_109 : i32
    %sign3A_111 = arith.extui %sign3A_110 : i1 to i32
    %sign3A_112 = arith.subi %sign3A_108, %sign3A_111 : i32
    %sign3A_113 = arith.constant 0 : i32
    %sign3A_114 = arith.cmpi sgt, %jit3A_104, %sign3A_113 : i32
    %sign3A_115 = arith.extui %sign3A_114 : i1 to i32
    %sign3A_116 = arith.constant 0 : i32
    %sign3A_117 = arith.cmpi slt, %jit3A_104, %sign3A_116 : i32
    %sign3A_118 = arith.extui %sign3A_117 : i1 to i32
    %sign3A_119 = arith.subi %sign3A_115, %sign3A_118 : i32
    %ne3A_120 = arith.cmpi ne, %sign3A_112, %sign3A_119 : i32
    %rem3A_121 = arith.remsi %add3A_103, %jit3A_104 : i32
    %ne3A_122 = arith.constant 0 : i32
    %ne3A_123 = arith.cmpi ne, %rem3A_121, %ne3A_122 : i32
    %and3A_124 = arith.andi %ne3A_120, %ne3A_123 : i1
    %sub3A_125 = arith.constant 1 : i32
    %sub3A_126 = arith.subi %div3A_105, %sub3A_125 : i32
    %select_n3A_127 = arith.select %and3A_124, %sub3A_126, %div3A_105 : i32
    %multiple_of3A_128 = tpu.assume_multiple %select_n3A_127, 8 : i32
    %add3A_129 = arith.constant 1024 : i32
    %add3A_130 = arith.addi %mul3A_3, %add3A_129 : i32
    %multiple_of3A_131 = tpu.assume_multiple %add3A_130, 1024 : i32
    %dma_start3A_132 = arith.constant 0 : i32
    %dma_start3A_133 = tpu.memref_slice %arg3[%multiple_of3A_128, %dma_start3A_132] : memref<6416x128xi32, #tpu.memory_space<hbm>> -> memref<8x128xi32, #tpu.memory_space<hbm>>
    %dma_start3A_134 = arith.constant 0 : i32
    %dma_start3A_135 = tpu.memref_slice %arg3[%multiple_of3A_128, %dma_start3A_134] : memref<6416x128xi32, #tpu.memory_space<hbm>> -> memref<8x128xi32, #tpu.memory_space<hbm>>
    tpu.enqueue_dma source(%dma_start3A_135 : memref<8x128xi32, #tpu.memory_space<hbm>>) target(%arg11 : memref<8x128xi32, #tpu.memory_space<vmem>>) target_semaphore(%arg18 : memref<!tpu.dma_semaphore, #tpu.memory_space<semaphore_mem>>)
    %dma_start3A_136 = arith.constant 0 : i32
    %dma_start3A_137 = tpu.memref_slice %arg4[%multiple_of3A_128, %dma_start3A_136] : memref<6416x128xi32, #tpu.memory_space<hbm>> -> memref<8x128xi32, #tpu.memory_space<hbm>>
    %dma_start3A_138 = arith.constant 0 : i32
    %dma_start3A_139 = tpu.memref_slice %arg4[%multiple_of3A_128, %dma_start3A_138] : memref<6416x128xi32, #tpu.memory_space<hbm>> -> memref<8x128xi32, #tpu.memory_space<hbm>>
    tpu.enqueue_dma source(%dma_start3A_139 : memref<8x128xi32, #tpu.memory_space<hbm>>) target(%arg12 : memref<8x128xi32, #tpu.memory_space<vmem>>) target_semaphore(%arg18 : memref<!tpu.dma_semaphore, #tpu.memory_space<semaphore_mem>>)
    %dma_start3A_140 = tpu.memref_slice %arg5[%multiple_of3A_131] : memref<821248xf32, #tpu.memory_space<hbm>> -> memref<1024xf32, #tpu.memory_space<hbm>>
    %dma_start3A_141 = tpu.memref_slice %arg5[%multiple_of3A_131] : memref<821248xf32, #tpu.memory_space<hbm>> -> memref<1024xf32, #tpu.memory_space<hbm>>
    tpu.enqueue_dma source(%dma_start3A_141 : memref<1024xf32, #tpu.memory_space<hbm>>) target(%arg13 : memref<1024xf32, #tpu.memory_space<vmem>>) target_semaphore(%arg18 : memref<!tpu.dma_semaphore, #tpu.memory_space<semaphore_mem>>)
    %scan3A_142 = arith.constant 0 : i32
    %scan3A_143 = arith.constant 0 : i32
    %scan3A_144 = arith.constant 25 : i32
    %scan3A_145 = arith.addi %scan3A_143, %scan3A_144 : i32
    %scan3A_146 = arith.constant 1 : i32
    scf.for %scan3A_235 = %scan3A_143 to %scan3A_145 step %scan3A_146  : i32 {
      %mul3A_236 = arith.constant 2 : i32
      %mul3A_237 = arith.muli %mul3A_236, %scan3A_235 : i32
      %mul3A_238 = arith.constant 1024 : i32
      %mul3A_239 = arith.muli %mul3A_237, %mul3A_238 : i32
      %add3A_240 = arith.addi %mul3A_3, %mul3A_239 : i32
      %jit3A_241 = arith.constant 128 : i32
      %div3A_242 = arith.divsi %add3A_240, %jit3A_241 : i32
      %sign3A_243 = arith.constant 0 : i32
      %sign3A_244 = arith.cmpi sgt, %add3A_240, %sign3A_243 : i32
      %sign3A_245 = arith.extui %sign3A_244 : i1 to i32
      %sign3A_246 = arith.constant 0 : i32
      %sign3A_247 = arith.cmpi slt, %add3A_240, %sign3A_246 : i32
      %sign3A_248 = arith.extui %sign3A_247 : i1 to i32
      %sign3A_249 = arith.subi %sign3A_245, %sign3A_248 : i32
      %sign3A_250 = arith.constant 0 : i32
      %sign3A_251 = arith.cmpi sgt, %jit3A_241, %sign3A_250 : i32
      %sign3A_252 = arith.extui %sign3A_251 : i1 to i32
      %sign3A_253 = arith.constant 0 : i32
      %sign3A_254 = arith.cmpi slt, %jit3A_241, %sign3A_253 : i32
      %sign3A_255 = arith.extui %sign3A_254 : i1 to i32
      %sign3A_256 = arith.subi %sign3A_252, %sign3A_255 : i32
      %ne3A_257 = arith.cmpi ne, %sign3A_249, %sign3A_256 : i32
      %rem3A_258 = arith.remsi %add3A_240, %jit3A_241 : i32
      %ne3A_259 = arith.constant 0 : i32
      %ne3A_260 = arith.cmpi ne, %rem3A_258, %ne3A_259 : i32
      %and3A_261 = arith.andi %ne3A_257, %ne3A_260 : i1
      %sub3A_262 = arith.constant 1 : i32
      %sub3A_263 = arith.subi %div3A_242, %sub3A_262 : i32
      %select_n3A_264 = arith.select %and3A_261, %sub3A_263, %div3A_242 : i32
      %multiple_of3A_265 = tpu.assume_multiple %select_n3A_264, 8 : i32
      %mul3A_266 = arith.constant 1024 : i32
      %mul3A_267 = arith.muli %mul3A_237, %mul3A_266 : i32
      %add3A_268 = arith.addi %mul3A_3, %mul3A_267 : i32
      %multiple_of3A_269 = tpu.assume_multiple %add3A_268, 1024 : i32
      %dma_wait3A_270 = arith.constant 0 : i32
      %dma_wait3A_271 = tpu.memref_slice %arg3[%multiple_of3A_265, %dma_wait3A_270] : memref<6416x128xi32, #tpu.memory_space<hbm>> -> memref<8x128xi32, #tpu.memory_space<hbm>>
      %dma_wait3A_272 = arith.constant 0 : i32
      %dma_wait3A_273 = tpu.memref_slice %arg3[%multiple_of3A_265, %dma_wait3A_272] : memref<6416x128xi32, #tpu.memory_space<hbm>> -> memref<8x128xi32, #tpu.memory_space<hbm>>
      tpu.wait_dma2 semaphore(%arg17 : memref<!tpu.dma_semaphore, #tpu.memory_space<semaphore_mem>>) src(%dma_wait3A_273 : memref<8x128xi32, #tpu.memory_space<hbm>>) dst(%arg8 : memref<8x128xi32, #tpu.memory_space<vmem>>)
      %dma_wait3A_274 = arith.constant 0 : i32
      %dma_wait3A_275 = tpu.memref_slice %arg4[%multiple_of3A_265, %dma_wait3A_274] : memref<6416x128xi32, #tpu.memory_space<hbm>> -> memref<8x128xi32, #tpu.memory_space<hbm>>
      %dma_wait3A_276 = arith.constant 0 : i32
      %dma_wait3A_277 = tpu.memref_slice %arg4[%multiple_of3A_265, %dma_wait3A_276] : memref<6416x128xi32, #tpu.memory_space<hbm>> -> memref<8x128xi32, #tpu.memory_space<hbm>>
      tpu.wait_dma2 semaphore(%arg17 : memref<!tpu.dma_semaphore, #tpu.memory_space<semaphore_mem>>) src(%dma_wait3A_277 : memref<8x128xi32, #tpu.memory_space<hbm>>) dst(%arg9 : memref<8x128xi32, #tpu.memory_space<vmem>>)
      %dma_wait3A_278 = tpu.memref_slice %arg5[%multiple_of3A_269] : memref<821248xf32, #tpu.memory_space<hbm>> -> memref<1024xf32, #tpu.memory_space<hbm>>
      %dma_wait3A_279 = tpu.memref_slice %arg5[%multiple_of3A_269] : memref<821248xf32, #tpu.memory_space<hbm>> -> memref<1024xf32, #tpu.memory_space<hbm>>
      tpu.wait_dma2 semaphore(%arg17 : memref<!tpu.dma_semaphore, #tpu.memory_space<semaphore_mem>>) src(%dma_wait3A_279 : memref<1024xf32, #tpu.memory_space<hbm>>) dst(%arg10 : memref<1024xf32, #tpu.memory_space<vmem>>)
      %dma_start3A_280 = arith.constant 0 : i32
      %dma_start3A_281 = arith.constant 0 : i32
      %dma_start3A_282 = tpu.memref_slice %arg9[%dma_start3A_280, %dma_start3A_281] : memref<8x128xi32, #tpu.memory_space<vmem>> -> memref<1x128xi32, #tpu.memory_space<vmem>>
      %dma_start3A_283 = tpu.memref_squeeze %dma_start3A_282 : memref<1x128xi32, #tpu.memory_space<vmem>> -> memref<128xi32, #tpu.memory_space<vmem>>
      %dma_start3A_284 = arith.constant 0 : i32
      %dma_start3A_285 = arith.constant 0 : i32
      %dma_start3A_286 = tpu.memref_slice %arg2[%dma_start3A_284, %dma_start3A_285] : memref<50176x64xf32, #tpu.memory_space<hbm>> -> memref<50176x64xf32, #tpu.memory_space<hbm>>
      tpu.enqueue_indirect_dma source(%dma_start3A_286 : memref<50176x64xf32, #tpu.memory_space<hbm>>) target(%arg14 : memref<128x64xf32, #tpu.memory_space<vmem>>) offsets(%dma_start3A_283 : memref<128xi32, #tpu.memory_space<vmem>>) semaphore(%arg19 : memref<!tpu.dma_semaphore, #tpu.memory_space<semaphore_mem>>)
      %dma_start3A_287 = arith.constant 1 : i32
      %dma_start3A_288 = arith.constant 0 : i32
      %dma_start3A_289 = tpu.memref_slice %arg9[%dma_start3A_287, %dma_start3A_288] : memref<8x128xi32, #tpu.memory_space<vmem>> -> memref<1x128xi32, #tpu.memory_space<vmem>>
      %dma_start3A_290 = tpu.memref_squeeze %dma_start3A_289 : memref<1x128xi32, #tpu.memory_space<vmem>> -> memref<128xi32, #tpu.memory_space<vmem>>
      %dma_start3A_291 = arith.constant 0 : i32
      %dma_start3A_292 = arith.constant 0 : i32
      %dma_start3A_293 = tpu.memref_slice %arg2[%dma_start3A_291, %dma_start3A_292] : memref<50176x64xf32, #tpu.memory_space<hbm>> -> memref<50176x64xf32, #tpu.memory_space<hbm>>
      tpu.enqueue_indirect_dma source(%dma_start3A_293 : memref<50176x64xf32, #tpu.memory_space<hbm>>) target(%arg15 : memref<128x64xf32, #tpu.memory_space<vmem>>) offsets(%dma_start3A_290 : memref<128xi32, #tpu.memory_space<vmem>>) semaphore(%arg20 : memref<!tpu.dma_semaphore, #tpu.memory_space<semaphore_mem>>)
      %dma_wait3A_294 = arith.constant 0 : i32
      %dma_wait3A_295 = arith.constant 0 : i32
      %dma_wait3A_296 = tpu.memref_slice %arg9[%dma_wait3A_294, %dma_wait3A_295] : memref<8x128xi32, #tpu.memory_space<vmem>> -> memref<1x128xi32, #tpu.memory_space<vmem>>
      %dma_wait3A_297 = tpu.memref_squeeze %dma_wait3A_296 : memref<1x128xi32, #tpu.memory_space<vmem>> -> memref<128xi32, #tpu.memory_space<vmem>>
      %dma_wait3A_298 = arith.constant 0 : i32
      %dma_wait3A_299 = arith.constant 0 : i32
      %dma_wait3A_300 = tpu.memref_slice %arg2[%dma_wait3A_298, %dma_wait3A_299] : memref<50176x64xf32, #tpu.memory_space<hbm>> -> memref<50176x64xf32, #tpu.memory_space<hbm>>
      tpu.wait_indirect_dma semaphore(%arg19 : memref<!tpu.dma_semaphore, #tpu.memory_space<semaphore_mem>>) src(%dma_wait3A_300 : memref<50176x64xf32, #tpu.memory_space<hbm>>) dst(%arg14 : memref<128x64xf32, #tpu.memory_space<vmem>>)
      %dma_start3A_301 = arith.constant 0 : i32
      %dma_start3A_302 = arith.constant 0 : i32
      %dma_start3A_303 = tpu.memref_slice %arg16[%dma_start3A_301, %dma_start3A_302] : memref<2x128xi32, #tpu.memory_space<vmem>> -> memref<1x128xi32, #tpu.memory_space<vmem>>
      %dma_start3A_304 = tpu.memref_squeeze %dma_start3A_303 : memref<1x128xi32, #tpu.memory_space<vmem>> -> memref<128xi32, #tpu.memory_space<vmem>>
      %dma_start3A_305 = arith.constant 0 : i32
      %dma_start3A_306 = arith.constant 0 : i32
      %dma_start3A_307 = tpu.memref_slice %arg7[%dma_start3A_305, %dma_start3A_306] : memref<25088x64xf32, #tpu.memory_space<vmem_shared>> -> memref<25088x64xf32, #tpu.memory_space<vmem_shared>>
      tpu.enqueue_indirect_dma source(%arg14 : memref<128x64xf32, #tpu.memory_space<vmem>>) target(%dma_start3A_307 : memref<25088x64xf32, #tpu.memory_space<vmem_shared>>) offsets(%dma_start3A_304 : memref<128xi32, #tpu.memory_space<vmem>>) semaphore(%arg21 : memref<!tpu.dma_semaphore, #tpu.memory_space<semaphore_mem>>) {add = true}
      %dma_wait3A_308 = arith.constant 0 : i32
      %dma_wait3A_309 = arith.constant 0 : i32
      %dma_wait3A_310 = tpu.memref_slice %arg16[%dma_wait3A_308, %dma_wait3A_309] : memref<2x128xi32, #tpu.memory_space<vmem>> -> memref<1x128xi32, #tpu.memory_space<vmem>>
      %dma_wait3A_311 = tpu.memref_squeeze %dma_wait3A_310 : memref<1x128xi32, #tpu.memory_space<vmem>> -> memref<128xi32, #tpu.memory_space<vmem>>
      %dma_wait3A_312 = arith.constant 0 : i32
      %dma_wait3A_313 = arith.constant 0 : i32
      %dma_wait3A_314 = tpu.memref_slice %arg7[%dma_wait3A_312, %dma_wait3A_313] : memref<25088x64xf32, #tpu.memory_space<vmem_shared>> -> memref<25088x64xf32, #tpu.memory_space<vmem_shared>>
      tpu.wait_indirect_dma semaphore(%arg21 : memref<!tpu.dma_semaphore, #tpu.memory_space<semaphore_mem>>) src(%arg14 : memref<128x64xf32, #tpu.memory_space<vmem>>) dst(%dma_wait3A_314 : memref<25088x64xf32, #tpu.memory_space<vmem_shared>>)
      %dma_start3A_315 = arith.constant 2 : i32
      %dma_start3A_316 = arith.constant 0 : i32
      %dma_start3A_317 = tpu.memref_slice %arg9[%dma_start3A_315, %dma_start3A_316] : memref<8x128xi32, #tpu.memory_space<vmem>> -> memref<1x128xi32, #tpu.memory_space<vmem>>
      %dma_start3A_318 = tpu.memref_squeeze %dma_start3A_317 : memref<1x128xi32, #tpu.memory_space<vmem>> -> memref<128xi32, #tpu.memory_space<vmem>>
      %dma_start3A_319 = arith.constant 0 : i32
      %dma_start3A_320 = arith.constant 0 : i32
      %dma_start3A_321 = tpu.memref_slice %arg2[%dma_start3A_319, %dma_start3A_320] : memref<50176x64xf32, #tpu.memory_space<hbm>> -> memref<50176x64xf32, #tpu.memory_space<hbm>>
      tpu.enqueue_indirect_dma source(%dma_start3A_321 : memref<50176x64xf32, #tpu.memory_space<hbm>>) target(%arg14 : memref<128x64xf32, #tpu.memory_space<vmem>>) offsets(%dma_start3A_318 : memref<128xi32, #tpu.memory_space<vmem>>) semaphore(%arg19 : memref<!tpu.dma_semaphore, #tpu.memory_space<semaphore_mem>>)
      %dma_wait3A_322 = arith.constant 1 : i32
      %dma_wait3A_323 = arith.constant 0 : i32
      %dma_wait3A_324 = tpu.memref_slice %arg9[%dma_wait3A_322, %dma_wait3A_323] : memref<8x128xi32, #tpu.memory_space<vmem>> -> memref<1x128xi32, #tpu.memory_space<vmem>>
      %dma_wait3A_325 = tpu.memref_squeeze %dma_wait3A_324 : memref<1x128xi32, #tpu.memory_space<vmem>> -> memref<128xi32, #tpu.memory_space<vmem>>
      %dma_wait3A_326 = arith.constant 0 : i32
      %dma_wait3A_327 = arith.constant 0 : i32
      %dma_wait3A_328 = tpu.memref_slice %arg2[%dma_wait3A_326, %dma_wait3A_327] : memref<50176x64xf32, #tpu.memory_space<hbm>> -> memref<50176x64xf32, #tpu.memory_space<hbm>>
      tpu.wait_indirect_dma semaphore(%arg20 : memref<!tpu.dma_semaphore, #tpu.memory_space<semaphore_mem>>) src(%dma_wait3A_328 : memref<50176x64xf32, #tpu.memory_space<hbm>>) dst(%arg15 : memref<128x64xf32, #tpu.memory_space<vmem>>)
      %dma_start3A_329 = arith.constant 1 : i32
      %dma_start3A_330 = arith.constant 0 : i32
      %dma_start3A_331 = tpu.memref_slice %arg16[%dma_start3A_329, %dma_start3A_330] : memref<2x128xi32, #tpu.memory_space<vmem>> -> memref<1x128xi32, #tpu.memory_space<vmem>>
      %dma_start3A_332 = tpu.memref_squeeze %dma_start3A_331 : memref<1x128xi32, #tpu.memory_space<vmem>> -> memref<128xi32, #tpu.memory_space<vmem>>
      %dma_start3A_333 = arith.constant 0 : i32
      %dma_start3A_334 = arith.constant 0 : i32
      %dma_start3A_335 = tpu.memref_slice %arg7[%dma_start3A_333, %dma_start3A_334] : memref<25088x64xf32, #tpu.memory_space<vmem_shared>> -> memref<25088x64xf32, #tpu.memory_space<vmem_shared>>
      tpu.enqueue_indirect_dma source(%arg15 : memref<128x64xf32, #tpu.memory_space<vmem>>) target(%dma_start3A_335 : memref<25088x64xf32, #tpu.memory_space<vmem_shared>>) offsets(%dma_start3A_332 : memref<128xi32, #tpu.memory_space<vmem>>) semaphore(%arg22 : memref<!tpu.dma_semaphore, #tpu.memory_space<semaphore_mem>>) {add = true}
      %dma_wait3A_336 = arith.constant 1 : i32
      %dma_wait3A_337 = arith.constant 0 : i32
      %dma_wait3A_338 = tpu.memref_slice %arg16[%dma_wait3A_336, %dma_wait3A_337] : memref<2x128xi32, #tpu.memory_space<vmem>> -> memref<1x128xi32, #tpu.memory_space<vmem>>
      %dma_wait3A_339 = tpu.memref_squeeze %dma_wait3A_338 : memref<1x128xi32, #tpu.memory_space<vmem>> -> memref<128xi32, #tpu.memory_space<vmem>>
      %dma_wait3A_340 = arith.constant 0 : i32
      %dma_wait3A_341 = arith.constant 0 : i32
      %dma_wait3A_342 = tpu.memref_slice %arg7[%dma_wait3A_340, %dma_wait3A_341] : memref<25088x64xf32, #tpu.memory_space<vmem_shared>> -> memref<25088x64xf32, #tpu.memory_space<vmem_shared>>
      tpu.wait_indirect_dma semaphore(%arg22 : memref<!tpu.dma_semaphore, #tpu.memory_space<semaphore_mem>>) src(%arg15 : memref<128x64xf32, #tpu.memory_space<vmem>>) dst(%dma_wait3A_342 : memref<25088x64xf32, #tpu.memory_space<vmem_shared>>)
      %dma_start3A_343 = arith.constant 3 : i32
      %dma_start3A_344 = arith.constant 0 : i32
      %dma_start3A_345 = tpu.memref_slice %arg9[%dma_start3A_343, %dma_start3A_344] : memref<8x128xi32, #tpu.memory_space<vmem>> -> memref<1x128xi32, #tpu.memory_space<vmem>>
      %dma_start3A_346 = tpu.memref_squeeze %dma_start3A_345 : memref<1x128xi32, #tpu.memory_space<vmem>> -> memref<128xi32, #tpu.memory_space<vmem>>
      %dma_start3A_347 = arith.constant 0 : i32
      %dma_start3A_348 = arith.constant 0 : i32
      %dma_start3A_349 = tpu.memref_slice %arg2[%dma_start3A_347, %dma_start3A_348] : memref<50176x64xf32, #tpu.memory_space<hbm>> -> memref<50176x64xf32, #tpu.memory_space<hbm>>
      tpu.enqueue_indirect_dma source(%dma_start3A_349 : memref<50176x64xf32, #tpu.memory_space<hbm>>) target(%arg15 : memref<128x64xf32, #tpu.memory_space<vmem>>) offsets(%dma_start3A_346 : memref<128xi32, #tpu.memory_space<vmem>>) semaphore(%arg20 : memref<!tpu.dma_semaphore, #tpu.memory_space<semaphore_mem>>)
      %dma_wait3A_350 = arith.constant 2 : i32
      %dma_wait3A_351 = arith.constant 0 : i32
      %dma_wait3A_352 = tpu.memref_slice %arg9[%dma_wait3A_350, %dma_wait3A_351] : memref<8x128xi32, #tpu.memory_space<vmem>> -> memref<1x128xi32, #tpu.memory_space<vmem>>
      %dma_wait3A_353 = tpu.memref_squeeze %dma_wait3A_352 : memref<1x128xi32, #tpu.memory_space<vmem>> -> memref<128xi32, #tpu.memory_space<vmem>>
      %dma_wait3A_354 = arith.constant 0 : i32
      %dma_wait3A_355 = arith.constant 0 : i32
      %dma_wait3A_356 = tpu.memref_slice %arg2[%dma_wait3A_354, %dma_wait3A_355] : memref<50176x64xf32, #tpu.memory_space<hbm>> -> memref<50176x64xf32, #tpu.memory_space<hbm>>
      tpu.wait_indirect_dma semaphore(%arg19 : memref<!tpu.dma_semaphore, #tpu.memory_space<semaphore_mem>>) src(%dma_wait3A_356 : memref<50176x64xf32, #tpu.memory_space<hbm>>) dst(%arg14 : memref<128x64xf32, #tpu.memory_space<vmem>>)
      %dma_start3A_357 = arith.constant 0 : i32
      %dma_start3A_358 = arith.constant 0 : i32
      %dma_start3A_359 = tpu.memref_slice %arg16[%dma_start3A_357, %dma_start3A_358] : memref<2x128xi32, #tpu.memory_space<vmem>> -> memref<1x128xi32, #tpu.memory_space<vmem>>
      %dma_start3A_360 = tpu.memref_squeeze %dma_start3A_359 : memref<1x128xi32, #tpu.memory_space<vmem>> -> memref<128xi32, #tpu.memory_space<vmem>>
      %dma_start3A_361 = arith.constant 0 : i32
      %dma_start3A_362 = arith.constant 0 : i32
      %dma_start3A_363 = tpu.memref_slice %arg7[%dma_start3A_361, %dma_start3A_362] : memref<25088x64xf32, #tpu.memory_space<vmem_shared>> -> memref<25088x64xf32, #tpu.memory_space<vmem_shared>>
      tpu.enqueue_indirect_dma source(%arg14 : memref<128x64xf32, #tpu.memory_space<vmem>>) target(%dma_start3A_363 : memref<25088x64xf32, #tpu.memory_space<vmem_shared>>) offsets(%dma_start3A_360 : memref<128xi32, #tpu.memory_space<vmem>>) semaphore(%arg21 : memref<!tpu.dma_semaphore, #tpu.memory_space<semaphore_mem>>) {add = true}
      %dma_wait3A_364 = arith.constant 0 : i32
      %dma_wait3A_365 = arith.constant 0 : i32
      %dma_wait3A_366 = tpu.memref_slice %arg16[%dma_wait3A_364, %dma_wait3A_365] : memref<2x128xi32, #tpu.memory_space<vmem>> -> memref<1x128xi32, #tpu.memory_space<vmem>>
      %dma_wait3A_367 = tpu.memref_squeeze %dma_wait3A_366 : memref<1x128xi32, #tpu.memory_space<vmem>> -> memref<128xi32, #tpu.memory_space<vmem>>
      %dma_wait3A_368 = arith.constant 0 : i32
      %dma_wait3A_369 = arith.constant 0 : i32
      %dma_wait3A_370 = tpu.memref_slice %arg7[%dma_wait3A_368, %dma_wait3A_369] : memref<25088x64xf32, #tpu.memory_space<vmem_shared>> -> memref<25088x64xf32, #tpu.memory_space<vmem_shared>>
      tpu.wait_indirect_dma semaphore(%arg21 : memref<!tpu.dma_semaphore, #tpu.memory_space<semaphore_mem>>) src(%arg14 : memref<128x64xf32, #tpu.memory_space<vmem>>) dst(%dma_wait3A_370 : memref<25088x64xf32, #tpu.memory_space<vmem_shared>>)
      %dma_start3A_371 = arith.constant 4 : i32
      %dma_start3A_372 = arith.constant 0 : i32
      %dma_start3A_373 = tpu.memref_slice %arg9[%dma_start3A_371, %dma_start3A_372] : memref<8x128xi32, #tpu.memory_space<vmem>> -> memref<1x128xi32, #tpu.memory_space<vmem>>
      %dma_start3A_374 = tpu.memref_squeeze %dma_start3A_373 : memref<1x128xi32, #tpu.memory_space<vmem>> -> memref<128xi32, #tpu.memory_space<vmem>>
      %dma_start3A_375 = arith.constant 0 : i32
      %dma_start3A_376 = arith.constant 0 : i32
      %dma_start3A_377 = tpu.memref_slice %arg2[%dma_start3A_375, %dma_start3A_376] : memref<50176x64xf32, #tpu.memory_space<hbm>> -> memref<50176x64xf32, #tpu.memory_space<hbm>>
      tpu.enqueue_indirect_dma source(%dma_start3A_377 : memref<50176x64xf32, #tpu.memory_space<hbm>>) target(%arg14 : memref<128x64xf32, #tpu.memory_space<vmem>>) offsets(%dma_start3A_374 : memref<128xi32, #tpu.memory_space<vmem>>) semaphore(%arg19 : memref<!tpu.dma_semaphore, #tpu.memory_space<semaphore_mem>>)
      %dma_wait3A_378 = arith.constant 3 : i32
      %dma_wait3A_379 = arith.constant 0 : i32
      %dma_wait3A_380 = tpu.memref_slice %arg9[%dma_wait3A_378, %dma_wait3A_379] : memref<8x128xi32, #tpu.memory_space<vmem>> -> memref<1x128xi32, #tpu.memory_space<vmem>>
      %dma_wait3A_381 = tpu.memref_squeeze %dma_wait3A_380 : memref<1x128xi32, #tpu.memory_space<vmem>> -> memref<128xi32, #tpu.memory_space<vmem>>
      %dma_wait3A_382 = arith.constant 0 : i32
      %dma_wait3A_383 = arith.constant 0 : i32
      %dma_wait3A_384 = tpu.memref_slice %arg2[%dma_wait3A_382, %dma_wait3A_383] : memref<50176x64xf32, #tpu.memory_space<hbm>> -> memref<50176x64xf32, #tpu.memory_space<hbm>>
      tpu.wait_indirect_dma semaphore(%arg20 : memref<!tpu.dma_semaphore, #tpu.memory_space<semaphore_mem>>) src(%dma_wait3A_384 : memref<50176x64xf32, #tpu.memory_space<hbm>>) dst(%arg15 : memref<128x64xf32, #tpu.memory_space<vmem>>)
      %dma_start3A_385 = arith.constant 1 : i32
      %dma_start3A_386 = arith.constant 0 : i32
      %dma_start3A_387 = tpu.memref_slice %arg16[%dma_start3A_385, %dma_start3A_386] : memref<2x128xi32, #tpu.memory_space<vmem>> -> memref<1x128xi32, #tpu.memory_space<vmem>>
      %dma_start3A_388 = tpu.memref_squeeze %dma_start3A_387 : memref<1x128xi32, #tpu.memory_space<vmem>> -> memref<128xi32, #tpu.memory_space<vmem>>
      %dma_start3A_389 = arith.constant 0 : i32
      %dma_start3A_390 = arith.constant 0 : i32
      %dma_start3A_391 = tpu.memref_slice %arg7[%dma_start3A_389, %dma_start3A_390] : memref<25088x64xf32, #tpu.memory_space<vmem_shared>> -> memref<25088x64xf32, #tpu.memory_space<vmem_shared>>
      tpu.enqueue_indirect_dma source(%arg15 : memref<128x64xf32, #tpu.memory_space<vmem>>) target(%dma_start3A_391 : memref<25088x64xf32, #tpu.memory_space<vmem_shared>>) offsets(%dma_start3A_388 : memref<128xi32, #tpu.memory_space<vmem>>) semaphore(%arg22 : memref<!tpu.dma_semaphore, #tpu.memory_space<semaphore_mem>>) {add = true}
      %dma_wait3A_392 = arith.constant 1 : i32
      %dma_wait3A_393 = arith.constant 0 : i32
      %dma_wait3A_394 = tpu.memref_slice %arg16[%dma_wait3A_392, %dma_wait3A_393] : memref<2x128xi32, #tpu.memory_space<vmem>> -> memref<1x128xi32, #tpu.memory_space<vmem>>
      %dma_wait3A_395 = tpu.memref_squeeze %dma_wait3A_394 : memref<1x128xi32, #tpu.memory_space<vmem>> -> memref<128xi32, #tpu.memory_space<vmem>>
      %dma_wait3A_396 = arith.constant 0 : i32
      %dma_wait3A_397 = arith.constant 0 : i32
      %dma_wait3A_398 = tpu.memref_slice %arg7[%dma_wait3A_396, %dma_wait3A_397] : memref<25088x64xf32, #tpu.memory_space<vmem_shared>> -> memref<25088x64xf32, #tpu.memory_space<vmem_shared>>
      tpu.wait_indirect_dma semaphore(%arg22 : memref<!tpu.dma_semaphore, #tpu.memory_space<semaphore_mem>>) src(%arg15 : memref<128x64xf32, #tpu.memory_space<vmem>>) dst(%dma_wait3A_398 : memref<25088x64xf32, #tpu.memory_space<vmem_shared>>)
      %dma_start3A_399 = arith.constant 5 : i32
      %dma_start3A_400 = arith.constant 0 : i32
      %dma_start3A_401 = tpu.memref_slice %arg9[%dma_start3A_399, %dma_start3A_400] : memref<8x128xi32, #tpu.memory_space<vmem>> -> memref<1x128xi32, #tpu.memory_space<vmem>>
      %dma_start3A_402 = tpu.memref_squeeze %dma_start3A_401 : memref<1x128xi32, #tpu.memory_space<vmem>> -> memref<128xi32, #tpu.memory_space<vmem>>
      %dma_start3A_403 = arith.constant 0 : i32
      %dma_start3A_404 = arith.constant 0 : i32
      %dma_start3A_405 = tpu.memref_slice %arg2[%dma_start3A_403, %dma_start3A_404] : memref<50176x64xf32, #tpu.memory_space<hbm>> -> memref<50176x64xf32, #tpu.memory_space<hbm>>
      tpu.enqueue_indirect_dma source(%dma_start3A_405 : memref<50176x64xf32, #tpu.memory_space<hbm>>) target(%arg15 : memref<128x64xf32, #tpu.memory_space<vmem>>) offsets(%dma_start3A_402 : memref<128xi32, #tpu.memory_space<vmem>>) semaphore(%arg20 : memref<!tpu.dma_semaphore, #tpu.memory_space<semaphore_mem>>)
      %dma_wait3A_406 = arith.constant 4 : i32
      %dma_wait3A_407 = arith.constant 0 : i32
      %dma_wait3A_408 = tpu.memref_slice %arg9[%dma_wait3A_406, %dma_wait3A_407] : memref<8x128xi32, #tpu.memory_space<vmem>> -> memref<1x128xi32, #tpu.memory_space<vmem>>
      %dma_wait3A_409 = tpu.memref_squeeze %dma_wait3A_408 : memref<1x128xi32, #tpu.memory_space<vmem>> -> memref<128xi32, #tpu.memory_space<vmem>>
      %dma_wait3A_410 = arith.constant 0 : i32
      %dma_wait3A_411 = arith.constant 0 : i32
      %dma_wait3A_412 = tpu.memref_slice %arg2[%dma_wait3A_410, %dma_wait3A_411] : memref<50176x64xf32, #tpu.memory_space<hbm>> -> memref<50176x64xf32, #tpu.memory_space<hbm>>
      tpu.wait_indirect_dma semaphore(%arg19 : memref<!tpu.dma_semaphore, #tpu.memory_space<semaphore_mem>>) src(%dma_wait3A_412 : memref<50176x64xf32, #tpu.memory_space<hbm>>) dst(%arg14 : memref<128x64xf32, #tpu.memory_space<vmem>>)
      %dma_start3A_413 = arith.constant 0 : i32
      %dma_start3A_414 = arith.constant 0 : i32
      %dma_start3A_415 = tpu.memref_slice %arg16[%dma_start3A_413, %dma_start3A_414] : memref<2x128xi32, #tpu.memory_space<vmem>> -> memref<1x128xi32, #tpu.memory_space<vmem>>
      %dma_start3A_416 = tpu.memref_squeeze %dma_start3A_415 : memref<1x128xi32, #tpu.memory_space<vmem>> -> memref<128xi32, #tpu.memory_space<vmem>>
      %dma_start3A_417 = arith.constant 0 : i32
      %dma_start3A_418 = arith.constant 0 : i32
      %dma_start3A_419 = tpu.memref_slice %arg7[%dma_start3A_417, %dma_start3A_418] : memref<25088x64xf32, #tpu.memory_space<vmem_shared>> -> memref<25088x64xf32, #tpu.memory_space<vmem_shared>>
      tpu.enqueue_indirect_dma source(%arg14 : memref<128x64xf32, #tpu.memory_space<vmem>>) target(%dma_start3A_419 : memref<25088x64xf32, #tpu.memory_space<vmem_shared>>) offsets(%dma_start3A_416 : memref<128xi32, #tpu.memory_space<vmem>>) semaphore(%arg21 : memref<!tpu.dma_semaphore, #tpu.memory_space<semaphore_mem>>) {add = true}
      %dma_wait3A_420 = arith.constant 0 : i32
      %dma_wait3A_421 = arith.constant 0 : i32
      %dma_wait3A_422 = tpu.memref_slice %arg16[%dma_wait3A_420, %dma_wait3A_421] : memref<2x128xi32, #tpu.memory_space<vmem>> -> memref<1x128xi32, #tpu.memory_space<vmem>>
      %dma_wait3A_423 = tpu.memref_squeeze %dma_wait3A_422 : memref<1x128xi32, #tpu.memory_space<vmem>> -> memref<128xi32, #tpu.memory_space<vmem>>
      %dma_wait3A_424 = arith.constant 0 : i32
      %dma_wait3A_425 = arith.constant 0 : i32
      %dma_wait3A_426 = tpu.memref_slice %arg7[%dma_wait3A_424, %dma_wait3A_425] : memref<25088x64xf32, #tpu.memory_space<vmem_shared>> -> memref<25088x64xf32, #tpu.memory_space<vmem_shared>>
      tpu.wait_indirect_dma semaphore(%arg21 : memref<!tpu.dma_semaphore, #tpu.memory_space<semaphore_mem>>) src(%arg14 : memref<128x64xf32, #tpu.memory_space<vmem>>) dst(%dma_wait3A_426 : memref<25088x64xf32, #tpu.memory_space<vmem_shared>>)
      %dma_start3A_427 = arith.constant 6 : i32
      %dma_start3A_428 = arith.constant 0 : i32
      %dma_start3A_429 = tpu.memref_slice %arg9[%dma_start3A_427, %dma_start3A_428] : memref<8x128xi32, #tpu.memory_space<vmem>> -> memref<1x128xi32, #tpu.memory_space<vmem>>
      %dma_start3A_430 = tpu.memref_squeeze %dma_start3A_429 : memref<1x128xi32, #tpu.memory_space<vmem>> -> memref<128xi32, #tpu.memory_space<vmem>>
      %dma_start3A_431 = arith.constant 0 : i32
      %dma_start3A_432 = arith.constant 0 : i32
      %dma_start3A_433 = tpu.memref_slice %arg2[%dma_start3A_431, %dma_start3A_432] : memref<50176x64xf32, #tpu.memory_space<hbm>> -> memref<50176x64xf32, #tpu.memory_space<hbm>>
      tpu.enqueue_indirect_dma source(%dma_start3A_433 : memref<50176x64xf32, #tpu.memory_space<hbm>>) target(%arg14 : memref<128x64xf32, #tpu.memory_space<vmem>>) offsets(%dma_start3A_430 : memref<128xi32, #tpu.memory_space<vmem>>) semaphore(%arg19 : memref<!tpu.dma_semaphore, #tpu.memory_space<semaphore_mem>>)
      %dma_wait3A_434 = arith.constant 5 : i32
      %dma_wait3A_435 = arith.constant 0 : i32
      %dma_wait3A_436 = tpu.memref_slice %arg9[%dma_wait3A_434, %dma_wait3A_435] : memref<8x128xi32, #tpu.memory_space<vmem>> -> memref<1x128xi32, #tpu.memory_space<vmem>>
      %dma_wait3A_437 = tpu.memref_squeeze %dma_wait3A_436 : memref<1x128xi32, #tpu.memory_space<vmem>> -> memref<128xi32, #tpu.memory_space<vmem>>
      %dma_wait3A_438 = arith.constant 0 : i32
      %dma_wait3A_439 = arith.constant 0 : i32
      %dma_wait3A_440 = tpu.memref_slice %arg2[%dma_wait3A_438, %dma_wait3A_439] : memref<50176x64xf32, #tpu.memory_space<hbm>> -> memref<50176x64xf32, #tpu.memory_space<hbm>>
      tpu.wait_indirect_dma semaphore(%arg20 : memref<!tpu.dma_semaphore, #tpu.memory_space<semaphore_mem>>) src(%dma_wait3A_440 : memref<50176x64xf32, #tpu.memory_space<hbm>>) dst(%arg15 : memref<128x64xf32, #tpu.memory_space<vmem>>)
      %dma_start3A_441 = arith.constant 1 : i32
      %dma_start3A_442 = arith.constant 0 : i32
      %dma_start3A_443 = tpu.memref_slice %arg16[%dma_start3A_441, %dma_start3A_442] : memref<2x128xi32, #tpu.memory_space<vmem>> -> memref<1x128xi32, #tpu.memory_space<vmem>>
      %dma_start3A_444 = tpu.memref_squeeze %dma_start3A_443 : memref<1x128xi32, #tpu.memory_space<vmem>> -> memref<128xi32, #tpu.memory_space<vmem>>
      %dma_start3A_445 = arith.constant 0 : i32
      %dma_start3A_446 = arith.constant 0 : i32
      %dma_start3A_447 = tpu.memref_slice %arg7[%dma_start3A_445, %dma_start3A_446] : memref<25088x64xf32, #tpu.memory_space<vmem_shared>> -> memref<25088x64xf32, #tpu.memory_space<vmem_shared>>
      tpu.enqueue_indirect_dma source(%arg15 : memref<128x64xf32, #tpu.memory_space<vmem>>) target(%dma_start3A_447 : memref<25088x64xf32, #tpu.memory_space<vmem_shared>>) offsets(%dma_start3A_444 : memref<128xi32, #tpu.memory_space<vmem>>) semaphore(%arg22 : memref<!tpu.dma_semaphore, #tpu.memory_space<semaphore_mem>>) {add = true}
      %dma_wait3A_448 = arith.constant 1 : i32
      %dma_wait3A_449 = arith.constant 0 : i32
      %dma_wait3A_450 = tpu.memref_slice %arg16[%dma_wait3A_448, %dma_wait3A_449] : memref<2x128xi32, #tpu.memory_space<vmem>> -> memref<1x128xi32, #tpu.memory_space<vmem>>
      %dma_wait3A_451 = tpu.memref_squeeze %dma_wait3A_450 : memref<1x128xi32, #tpu.memory_space<vmem>> -> memref<128xi32, #tpu.memory_space<vmem>>
      %dma_wait3A_452 = arith.constant 0 : i32
      %dma_wait3A_453 = arith.constant 0 : i32
      %dma_wait3A_454 = tpu.memref_slice %arg7[%dma_wait3A_452, %dma_wait3A_453] : memref<25088x64xf32, #tpu.memory_space<vmem_shared>> -> memref<25088x64xf32, #tpu.memory_space<vmem_shared>>
      tpu.wait_indirect_dma semaphore(%arg22 : memref<!tpu.dma_semaphore, #tpu.memory_space<semaphore_mem>>) src(%arg15 : memref<128x64xf32, #tpu.memory_space<vmem>>) dst(%dma_wait3A_454 : memref<25088x64xf32, #tpu.memory_space<vmem_shared>>)
      %dma_start3A_455 = arith.constant 7 : i32
      %dma_start3A_456 = arith.constant 0 : i32
      %dma_start3A_457 = tpu.memref_slice %arg9[%dma_start3A_455, %dma_start3A_456] : memref<8x128xi32, #tpu.memory_space<vmem>> -> memref<1x128xi32, #tpu.memory_space<vmem>>
      %dma_start3A_458 = tpu.memref_squeeze %dma_start3A_457 : memref<1x128xi32, #tpu.memory_space<vmem>> -> memref<128xi32, #tpu.memory_space<vmem>>
      %dma_start3A_459 = arith.constant 0 : i32
      %dma_start3A_460 = arith.constant 0 : i32
      %dma_start3A_461 = tpu.memref_slice %arg2[%dma_start3A_459, %dma_start3A_460] : memref<50176x64xf32, #tpu.memory_space<hbm>> -> memref<50176x64xf32, #tpu.memory_space<hbm>>
      tpu.enqueue_indirect_dma source(%dma_start3A_461 : memref<50176x64xf32, #tpu.memory_space<hbm>>) target(%arg15 : memref<128x64xf32, #tpu.memory_space<vmem>>) offsets(%dma_start3A_458 : memref<128xi32, #tpu.memory_space<vmem>>) semaphore(%arg20 : memref<!tpu.dma_semaphore, #tpu.memory_space<semaphore_mem>>)
      %dma_wait3A_462 = arith.constant 6 : i32
      %dma_wait3A_463 = arith.constant 0 : i32
      %dma_wait3A_464 = tpu.memref_slice %arg9[%dma_wait3A_462, %dma_wait3A_463] : memref<8x128xi32, #tpu.memory_space<vmem>> -> memref<1x128xi32, #tpu.memory_space<vmem>>
      %dma_wait3A_465 = tpu.memref_squeeze %dma_wait3A_464 : memref<1x128xi32, #tpu.memory_space<vmem>> -> memref<128xi32, #tpu.memory_space<vmem>>
      %dma_wait3A_466 = arith.constant 0 : i32
      %dma_wait3A_467 = arith.constant 0 : i32
      %dma_wait3A_468 = tpu.memref_slice %arg2[%dma_wait3A_466, %dma_wait3A_467] : memref<50176x64xf32, #tpu.memory_space<hbm>> -> memref<50176x64xf32, #tpu.memory_space<hbm>>
      tpu.wait_indirect_dma semaphore(%arg19 : memref<!tpu.dma_semaphore, #tpu.memory_space<semaphore_mem>>) src(%dma_wait3A_468 : memref<50176x64xf32, #tpu.memory_space<hbm>>) dst(%arg14 : memref<128x64xf32, #tpu.memory_space<vmem>>)
      %dma_start3A_469 = arith.constant 0 : i32
      %dma_start3A_470 = arith.constant 0 : i32
      %dma_start3A_471 = tpu.memref_slice %arg16[%dma_start3A_469, %dma_start3A_470] : memref<2x128xi32, #tpu.memory_space<vmem>> -> memref<1x128xi32, #tpu.memory_space<vmem>>
      %dma_start3A_472 = tpu.memref_squeeze %dma_start3A_471 : memref<1x128xi32, #tpu.memory_space<vmem>> -> memref<128xi32, #tpu.memory_space<vmem>>
      %dma_start3A_473 = arith.constant 0 : i32
      %dma_start3A_474 = arith.constant 0 : i32
      %dma_start3A_475 = tpu.memref_slice %arg7[%dma_start3A_473, %dma_start3A_474] : memref<25088x64xf32, #tpu.memory_space<vmem_shared>> -> memref<25088x64xf32, #tpu.memory_space<vmem_shared>>
      tpu.enqueue_indirect_dma source(%arg14 : memref<128x64xf32, #tpu.memory_space<vmem>>) target(%dma_start3A_475 : memref<25088x64xf32, #tpu.memory_space<vmem_shared>>) offsets(%dma_start3A_472 : memref<128xi32, #tpu.memory_space<vmem>>) semaphore(%arg21 : memref<!tpu.dma_semaphore, #tpu.memory_space<semaphore_mem>>) {add = true}
      %dma_wait3A_476 = arith.constant 7 : i32
      %dma_wait3A_477 = arith.constant 0 : i32
      %dma_wait3A_478 = tpu.memref_slice %arg9[%dma_wait3A_476, %dma_wait3A_477] : memref<8x128xi32, #tpu.memory_space<vmem>> -> memref<1x128xi32, #tpu.memory_space<vmem>>
      %dma_wait3A_479 = tpu.memref_squeeze %dma_wait3A_478 : memref<1x128xi32, #tpu.memory_space<vmem>> -> memref<128xi32, #tpu.memory_space<vmem>>
      %dma_wait3A_480 = arith.constant 0 : i32
      %dma_wait3A_481 = arith.constant 0 : i32
      %dma_wait3A_482 = tpu.memref_slice %arg2[%dma_wait3A_480, %dma_wait3A_481] : memref<50176x64xf32, #tpu.memory_space<hbm>> -> memref<50176x64xf32, #tpu.memory_space<hbm>>
      tpu.wait_indirect_dma semaphore(%arg20 : memref<!tpu.dma_semaphore, #tpu.memory_space<semaphore_mem>>) src(%dma_wait3A_482 : memref<50176x64xf32, #tpu.memory_space<hbm>>) dst(%arg15 : memref<128x64xf32, #tpu.memory_space<vmem>>)
      %dma_start3A_483 = arith.constant 1 : i32
      %dma_start3A_484 = arith.constant 0 : i32
      %dma_start3A_485 = tpu.memref_slice %arg16[%dma_start3A_483, %dma_start3A_484] : memref<2x128xi32, #tpu.memory_space<vmem>> -> memref<1x128xi32, #tpu.memory_space<vmem>>
      %dma_start3A_486 = tpu.memref_squeeze %dma_start3A_485 : memref<1x128xi32, #tpu.memory_space<vmem>> -> memref<128xi32, #tpu.memory_space<vmem>>
      %dma_start3A_487 = arith.constant 0 : i32
      %dma_start3A_488 = arith.constant 0 : i32
      %dma_start3A_489 = tpu.memref_slice %arg7[%dma_start3A_487, %dma_start3A_488] : memref<25088x64xf32, #tpu.memory_space<vmem_shared>> -> memref<25088x64xf32, #tpu.memory_space<vmem_shared>>
      tpu.enqueue_indirect_dma source(%arg15 : memref<128x64xf32, #tpu.memory_space<vmem>>) target(%dma_start3A_489 : memref<25088x64xf32, #tpu.memory_space<vmem_shared>>) offsets(%dma_start3A_486 : memref<128xi32, #tpu.memory_space<vmem>>) semaphore(%arg22 : memref<!tpu.dma_semaphore, #tpu.memory_space<semaphore_mem>>) {add = true}
      %add3A_490 = arith.constant 2 : i32
      %add3A_491 = arith.addi %mul3A_237, %add3A_490 : i32
      %mul3A_492 = arith.constant 1024 : i32
      %mul3A_493 = arith.muli %add3A_491, %mul3A_492 : i32
      %add3A_494 = arith.addi %mul3A_3, %mul3A_493 : i32
      %jit3A_495 = arith.constant 128 : i32
      %div3A_496 = arith.divsi %add3A_494, %jit3A_495 : i32
      %sign3A_497 = arith.constant 0 : i32
      %sign3A_498 = arith.cmpi sgt, %add3A_494, %sign3A_497 : i32
      %sign3A_499 = arith.extui %sign3A_498 : i1 to i32
      %sign3A_500 = arith.constant 0 : i32
      %sign3A_501 = arith.cmpi slt, %add3A_494, %sign3A_500 : i32
      %sign3A_502 = arith.extui %sign3A_501 : i1 to i32
      %sign3A_503 = arith.subi %sign3A_499, %sign3A_502 : i32
      %sign3A_504 = arith.constant 0 : i32
      %sign3A_505 = arith.cmpi sgt, %jit3A_495, %sign3A_504 : i32
      %sign3A_506 = arith.extui %sign3A_505 : i1 to i32
      %sign3A_507 = arith.constant 0 : i32
      %sign3A_508 = arith.cmpi slt, %jit3A_495, %sign3A_507 : i32
      %sign3A_509 = arith.extui %sign3A_508 : i1 to i32
      %sign3A_510 = arith.subi %sign3A_506, %sign3A_509 : i32
      %ne3A_511 = arith.cmpi ne, %sign3A_503, %sign3A_510 : i32
      %rem3A_512 = arith.remsi %add3A_494, %jit3A_495 : i32
      %ne3A_513 = arith.constant 0 : i32
      %ne3A_514 = arith.cmpi ne, %rem3A_512, %ne3A_513 : i32
      %and3A_515 = arith.andi %ne3A_511, %ne3A_514 : i1
      %sub3A_516 = arith.constant 1 : i32
      %sub3A_517 = arith.subi %div3A_496, %sub3A_516 : i32
      %select_n3A_518 = arith.select %and3A_515, %sub3A_517, %div3A_496 : i32
      %multiple_of3A_519 = tpu.assume_multiple %select_n3A_518, 8 : i32
      %mul3A_520 = arith.constant 1024 : i32
      %mul3A_521 = arith.muli %add3A_491, %mul3A_520 : i32
      %add3A_522 = arith.addi %mul3A_3, %mul3A_521 : i32
      %multiple_of3A_523 = tpu.assume_multiple %add3A_522, 1024 : i32
      %dma_start3A_524 = arith.constant 0 : i32
      %dma_start3A_525 = tpu.memref_slice %arg3[%multiple_of3A_519, %dma_start3A_524] : memref<6416x128xi32, #tpu.memory_space<hbm>> -> memref<8x128xi32, #tpu.memory_space<hbm>>
      %dma_start3A_526 = arith.constant 0 : i32
      %dma_start3A_527 = tpu.memref_slice %arg3[%multiple_of3A_519, %dma_start3A_526] : memref<6416x128xi32, #tpu.memory_space<hbm>> -> memref<8x128xi32, #tpu.memory_space<hbm>>
      tpu.enqueue_dma source(%dma_start3A_527 : memref<8x128xi32, #tpu.memory_space<hbm>>) target(%arg8 : memref<8x128xi32, #tpu.memory_space<vmem>>) target_semaphore(%arg17 : memref<!tpu.dma_semaphore, #tpu.memory_space<semaphore_mem>>)
      %dma_start3A_528 = arith.constant 0 : i32
      %dma_start3A_529 = tpu.memref_slice %arg4[%multiple_of3A_519, %dma_start3A_528] : memref<6416x128xi32, #tpu.memory_space<hbm>> -> memref<8x128xi32, #tpu.memory_space<hbm>>
      %dma_start3A_530 = arith.constant 0 : i32
      %dma_start3A_531 = tpu.memref_slice %arg4[%multiple_of3A_519, %dma_start3A_530] : memref<6416x128xi32, #tpu.memory_space<hbm>> -> memref<8x128xi32, #tpu.memory_space<hbm>>
      tpu.enqueue_dma source(%dma_start3A_531 : memref<8x128xi32, #tpu.memory_space<hbm>>) target(%arg9 : memref<8x128xi32, #tpu.memory_space<vmem>>) target_semaphore(%arg17 : memref<!tpu.dma_semaphore, #tpu.memory_space<semaphore_mem>>)
      %dma_start3A_532 = tpu.memref_slice %arg5[%multiple_of3A_523] : memref<821248xf32, #tpu.memory_space<hbm>> -> memref<1024xf32, #tpu.memory_space<hbm>>
      %dma_start3A_533 = tpu.memref_slice %arg5[%multiple_of3A_523] : memref<821248xf32, #tpu.memory_space<hbm>> -> memref<1024xf32, #tpu.memory_space<hbm>>
      tpu.enqueue_dma source(%dma_start3A_533 : memref<1024xf32, #tpu.memory_space<hbm>>) target(%arg10 : memref<1024xf32, #tpu.memory_space<vmem>>) target_semaphore(%arg17 : memref<!tpu.dma_semaphore, #tpu.memory_space<semaphore_mem>>)
      %mul3A_534 = arith.constant 2 : i32
      %mul3A_535 = arith.muli %mul3A_534, %scan3A_235 : i32
      %add3A_536 = arith.constant 1 : i32
      %add3A_537 = arith.addi %mul3A_535, %add3A_536 : i32
      %mul3A_538 = arith.constant 1024 : i32
      %mul3A_539 = arith.muli %add3A_537, %mul3A_538 : i32
      %add3A_540 = arith.addi %mul3A_3, %mul3A_539 : i32
      %jit3A_541 = arith.constant 128 : i32
      %div3A_542 = arith.divsi %add3A_540, %jit3A_541 : i32
      %sign3A_543 = arith.constant 0 : i32
      %sign3A_544 = arith.cmpi sgt, %add3A_540, %sign3A_543 : i32
      %sign3A_545 = arith.extui %sign3A_544 : i1 to i32
      %sign3A_546 = arith.constant 0 : i32
      %sign3A_547 = arith.cmpi slt, %add3A_540, %sign3A_546 : i32
      %sign3A_548 = arith.extui %sign3A_547 : i1 to i32
      %sign3A_549 = arith.subi %sign3A_545, %sign3A_548 : i32
      %sign3A_550 = arith.constant 0 : i32
      %sign3A_551 = arith.cmpi sgt, %jit3A_541, %sign3A_550 : i32
      %sign3A_552 = arith.extui %sign3A_551 : i1 to i32
      %sign3A_553 = arith.constant 0 : i32
      %sign3A_554 = arith.cmpi slt, %jit3A_541, %sign3A_553 : i32
      %sign3A_555 = arith.extui %sign3A_554 : i1 to i32
      %sign3A_556 = arith.subi %sign3A_552, %sign3A_555 : i32
      %ne3A_557 = arith.cmpi ne, %sign3A_549, %sign3A_556 : i32
      %rem3A_558 = arith.remsi %add3A_540, %jit3A_541 : i32
      %ne3A_559 = arith.constant 0 : i32
      %ne3A_560 = arith.cmpi ne, %rem3A_558, %ne3A_559 : i32
      %and3A_561 = arith.andi %ne3A_557, %ne3A_560 : i1
      %sub3A_562 = arith.constant 1 : i32
      %sub3A_563 = arith.subi %div3A_542, %sub3A_562 : i32
      %select_n3A_564 = arith.select %and3A_561, %sub3A_563, %div3A_542 : i32
      %multiple_of3A_565 = tpu.assume_multiple %select_n3A_564, 8 : i32
      %mul3A_566 = arith.constant 1024 : i32
      %mul3A_567 = arith.muli %add3A_537, %mul3A_566 : i32
      %add3A_568 = arith.addi %mul3A_3, %mul3A_567 : i32
      %multiple_of3A_569 = tpu.assume_multiple %add3A_568, 1024 : i32
      %dma_wait3A_570 = arith.constant 0 : i32
      %dma_wait3A_571 = tpu.memref_slice %arg3[%multiple_of3A_565, %dma_wait3A_570] : memref<6416x128xi32, #tpu.memory_space<hbm>> -> memref<8x128xi32, #tpu.memory_space<hbm>>
      %dma_wait3A_572 = arith.constant 0 : i32
      %dma_wait3A_573 = tpu.memref_slice %arg3[%multiple_of3A_565, %dma_wait3A_572] : memref<6416x128xi32, #tpu.memory_space<hbm>> -> memref<8x128xi32, #tpu.memory_space<hbm>>
      tpu.wait_dma2 semaphore(%arg18 : memref<!tpu.dma_semaphore, #tpu.memory_space<semaphore_mem>>) src(%dma_wait3A_573 : memref<8x128xi32, #tpu.memory_space<hbm>>) dst(%arg11 : memref<8x128xi32, #tpu.memory_space<vmem>>)
      %dma_wait3A_574 = arith.constant 0 : i32
      %dma_wait3A_575 = tpu.memref_slice %arg4[%multiple_of3A_565, %dma_wait3A_574] : memref<6416x128xi32, #tpu.memory_space<hbm>> -> memref<8x128xi32, #tpu.memory_space<hbm>>
      %dma_wait3A_576 = arith.constant 0 : i32
      %dma_wait3A_577 = tpu.memref_slice %arg4[%multiple_of3A_565, %dma_wait3A_576] : memref<6416x128xi32, #tpu.memory_space<hbm>> -> memref<8x128xi32, #tpu.memory_space<hbm>>
      tpu.wait_dma2 semaphore(%arg18 : memref<!tpu.dma_semaphore, #tpu.memory_space<semaphore_mem>>) src(%dma_wait3A_577 : memref<8x128xi32, #tpu.memory_space<hbm>>) dst(%arg12 : memref<8x128xi32, #tpu.memory_space<vmem>>)
      %dma_wait3A_578 = tpu.memref_slice %arg5[%multiple_of3A_569] : memref<821248xf32, #tpu.memory_space<hbm>> -> memref<1024xf32, #tpu.memory_space<hbm>>
      %dma_wait3A_579 = tpu.memref_slice %arg5[%multiple_of3A_569] : memref<821248xf32, #tpu.memory_space<hbm>> -> memref<1024xf32, #tpu.memory_space<hbm>>
      tpu.wait_dma2 semaphore(%arg18 : memref<!tpu.dma_semaphore, #tpu.memory_space<semaphore_mem>>) src(%dma_wait3A_579 : memref<1024xf32, #tpu.memory_space<hbm>>) dst(%arg13 : memref<1024xf32, #tpu.memory_space<vmem>>)
      %dma_wait3A_580 = arith.constant 0 : i32
      %dma_wait3A_581 = arith.constant 0 : i32
      %dma_wait3A_582 = tpu.memref_slice %arg16[%dma_wait3A_580, %dma_wait3A_581] : memref<2x128xi32, #tpu.memory_space<vmem>> -> memref<1x128xi32, #tpu.memory_space<vmem>>
      %dma_wait3A_583 = tpu.memref_squeeze %dma_wait3A_582 : memref<1x128xi32, #tpu.memory_space<vmem>> -> memref<128xi32, #tpu.memory_space<vmem>>
      %dma_wait3A_584 = arith.constant 0 : i32
      %dma_wait3A_585 = arith.constant 0 : i32
      %dma_wait3A_586 = tpu.memref_slice %arg7[%dma_wait3A_584, %dma_wait3A_585] : memref<25088x64xf32, #tpu.memory_space<vmem_shared>> -> memref<25088x64xf32, #tpu.memory_space<vmem_shared>>
      tpu.wait_indirect_dma semaphore(%arg21 : memref<!tpu.dma_semaphore, #tpu.memory_space<semaphore_mem>>) src(%arg14 : memref<128x64xf32, #tpu.memory_space<vmem>>) dst(%dma_wait3A_586 : memref<25088x64xf32, #tpu.memory_space<vmem_shared>>)
      %dma_start3A_587 = arith.constant 0 : i32
      %dma_start3A_588 = arith.constant 0 : i32
      %dma_start3A_589 = tpu.memref_slice %arg12[%dma_start3A_587, %dma_start3A_588] : memref<8x128xi32, #tpu.memory_space<vmem>> -> memref<1x128xi32, #tpu.memory_space<vmem>>
      %dma_start3A_590 = tpu.memref_squeeze %dma_start3A_589 : memref<1x128xi32, #tpu.memory_space<vmem>> -> memref<128xi32, #tpu.memory_space<vmem>>
      %dma_start3A_591 = arith.constant 0 : i32
      %dma_start3A_592 = arith.constant 0 : i32
      %dma_start3A_593 = tpu.memref_slice %arg2[%dma_start3A_591, %dma_start3A_592] : memref<50176x64xf32, #tpu.memory_space<hbm>> -> memref<50176x64xf32, #tpu.memory_space<hbm>>
      tpu.enqueue_indirect_dma source(%dma_start3A_593 : memref<50176x64xf32, #tpu.memory_space<hbm>>) target(%arg14 : memref<128x64xf32, #tpu.memory_space<vmem>>) offsets(%dma_start3A_590 : memref<128xi32, #tpu.memory_space<vmem>>) semaphore(%arg19 : memref<!tpu.dma_semaphore, #tpu.memory_space<semaphore_mem>>)
      %dma_wait3A_594 = arith.constant 1 : i32
      %dma_wait3A_595 = arith.constant 0 : i32
      %dma_wait3A_596 = tpu.memref_slice %arg16[%dma_wait3A_594, %dma_wait3A_595] : memref<2x128xi32, #tpu.memory_space<vmem>> -> memref<1x128xi32, #tpu.memory_space<vmem>>
      %dma_wait3A_597 = tpu.memref_squeeze %dma_wait3A_596 : memref<1x128xi32, #tpu.memory_space<vmem>> -> memref<128xi32, #tpu.memory_space<vmem>>
      %dma_wait3A_598 = arith.constant 0 : i32
      %dma_wait3A_599 = arith.constant 0 : i32
      %dma_wait3A_600 = tpu.memref_slice %arg7[%dma_wait3A_598, %dma_wait3A_599] : memref<25088x64xf32, #tpu.memory_space<vmem_shared>> -> memref<25088x64xf32, #tpu.memory_space<vmem_shared>>
      tpu.wait_indirect_dma semaphore(%arg22 : memref<!tpu.dma_semaphore, #tpu.memory_space<semaphore_mem>>) src(%arg15 : memref<128x64xf32, #tpu.memory_space<vmem>>) dst(%dma_wait3A_600 : memref<25088x64xf32, #tpu.memory_space<vmem_shared>>)
      %dma_start3A_601 = arith.constant 1 : i32
      %dma_start3A_602 = arith.constant 0 : i32
      %dma_start3A_603 = tpu.memref_slice %arg12[%dma_start3A_601, %dma_start3A_602] : memref<8x128xi32, #tpu.memory_space<vmem>> -> memref<1x128xi32, #tpu.memory_space<vmem>>
      %dma_start3A_604 = tpu.memref_squeeze %dma_start3A_603 : memref<1x128xi32, #tpu.memory_space<vmem>> -> memref<128xi32, #tpu.memory_space<vmem>>
      %dma_start3A_605 = arith.constant 0 : i32
      %dma_start3A_606 = arith.constant 0 : i32
      %dma_start3A_607 = tpu.memref_slice %arg2[%dma_start3A_605, %dma_start3A_606] : memref<50176x64xf32, #tpu.memory_space<hbm>> -> memref<50176x64xf32, #tpu.memory_space<hbm>>
      tpu.enqueue_indirect_dma source(%dma_start3A_607 : memref<50176x64xf32, #tpu.memory_space<hbm>>) target(%arg15 : memref<128x64xf32, #tpu.memory_space<vmem>>) offsets(%dma_start3A_604 : memref<128xi32, #tpu.memory_space<vmem>>) semaphore(%arg20 : memref<!tpu.dma_semaphore, #tpu.memory_space<semaphore_mem>>)
      %dma_wait3A_608 = arith.constant 0 : i32
      %dma_wait3A_609 = arith.constant 0 : i32
      %dma_wait3A_610 = tpu.memref_slice %arg12[%dma_wait3A_608, %dma_wait3A_609] : memref<8x128xi32, #tpu.memory_space<vmem>> -> memref<1x128xi32, #tpu.memory_space<vmem>>
      %dma_wait3A_611 = tpu.memref_squeeze %dma_wait3A_610 : memref<1x128xi32, #tpu.memory_space<vmem>> -> memref<128xi32, #tpu.memory_space<vmem>>
      %dma_wait3A_612 = arith.constant 0 : i32
      %dma_wait3A_613 = arith.constant 0 : i32
      %dma_wait3A_614 = tpu.memref_slice %arg2[%dma_wait3A_612, %dma_wait3A_613] : memref<50176x64xf32, #tpu.memory_space<hbm>> -> memref<50176x64xf32, #tpu.memory_space<hbm>>
      tpu.wait_indirect_dma semaphore(%arg19 : memref<!tpu.dma_semaphore, #tpu.memory_space<semaphore_mem>>) src(%dma_wait3A_614 : memref<50176x64xf32, #tpu.memory_space<hbm>>) dst(%arg14 : memref<128x64xf32, #tpu.memory_space<vmem>>)
      %dma_start3A_615 = arith.constant 0 : i32
      %dma_start3A_616 = arith.constant 0 : i32
      %dma_start3A_617 = tpu.memref_slice %arg16[%dma_start3A_615, %dma_start3A_616] : memref<2x128xi32, #tpu.memory_space<vmem>> -> memref<1x128xi32, #tpu.memory_space<vmem>>
      %dma_start3A_618 = tpu.memref_squeeze %dma_start3A_617 : memref<1x128xi32, #tpu.memory_space<vmem>> -> memref<128xi32, #tpu.memory_space<vmem>>
      %dma_start3A_619 = arith.constant 0 : i32
      %dma_start3A_620 = arith.constant 0 : i32
      %dma_start3A_621 = tpu.memref_slice %arg7[%dma_start3A_619, %dma_start3A_620] : memref<25088x64xf32, #tpu.memory_space<vmem_shared>> -> memref<25088x64xf32, #tpu.memory_space<vmem_shared>>
      tpu.enqueue_indirect_dma source(%arg14 : memref<128x64xf32, #tpu.memory_space<vmem>>) target(%dma_start3A_621 : memref<25088x64xf32, #tpu.memory_space<vmem_shared>>) offsets(%dma_start3A_618 : memref<128xi32, #tpu.memory_space<vmem>>) semaphore(%arg21 : memref<!tpu.dma_semaphore, #tpu.memory_space<semaphore_mem>>) {add = true}
      %dma_wait3A_622 = arith.constant 0 : i32
      %dma_wait3A_623 = arith.constant 0 : i32
      %dma_wait3A_624 = tpu.memref_slice %arg16[%dma_wait3A_622, %dma_wait3A_623] : memref<2x128xi32, #tpu.memory_space<vmem>> -> memref<1x128xi32, #tpu.memory_space<vmem>>
      %dma_wait3A_625 = tpu.memref_squeeze %dma_wait3A_624 : memref<1x128xi32, #tpu.memory_space<vmem>> -> memref<128xi32, #tpu.memory_space<vmem>>
      %dma_wait3A_626 = arith.constant 0 : i32
      %dma_wait3A_627 = arith.constant 0 : i32
      %dma_wait3A_628 = tpu.memref_slice %arg7[%dma_wait3A_626, %dma_wait3A_627] : memref<25088x64xf32, #tpu.memory_space<vmem_shared>> -> memref<25088x64xf32, #tpu.memory_space<vmem_shared>>
      tpu.wait_indirect_dma semaphore(%arg21 : memref<!tpu.dma_semaphore, #tpu.memory_space<semaphore_mem>>) src(%arg14 : memref<128x64xf32, #tpu.memory_space<vmem>>) dst(%dma_wait3A_628 : memref<25088x64xf32, #tpu.memory_space<vmem_shared>>)
      %dma_start3A_629 = arith.constant 2 : i32
      %dma_start3A_630 = arith.constant 0 : i32
      %dma_start3A_631 = tpu.memref_slice %arg12[%dma_start3A_629, %dma_start3A_630] : memref<8x128xi32, #tpu.memory_space<vmem>> -> memref<1x128xi32, #tpu.memory_space<vmem>>
      %dma_start3A_632 = tpu.memref_squeeze %dma_start3A_631 : memref<1x128xi32, #tpu.memory_space<vmem>> -> memref<128xi32, #tpu.memory_space<vmem>>
      %dma_start3A_633 = arith.constant 0 : i32
      %dma_start3A_634 = arith.constant 0 : i32
      %dma_start3A_635 = tpu.memref_slice %arg2[%dma_start3A_633, %dma_start3A_634] : memref<50176x64xf32, #tpu.memory_space<hbm>> -> memref<50176x64xf32, #tpu.memory_space<hbm>>
      tpu.enqueue_indirect_dma source(%dma_start3A_635 : memref<50176x64xf32, #tpu.memory_space<hbm>>) target(%arg14 : memref<128x64xf32, #tpu.memory_space<vmem>>) offsets(%dma_start3A_632 : memref<128xi32, #tpu.memory_space<vmem>>) semaphore(%arg19 : memref<!tpu.dma_semaphore, #tpu.memory_space<semaphore_mem>>)
      %dma_wait3A_636 = arith.constant 1 : i32
      %dma_wait3A_637 = arith.constant 0 : i32
      %dma_wait3A_638 = tpu.memref_slice %arg12[%dma_wait3A_636, %dma_wait3A_637] : memref<8x128xi32, #tpu.memory_space<vmem>> -> memref<1x128xi32, #tpu.memory_space<vmem>>
      %dma_wait3A_639 = tpu.memref_squeeze %dma_wait3A_638 : memref<1x128xi32, #tpu.memory_space<vmem>> -> memref<128xi32, #tpu.memory_space<vmem>>
      %dma_wait3A_640 = arith.constant 0 : i32
      %dma_wait3A_641 = arith.constant 0 : i32
      %dma_wait3A_642 = tpu.memref_slice %arg2[%dma_wait3A_640, %dma_wait3A_641] : memref<50176x64xf32, #tpu.memory_space<hbm>> -> memref<50176x64xf32, #tpu.memory_space<hbm>>
      tpu.wait_indirect_dma semaphore(%arg20 : memref<!tpu.dma_semaphore, #tpu.memory_space<semaphore_mem>>) src(%dma_wait3A_642 : memref<50176x64xf32, #tpu.memory_space<hbm>>) dst(%arg15 : memref<128x64xf32, #tpu.memory_space<vmem>>)
      %dma_start3A_643 = arith.constant 1 : i32
      %dma_start3A_644 = arith.constant 0 : i32
      %dma_start3A_645 = tpu.memref_slice %arg16[%dma_start3A_643, %dma_start3A_644] : memref<2x128xi32, #tpu.memory_space<vmem>> -> memref<1x128xi32, #tpu.memory_space<vmem>>
      %dma_start3A_646 = tpu.memref_squeeze %dma_start3A_645 : memref<1x128xi32, #tpu.memory_space<vmem>> -> memref<128xi32, #tpu.memory_space<vmem>>
      %dma_start3A_647 = arith.constant 0 : i32
      %dma_start3A_648 = arith.constant 0 : i32
      %dma_start3A_649 = tpu.memref_slice %arg7[%dma_start3A_647, %dma_start3A_648] : memref<25088x64xf32, #tpu.memory_space<vmem_shared>> -> memref<25088x64xf32, #tpu.memory_space<vmem_shared>>
      tpu.enqueue_indirect_dma source(%arg15 : memref<128x64xf32, #tpu.memory_space<vmem>>) target(%dma_start3A_649 : memref<25088x64xf32, #tpu.memory_space<vmem_shared>>) offsets(%dma_start3A_646 : memref<128xi32, #tpu.memory_space<vmem>>) semaphore(%arg22 : memref<!tpu.dma_semaphore, #tpu.memory_space<semaphore_mem>>) {add = true}
      %dma_wait3A_650 = arith.constant 1 : i32
      %dma_wait3A_651 = arith.constant 0 : i32
      %dma_wait3A_652 = tpu.memref_slice %arg16[%dma_wait3A_650, %dma_wait3A_651] : memref<2x128xi32, #tpu.memory_space<vmem>> -> memref<1x128xi32, #tpu.memory_space<vmem>>
      %dma_wait3A_653 = tpu.memref_squeeze %dma_wait3A_652 : memref<1x128xi32, #tpu.memory_space<vmem>> -> memref<128xi32, #tpu.memory_space<vmem>>
      %dma_wait3A_654 = arith.constant 0 : i32
      %dma_wait3A_655 = arith.constant 0 : i32
      %dma_wait3A_656 = tpu.memref_slice %arg7[%dma_wait3A_654, %dma_wait3A_655] : memref<25088x64xf32, #tpu.memory_space<vmem_shared>> -> memref<25088x64xf32, #tpu.memory_space<vmem_shared>>
      tpu.wait_indirect_dma semaphore(%arg22 : memref<!tpu.dma_semaphore, #tpu.memory_space<semaphore_mem>>) src(%arg15 : memref<128x64xf32, #tpu.memory_space<vmem>>) dst(%dma_wait3A_656 : memref<25088x64xf32, #tpu.memory_space<vmem_shared>>)
      %dma_start3A_657 = arith.constant 3 : i32
      %dma_start3A_658 = arith.constant 0 : i32
      %dma_start3A_659 = tpu.memref_slice %arg12[%dma_start3A_657, %dma_start3A_658] : memref<8x128xi32, #tpu.memory_space<vmem>> -> memref<1x128xi32, #tpu.memory_space<vmem>>
      %dma_start3A_660 = tpu.memref_squeeze %dma_start3A_659 : memref<1x128xi32, #tpu.memory_space<vmem>> -> memref<128xi32, #tpu.memory_space<vmem>>
      %dma_start3A_661 = arith.constant 0 : i32
      %dma_start3A_662 = arith.constant 0 : i32
      %dma_start3A_663 = tpu.memref_slice %arg2[%dma_start3A_661, %dma_start3A_662] : memref<50176x64xf32, #tpu.memory_space<hbm>> -> memref<50176x64xf32, #tpu.memory_space<hbm>>
      tpu.enqueue_indirect_dma source(%dma_start3A_663 : memref<50176x64xf32, #tpu.memory_space<hbm>>) target(%arg15 : memref<128x64xf32, #tpu.memory_space<vmem>>) offsets(%dma_start3A_660 : memref<128xi32, #tpu.memory_space<vmem>>) semaphore(%arg20 : memref<!tpu.dma_semaphore, #tpu.memory_space<semaphore_mem>>)
      %dma_wait3A_664 = arith.constant 2 : i32
      %dma_wait3A_665 = arith.constant 0 : i32
      %dma_wait3A_666 = tpu.memref_slice %arg12[%dma_wait3A_664, %dma_wait3A_665] : memref<8x128xi32, #tpu.memory_space<vmem>> -> memref<1x128xi32, #tpu.memory_space<vmem>>
      %dma_wait3A_667 = tpu.memref_squeeze %dma_wait3A_666 : memref<1x128xi32, #tpu.memory_space<vmem>> -> memref<128xi32, #tpu.memory_space<vmem>>
      %dma_wait3A_668 = arith.constant 0 : i32
      %dma_wait3A_669 = arith.constant 0 : i32
      %dma_wait3A_670 = tpu.memref_slice %arg2[%dma_wait3A_668, %dma_wait3A_669] : memref<50176x64xf32, #tpu.memory_space<hbm>> -> memref<50176x64xf32, #tpu.memory_space<hbm>>
      tpu.wait_indirect_dma semaphore(%arg19 : memref<!tpu.dma_semaphore, #tpu.memory_space<semaphore_mem>>) src(%dma_wait3A_670 : memref<50176x64xf32, #tpu.memory_space<hbm>>) dst(%arg14 : memref<128x64xf32, #tpu.memory_space<vmem>>)
      %dma_start3A_671 = arith.constant 0 : i32
      %dma_start3A_672 = arith.constant 0 : i32
      %dma_start3A_673 = tpu.memref_slice %arg16[%dma_start3A_671, %dma_start3A_672] : memref<2x128xi32, #tpu.memory_space<vmem>> -> memref<1x128xi32, #tpu.memory_space<vmem>>
      %dma_start3A_674 = tpu.memref_squeeze %dma_start3A_673 : memref<1x128xi32, #tpu.memory_space<vmem>> -> memref<128xi32, #tpu.memory_space<vmem>>
      %dma_start3A_675 = arith.constant 0 : i32
      %dma_start3A_676 = arith.constant 0 : i32
      %dma_start3A_677 = tpu.memref_slice %arg7[%dma_start3A_675, %dma_start3A_676] : memref<25088x64xf32, #tpu.memory_space<vmem_shared>> -> memref<25088x64xf32, #tpu.memory_space<vmem_shared>>
      tpu.enqueue_indirect_dma source(%arg14 : memref<128x64xf32, #tpu.memory_space<vmem>>) target(%dma_start3A_677 : memref<25088x64xf32, #tpu.memory_space<vmem_shared>>) offsets(%dma_start3A_674 : memref<128xi32, #tpu.memory_space<vmem>>) semaphore(%arg21 : memref<!tpu.dma_semaphore, #tpu.memory_space<semaphore_mem>>) {add = true}
      %dma_wait3A_678 = arith.constant 0 : i32
      %dma_wait3A_679 = arith.constant 0 : i32
      %dma_wait3A_680 = tpu.memref_slice %arg16[%dma_wait3A_678, %dma_wait3A_679] : memref<2x128xi32, #tpu.memory_space<vmem>> -> memref<1x128xi32, #tpu.memory_space<vmem>>
      %dma_wait3A_681 = tpu.memref_squeeze %dma_wait3A_680 : memref<1x128xi32, #tpu.memory_space<vmem>> -> memref<128xi32, #tpu.memory_space<vmem>>
      %dma_wait3A_682 = arith.constant 0 : i32
      %dma_wait3A_683 = arith.constant 0 : i32
      %dma_wait3A_684 = tpu.memref_slice %arg7[%dma_wait3A_682, %dma_wait3A_683] : memref<25088x64xf32, #tpu.memory_space<vmem_shared>> -> memref<25088x64xf32, #tpu.memory_space<vmem_shared>>
      tpu.wait_indirect_dma semaphore(%arg21 : memref<!tpu.dma_semaphore, #tpu.memory_space<semaphore_mem>>) src(%arg14 : memref<128x64xf32, #tpu.memory_space<vmem>>) dst(%dma_wait3A_684 : memref<25088x64xf32, #tpu.memory_space<vmem_shared>>)
      %dma_start3A_685 = arith.constant 4 : i32
      %dma_start3A_686 = arith.constant 0 : i32
      %dma_start3A_687 = tpu.memref_slice %arg12[%dma_start3A_685, %dma_start3A_686] : memref<8x128xi32, #tpu.memory_space<vmem>> -> memref<1x128xi32, #tpu.memory_space<vmem>>
      %dma_start3A_688 = tpu.memref_squeeze %dma_start3A_687 : memref<1x128xi32, #tpu.memory_space<vmem>> -> memref<128xi32, #tpu.memory_space<vmem>>
      %dma_start3A_689 = arith.constant 0 : i32
      %dma_start3A_690 = arith.constant 0 : i32
      %dma_start3A_691 = tpu.memref_slice %arg2[%dma_start3A_689, %dma_start3A_690] : memref<50176x64xf32, #tpu.memory_space<hbm>> -> memref<50176x64xf32, #tpu.memory_space<hbm>>
      tpu.enqueue_indirect_dma source(%dma_start3A_691 : memref<50176x64xf32, #tpu.memory_space<hbm>>) target(%arg14 : memref<128x64xf32, #tpu.memory_space<vmem>>) offsets(%dma_start3A_688 : memref<128xi32, #tpu.memory_space<vmem>>) semaphore(%arg19 : memref<!tpu.dma_semaphore, #tpu.memory_space<semaphore_mem>>)
      %dma_wait3A_692 = arith.constant 3 : i32
      %dma_wait3A_693 = arith.constant 0 : i32
      %dma_wait3A_694 = tpu.memref_slice %arg12[%dma_wait3A_692, %dma_wait3A_693] : memref<8x128xi32, #tpu.memory_space<vmem>> -> memref<1x128xi32, #tpu.memory_space<vmem>>
      %dma_wait3A_695 = tpu.memref_squeeze %dma_wait3A_694 : memref<1x128xi32, #tpu.memory_space<vmem>> -> memref<128xi32, #tpu.memory_space<vmem>>
      %dma_wait3A_696 = arith.constant 0 : i32
      %dma_wait3A_697 = arith.constant 0 : i32
      %dma_wait3A_698 = tpu.memref_slice %arg2[%dma_wait3A_696, %dma_wait3A_697] : memref<50176x64xf32, #tpu.memory_space<hbm>> -> memref<50176x64xf32, #tpu.memory_space<hbm>>
      tpu.wait_indirect_dma semaphore(%arg20 : memref<!tpu.dma_semaphore, #tpu.memory_space<semaphore_mem>>) src(%dma_wait3A_698 : memref<50176x64xf32, #tpu.memory_space<hbm>>) dst(%arg15 : memref<128x64xf32, #tpu.memory_space<vmem>>)
      %dma_start3A_699 = arith.constant 1 : i32
      %dma_start3A_700 = arith.constant 0 : i32
      %dma_start3A_701 = tpu.memref_slice %arg16[%dma_start3A_699, %dma_start3A_700] : memref<2x128xi32, #tpu.memory_space<vmem>> -> memref<1x128xi32, #tpu.memory_space<vmem>>
      %dma_start3A_702 = tpu.memref_squeeze %dma_start3A_701 : memref<1x128xi32, #tpu.memory_space<vmem>> -> memref<128xi32, #tpu.memory_space<vmem>>
      %dma_start3A_703 = arith.constant 0 : i32
      %dma_start3A_704 = arith.constant 0 : i32
      %dma_start3A_705 = tpu.memref_slice %arg7[%dma_start3A_703, %dma_start3A_704] : memref<25088x64xf32, #tpu.memory_space<vmem_shared>> -> memref<25088x64xf32, #tpu.memory_space<vmem_shared>>
      tpu.enqueue_indirect_dma source(%arg15 : memref<128x64xf32, #tpu.memory_space<vmem>>) target(%dma_start3A_705 : memref<25088x64xf32, #tpu.memory_space<vmem_shared>>) offsets(%dma_start3A_702 : memref<128xi32, #tpu.memory_space<vmem>>) semaphore(%arg22 : memref<!tpu.dma_semaphore, #tpu.memory_space<semaphore_mem>>) {add = true}
      %dma_wait3A_706 = arith.constant 1 : i32
      %dma_wait3A_707 = arith.constant 0 : i32
      %dma_wait3A_708 = tpu.memref_slice %arg16[%dma_wait3A_706, %dma_wait3A_707] : memref<2x128xi32, #tpu.memory_space<vmem>> -> memref<1x128xi32, #tpu.memory_space<vmem>>
      %dma_wait3A_709 = tpu.memref_squeeze %dma_wait3A_708 : memref<1x128xi32, #tpu.memory_space<vmem>> -> memref<128xi32, #tpu.memory_space<vmem>>
      %dma_wait3A_710 = arith.constant 0 : i32
      %dma_wait3A_711 = arith.constant 0 : i32
      %dma_wait3A_712 = tpu.memref_slice %arg7[%dma_wait3A_710, %dma_wait3A_711] : memref<25088x64xf32, #tpu.memory_space<vmem_shared>> -> memref<25088x64xf32, #tpu.memory_space<vmem_shared>>
      tpu.wait_indirect_dma semaphore(%arg22 : memref<!tpu.dma_semaphore, #tpu.memory_space<semaphore_mem>>) src(%arg15 : memref<128x64xf32, #tpu.memory_space<vmem>>) dst(%dma_wait3A_712 : memref<25088x64xf32, #tpu.memory_space<vmem_shared>>)
      %dma_start3A_713 = arith.constant 5 : i32
      %dma_start3A_714 = arith.constant 0 : i32
      %dma_start3A_715 = tpu.memref_slice %arg12[%dma_start3A_713, %dma_start3A_714] : memref<8x128xi32, #tpu.memory_space<vmem>> -> memref<1x128xi32, #tpu.memory_space<vmem>>
      %dma_start3A_716 = tpu.memref_squeeze %dma_start3A_715 : memref<1x128xi32, #tpu.memory_space<vmem>> -> memref<128xi32, #tpu.memory_space<vmem>>
      %dma_start3A_717 = arith.constant 0 : i32
      %dma_start3A_718 = arith.constant 0 : i32
      %dma_start3A_719 = tpu.memref_slice %arg2[%dma_start3A_717, %dma_start3A_718] : memref<50176x64xf32, #tpu.memory_space<hbm>> -> memref<50176x64xf32, #tpu.memory_space<hbm>>
      tpu.enqueue_indirect_dma source(%dma_start3A_719 : memref<50176x64xf32, #tpu.memory_space<hbm>>) target(%arg15 : memref<128x64xf32, #tpu.memory_space<vmem>>) offsets(%dma_start3A_716 : memref<128xi32, #tpu.memory_space<vmem>>) semaphore(%arg20 : memref<!tpu.dma_semaphore, #tpu.memory_space<semaphore_mem>>)
      %dma_wait3A_720 = arith.constant 4 : i32
      %dma_wait3A_721 = arith.constant 0 : i32
      %dma_wait3A_722 = tpu.memref_slice %arg12[%dma_wait3A_720, %dma_wait3A_721] : memref<8x128xi32, #tpu.memory_space<vmem>> -> memref<1x128xi32, #tpu.memory_space<vmem>>
      %dma_wait3A_723 = tpu.memref_squeeze %dma_wait3A_722 : memref<1x128xi32, #tpu.memory_space<vmem>> -> memref<128xi32, #tpu.memory_space<vmem>>
      %dma_wait3A_724 = arith.constant 0 : i32
      %dma_wait3A_725 = arith.constant 0 : i32
      %dma_wait3A_726 = tpu.memref_slice %arg2[%dma_wait3A_724, %dma_wait3A_725] : memref<50176x64xf32, #tpu.memory_space<hbm>> -> memref<50176x64xf32, #tpu.memory_space<hbm>>
      tpu.wait_indirect_dma semaphore(%arg19 : memref<!tpu.dma_semaphore, #tpu.memory_space<semaphore_mem>>) src(%dma_wait3A_726 : memref<50176x64xf32, #tpu.memory_space<hbm>>) dst(%arg14 : memref<128x64xf32, #tpu.memory_space<vmem>>)
      %dma_start3A_727 = arith.constant 0 : i32
      %dma_start3A_728 = arith.constant 0 : i32
      %dma_start3A_729 = tpu.memref_slice %arg16[%dma_start3A_727, %dma_start3A_728] : memref<2x128xi32, #tpu.memory_space<vmem>> -> memref<1x128xi32, #tpu.memory_space<vmem>>
      %dma_start3A_730 = tpu.memref_squeeze %dma_start3A_729 : memref<1x128xi32, #tpu.memory_space<vmem>> -> memref<128xi32, #tpu.memory_space<vmem>>
      %dma_start3A_731 = arith.constant 0 : i32
      %dma_start3A_732 = arith.constant 0 : i32
      %dma_start3A_733 = tpu.memref_slice %arg7[%dma_start3A_731, %dma_start3A_732] : memref<25088x64xf32, #tpu.memory_space<vmem_shared>> -> memref<25088x64xf32, #tpu.memory_space<vmem_shared>>
      tpu.enqueue_indirect_dma source(%arg14 : memref<128x64xf32, #tpu.memory_space<vmem>>) target(%dma_start3A_733 : memref<25088x64xf32, #tpu.memory_space<vmem_shared>>) offsets(%dma_start3A_730 : memref<128xi32, #tpu.memory_space<vmem>>) semaphore(%arg21 : memref<!tpu.dma_semaphore, #tpu.memory_space<semaphore_mem>>) {add = true}
      %dma_wait3A_734 = arith.constant 0 : i32
      %dma_wait3A_735 = arith.constant 0 : i32
      %dma_wait3A_736 = tpu.memref_slice %arg16[%dma_wait3A_734, %dma_wait3A_735] : memref<2x128xi32, #tpu.memory_space<vmem>> -> memref<1x128xi32, #tpu.memory_space<vmem>>
      %dma_wait3A_737 = tpu.memref_squeeze %dma_wait3A_736 : memref<1x128xi32, #tpu.memory_space<vmem>> -> memref<128xi32, #tpu.memory_space<vmem>>
      %dma_wait3A_738 = arith.constant 0 : i32
      %dma_wait3A_739 = arith.constant 0 : i32
      %dma_wait3A_740 = tpu.memref_slice %arg7[%dma_wait3A_738, %dma_wait3A_739] : memref<25088x64xf32, #tpu.memory_space<vmem_shared>> -> memref<25088x64xf32, #tpu.memory_space<vmem_shared>>
      tpu.wait_indirect_dma semaphore(%arg21 : memref<!tpu.dma_semaphore, #tpu.memory_space<semaphore_mem>>) src(%arg14 : memref<128x64xf32, #tpu.memory_space<vmem>>) dst(%dma_wait3A_740 : memref<25088x64xf32, #tpu.memory_space<vmem_shared>>)
      %dma_start3A_741 = arith.constant 6 : i32
      %dma_start3A_742 = arith.constant 0 : i32
      %dma_start3A_743 = tpu.memref_slice %arg12[%dma_start3A_741, %dma_start3A_742] : memref<8x128xi32, #tpu.memory_space<vmem>> -> memref<1x128xi32, #tpu.memory_space<vmem>>
      %dma_start3A_744 = tpu.memref_squeeze %dma_start3A_743 : memref<1x128xi32, #tpu.memory_space<vmem>> -> memref<128xi32, #tpu.memory_space<vmem>>
      %dma_start3A_745 = arith.constant 0 : i32
      %dma_start3A_746 = arith.constant 0 : i32
      %dma_start3A_747 = tpu.memref_slice %arg2[%dma_start3A_745, %dma_start3A_746] : memref<50176x64xf32, #tpu.memory_space<hbm>> -> memref<50176x64xf32, #tpu.memory_space<hbm>>
      tpu.enqueue_indirect_dma source(%dma_start3A_747 : memref<50176x64xf32, #tpu.memory_space<hbm>>) target(%arg14 : memref<128x64xf32, #tpu.memory_space<vmem>>) offsets(%dma_start3A_744 : memref<128xi32, #tpu.memory_space<vmem>>) semaphore(%arg19 : memref<!tpu.dma_semaphore, #tpu.memory_space<semaphore_mem>>)
      %dma_wait3A_748 = arith.constant 5 : i32
      %dma_wait3A_749 = arith.constant 0 : i32
      %dma_wait3A_750 = tpu.memref_slice %arg12[%dma_wait3A_748, %dma_wait3A_749] : memref<8x128xi32, #tpu.memory_space<vmem>> -> memref<1x128xi32, #tpu.memory_space<vmem>>
      %dma_wait3A_751 = tpu.memref_squeeze %dma_wait3A_750 : memref<1x128xi32, #tpu.memory_space<vmem>> -> memref<128xi32, #tpu.memory_space<vmem>>
      %dma_wait3A_752 = arith.constant 0 : i32
      %dma_wait3A_753 = arith.constant 0 : i32
      %dma_wait3A_754 = tpu.memref_slice %arg2[%dma_wait3A_752, %dma_wait3A_753] : memref<50176x64xf32, #tpu.memory_space<hbm>> -> memref<50176x64xf32, #tpu.memory_space<hbm>>
      tpu.wait_indirect_dma semaphore(%arg20 : memref<!tpu.dma_semaphore, #tpu.memory_space<semaphore_mem>>) src(%dma_wait3A_754 : memref<50176x64xf32, #tpu.memory_space<hbm>>) dst(%arg15 : memref<128x64xf32, #tpu.memory_space<vmem>>)
      %dma_start3A_755 = arith.constant 1 : i32
      %dma_start3A_756 = arith.constant 0 : i32
      %dma_start3A_757 = tpu.memref_slice %arg16[%dma_start3A_755, %dma_start3A_756] : memref<2x128xi32, #tpu.memory_space<vmem>> -> memref<1x128xi32, #tpu.memory_space<vmem>>
      %dma_start3A_758 = tpu.memref_squeeze %dma_start3A_757 : memref<1x128xi32, #tpu.memory_space<vmem>> -> memref<128xi32, #tpu.memory_space<vmem>>
      %dma_start3A_759 = arith.constant 0 : i32
      %dma_start3A_760 = arith.constant 0 : i32
      %dma_start3A_761 = tpu.memref_slice %arg7[%dma_start3A_759, %dma_start3A_760] : memref<25088x64xf32, #tpu.memory_space<vmem_shared>> -> memref<25088x64xf32, #tpu.memory_space<vmem_shared>>
      tpu.enqueue_indirect_dma source(%arg15 : memref<128x64xf32, #tpu.memory_space<vmem>>) target(%dma_start3A_761 : memref<25088x64xf32, #tpu.memory_space<vmem_shared>>) offsets(%dma_start3A_758 : memref<128xi32, #tpu.memory_space<vmem>>) semaphore(%arg22 : memref<!tpu.dma_semaphore, #tpu.memory_space<semaphore_mem>>) {add = true}
      %dma_wait3A_762 = arith.constant 1 : i32
      %dma_wait3A_763 = arith.constant 0 : i32
      %dma_wait3A_764 = tpu.memref_slice %arg16[%dma_wait3A_762, %dma_wait3A_763] : memref<2x128xi32, #tpu.memory_space<vmem>> -> memref<1x128xi32, #tpu.memory_space<vmem>>
      %dma_wait3A_765 = tpu.memref_squeeze %dma_wait3A_764 : memref<1x128xi32, #tpu.memory_space<vmem>> -> memref<128xi32, #tpu.memory_space<vmem>>
      %dma_wait3A_766 = arith.constant 0 : i32
      %dma_wait3A_767 = arith.constant 0 : i32
      %dma_wait3A_768 = tpu.memref_slice %arg7[%dma_wait3A_766, %dma_wait3A_767] : memref<25088x64xf32, #tpu.memory_space<vmem_shared>> -> memref<25088x64xf32, #tpu.memory_space<vmem_shared>>
      tpu.wait_indirect_dma semaphore(%arg22 : memref<!tpu.dma_semaphore, #tpu.memory_space<semaphore_mem>>) src(%arg15 : memref<128x64xf32, #tpu.memory_space<vmem>>) dst(%dma_wait3A_768 : memref<25088x64xf32, #tpu.memory_space<vmem_shared>>)
      %dma_start3A_769 = arith.constant 7 : i32
      %dma_start3A_770 = arith.constant 0 : i32
      %dma_start3A_771 = tpu.memref_slice %arg12[%dma_start3A_769, %dma_start3A_770] : memref<8x128xi32, #tpu.memory_space<vmem>> -> memref<1x128xi32, #tpu.memory_space<vmem>>
      %dma_start3A_772 = tpu.memref_squeeze %dma_start3A_771 : memref<1x128xi32, #tpu.memory_space<vmem>> -> memref<128xi32, #tpu.memory_space<vmem>>
      %dma_start3A_773 = arith.constant 0 : i32
      %dma_start3A_774 = arith.constant 0 : i32
      %dma_start3A_775 = tpu.memref_slice %arg2[%dma_start3A_773, %dma_start3A_774] : memref<50176x64xf32, #tpu.memory_space<hbm>> -> memref<50176x64xf32, #tpu.memory_space<hbm>>
      tpu.enqueue_indirect_dma source(%dma_start3A_775 : memref<50176x64xf32, #tpu.memory_space<hbm>>) target(%arg15 : memref<128x64xf32, #tpu.memory_space<vmem>>) offsets(%dma_start3A_772 : memref<128xi32, #tpu.memory_space<vmem>>) semaphore(%arg20 : memref<!tpu.dma_semaphore, #tpu.memory_space<semaphore_mem>>)
      %dma_wait3A_776 = arith.constant 6 : i32
      %dma_wait3A_777 = arith.constant 0 : i32
      %dma_wait3A_778 = tpu.memref_slice %arg12[%dma_wait3A_776, %dma_wait3A_777] : memref<8x128xi32, #tpu.memory_space<vmem>> -> memref<1x128xi32, #tpu.memory_space<vmem>>
      %dma_wait3A_779 = tpu.memref_squeeze %dma_wait3A_778 : memref<1x128xi32, #tpu.memory_space<vmem>> -> memref<128xi32, #tpu.memory_space<vmem>>
      %dma_wait3A_780 = arith.constant 0 : i32
      %dma_wait3A_781 = arith.constant 0 : i32
      %dma_wait3A_782 = tpu.memref_slice %arg2[%dma_wait3A_780, %dma_wait3A_781] : memref<50176x64xf32, #tpu.memory_space<hbm>> -> memref<50176x64xf32, #tpu.memory_space<hbm>>
      tpu.wait_indirect_dma semaphore(%arg19 : memref<!tpu.dma_semaphore, #tpu.memory_space<semaphore_mem>>) src(%dma_wait3A_782 : memref<50176x64xf32, #tpu.memory_space<hbm>>) dst(%arg14 : memref<128x64xf32, #tpu.memory_space<vmem>>)
      %dma_start3A_783 = arith.constant 0 : i32
      %dma_start3A_784 = arith.constant 0 : i32
      %dma_start3A_785 = tpu.memref_slice %arg16[%dma_start3A_783, %dma_start3A_784] : memref<2x128xi32, #tpu.memory_space<vmem>> -> memref<1x128xi32, #tpu.memory_space<vmem>>
      %dma_start3A_786 = tpu.memref_squeeze %dma_start3A_785 : memref<1x128xi32, #tpu.memory_space<vmem>> -> memref<128xi32, #tpu.memory_space<vmem>>
      %dma_start3A_787 = arith.constant 0 : i32
      %dma_start3A_788 = arith.constant 0 : i32
      %dma_start3A_789 = tpu.memref_slice %arg7[%dma_start3A_787, %dma_start3A_788] : memref<25088x64xf32, #tpu.memory_space<vmem_shared>> -> memref<25088x64xf32, #tpu.memory_space<vmem_shared>>
      tpu.enqueue_indirect_dma source(%arg14 : memref<128x64xf32, #tpu.memory_space<vmem>>) target(%dma_start3A_789 : memref<25088x64xf32, #tpu.memory_space<vmem_shared>>) offsets(%dma_start3A_786 : memref<128xi32, #tpu.memory_space<vmem>>) semaphore(%arg21 : memref<!tpu.dma_semaphore, #tpu.memory_space<semaphore_mem>>) {add = true}
      %dma_wait3A_790 = arith.constant 7 : i32
      %dma_wait3A_791 = arith.constant 0 : i32
      %dma_wait3A_792 = tpu.memref_slice %arg12[%dma_wait3A_790, %dma_wait3A_791] : memref<8x128xi32, #tpu.memory_space<vmem>> -> memref<1x128xi32, #tpu.memory_space<vmem>>
      %dma_wait3A_793 = tpu.memref_squeeze %dma_wait3A_792 : memref<1x128xi32, #tpu.memory_space<vmem>> -> memref<128xi32, #tpu.memory_space<vmem>>
      %dma_wait3A_794 = arith.constant 0 : i32
      %dma_wait3A_795 = arith.constant 0 : i32
      %dma_wait3A_796 = tpu.memref_slice %arg2[%dma_wait3A_794, %dma_wait3A_795] : memref<50176x64xf32, #tpu.memory_space<hbm>> -> memref<50176x64xf32, #tpu.memory_space<hbm>>
      tpu.wait_indirect_dma semaphore(%arg20 : memref<!tpu.dma_semaphore, #tpu.memory_space<semaphore_mem>>) src(%dma_wait3A_796 : memref<50176x64xf32, #tpu.memory_space<hbm>>) dst(%arg15 : memref<128x64xf32, #tpu.memory_space<vmem>>)
      %dma_start3A_797 = arith.constant 1 : i32
      %dma_start3A_798 = arith.constant 0 : i32
      %dma_start3A_799 = tpu.memref_slice %arg16[%dma_start3A_797, %dma_start3A_798] : memref<2x128xi32, #tpu.memory_space<vmem>> -> memref<1x128xi32, #tpu.memory_space<vmem>>
      %dma_start3A_800 = tpu.memref_squeeze %dma_start3A_799 : memref<1x128xi32, #tpu.memory_space<vmem>> -> memref<128xi32, #tpu.memory_space<vmem>>
      %dma_start3A_801 = arith.constant 0 : i32
      %dma_start3A_802 = arith.constant 0 : i32
      %dma_start3A_803 = tpu.memref_slice %arg7[%dma_start3A_801, %dma_start3A_802] : memref<25088x64xf32, #tpu.memory_space<vmem_shared>> -> memref<25088x64xf32, #tpu.memory_space<vmem_shared>>
      tpu.enqueue_indirect_dma source(%arg15 : memref<128x64xf32, #tpu.memory_space<vmem>>) target(%dma_start3A_803 : memref<25088x64xf32, #tpu.memory_space<vmem_shared>>) offsets(%dma_start3A_800 : memref<128xi32, #tpu.memory_space<vmem>>) semaphore(%arg22 : memref<!tpu.dma_semaphore, #tpu.memory_space<semaphore_mem>>) {add = true}
      %add3A_804 = arith.constant 2 : i32
      %add3A_805 = arith.addi %add3A_537, %add3A_804 : i32
      %mul3A_806 = arith.constant 1024 : i32
      %mul3A_807 = arith.muli %add3A_805, %mul3A_806 : i32
      %add3A_808 = arith.addi %mul3A_3, %mul3A_807 : i32
      %jit3A_809 = arith.constant 128 : i32
      %div3A_810 = arith.divsi %add3A_808, %jit3A_809 : i32
      %sign3A_811 = arith.constant 0 : i32
      %sign3A_812 = arith.cmpi sgt, %add3A_808, %sign3A_811 : i32
      %sign3A_813 = arith.extui %sign3A_812 : i1 to i32
      %sign3A_814 = arith.constant 0 : i32
      %sign3A_815 = arith.cmpi slt, %add3A_808, %sign3A_814 : i32
      %sign3A_816 = arith.extui %sign3A_815 : i1 to i32
      %sign3A_817 = arith.subi %sign3A_813, %sign3A_816 : i32
      %sign3A_818 = arith.constant 0 : i32
      %sign3A_819 = arith.cmpi sgt, %jit3A_809, %sign3A_818 : i32
      %sign3A_820 = arith.extui %sign3A_819 : i1 to i32
      %sign3A_821 = arith.constant 0 : i32
      %sign3A_822 = arith.cmpi slt, %jit3A_809, %sign3A_821 : i32
      %sign3A_823 = arith.extui %sign3A_822 : i1 to i32
      %sign3A_824 = arith.subi %sign3A_820, %sign3A_823 : i32
      %ne3A_825 = arith.cmpi ne, %sign3A_817, %sign3A_824 : i32
      %rem3A_826 = arith.remsi %add3A_808, %jit3A_809 : i32
      %ne3A_827 = arith.constant 0 : i32
      %ne3A_828 = arith.cmpi ne, %rem3A_826, %ne3A_827 : i32
      %and3A_829 = arith.andi %ne3A_825, %ne3A_828 : i1
      %sub3A_830 = arith.constant 1 : i32
      %sub3A_831 = arith.subi %div3A_810, %sub3A_830 : i32
      %select_n3A_832 = arith.select %and3A_829, %sub3A_831, %div3A_810 : i32
      %multiple_of3A_833 = tpu.assume_multiple %select_n3A_832, 8 : i32
      %mul3A_834 = arith.constant 1024 : i32
      %mul3A_835 = arith.muli %add3A_805, %mul3A_834 : i32
      %add3A_836 = arith.addi %mul3A_3, %mul3A_835 : i32
      %multiple_of3A_837 = tpu.assume_multiple %add3A_836, 1024 : i32
      %dma_start3A_838 = arith.constant 0 : i32
      %dma_start3A_839 = tpu.memref_slice %arg3[%multiple_of3A_833, %dma_start3A_838] : memref<6416x128xi32, #tpu.memory_space<hbm>> -> memref<8x128xi32, #tpu.memory_space<hbm>>
      %dma_start3A_840 = arith.constant 0 : i32
      %dma_start3A_841 = tpu.memref_slice %arg3[%multiple_of3A_833, %dma_start3A_840] : memref<6416x128xi32, #tpu.memory_space<hbm>> -> memref<8x128xi32, #tpu.memory_space<hbm>>
      tpu.enqueue_dma source(%dma_start3A_841 : memref<8x128xi32, #tpu.memory_space<hbm>>) target(%arg11 : memref<8x128xi32, #tpu.memory_space<vmem>>) target_semaphore(%arg18 : memref<!tpu.dma_semaphore, #tpu.memory_space<semaphore_mem>>)
      %dma_start3A_842 = arith.constant 0 : i32
      %dma_start3A_843 = tpu.memref_slice %arg4[%multiple_of3A_833, %dma_start3A_842] : memref<6416x128xi32, #tpu.memory_space<hbm>> -> memref<8x128xi32, #tpu.memory_space<hbm>>
      %dma_start3A_844 = arith.constant 0 : i32
      %dma_start3A_845 = tpu.memref_slice %arg4[%multiple_of3A_833, %dma_start3A_844] : memref<6416x128xi32, #tpu.memory_space<hbm>> -> memref<8x128xi32, #tpu.memory_space<hbm>>
      tpu.enqueue_dma source(%dma_start3A_845 : memref<8x128xi32, #tpu.memory_space<hbm>>) target(%arg12 : memref<8x128xi32, #tpu.memory_space<vmem>>) target_semaphore(%arg18 : memref<!tpu.dma_semaphore, #tpu.memory_space<semaphore_mem>>)
      %dma_start3A_846 = tpu.memref_slice %arg5[%multiple_of3A_837] : memref<821248xf32, #tpu.memory_space<hbm>> -> memref<1024xf32, #tpu.memory_space<hbm>>
      %dma_start3A_847 = tpu.memref_slice %arg5[%multiple_of3A_837] : memref<821248xf32, #tpu.memory_space<hbm>> -> memref<1024xf32, #tpu.memory_space<hbm>>
      tpu.enqueue_dma source(%dma_start3A_847 : memref<1024xf32, #tpu.memory_space<hbm>>) target(%arg13 : memref<1024xf32, #tpu.memory_space<vmem>>) target_semaphore(%arg18 : memref<!tpu.dma_semaphore, #tpu.memory_space<semaphore_mem>>)
      %dma_wait3A_848 = arith.constant 0 : i32
      %dma_wait3A_849 = arith.constant 0 : i32
      %dma_wait3A_850 = tpu.memref_slice %arg16[%dma_wait3A_848, %dma_wait3A_849] : memref<2x128xi32, #tpu.memory_space<vmem>> -> memref<1x128xi32, #tpu.memory_space<vmem>>
      %dma_wait3A_851 = tpu.memref_squeeze %dma_wait3A_850 : memref<1x128xi32, #tpu.memory_space<vmem>> -> memref<128xi32, #tpu.memory_space<vmem>>
      %dma_wait3A_852 = arith.constant 0 : i32
      %dma_wait3A_853 = arith.constant 0 : i32
      %dma_wait3A_854 = tpu.memref_slice %arg7[%dma_wait3A_852, %dma_wait3A_853] : memref<25088x64xf32, #tpu.memory_space<vmem_shared>> -> memref<25088x64xf32, #tpu.memory_space<vmem_shared>>
      tpu.wait_indirect_dma semaphore(%arg21 : memref<!tpu.dma_semaphore, #tpu.memory_space<semaphore_mem>>) src(%arg14 : memref<128x64xf32, #tpu.memory_space<vmem>>) dst(%dma_wait3A_854 : memref<25088x64xf32, #tpu.memory_space<vmem_shared>>)
      %dma_wait3A_855 = arith.constant 1 : i32
      %dma_wait3A_856 = arith.constant 0 : i32
      %dma_wait3A_857 = tpu.memref_slice %arg16[%dma_wait3A_855, %dma_wait3A_856] : memref<2x128xi32, #tpu.memory_space<vmem>> -> memref<1x128xi32, #tpu.memory_space<vmem>>
      %dma_wait3A_858 = tpu.memref_squeeze %dma_wait3A_857 : memref<1x128xi32, #tpu.memory_space<vmem>> -> memref<128xi32, #tpu.memory_space<vmem>>
      %dma_wait3A_859 = arith.constant 0 : i32
      %dma_wait3A_860 = arith.constant 0 : i32
      %dma_wait3A_861 = tpu.memref_slice %arg7[%dma_wait3A_859, %dma_wait3A_860] : memref<25088x64xf32, #tpu.memory_space<vmem_shared>> -> memref<25088x64xf32, #tpu.memory_space<vmem_shared>>
      tpu.wait_indirect_dma semaphore(%arg22 : memref<!tpu.dma_semaphore, #tpu.memory_space<semaphore_mem>>) src(%arg15 : memref<128x64xf32, #tpu.memory_space<vmem>>) dst(%dma_wait3A_861 : memref<25088x64xf32, #tpu.memory_space<vmem_shared>>)
    }
    %scan3A_147 = arith.constant 25 : i32
    %add3A_148 = arith.constant 51200 : i32
    %add3A_149 = arith.addi %mul3A_3, %add3A_148 : i32
    %jit3A_150 = arith.constant 128 : i32
    %div3A_151 = arith.divsi %add3A_149, %jit3A_150 : i32
    %sign3A_152 = arith.constant 0 : i32
    %sign3A_153 = arith.cmpi sgt, %add3A_149, %sign3A_152 : i32
    %sign3A_154 = arith.extui %sign3A_153 : i1 to i32
    %sign3A_155 = arith.constant 0 : i32
    %sign3A_156 = arith.cmpi slt, %add3A_149, %sign3A_155 : i32
    %sign3A_157 = arith.extui %sign3A_156 : i1 to i32
    %sign3A_158 = arith.subi %sign3A_154, %sign3A_157 : i32
    %sign3A_159 = arith.constant 0 : i32
    %sign3A_160 = arith.cmpi sgt, %jit3A_150, %sign3A_159 : i32
    %sign3A_161 = arith.extui %sign3A_160 : i1 to i32
    %sign3A_162 = arith.constant 0 : i32
    %sign3A_163 = arith.cmpi slt, %jit3A_150, %sign3A_162 : i32
    %sign3A_164 = arith.extui %sign3A_163 : i1 to i32
    %sign3A_165 = arith.subi %sign3A_161, %sign3A_164 : i32
    %ne3A_166 = arith.cmpi ne, %sign3A_158, %sign3A_165 : i32
    %rem3A_167 = arith.remsi %add3A_149, %jit3A_150 : i32
    %ne3A_168 = arith.constant 0 : i32
    %ne3A_169 = arith.cmpi ne, %rem3A_167, %ne3A_168 : i32
    %and3A_170 = arith.andi %ne3A_166, %ne3A_169 : i1
    %sub3A_171 = arith.constant 1 : i32
    %sub3A_172 = arith.subi %div3A_151, %sub3A_171 : i32
    %select_n3A_173 = arith.select %and3A_170, %sub3A_172, %div3A_151 : i32
    %multiple_of3A_174 = tpu.assume_multiple %select_n3A_173, 8 : i32
    %add3A_175 = arith.constant 51200 : i32
    %add3A_176 = arith.addi %mul3A_3, %add3A_175 : i32
    %multiple_of3A_177 = tpu.assume_multiple %add3A_176, 1024 : i32
    %dma_wait3A = arith.constant 0 : i32
    %dma_wait3A_178 = tpu.memref_slice %arg3[%multiple_of3A_174, %dma_wait3A] : memref<6416x128xi32, #tpu.memory_space<hbm>> -> memref<8x128xi32, #tpu.memory_space<hbm>>
    %dma_wait3A_179 = arith.constant 0 : i32
    %dma_wait3A_180 = tpu.memref_slice %arg3[%multiple_of3A_174, %dma_wait3A_179] : memref<6416x128xi32, #tpu.memory_space<hbm>> -> memref<8x128xi32, #tpu.memory_space<hbm>>
    tpu.wait_dma2 semaphore(%arg17 : memref<!tpu.dma_semaphore, #tpu.memory_space<semaphore_mem>>) src(%dma_wait3A_180 : memref<8x128xi32, #tpu.memory_space<hbm>>) dst(%arg8 : memref<8x128xi32, #tpu.memory_space<vmem>>)
    %dma_wait3A_181 = arith.constant 0 : i32
    %dma_wait3A_182 = tpu.memref_slice %arg4[%multiple_of3A_174, %dma_wait3A_181] : memref<6416x128xi32, #tpu.memory_space<hbm>> -> memref<8x128xi32, #tpu.memory_space<hbm>>
    %dma_wait3A_183 = arith.constant 0 : i32
    %dma_wait3A_184 = tpu.memref_slice %arg4[%multiple_of3A_174, %dma_wait3A_183] : memref<6416x128xi32, #tpu.memory_space<hbm>> -> memref<8x128xi32, #tpu.memory_space<hbm>>
    tpu.wait_dma2 semaphore(%arg17 : memref<!tpu.dma_semaphore, #tpu.memory_space<semaphore_mem>>) src(%dma_wait3A_184 : memref<8x128xi32, #tpu.memory_space<hbm>>) dst(%arg9 : memref<8x128xi32, #tpu.memory_space<vmem>>)
    %dma_wait3A_185 = tpu.memref_slice %arg5[%multiple_of3A_177] : memref<821248xf32, #tpu.memory_space<hbm>> -> memref<1024xf32, #tpu.memory_space<hbm>>
    %dma_wait3A_186 = tpu.memref_slice %arg5[%multiple_of3A_177] : memref<821248xf32, #tpu.memory_space<hbm>> -> memref<1024xf32, #tpu.memory_space<hbm>>
    tpu.wait_dma2 semaphore(%arg17 : memref<!tpu.dma_semaphore, #tpu.memory_space<semaphore_mem>>) src(%dma_wait3A_186 : memref<1024xf32, #tpu.memory_space<hbm>>) dst(%arg10 : memref<1024xf32, #tpu.memory_space<vmem>>)
    %add3A_187 = arith.constant 52224 : i32
    %add3A_188 = arith.addi %mul3A_3, %add3A_187 : i32
    %jit3A_189 = arith.constant 128 : i32
    %div3A_190 = arith.divsi %add3A_188, %jit3A_189 : i32
    %sign3A_191 = arith.constant 0 : i32
    %sign3A_192 = arith.cmpi sgt, %add3A_188, %sign3A_191 : i32
    %sign3A_193 = arith.extui %sign3A_192 : i1 to i32
    %sign3A_194 = arith.constant 0 : i32
    %sign3A_195 = arith.cmpi slt, %add3A_188, %sign3A_194 : i32
    %sign3A_196 = arith.extui %sign3A_195 : i1 to i32
    %sign3A_197 = arith.subi %sign3A_193, %sign3A_196 : i32
    %sign3A_198 = arith.constant 0 : i32
    %sign3A_199 = arith.cmpi sgt, %jit3A_189, %sign3A_198 : i32
    %sign3A_200 = arith.extui %sign3A_199 : i1 to i32
    %sign3A_201 = arith.constant 0 : i32
    %sign3A_202 = arith.cmpi slt, %jit3A_189, %sign3A_201 : i32
    %sign3A_203 = arith.extui %sign3A_202 : i1 to i32
    %sign3A_204 = arith.subi %sign3A_200, %sign3A_203 : i32
    %ne3A_205 = arith.cmpi ne, %sign3A_197, %sign3A_204 : i32
    %rem3A_206 = arith.remsi %add3A_188, %jit3A_189 : i32
    %ne3A_207 = arith.constant 0 : i32
    %ne3A_208 = arith.cmpi ne, %rem3A_206, %ne3A_207 : i32
    %and3A_209 = arith.andi %ne3A_205, %ne3A_208 : i1
    %sub3A_210 = arith.constant 1 : i32
    %sub3A_211 = arith.subi %div3A_190, %sub3A_210 : i32
    %select_n3A_212 = arith.select %and3A_209, %sub3A_211, %div3A_190 : i32
    %multiple_of3A_213 = tpu.assume_multiple %select_n3A_212, 8 : i32
    %add3A_214 = arith.constant 52224 : i32
    %add3A_215 = arith.addi %mul3A_3, %add3A_214 : i32
    %multiple_of3A_216 = tpu.assume_multiple %add3A_215, 1024 : i32
    %dma_wait3A_217 = arith.constant 0 : i32
    %dma_wait3A_218 = tpu.memref_slice %arg3[%multiple_of3A_213, %dma_wait3A_217] : memref<6416x128xi32, #tpu.memory_space<hbm>> -> memref<8x128xi32, #tpu.memory_space<hbm>>
    %dma_wait3A_219 = arith.constant 0 : i32
    %dma_wait3A_220 = tpu.memref_slice %arg3[%multiple_of3A_213, %dma_wait3A_219] : memref<6416x128xi32, #tpu.memory_space<hbm>> -> memref<8x128xi32, #tpu.memory_space<hbm>>
    tpu.wait_dma2 semaphore(%arg18 : memref<!tpu.dma_semaphore, #tpu.memory_space<semaphore_mem>>) src(%dma_wait3A_220 : memref<8x128xi32, #tpu.memory_space<hbm>>) dst(%arg11 : memref<8x128xi32, #tpu.memory_space<vmem>>)
    %dma_wait3A_221 = arith.constant 0 : i32
    %dma_wait3A_222 = tpu.memref_slice %arg4[%multiple_of3A_213, %dma_wait3A_221] : memref<6416x128xi32, #tpu.memory_space<hbm>> -> memref<8x128xi32, #tpu.memory_space<hbm>>
    %dma_wait3A_223 = arith.constant 0 : i32
    %dma_wait3A_224 = tpu.memref_slice %arg4[%multiple_of3A_213, %dma_wait3A_223] : memref<6416x128xi32, #tpu.memory_space<hbm>> -> memref<8x128xi32, #tpu.memory_space<hbm>>
    tpu.wait_dma2 semaphore(%arg18 : memref<!tpu.dma_semaphore, #tpu.memory_space<semaphore_mem>>) src(%dma_wait3A_224 : memref<8x128xi32, #tpu.memory_space<hbm>>) dst(%arg12 : memref<8x128xi32, #tpu.memory_space<vmem>>)
    %dma_wait3A_225 = tpu.memref_slice %arg5[%multiple_of3A_216] : memref<821248xf32, #tpu.memory_space<hbm>> -> memref<1024xf32, #tpu.memory_space<hbm>>
    %dma_wait3A_226 = tpu.memref_slice %arg5[%multiple_of3A_216] : memref<821248xf32, #tpu.memory_space<hbm>> -> memref<1024xf32, #tpu.memory_space<hbm>>
    tpu.wait_dma2 semaphore(%arg18 : memref<!tpu.dma_semaphore, #tpu.memory_space<semaphore_mem>>) src(%dma_wait3A_226 : memref<1024xf32, #tpu.memory_space<hbm>>) dst(%arg13 : memref<1024xf32, #tpu.memory_space<vmem>>)
    %barrier3A_227 = arith.constant 0 : index
    tpu.barrier barrier_id(%barrier3A_227)
    %mul3A_228 = arith.constant 1568 : i32
    %mul3A_229 = arith.muli %arg1, %mul3A_228 : i32
    %mul3A_230 = arith.constant 25088 : i32
    %mul3A_231 = arith.muli %arg0, %mul3A_230 : i32
    %mul3A_232 = arith.constant 1568 : i32
    %mul3A_233 = arith.muli %arg1, %mul3A_232 : i32
    %add3A_234 = arith.addi %mul3A_231, %mul3A_233 : i32
    "tpu.region"() ({
      %run_scoped3A = tpu.sem_alloc : memref<!tpu.dma_semaphore, #tpu.memory_space<semaphore_mem>>
      %dma_start3A_235 = arith.constant 0 : i32
      %dma_start3A_236 = tpu.memref_slice %arg6[%add3A_234, %dma_start3A_235] : memref<50176x64xf32, #tpu.memory_space<hbm>> -> memref<1568x64xf32, #tpu.memory_space<hbm>>
      %dma_start3A_237 = arith.constant 0 : i32
      %dma_start3A_238 = tpu.memref_slice %arg7[%mul3A_229, %dma_start3A_237] : memref<25088x64xf32, #tpu.memory_space<vmem_shared>> -> memref<1568x64xf32, #tpu.memory_space<vmem_shared>>
      tpu.enqueue_dma source(%dma_start3A_238 : memref<1568x64xf32, #tpu.memory_space<vmem_shared>>) target(%dma_start3A_236 : memref<1568x64xf32, #tpu.memory_space<hbm>>) target_semaphore(%run_scoped3A : memref<!tpu.dma_semaphore, #tpu.memory_space<semaphore_mem>>)
      %dma_wait3A_239 = arith.constant 0 : i32
      %dma_wait3A_240 = tpu.memref_slice %arg6[%add3A_234, %dma_wait3A_239] : memref<50176x64xf32, #tpu.memory_space<hbm>> -> memref<1568x64xf32, #tpu.memory_space<hbm>>
      %dma_wait3A_241 = arith.constant 0 : i32
      %dma_wait3A_242 = tpu.memref_slice %arg7[%mul3A_229, %dma_wait3A_241] : memref<25088x64xf32, #tpu.memory_space<vmem_shared>> -> memref<1568x64xf32, #tpu.memory_space<vmem_shared>>
      tpu.wait_dma2 semaphore(%run_scoped3A : memref<!tpu.dma_semaphore, #tpu.memory_space<semaphore_mem>>) src(%dma_wait3A_242 : memref<1568x64xf32, #tpu.memory_space<vmem_shared>>) dst(%dma_wait3A_240 : memref<1568x64xf32, #tpu.memory_space<hbm>>)
      tpu.yield
    }) : () -> ()
    return
  }
}

#map = affine_map<(d0, d1) -> (0, 0)>
#map1 = affine_map<(d0, d1) -> (0)>
module attributes {stable_mosaic.version = 14 : i64} {
  func.func @_prop_body(%arg0: i32, %arg1: i32, %arg2: memref<50176x64xf32, #tpu.memory_space<hbm>>, %arg3: memref<6416x128xi32, #tpu.memory_space<hbm>>, %arg4: memref<6416x128xi32, #tpu.memory_space<hbm>>, %arg5: memref<821248xf32, #tpu.memory_space<hbm>>, %arg6: memref<50176x64xf32, #tpu.memory_space<hbm>>, %arg7: memref<25088x64xf32, #tpu.memory_space<vmem_shared>>, %arg8: memref<8x128xi32, #tpu.memory_space<vmem>>, %arg9: memref<8x128xi32, #tpu.memory_space<vmem>>, %arg10: memref<1024xf32, #tpu.memory_space<vmem>>, %arg11: memref<8x128xi32, #tpu.memory_space<vmem>>, %arg12: memref<8x128xi32, #tpu.memory_space<vmem>>, %arg13: memref<1024xf32, #tpu.memory_space<vmem>>, %arg14: memref<128x64xf32, #tpu.memory_space<vmem>>, %arg15: memref<128x64xf32, #tpu.memory_space<vmem>>, %arg16: memref<2x128xi32, #tpu.memory_space<vmem>>, %arg17: memref<!tpu.dma_semaphore, #tpu.memory_space<semaphore_mem>>, %arg18: memref<!tpu.dma_semaphore, #tpu.memory_space<semaphore_mem>>, %arg19: memref<!tpu.dma_semaphore, #tpu.memory_space<semaphore_mem>>, %arg20: memref<!tpu.dma_semaphore, #tpu.memory_space<semaphore_mem>>, %arg21: memref<!tpu.dma_semaphore, #tpu.memory_space<semaphore_mem>>, %arg22: memref<!tpu.dma_semaphore, #tpu.memory_space<semaphore_mem>>) attributes {dimension_semantics = [#tpu.dimension_semantics<core_parallel>, #tpu.dimension_semantics<subcore_parallel>], iteration_bounds = array<i64: 2, 16>, scalar_prefetch = 0 : i64, scratch_operands = 16 : i64, tpu.core_type = #tpu.core_type<sc_vector_subcore>, window_params = [{transform_indices = #map}, {transform_indices = #map}, {transform_indices = #map}, {transform_indices = #map1}, {transform_indices = #map}]} {
    %mul3A = arith.constant 25000 : i32
    %mul3A_0 = arith.muli %arg0, %mul3A : i32
    %broadcast_in_dim3A = arith.constant 0.000000e+00 : f32
    %broadcast_in_dim3A_1 = vector.broadcast %broadcast_in_dim3A : f32 to vector<16xf32>
    %iota3A = tpu.iota {dimensions = array<i32: 0>} : vector<16xi32>
    %mul3A_2 = arith.constant 51200 : i32
    %mul3A_3 = arith.muli %arg1, %mul3A_2 : i32
    %scan3A = arith.constant 0 : i32
    %scan3A_4 = arith.constant 0 : i32
    %scan3A_5 = arith.constant 128 : i32
    %scan3A_6 = arith.addi %scan3A_4, %scan3A_5 : i32
    %scan3A_7 = arith.constant 1 : i32
    scf.for %scan3A_235 = %scan3A_4 to %scan3A_6 step %scan3A_7  : i32 {
      %swap3A = arith.index_cast %scan3A_235 : i32 to index
      %swap3A_236 = arith.constant 0 : index
      %swap3A_237 = tpu.vector_load %arg14[%swap3A, %swap3A_236] {strides = array<i32>} : memref<128x64xf32, #tpu.memory_space<vmem>>, vector<1x16xf32>,
      %swap3A_238 = vector.shape_cast %swap3A_237 : vector<1x16xf32> to vector<16xf32>
      %swap3A_239 = vector.shape_cast %broadcast_in_dim3A_1 : vector<16xf32> to vector<1x16xf32>
      tpu.vector_store %arg14[%swap3A, %swap3A_236], %swap3A_239 {strides = array<i32>} : memref<128x64xf32, #tpu.memory_space<vmem>>, vector<1x16xf32>,
      %swap3A_240 = arith.index_cast %scan3A_235 : i32 to index
      %swap3A_241 = arith.constant 0 : index
      %swap3A_242 = tpu.vector_load %arg15[%swap3A_240, %swap3A_241] {strides = array<i32>} : memref<128x64xf32, #tpu.memory_space<vmem>>, vector<1x16xf32>,
      %swap3A_243 = vector.shape_cast %swap3A_242 : vector<1x16xf32> to vector<16xf32>
      %swap3A_244 = vector.shape_cast %broadcast_in_dim3A_1 : vector<16xf32> to vector<1x16xf32>
      tpu.vector_store %arg15[%swap3A_240, %swap3A_241], %swap3A_244 {strides = array<i32>} : memref<128x64xf32, #tpu.memory_space<vmem>>, vector<1x16xf32>,
      %swap3A_245 = arith.index_cast %scan3A_235 : i32 to index
      %swap3A_246 = arith.constant 16 : index
      %swap3A_247 = tpu.vector_load %arg14[%swap3A_245, %swap3A_246] {strides = array<i32>} : memref<128x64xf32, #tpu.memory_space<vmem>>, vector<1x16xf32>,
      %swap3A_248 = vector.shape_cast %swap3A_247 : vector<1x16xf32> to vector<16xf32>
      %swap3A_249 = vector.shape_cast %broadcast_in_dim3A_1 : vector<16xf32> to vector<1x16xf32>
      tpu.vector_store %arg14[%swap3A_245, %swap3A_246], %swap3A_249 {strides = array<i32>} : memref<128x64xf32, #tpu.memory_space<vmem>>, vector<1x16xf32>,
      %swap3A_250 = arith.index_cast %scan3A_235 : i32 to index
      %swap3A_251 = arith.constant 16 : index
      %swap3A_252 = tpu.vector_load %arg15[%swap3A_250, %swap3A_251] {strides = array<i32>} : memref<128x64xf32, #tpu.memory_space<vmem>>, vector<1x16xf32>,
      %swap3A_253 = vector.shape_cast %swap3A_252 : vector<1x16xf32> to vector<16xf32>
      %swap3A_254 = vector.shape_cast %broadcast_in_dim3A_1 : vector<16xf32> to vector<1x16xf32>
      tpu.vector_store %arg15[%swap3A_250, %swap3A_251], %swap3A_254 {strides = array<i32>} : memref<128x64xf32, #tpu.memory_space<vmem>>, vector<1x16xf32>,
      %swap3A_255 = arith.index_cast %scan3A_235 : i32 to index
      %swap3A_256 = arith.constant 32 : index
      %swap3A_257 = tpu.vector_load %arg14[%swap3A_255, %swap3A_256] {strides = array<i32>} : memref<128x64xf32, #tpu.memory_space<vmem>>, vector<1x16xf32>,
      %swap3A_258 = vector.shape_cast %swap3A_257 : vector<1x16xf32> to vector<16xf32>
      %swap3A_259 = vector.shape_cast %broadcast_in_dim3A_1 : vector<16xf32> to vector<1x16xf32>
      tpu.vector_store %arg14[%swap3A_255, %swap3A_256], %swap3A_259 {strides = array<i32>} : memref<128x64xf32, #tpu.memory_space<vmem>>, vector<1x16xf32>,
      %swap3A_260 = arith.index_cast %scan3A_235 : i32 to index
      %swap3A_261 = arith.constant 32 : index
      %swap3A_262 = tpu.vector_load %arg15[%swap3A_260, %swap3A_261] {strides = array<i32>} : memref<128x64xf32, #tpu.memory_space<vmem>>, vector<1x16xf32>,
      %swap3A_263 = vector.shape_cast %swap3A_262 : vector<1x16xf32> to vector<16xf32>
      %swap3A_264 = vector.shape_cast %broadcast_in_dim3A_1 : vector<16xf32> to vector<1x16xf32>
      tpu.vector_store %arg15[%swap3A_260, %swap3A_261], %swap3A_264 {strides = array<i32>} : memref<128x64xf32, #tpu.memory_space<vmem>>, vector<1x16xf32>,
      %swap3A_265 = arith.index_cast %scan3A_235 : i32 to index
      %swap3A_266 = arith.constant 48 : index
      %swap3A_267 = tpu.vector_load %arg14[%swap3A_265, %swap3A_266] {strides = array<i32>} : memref<128x64xf32, #tpu.memory_space<vmem>>, vector<1x16xf32>,
      %swap3A_268 = vector.shape_cast %swap3A_267 : vector<1x16xf32> to vector<16xf32>
      %swap3A_269 = vector.shape_cast %broadcast_in_dim3A_1 : vector<16xf32> to vector<1x16xf32>
      tpu.vector_store %arg14[%swap3A_265, %swap3A_266], %swap3A_269 {strides = array<i32>} : memref<128x64xf32, #tpu.memory_space<vmem>>, vector<1x16xf32>,
      %swap3A_270 = arith.index_cast %scan3A_235 : i32 to index
      %swap3A_271 = arith.constant 48 : index
      %swap3A_272 = tpu.vector_load %arg15[%swap3A_270, %swap3A_271] {strides = array<i32>} : memref<128x64xf32, #tpu.memory_space<vmem>>, vector<1x16xf32>,
      %swap3A_273 = vector.shape_cast %swap3A_272 : vector<1x16xf32> to vector<16xf32>
      %swap3A_274 = vector.shape_cast %broadcast_in_dim3A_1 : vector<16xf32> to vector<1x16xf32>
      tpu.vector_store %arg15[%swap3A_270, %swap3A_271], %swap3A_274 {strides = array<i32>} : memref<128x64xf32, #tpu.memory_space<vmem>>, vector<1x16xf32>,
    }
    %scan3A_8 = arith.constant 128 : i32
    %scan3A_9 = arith.constant 0 : i32
    %scan3A_10 = arith.constant 0 : i32
    %scan3A_11 = arith.constant 8 : i32
    %scan3A_12 = arith.addi %scan3A_10, %scan3A_11 : i32
    %scan3A_13 = arith.constant 1 : i32
    scf.for %scan3A_235 = %scan3A_10 to %scan3A_12 step %scan3A_13  : i32 {
      %broadcast_in_dim3A_236 = arith.constant 25000 : i32
      %broadcast_in_dim3A_237 = vector.broadcast %broadcast_in_dim3A_236 : i32 to vector<16xi32>
      %add3A_238 = arith.addi %broadcast_in_dim3A_237, %iota3A : vector<16xi32>
      %mul3A_239 = arith.constant 16 : i32
      %mul3A_240 = arith.muli %mul3A_239, %scan3A_235 : i32
      %swap3A = arith.constant 0 : i32
      %swap3A_241 = arith.index_cast %swap3A : i32 to index
      %swap3A_242 = arith.index_cast %mul3A_240 : i32 to index
      %swap3A_243 = tpu.vector_load %arg16[%swap3A_241, %swap3A_242] {strides = array<i32>} : memref<2x128xi32, #tpu.memory_space<vmem>>, vector<1x16xi32>,
      %swap3A_244 = vector.shape_cast %swap3A_243 : vector<1x16xi32> to vector<16xi32>
      %swap3A_245 = vector.shape_cast %add3A_238 : vector<16xi32> to vector<1x16xi32>
      tpu.vector_store %arg16[%swap3A_241, %swap3A_242], %swap3A_245 {strides = array<i32>} : memref<2x128xi32, #tpu.memory_space<vmem>>, vector<1x16xi32>,
    }
    %scan3A_14 = arith.constant 8 : i32
    %scan3A_15 = arith.constant 0 : i32
    %scan3A_16 = arith.constant 0 : i32
    %scan3A_17 = arith.constant 8 : i32
    %scan3A_18 = arith.addi %scan3A_16, %scan3A_17 : i32
    %scan3A_19 = arith.constant 1 : i32
    scf.for %scan3A_235 = %scan3A_16 to %scan3A_18 step %scan3A_19  : i32 {
      %broadcast_in_dim3A_236 = arith.constant 25000 : i32
      %broadcast_in_dim3A_237 = vector.broadcast %broadcast_in_dim3A_236 : i32 to vector<16xi32>
      %add3A_238 = arith.addi %broadcast_in_dim3A_237, %iota3A : vector<16xi32>
      %mul3A_239 = arith.constant 16 : i32
      %mul3A_240 = arith.muli %mul3A_239, %scan3A_235 : i32
      %swap3A = arith.constant 1 : i32
      %swap3A_241 = arith.index_cast %swap3A : i32 to index
      %swap3A_242 = arith.index_cast %mul3A_240 : i32 to index
      %swap3A_243 = tpu.vector_load %arg16[%swap3A_241, %swap3A_242] {strides = array<i32>} : memref<2x128xi32, #tpu.memory_space<vmem>>, vector<1x16xi32>,
      %swap3A_244 = vector.shape_cast %swap3A_243 : vector<1x16xi32> to vector<16xi32>
      %swap3A_245 = vector.shape_cast %add3A_238 : vector<16xi32> to vector<1x16xi32>
      tpu.vector_store %arg16[%swap3A_241, %swap3A_242], %swap3A_245 {strides = array<i32>} : memref<2x128xi32, #tpu.memory_space<vmem>>, vector<1x16xi32>,
    }
    %scan3A_20 = arith.constant 8 : i32
    %mul3A_21 = arith.constant 1568 : i32
    %mul3A_22 = arith.muli %arg1, %mul3A_21 : i32
    %add3A = arith.constant 0 : i32
    %add3A_23 = arith.addi %mul3A_22, %add3A : i32
    "tpu.region"() ({
      %run_scoped3A = tpu.sem_alloc : memref<!tpu.dma_semaphore, #tpu.memory_space<semaphore_mem>>
      %dma_start3A_235 = arith.constant 0 : i32
      %dma_start3A_236 = tpu.memref_slice %arg7[%add3A_23, %dma_start3A_235] : memref<25088x64xf32, #tpu.memory_space<vmem_shared>> -> memref<128x64xf32, #tpu.memory_space<vmem_shared>>
      %dma_start3A_237 = arith.constant 0 : i32
      %dma_start3A_238 = tpu.memref_slice %arg7[%add3A_23, %dma_start3A_237] : memref<25088x64xf32, #tpu.memory_space<vmem_shared>> -> memref<128x64xf32, #tpu.memory_space<vmem_shared>>
      tpu.enqueue_dma source(%arg14 : memref<128x64xf32, #tpu.memory_space<vmem>>) target(%dma_start3A_238 : memref<128x64xf32, #tpu.memory_space<vmem_shared>>) target_semaphore(%run_scoped3A : memref<!tpu.dma_semaphore, #tpu.memory_space<semaphore_mem>>)
      %dma_wait3A_239 = arith.constant 0 : i32
      %dma_wait3A_240 = tpu.memref_slice %arg7[%add3A_23, %dma_wait3A_239] : memref<25088x64xf32, #tpu.memory_space<vmem_shared>> -> memref<128x64xf32, #tpu.memory_space<vmem_shared>>
      %dma_wait3A_241 = arith.constant 0 : i32
      %dma_wait3A_242 = tpu.memref_slice %arg7[%add3A_23, %dma_wait3A_241] : memref<25088x64xf32, #tpu.memory_space<vmem_shared>> -> memref<128x64xf32, #tpu.memory_space<vmem_shared>>
      tpu.wait_dma2 semaphore(%run_scoped3A : memref<!tpu.dma_semaphore, #tpu.memory_space<semaphore_mem>>) src(%arg14 : memref<128x64xf32, #tpu.memory_space<vmem>>) dst(%dma_wait3A_242 : memref<128x64xf32, #tpu.memory_space<vmem_shared>>)
      tpu.yield
    }) : () -> ()
    %mul3A_24 = arith.constant 1568 : i32
    %mul3A_25 = arith.muli %arg1, %mul3A_24 : i32
    %add3A_26 = arith.constant 128 : i32
    %add3A_27 = arith.addi %mul3A_25, %add3A_26 : i32
    "tpu.region"() ({
      %run_scoped3A = tpu.sem_alloc : memref<!tpu.dma_semaphore, #tpu.memory_space<semaphore_mem>>
      %dma_start3A_235 = arith.constant 0 : i32
      %dma_start3A_236 = tpu.memref_slice %arg7[%add3A_27, %dma_start3A_235] : memref<25088x64xf32, #tpu.memory_space<vmem_shared>> -> memref<128x64xf32, #tpu.memory_space<vmem_shared>>
      %dma_start3A_237 = arith.constant 0 : i32
      %dma_start3A_238 = tpu.memref_slice %arg7[%add3A_27, %dma_start3A_237] : memref<25088x64xf32, #tpu.memory_space<vmem_shared>> -> memref<128x64xf32, #tpu.memory_space<vmem_shared>>
      tpu.enqueue_dma source(%arg14 : memref<128x64xf32, #tpu.memory_space<vmem>>) target(%dma_start3A_238 : memref<128x64xf32, #tpu.memory_space<vmem_shared>>) target_semaphore(%run_scoped3A : memref<!tpu.dma_semaphore, #tpu.memory_space<semaphore_mem>>)
      %dma_wait3A_239 = arith.constant 0 : i32
      %dma_wait3A_240 = tpu.memref_slice %arg7[%add3A_27, %dma_wait3A_239] : memref<25088x64xf32, #tpu.memory_space<vmem_shared>> -> memref<128x64xf32, #tpu.memory_space<vmem_shared>>
      %dma_wait3A_241 = arith.constant 0 : i32
      %dma_wait3A_242 = tpu.memref_slice %arg7[%add3A_27, %dma_wait3A_241] : memref<25088x64xf32, #tpu.memory_space<vmem_shared>> -> memref<128x64xf32, #tpu.memory_space<vmem_shared>>
      tpu.wait_dma2 semaphore(%run_scoped3A : memref<!tpu.dma_semaphore, #tpu.memory_space<semaphore_mem>>) src(%arg14 : memref<128x64xf32, #tpu.memory_space<vmem>>) dst(%dma_wait3A_242 : memref<128x64xf32, #tpu.memory_space<vmem_shared>>)
      tpu.yield
    }) : () -> ()
    %mul3A_28 = arith.constant 1568 : i32
    %mul3A_29 = arith.muli %arg1, %mul3A_28 : i32
    %add3A_30 = arith.constant 256 : i32
    %add3A_31 = arith.addi %mul3A_29, %add3A_30 : i32
    "tpu.region"() ({
      %run_scoped3A = tpu.sem_alloc : memref<!tpu.dma_semaphore, #tpu.memory_space<semaphore_mem>>
      %dma_start3A_235 = arith.constant 0 : i32
      %dma_start3A_236 = tpu.memref_slice %arg7[%add3A_31, %dma_start3A_235] : memref<25088x64xf32, #tpu.memory_space<vmem_shared>> -> memref<128x64xf32, #tpu.memory_space<vmem_shared>>
      %dma_start3A_237 = arith.constant 0 : i32
      %dma_start3A_238 = tpu.memref_slice %arg7[%add3A_31, %dma_start3A_237] : memref<25088x64xf32, #tpu.memory_space<vmem_shared>> -> memref<128x64xf32, #tpu.memory_space<vmem_shared>>
      tpu.enqueue_dma source(%arg14 : memref<128x64xf32, #tpu.memory_space<vmem>>) target(%dma_start3A_238 : memref<128x64xf32, #tpu.memory_space<vmem_shared>>) target_semaphore(%run_scoped3A : memref<!tpu.dma_semaphore, #tpu.memory_space<semaphore_mem>>)
      %dma_wait3A_239 = arith.constant 0 : i32
      %dma_wait3A_240 = tpu.memref_slice %arg7[%add3A_31, %dma_wait3A_239] : memref<25088x64xf32, #tpu.memory_space<vmem_shared>> -> memref<128x64xf32, #tpu.memory_space<vmem_shared>>
      %dma_wait3A_241 = arith.constant 0 : i32
      %dma_wait3A_242 = tpu.memref_slice %arg7[%add3A_31, %dma_wait3A_241] : memref<25088x64xf32, #tpu.memory_space<vmem_shared>> -> memref<128x64xf32, #tpu.memory_space<vmem_shared>>
      tpu.wait_dma2 semaphore(%run_scoped3A : memref<!tpu.dma_semaphore, #tpu.memory_space<semaphore_mem>>) src(%arg14 : memref<128x64xf32, #tpu.memory_space<vmem>>) dst(%dma_wait3A_242 : memref<128x64xf32, #tpu.memory_space<vmem_shared>>)
      tpu.yield
    }) : () -> ()
    %mul3A_32 = arith.constant 1568 : i32
    %mul3A_33 = arith.muli %arg1, %mul3A_32 : i32
    %add3A_34 = arith.constant 384 : i32
    %add3A_35 = arith.addi %mul3A_33, %add3A_34 : i32
    "tpu.region"() ({
      %run_scoped3A = tpu.sem_alloc : memref<!tpu.dma_semaphore, #tpu.memory_space<semaphore_mem>>
      %dma_start3A_235 = arith.constant 0 : i32
      %dma_start3A_236 = tpu.memref_slice %arg7[%add3A_35, %dma_start3A_235] : memref<25088x64xf32, #tpu.memory_space<vmem_shared>> -> memref<128x64xf32, #tpu.memory_space<vmem_shared>>
      %dma_start3A_237 = arith.constant 0 : i32
      %dma_start3A_238 = tpu.memref_slice %arg7[%add3A_35, %dma_start3A_237] : memref<25088x64xf32, #tpu.memory_space<vmem_shared>> -> memref<128x64xf32, #tpu.memory_space<vmem_shared>>
      tpu.enqueue_dma source(%arg14 : memref<128x64xf32, #tpu.memory_space<vmem>>) target(%dma_start3A_238 : memref<128x64xf32, #tpu.memory_space<vmem_shared>>) target_semaphore(%run_scoped3A : memref<!tpu.dma_semaphore, #tpu.memory_space<semaphore_mem>>)
      %dma_wait3A_239 = arith.constant 0 : i32
      %dma_wait3A_240 = tpu.memref_slice %arg7[%add3A_35, %dma_wait3A_239] : memref<25088x64xf32, #tpu.memory_space<vmem_shared>> -> memref<128x64xf32, #tpu.memory_space<vmem_shared>>
      %dma_wait3A_241 = arith.constant 0 : i32
      %dma_wait3A_242 = tpu.memref_slice %arg7[%add3A_35, %dma_wait3A_241] : memref<25088x64xf32, #tpu.memory_space<vmem_shared>> -> memref<128x64xf32, #tpu.memory_space<vmem_shared>>
      tpu.wait_dma2 semaphore(%run_scoped3A : memref<!tpu.dma_semaphore, #tpu.memory_space<semaphore_mem>>) src(%arg14 : memref<128x64xf32, #tpu.memory_space<vmem>>) dst(%dma_wait3A_242 : memref<128x64xf32, #tpu.memory_space<vmem_shared>>)
      tpu.yield
    }) : () -> ()
    %mul3A_36 = arith.constant 1568 : i32
    %mul3A_37 = arith.muli %arg1, %mul3A_36 : i32
    %add3A_38 = arith.constant 512 : i32
    %add3A_39 = arith.addi %mul3A_37, %add3A_38 : i32
    "tpu.region"() ({
      %run_scoped3A = tpu.sem_alloc : memref<!tpu.dma_semaphore, #tpu.memory_space<semaphore_mem>>
      %dma_start3A_235 = arith.constant 0 : i32
      %dma_start3A_236 = tpu.memref_slice %arg7[%add3A_39, %dma_start3A_235] : memref<25088x64xf32, #tpu.memory_space<vmem_shared>> -> memref<128x64xf32, #tpu.memory_space<vmem_shared>>
      %dma_start3A_237 = arith.constant 0 : i32
      %dma_start3A_238 = tpu.memref_slice %arg7[%add3A_39, %dma_start3A_237] : memref<25088x64xf32, #tpu.memory_space<vmem_shared>> -> memref<128x64xf32, #tpu.memory_space<vmem_shared>>
      tpu.enqueue_dma source(%arg14 : memref<128x64xf32, #tpu.memory_space<vmem>>) target(%dma_start3A_238 : memref<128x64xf32, #tpu.memory_space<vmem_shared>>) target_semaphore(%run_scoped3A : memref<!tpu.dma_semaphore, #tpu.memory_space<semaphore_mem>>)
      %dma_wait3A_239 = arith.constant 0 : i32
      %dma_wait3A_240 = tpu.memref_slice %arg7[%add3A_39, %dma_wait3A_239] : memref<25088x64xf32, #tpu.memory_space<vmem_shared>> -> memref<128x64xf32, #tpu.memory_space<vmem_shared>>
      %dma_wait3A_241 = arith.constant 0 : i32
      %dma_wait3A_242 = tpu.memref_slice %arg7[%add3A_39, %dma_wait3A_241] : memref<25088x64xf32, #tpu.memory_space<vmem_shared>> -> memref<128x64xf32, #tpu.memory_space<vmem_shared>>
      tpu.wait_dma2 semaphore(%run_scoped3A : memref<!tpu.dma_semaphore, #tpu.memory_space<semaphore_mem>>) src(%arg14 : memref<128x64xf32, #tpu.memory_space<vmem>>) dst(%dma_wait3A_242 : memref<128x64xf32, #tpu.memory_space<vmem_shared>>)
      tpu.yield
    }) : () -> ()
    %mul3A_40 = arith.constant 1568 : i32
    %mul3A_41 = arith.muli %arg1, %mul3A_40 : i32
    %add3A_42 = arith.constant 640 : i32
    %add3A_43 = arith.addi %mul3A_41, %add3A_42 : i32
    "tpu.region"() ({
      %run_scoped3A = tpu.sem_alloc : memref<!tpu.dma_semaphore, #tpu.memory_space<semaphore_mem>>
      %dma_start3A_235 = arith.constant 0 : i32
      %dma_start3A_236 = tpu.memref_slice %arg7[%add3A_43, %dma_start3A_235] : memref<25088x64xf32, #tpu.memory_space<vmem_shared>> -> memref<128x64xf32, #tpu.memory_space<vmem_shared>>
      %dma_start3A_237 = arith.constant 0 : i32
      %dma_start3A_238 = tpu.memref_slice %arg7[%add3A_43, %dma_start3A_237] : memref<25088x64xf32, #tpu.memory_space<vmem_shared>> -> memref<128x64xf32, #tpu.memory_space<vmem_shared>>
      tpu.enqueue_dma source(%arg14 : memref<128x64xf32, #tpu.memory_space<vmem>>) target(%dma_start3A_238 : memref<128x64xf32, #tpu.memory_space<vmem_shared>>) target_semaphore(%run_scoped3A : memref<!tpu.dma_semaphore, #tpu.memory_space<semaphore_mem>>)
      %dma_wait3A_239 = arith.constant 0 : i32
      %dma_wait3A_240 = tpu.memref_slice %arg7[%add3A_43, %dma_wait3A_239] : memref<25088x64xf32, #tpu.memory_space<vmem_shared>> -> memref<128x64xf32, #tpu.memory_space<vmem_shared>>
      %dma_wait3A_241 = arith.constant 0 : i32
      %dma_wait3A_242 = tpu.memref_slice %arg7[%add3A_43, %dma_wait3A_241] : memref<25088x64xf32, #tpu.memory_space<vmem_shared>> -> memref<128x64xf32, #tpu.memory_space<vmem_shared>>
      tpu.wait_dma2 semaphore(%run_scoped3A : memref<!tpu.dma_semaphore, #tpu.memory_space<semaphore_mem>>) src(%arg14 : memref<128x64xf32, #tpu.memory_space<vmem>>) dst(%dma_wait3A_242 : memref<128x64xf32, #tpu.memory_space<vmem_shared>>)
      tpu.yield
    }) : () -> ()
    %mul3A_44 = arith.constant 1568 : i32
    %mul3A_45 = arith.muli %arg1, %mul3A_44 : i32
    %add3A_46 = arith.constant 768 : i32
    %add3A_47 = arith.addi %mul3A_45, %add3A_46 : i32
    "tpu.region"() ({
      %run_scoped3A = tpu.sem_alloc : memref<!tpu.dma_semaphore, #tpu.memory_space<semaphore_mem>>
      %dma_start3A_235 = arith.constant 0 : i32
      %dma_start3A_236 = tpu.memref_slice %arg7[%add3A_47, %dma_start3A_235] : memref<25088x64xf32, #tpu.memory_space<vmem_shared>> -> memref<128x64xf32, #tpu.memory_space<vmem_shared>>
      %dma_start3A_237 = arith.constant 0 : i32
      %dma_start3A_238 = tpu.memref_slice %arg7[%add3A_47, %dma_start3A_237] : memref<25088x64xf32, #tpu.memory_space<vmem_shared>> -> memref<128x64xf32, #tpu.memory_space<vmem_shared>>
      tpu.enqueue_dma source(%arg14 : memref<128x64xf32, #tpu.memory_space<vmem>>) target(%dma_start3A_238 : memref<128x64xf32, #tpu.memory_space<vmem_shared>>) target_semaphore(%run_scoped3A : memref<!tpu.dma_semaphore, #tpu.memory_space<semaphore_mem>>)
      %dma_wait3A_239 = arith.constant 0 : i32
      %dma_wait3A_240 = tpu.memref_slice %arg7[%add3A_47, %dma_wait3A_239] : memref<25088x64xf32, #tpu.memory_space<vmem_shared>> -> memref<128x64xf32, #tpu.memory_space<vmem_shared>>
      %dma_wait3A_241 = arith.constant 0 : i32
      %dma_wait3A_242 = tpu.memref_slice %arg7[%add3A_47, %dma_wait3A_241] : memref<25088x64xf32, #tpu.memory_space<vmem_shared>> -> memref<128x64xf32, #tpu.memory_space<vmem_shared>>
      tpu.wait_dma2 semaphore(%run_scoped3A : memref<!tpu.dma_semaphore, #tpu.memory_space<semaphore_mem>>) src(%arg14 : memref<128x64xf32, #tpu.memory_space<vmem>>) dst(%dma_wait3A_242 : memref<128x64xf32, #tpu.memory_space<vmem_shared>>)
      tpu.yield
    }) : () -> ()
    %mul3A_48 = arith.constant 1568 : i32
    %mul3A_49 = arith.muli %arg1, %mul3A_48 : i32
    %add3A_50 = arith.constant 896 : i32
    %add3A_51 = arith.addi %mul3A_49, %add3A_50 : i32
    "tpu.region"() ({
      %run_scoped3A = tpu.sem_alloc : memref<!tpu.dma_semaphore, #tpu.memory_space<semaphore_mem>>
      %dma_start3A_235 = arith.constant 0 : i32
      %dma_start3A_236 = tpu.memref_slice %arg7[%add3A_51, %dma_start3A_235] : memref<25088x64xf32, #tpu.memory_space<vmem_shared>> -> memref<128x64xf32, #tpu.memory_space<vmem_shared>>
      %dma_start3A_237 = arith.constant 0 : i32
      %dma_start3A_238 = tpu.memref_slice %arg7[%add3A_51, %dma_start3A_237] : memref<25088x64xf32, #tpu.memory_space<vmem_shared>> -> memref<128x64xf32, #tpu.memory_space<vmem_shared>>
      tpu.enqueue_dma source(%arg14 : memref<128x64xf32, #tpu.memory_space<vmem>>) target(%dma_start3A_238 : memref<128x64xf32, #tpu.memory_space<vmem_shared>>) target_semaphore(%run_scoped3A : memref<!tpu.dma_semaphore, #tpu.memory_space<semaphore_mem>>)
      %dma_wait3A_239 = arith.constant 0 : i32
      %dma_wait3A_240 = tpu.memref_slice %arg7[%add3A_51, %dma_wait3A_239] : memref<25088x64xf32, #tpu.memory_space<vmem_shared>> -> memref<128x64xf32, #tpu.memory_space<vmem_shared>>
      %dma_wait3A_241 = arith.constant 0 : i32
      %dma_wait3A_242 = tpu.memref_slice %arg7[%add3A_51, %dma_wait3A_241] : memref<25088x64xf32, #tpu.memory_space<vmem_shared>> -> memref<128x64xf32, #tpu.memory_space<vmem_shared>>
      tpu.wait_dma2 semaphore(%run_scoped3A : memref<!tpu.dma_semaphore, #tpu.memory_space<semaphore_mem>>) src(%arg14 : memref<128x64xf32, #tpu.memory_space<vmem>>) dst(%dma_wait3A_242 : memref<128x64xf32, #tpu.memory_space<vmem_shared>>)
      tpu.yield
    }) : () -> ()
    %mul3A_52 = arith.constant 1568 : i32
    %mul3A_53 = arith.muli %arg1, %mul3A_52 : i32
    %add3A_54 = arith.constant 1024 : i32
    %add3A_55 = arith.addi %mul3A_53, %add3A_54 : i32
    "tpu.region"() ({
      %run_scoped3A = tpu.sem_alloc : memref<!tpu.dma_semaphore, #tpu.memory_space<semaphore_mem>>
      %dma_start3A_235 = arith.constant 0 : i32
      %dma_start3A_236 = tpu.memref_slice %arg7[%add3A_55, %dma_start3A_235] : memref<25088x64xf32, #tpu.memory_space<vmem_shared>> -> memref<128x64xf32, #tpu.memory_space<vmem_shared>>
      %dma_start3A_237 = arith.constant 0 : i32
      %dma_start3A_238 = tpu.memref_slice %arg7[%add3A_55, %dma_start3A_237] : memref<25088x64xf32, #tpu.memory_space<vmem_shared>> -> memref<128x64xf32, #tpu.memory_space<vmem_shared>>
      tpu.enqueue_dma source(%arg14 : memref<128x64xf32, #tpu.memory_space<vmem>>) target(%dma_start3A_238 : memref<128x64xf32, #tpu.memory_space<vmem_shared>>) target_semaphore(%run_scoped3A : memref<!tpu.dma_semaphore, #tpu.memory_space<semaphore_mem>>)
      %dma_wait3A_239 = arith.constant 0 : i32
      %dma_wait3A_240 = tpu.memref_slice %arg7[%add3A_55, %dma_wait3A_239] : memref<25088x64xf32, #tpu.memory_space<vmem_shared>> -> memref<128x64xf32, #tpu.memory_space<vmem_shared>>
      %dma_wait3A_241 = arith.constant 0 : i32
      %dma_wait3A_242 = tpu.memref_slice %arg7[%add3A_55, %dma_wait3A_241] : memref<25088x64xf32, #tpu.memory_space<vmem_shared>> -> memref<128x64xf32, #tpu.memory_space<vmem_shared>>
      tpu.wait_dma2 semaphore(%run_scoped3A : memref<!tpu.dma_semaphore, #tpu.memory_space<semaphore_mem>>) src(%arg14 : memref<128x64xf32, #tpu.memory_space<vmem>>) dst(%dma_wait3A_242 : memref<128x64xf32, #tpu.memory_space<vmem_shared>>)
      tpu.yield
    }) : () -> ()
    %mul3A_56 = arith.constant 1568 : i32
    %mul3A_57 = arith.muli %arg1, %mul3A_56 : i32
    %add3A_58 = arith.constant 1152 : i32
    %add3A_59 = arith.addi %mul3A_57, %add3A_58 : i32
    "tpu.region"() ({
      %run_scoped3A = tpu.sem_alloc : memref<!tpu.dma_semaphore, #tpu.memory_space<semaphore_mem>>
      %dma_start3A_235 = arith.constant 0 : i32
      %dma_start3A_236 = tpu.memref_slice %arg7[%add3A_59, %dma_start3A_235] : memref<25088x64xf32, #tpu.memory_space<vmem_shared>> -> memref<128x64xf32, #tpu.memory_space<vmem_shared>>
      %dma_start3A_237 = arith.constant 0 : i32
      %dma_start3A_238 = tpu.memref_slice %arg7[%add3A_59, %dma_start3A_237] : memref<25088x64xf32, #tpu.memory_space<vmem_shared>> -> memref<128x64xf32, #tpu.memory_space<vmem_shared>>
      tpu.enqueue_dma source(%arg14 : memref<128x64xf32, #tpu.memory_space<vmem>>) target(%dma_start3A_238 : memref<128x64xf32, #tpu.memory_space<vmem_shared>>) target_semaphore(%run_scoped3A : memref<!tpu.dma_semaphore, #tpu.memory_space<semaphore_mem>>)
      %dma_wait3A_239 = arith.constant 0 : i32
      %dma_wait3A_240 = tpu.memref_slice %arg7[%add3A_59, %dma_wait3A_239] : memref<25088x64xf32, #tpu.memory_space<vmem_shared>> -> memref<128x64xf32, #tpu.memory_space<vmem_shared>>
      %dma_wait3A_241 = arith.constant 0 : i32
      %dma_wait3A_242 = tpu.memref_slice %arg7[%add3A_59, %dma_wait3A_241] : memref<25088x64xf32, #tpu.memory_space<vmem_shared>> -> memref<128x64xf32, #tpu.memory_space<vmem_shared>>
      tpu.wait_dma2 semaphore(%run_scoped3A : memref<!tpu.dma_semaphore, #tpu.memory_space<semaphore_mem>>) src(%arg14 : memref<128x64xf32, #tpu.memory_space<vmem>>) dst(%dma_wait3A_242 : memref<128x64xf32, #tpu.memory_space<vmem_shared>>)
      tpu.yield
    }) : () -> ()
    %mul3A_60 = arith.constant 1568 : i32
    %mul3A_61 = arith.muli %arg1, %mul3A_60 : i32
    %add3A_62 = arith.constant 1280 : i32
    %add3A_63 = arith.addi %mul3A_61, %add3A_62 : i32
    "tpu.region"() ({
      %run_scoped3A = tpu.sem_alloc : memref<!tpu.dma_semaphore, #tpu.memory_space<semaphore_mem>>
      %dma_start3A_235 = arith.constant 0 : i32
      %dma_start3A_236 = tpu.memref_slice %arg7[%add3A_63, %dma_start3A_235] : memref<25088x64xf32, #tpu.memory_space<vmem_shared>> -> memref<128x64xf32, #tpu.memory_space<vmem_shared>>
      %dma_start3A_237 = arith.constant 0 : i32
      %dma_start3A_238 = tpu.memref_slice %arg7[%add3A_63, %dma_start3A_237] : memref<25088x64xf32, #tpu.memory_space<vmem_shared>> -> memref<128x64xf32, #tpu.memory_space<vmem_shared>>
      tpu.enqueue_dma source(%arg14 : memref<128x64xf32, #tpu.memory_space<vmem>>) target(%dma_start3A_238 : memref<128x64xf32, #tpu.memory_space<vmem_shared>>) target_semaphore(%run_scoped3A : memref<!tpu.dma_semaphore, #tpu.memory_space<semaphore_mem>>)
      %dma_wait3A_239 = arith.constant 0 : i32
      %dma_wait3A_240 = tpu.memref_slice %arg7[%add3A_63, %dma_wait3A_239] : memref<25088x64xf32, #tpu.memory_space<vmem_shared>> -> memref<128x64xf32, #tpu.memory_space<vmem_shared>>
      %dma_wait3A_241 = arith.constant 0 : i32
      %dma_wait3A_242 = tpu.memref_slice %arg7[%add3A_63, %dma_wait3A_241] : memref<25088x64xf32, #tpu.memory_space<vmem_shared>> -> memref<128x64xf32, #tpu.memory_space<vmem_shared>>
      tpu.wait_dma2 semaphore(%run_scoped3A : memref<!tpu.dma_semaphore, #tpu.memory_space<semaphore_mem>>) src(%arg14 : memref<128x64xf32, #tpu.memory_space<vmem>>) dst(%dma_wait3A_242 : memref<128x64xf32, #tpu.memory_space<vmem_shared>>)
      tpu.yield
    }) : () -> ()
    %mul3A_64 = arith.constant 1568 : i32
    %mul3A_65 = arith.muli %arg1, %mul3A_64 : i32
    %add3A_66 = arith.constant 1408 : i32
    %add3A_67 = arith.addi %mul3A_65, %add3A_66 : i32
    "tpu.region"() ({
      %run_scoped3A = tpu.sem_alloc : memref<!tpu.dma_semaphore, #tpu.memory_space<semaphore_mem>>
      %dma_start3A_235 = arith.constant 0 : i32
      %dma_start3A_236 = tpu.memref_slice %arg7[%add3A_67, %dma_start3A_235] : memref<25088x64xf32, #tpu.memory_space<vmem_shared>> -> memref<128x64xf32, #tpu.memory_space<vmem_shared>>
      %dma_start3A_237 = arith.constant 0 : i32
      %dma_start3A_238 = tpu.memref_slice %arg7[%add3A_67, %dma_start3A_237] : memref<25088x64xf32, #tpu.memory_space<vmem_shared>> -> memref<128x64xf32, #tpu.memory_space<vmem_shared>>
      tpu.enqueue_dma source(%arg14 : memref<128x64xf32, #tpu.memory_space<vmem>>) target(%dma_start3A_238 : memref<128x64xf32, #tpu.memory_space<vmem_shared>>) target_semaphore(%run_scoped3A : memref<!tpu.dma_semaphore, #tpu.memory_space<semaphore_mem>>)
      %dma_wait3A_239 = arith.constant 0 : i32
      %dma_wait3A_240 = tpu.memref_slice %arg7[%add3A_67, %dma_wait3A_239] : memref<25088x64xf32, #tpu.memory_space<vmem_shared>> -> memref<128x64xf32, #tpu.memory_space<vmem_shared>>
      %dma_wait3A_241 = arith.constant 0 : i32
      %dma_wait3A_242 = tpu.memref_slice %arg7[%add3A_67, %dma_wait3A_241] : memref<25088x64xf32, #tpu.memory_space<vmem_shared>> -> memref<128x64xf32, #tpu.memory_space<vmem_shared>>
      tpu.wait_dma2 semaphore(%run_scoped3A : memref<!tpu.dma_semaphore, #tpu.memory_space<semaphore_mem>>) src(%arg14 : memref<128x64xf32, #tpu.memory_space<vmem>>) dst(%dma_wait3A_242 : memref<128x64xf32, #tpu.memory_space<vmem_shared>>)
      tpu.yield
    }) : () -> ()
    %mul3A_68 = arith.constant 1568 : i32
    %mul3A_69 = arith.muli %arg1, %mul3A_68 : i32
    %add3A_70 = arith.constant 1536 : i32
    %add3A_71 = arith.addi %mul3A_69, %add3A_70 : i32
    "tpu.region"() ({
      %run_scoped3A = tpu.sem_alloc : memref<!tpu.dma_semaphore, #tpu.memory_space<semaphore_mem>>
      %dma_start3A_235 = arith.constant 0 : i32
      %dma_start3A_236 = arith.constant 0 : i32
      %dma_start3A_237 = tpu.memref_slice %arg14[%dma_start3A_235, %dma_start3A_236] : memref<128x64xf32, #tpu.memory_space<vmem>> -> memref<32x64xf32, #tpu.memory_space<vmem>>
      %dma_start3A_238 = arith.constant 0 : i32
      %dma_start3A_239 = tpu.memref_slice %arg7[%add3A_71, %dma_start3A_238] : memref<25088x64xf32, #tpu.memory_space<vmem_shared>> -> memref<32x64xf32, #tpu.memory_space<vmem_shared>>
      %dma_start3A_240 = arith.constant 0 : i32
      %dma_start3A_241 = tpu.memref_slice %arg7[%add3A_71, %dma_start3A_240] : memref<25088x64xf32, #tpu.memory_space<vmem_shared>> -> memref<32x64xf32, #tpu.memory_space<vmem_shared>>
      %dma_start3A_242 = arith.constant 0 : i32
      %dma_start3A_243 = arith.constant 0 : i32
      %dma_start3A_244 = tpu.memref_slice %arg14[%dma_start3A_242, %dma_start3A_243] : memref<128x64xf32, #tpu.memory_space<vmem>> -> memref<32x64xf32, #tpu.memory_space<vmem>>
      tpu.enqueue_dma source(%dma_start3A_244 : memref<32x64xf32, #tpu.memory_space<vmem>>) target(%dma_start3A_241 : memref<32x64xf32, #tpu.memory_space<vmem_shared>>) target_semaphore(%run_scoped3A : memref<!tpu.dma_semaphore, #tpu.memory_space<semaphore_mem>>)
      %dma_wait3A_245 = arith.constant 0 : i32
      %dma_wait3A_246 = arith.constant 0 : i32
      %dma_wait3A_247 = tpu.memref_slice %arg14[%dma_wait3A_245, %dma_wait3A_246] : memref<128x64xf32, #tpu.memory_space<vmem>> -> memref<32x64xf32, #tpu.memory_space<vmem>>
      %dma_wait3A_248 = arith.constant 0 : i32
      %dma_wait3A_249 = tpu.memref_slice %arg7[%add3A_71, %dma_wait3A_248] : memref<25088x64xf32, #tpu.memory_space<vmem_shared>> -> memref<32x64xf32, #tpu.memory_space<vmem_shared>>
      %dma_wait3A_250 = arith.constant 0 : i32
      %dma_wait3A_251 = tpu.memref_slice %arg7[%add3A_71, %dma_wait3A_250] : memref<25088x64xf32, #tpu.memory_space<vmem_shared>> -> memref<32x64xf32, #tpu.memory_space<vmem_shared>>
      %dma_wait3A_252 = arith.constant 0 : i32
      %dma_wait3A_253 = arith.constant 0 : i32
      %dma_wait3A_254 = tpu.memref_slice %arg14[%dma_wait3A_252, %dma_wait3A_253] : memref<128x64xf32, #tpu.memory_space<vmem>> -> memref<32x64xf32, #tpu.memory_space<vmem>>
      tpu.wait_dma2 semaphore(%run_scoped3A : memref<!tpu.dma_semaphore, #tpu.memory_space<semaphore_mem>>) src(%dma_wait3A_254 : memref<32x64xf32, #tpu.memory_space<vmem>>) dst(%dma_wait3A_251 : memref<32x64xf32, #tpu.memory_space<vmem_shared>>)
      tpu.yield
    }) : () -> ()
    %barrier3A = arith.constant 0 : index
    tpu.barrier barrier_id(%barrier3A)
    %add3A_72 = arith.constant 0 : i32
    %add3A_73 = arith.addi %mul3A_3, %add3A_72 : i32
    %jit3A = arith.constant 128 : i32
    %div3A = arith.divsi %add3A_73, %jit3A : i32
    %sign3A = arith.constant 0 : i32
    %sign3A_74 = arith.cmpi sgt, %add3A_73, %sign3A : i32
    %sign3A_75 = arith.extui %sign3A_74 : i1 to i32
    %sign3A_76 = arith.constant 0 : i32
    %sign3A_77 = arith.cmpi slt, %add3A_73, %sign3A_76 : i32
    %sign3A_78 = arith.extui %sign3A_77 : i1 to i32
    %sign3A_79 = arith.subi %sign3A_75, %sign3A_78 : i32
    %sign3A_80 = arith.constant 0 : i32
    %sign3A_81 = arith.cmpi sgt, %jit3A, %sign3A_80 : i32
    %sign3A_82 = arith.extui %sign3A_81 : i1 to i32
    %sign3A_83 = arith.constant 0 : i32
    %sign3A_84 = arith.cmpi slt, %jit3A, %sign3A_83 : i32
    %sign3A_85 = arith.extui %sign3A_84 : i1 to i32
    %sign3A_86 = arith.subi %sign3A_82, %sign3A_85 : i32
    %ne3A = arith.cmpi ne, %sign3A_79, %sign3A_86 : i32
    %rem3A = arith.remsi %add3A_73, %jit3A : i32
    %ne3A_87 = arith.constant 0 : i32
    %ne3A_88 = arith.cmpi ne, %rem3A, %ne3A_87 : i32
    %and3A = arith.andi %ne3A, %ne3A_88 : i1
    %sub3A = arith.constant 1 : i32
    %sub3A_89 = arith.subi %div3A, %sub3A : i32
    %select_n3A = arith.select %and3A, %sub3A_89, %div3A : i32
    %multiple_of3A = tpu.assume_multiple %select_n3A, 8 : i32
    %add3A_90 = arith.constant 0 : i32
    %add3A_91 = arith.addi %mul3A_3, %add3A_90 : i32
    %multiple_of3A_92 = tpu.assume_multiple %add3A_91, 1024 : i32
    %dma_start3A = arith.constant 0 : i32
    %dma_start3A_93 = tpu.memref_slice %arg3[%multiple_of3A, %dma_start3A] : memref<6416x128xi32, #tpu.memory_space<hbm>> -> memref<8x128xi32, #tpu.memory_space<hbm>>
    %dma_start3A_94 = arith.constant 0 : i32
    %dma_start3A_95 = tpu.memref_slice %arg3[%multiple_of3A, %dma_start3A_94] : memref<6416x128xi32, #tpu.memory_space<hbm>> -> memref<8x128xi32, #tpu.memory_space<hbm>>
    tpu.enqueue_dma source(%dma_start3A_95 : memref<8x128xi32, #tpu.memory_space<hbm>>) target(%arg8 : memref<8x128xi32, #tpu.memory_space<vmem>>) target_semaphore(%arg17 : memref<!tpu.dma_semaphore, #tpu.memory_space<semaphore_mem>>)
    %dma_start3A_96 = arith.constant 0 : i32
    %dma_start3A_97 = tpu.memref_slice %arg4[%multiple_of3A, %dma_start3A_96] : memref<6416x128xi32, #tpu.memory_space<hbm>> -> memref<8x128xi32, #tpu.memory_space<hbm>>
    %dma_start3A_98 = arith.constant 0 : i32
    %dma_start3A_99 = tpu.memref_slice %arg4[%multiple_of3A, %dma_start3A_98] : memref<6416x128xi32, #tpu.memory_space<hbm>> -> memref<8x128xi32, #tpu.memory_space<hbm>>
    tpu.enqueue_dma source(%dma_start3A_99 : memref<8x128xi32, #tpu.memory_space<hbm>>) target(%arg9 : memref<8x128xi32, #tpu.memory_space<vmem>>) target_semaphore(%arg17 : memref<!tpu.dma_semaphore, #tpu.memory_space<semaphore_mem>>)
    %dma_start3A_100 = tpu.memref_slice %arg5[%multiple_of3A_92] : memref<821248xf32, #tpu.memory_space<hbm>> -> memref<1024xf32, #tpu.memory_space<hbm>>
    %dma_start3A_101 = tpu.memref_slice %arg5[%multiple_of3A_92] : memref<821248xf32, #tpu.memory_space<hbm>> -> memref<1024xf32, #tpu.memory_space<hbm>>
    tpu.enqueue_dma source(%dma_start3A_101 : memref<1024xf32, #tpu.memory_space<hbm>>) target(%arg10 : memref<1024xf32, #tpu.memory_space<vmem>>) target_semaphore(%arg17 : memref<!tpu.dma_semaphore, #tpu.memory_space<semaphore_mem>>)
    %add3A_102 = arith.constant 1024 : i32
    %add3A_103 = arith.addi %mul3A_3, %add3A_102 : i32
    %jit3A_104 = arith.constant 128 : i32
    %div3A_105 = arith.divsi %add3A_103, %jit3A_104 : i32
    %sign3A_106 = arith.constant 0 : i32
    %sign3A_107 = arith.cmpi sgt, %add3A_103, %sign3A_106 : i32
    %sign3A_108 = arith.extui %sign3A_107 : i1 to i32
    %sign3A_109 = arith.constant 0 : i32
    %sign3A_110 = arith.cmpi slt, %add3A_103, %sign3A_109 : i32
    %sign3A_111 = arith.extui %sign3A_110 : i1 to i32
    %sign3A_112 = arith.subi %sign3A_108, %sign3A_111 : i32
    %sign3A_113 = arith.constant 0 : i32
    %sign3A_114 = arith.cmpi sgt, %jit3A_104, %sign3A_113 : i32
    %sign3A_115 = arith.extui %sign3A_114 : i1 to i32
    %sign3A_116 = arith.constant 0 : i32
    %sign3A_117 = arith.cmpi slt, %jit3A_104, %sign3A_116 : i32
    %sign3A_118 = arith.extui %sign3A_117 : i1 to i32
    %sign3A_119 = arith.subi %sign3A_115, %sign3A_118 : i32
    %ne3A_120 = arith.cmpi ne, %sign3A_112, %sign3A_119 : i32
    %rem3A_121 = arith.remsi %add3A_103, %jit3A_104 : i32
    %ne3A_122 = arith.constant 0 : i32
    %ne3A_123 = arith.cmpi ne, %rem3A_121, %ne3A_122 : i32
    %and3A_124 = arith.andi %ne3A_120, %ne3A_123 : i1
    %sub3A_125 = arith.constant 1 : i32
    %sub3A_126 = arith.subi %div3A_105, %sub3A_125 : i32
    %select_n3A_127 = arith.select %and3A_124, %sub3A_126, %div3A_105 : i32
    %multiple_of3A_128 = tpu.assume_multiple %select_n3A_127, 8 : i32
    %add3A_129 = arith.constant 1024 : i32
    %add3A_130 = arith.addi %mul3A_3, %add3A_129 : i32
    %multiple_of3A_131 = tpu.assume_multiple %add3A_130, 1024 : i32
    %dma_start3A_132 = arith.constant 0 : i32
    %dma_start3A_133 = tpu.memref_slice %arg3[%multiple_of3A_128, %dma_start3A_132] : memref<6416x128xi32, #tpu.memory_space<hbm>> -> memref<8x128xi32, #tpu.memory_space<hbm>>
    %dma_start3A_134 = arith.constant 0 : i32
    %dma_start3A_135 = tpu.memref_slice %arg3[%multiple_of3A_128, %dma_start3A_134] : memref<6416x128xi32, #tpu.memory_space<hbm>> -> memref<8x128xi32, #tpu.memory_space<hbm>>
    tpu.enqueue_dma source(%dma_start3A_135 : memref<8x128xi32, #tpu.memory_space<hbm>>) target(%arg11 : memref<8x128xi32, #tpu.memory_space<vmem>>) target_semaphore(%arg18 : memref<!tpu.dma_semaphore, #tpu.memory_space<semaphore_mem>>)
    %dma_start3A_136 = arith.constant 0 : i32
    %dma_start3A_137 = tpu.memref_slice %arg4[%multiple_of3A_128, %dma_start3A_136] : memref<6416x128xi32, #tpu.memory_space<hbm>> -> memref<8x128xi32, #tpu.memory_space<hbm>>
    %dma_start3A_138 = arith.constant 0 : i32
    %dma_start3A_139 = tpu.memref_slice %arg4[%multiple_of3A_128, %dma_start3A_138] : memref<6416x128xi32, #tpu.memory_space<hbm>> -> memref<8x128xi32, #tpu.memory_space<hbm>>
    tpu.enqueue_dma source(%dma_start3A_139 : memref<8x128xi32, #tpu.memory_space<hbm>>) target(%arg12 : memref<8x128xi32, #tpu.memory_space<vmem>>) target_semaphore(%arg18 : memref<!tpu.dma_semaphore, #tpu.memory_space<semaphore_mem>>)
    %dma_start3A_140 = tpu.memref_slice %arg5[%multiple_of3A_131] : memref<821248xf32, #tpu.memory_space<hbm>> -> memref<1024xf32, #tpu.memory_space<hbm>>
    %dma_start3A_141 = tpu.memref_slice %arg5[%multiple_of3A_131] : memref<821248xf32, #tpu.memory_space<hbm>> -> memref<1024xf32, #tpu.memory_space<hbm>>
    tpu.enqueue_dma source(%dma_start3A_141 : memref<1024xf32, #tpu.memory_space<hbm>>) target(%arg13 : memref<1024xf32, #tpu.memory_space<vmem>>) target_semaphore(%arg18 : memref<!tpu.dma_semaphore, #tpu.memory_space<semaphore_mem>>)
    %scan3A_142 = arith.constant 0 : i32
    %scan3A_143 = arith.constant 0 : i32
    %scan3A_144 = arith.constant 25 : i32
    %scan3A_145 = arith.addi %scan3A_143, %scan3A_144 : i32
    %scan3A_146 = arith.constant 1 : i32
    scf.for %scan3A_235 = %scan3A_143 to %scan3A_145 step %scan3A_146  : i32 {
      %mul3A_236 = arith.constant 2 : i32
      %mul3A_237 = arith.muli %mul3A_236, %scan3A_235 : i32
      %mul3A_238 = arith.constant 1024 : i32
      %mul3A_239 = arith.muli %mul3A_237, %mul3A_238 : i32
      %add3A_240 = arith.addi %mul3A_3, %mul3A_239 : i32
      %jit3A_241 = arith.constant 128 : i32
      %div3A_242 = arith.divsi %add3A_240, %jit3A_241 : i32
      %sign3A_243 = arith.constant 0 : i32
      %sign3A_244 = arith.cmpi sgt, %add3A_240, %sign3A_243 : i32
      %sign3A_245 = arith.extui %sign3A_244 : i1 to i32
      %sign3A_246 = arith.constant 0 : i32
      %sign3A_247 = arith.cmpi slt, %add3A_240, %sign3A_246 : i32
      %sign3A_248 = arith.extui %sign3A_247 : i1 to i32
      %sign3A_249 = arith.subi %sign3A_245, %sign3A_248 : i32
      %sign3A_250 = arith.constant 0 : i32
      %sign3A_251 = arith.cmpi sgt, %jit3A_241, %sign3A_250 : i32
      %sign3A_252 = arith.extui %sign3A_251 : i1 to i32
      %sign3A_253 = arith.constant 0 : i32
      %sign3A_254 = arith.cmpi slt, %jit3A_241, %sign3A_253 : i32
      %sign3A_255 = arith.extui %sign3A_254 : i1 to i32
      %sign3A_256 = arith.subi %sign3A_252, %sign3A_255 : i32
      %ne3A_257 = arith.cmpi ne, %sign3A_249, %sign3A_256 : i32
      %rem3A_258 = arith.remsi %add3A_240, %jit3A_241 : i32
      %ne3A_259 = arith.constant 0 : i32
      %ne3A_260 = arith.cmpi ne, %rem3A_258, %ne3A_259 : i32
      %and3A_261 = arith.andi %ne3A_257, %ne3A_260 : i1
      %sub3A_262 = arith.constant 1 : i32
      %sub3A_263 = arith.subi %div3A_242, %sub3A_262 : i32
      %select_n3A_264 = arith.select %and3A_261, %sub3A_263, %div3A_242 : i32
      %multiple_of3A_265 = tpu.assume_multiple %select_n3A_264, 8 : i32
      %mul3A_266 = arith.constant 1024 : i32
      %mul3A_267 = arith.muli %mul3A_237, %mul3A_266 : i32
      %add3A_268 = arith.addi %mul3A_3, %mul3A_267 : i32
      %multiple_of3A_269 = tpu.assume_multiple %add3A_268, 1024 : i32
      %dma_wait3A_270 = arith.constant 0 : i32
      %dma_wait3A_271 = tpu.memref_slice %arg3[%multiple_of3A_265, %dma_wait3A_270] : memref<6416x128xi32, #tpu.memory_space<hbm>> -> memref<8x128xi32, #tpu.memory_space<hbm>>
      %dma_wait3A_272 = arith.constant 0 : i32
      %dma_wait3A_273 = tpu.memref_slice %arg3[%multiple_of3A_265, %dma_wait3A_272] : memref<6416x128xi32, #tpu.memory_space<hbm>> -> memref<8x128xi32, #tpu.memory_space<hbm>>
      tpu.wait_dma2 semaphore(%arg17 : memref<!tpu.dma_semaphore, #tpu.memory_space<semaphore_mem>>) src(%dma_wait3A_273 : memref<8x128xi32, #tpu.memory_space<hbm>>) dst(%arg8 : memref<8x128xi32, #tpu.memory_space<vmem>>)
      %dma_wait3A_274 = arith.constant 0 : i32
      %dma_wait3A_275 = tpu.memref_slice %arg4[%multiple_of3A_265, %dma_wait3A_274] : memref<6416x128xi32, #tpu.memory_space<hbm>> -> memref<8x128xi32, #tpu.memory_space<hbm>>
      %dma_wait3A_276 = arith.constant 0 : i32
      %dma_wait3A_277 = tpu.memref_slice %arg4[%multiple_of3A_265, %dma_wait3A_276] : memref<6416x128xi32, #tpu.memory_space<hbm>> -> memref<8x128xi32, #tpu.memory_space<hbm>>
      tpu.wait_dma2 semaphore(%arg17 : memref<!tpu.dma_semaphore, #tpu.memory_space<semaphore_mem>>) src(%dma_wait3A_277 : memref<8x128xi32, #tpu.memory_space<hbm>>) dst(%arg9 : memref<8x128xi32, #tpu.memory_space<vmem>>)
      %dma_wait3A_278 = tpu.memref_slice %arg5[%multiple_of3A_269] : memref<821248xf32, #tpu.memory_space<hbm>> -> memref<1024xf32, #tpu.memory_space<hbm>>
      %dma_wait3A_279 = tpu.memref_slice %arg5[%multiple_of3A_269] : memref<821248xf32, #tpu.memory_space<hbm>> -> memref<1024xf32, #tpu.memory_space<hbm>>
      tpu.wait_dma2 semaphore(%arg17 : memref<!tpu.dma_semaphore, #tpu.memory_space<semaphore_mem>>) src(%dma_wait3A_279 : memref<1024xf32, #tpu.memory_space<hbm>>) dst(%arg10 : memref<1024xf32, #tpu.memory_space<vmem>>)
      %dma_start3A_280 = arith.constant 0 : i32
      %dma_start3A_281 = arith.constant 0 : i32
      %dma_start3A_282 = tpu.memref_slice %arg9[%dma_start3A_280, %dma_start3A_281] : memref<8x128xi32, #tpu.memory_space<vmem>> -> memref<1x128xi32, #tpu.memory_space<vmem>>
      %dma_start3A_283 = tpu.memref_squeeze %dma_start3A_282 : memref<1x128xi32, #tpu.memory_space<vmem>> -> memref<128xi32, #tpu.memory_space<vmem>>
      %dma_start3A_284 = arith.constant 0 : i32
      %dma_start3A_285 = arith.constant 0 : i32
      %dma_start3A_286 = tpu.memref_slice %arg2[%dma_start3A_284, %dma_start3A_285] : memref<50176x64xf32, #tpu.memory_space<hbm>> -> memref<50176x64xf32, #tpu.memory_space<hbm>>
      tpu.enqueue_indirect_dma source(%dma_start3A_286 : memref<50176x64xf32, #tpu.memory_space<hbm>>) target(%arg14 : memref<128x64xf32, #tpu.memory_space<vmem>>) offsets(%dma_start3A_283 : memref<128xi32, #tpu.memory_space<vmem>>) semaphore(%arg19 : memref<!tpu.dma_semaphore, #tpu.memory_space<semaphore_mem>>)
      %dma_start3A_287 = arith.constant 1 : i32
      %dma_start3A_288 = arith.constant 0 : i32
      %dma_start3A_289 = tpu.memref_slice %arg9[%dma_start3A_287, %dma_start3A_288] : memref<8x128xi32, #tpu.memory_space<vmem>> -> memref<1x128xi32, #tpu.memory_space<vmem>>
      %dma_start3A_290 = tpu.memref_squeeze %dma_start3A_289 : memref<1x128xi32, #tpu.memory_space<vmem>> -> memref<128xi32, #tpu.memory_space<vmem>>
      %dma_start3A_291 = arith.constant 0 : i32
      %dma_start3A_292 = arith.constant 0 : i32
      %dma_start3A_293 = tpu.memref_slice %arg2[%dma_start3A_291, %dma_start3A_292] : memref<50176x64xf32, #tpu.memory_space<hbm>> -> memref<50176x64xf32, #tpu.memory_space<hbm>>
      tpu.enqueue_indirect_dma source(%dma_start3A_293 : memref<50176x64xf32, #tpu.memory_space<hbm>>) target(%arg15 : memref<128x64xf32, #tpu.memory_space<vmem>>) offsets(%dma_start3A_290 : memref<128xi32, #tpu.memory_space<vmem>>) semaphore(%arg20 : memref<!tpu.dma_semaphore, #tpu.memory_space<semaphore_mem>>)
      %dma_wait3A_294 = arith.constant 0 : i32
      %dma_wait3A_295 = arith.constant 0 : i32
      %dma_wait3A_296 = tpu.memref_slice %arg9[%dma_wait3A_294, %dma_wait3A_295] : memref<8x128xi32, #tpu.memory_space<vmem>> -> memref<1x128xi32, #tpu.memory_space<vmem>>
      %dma_wait3A_297 = tpu.memref_squeeze %dma_wait3A_296 : memref<1x128xi32, #tpu.memory_space<vmem>> -> memref<128xi32, #tpu.memory_space<vmem>>
      %dma_wait3A_298 = arith.constant 0 : i32
      %dma_wait3A_299 = arith.constant 0 : i32
      %dma_wait3A_300 = tpu.memref_slice %arg2[%dma_wait3A_298, %dma_wait3A_299] : memref<50176x64xf32, #tpu.memory_space<hbm>> -> memref<50176x64xf32, #tpu.memory_space<hbm>>
      tpu.wait_indirect_dma semaphore(%arg19 : memref<!tpu.dma_semaphore, #tpu.memory_space<semaphore_mem>>) src(%dma_wait3A_300 : memref<50176x64xf32, #tpu.memory_space<hbm>>) dst(%arg14 : memref<128x64xf32, #tpu.memory_space<vmem>>)
      %dma_start3A_301 = arith.constant 0 : i32
      %dma_start3A_302 = arith.constant 0 : i32
      %dma_start3A_303 = tpu.memref_slice %arg16[%dma_start3A_301, %dma_start3A_302] : memref<2x128xi32, #tpu.memory_space<vmem>> -> memref<1x128xi32, #tpu.memory_space<vmem>>
      %dma_start3A_304 = tpu.memref_squeeze %dma_start3A_303 : memref<1x128xi32, #tpu.memory_space<vmem>> -> memref<128xi32, #tpu.memory_space<vmem>>
      %dma_start3A_305 = arith.constant 0 : i32
      %dma_start3A_306 = arith.constant 0 : i32
      %dma_start3A_307 = tpu.memref_slice %arg7[%dma_start3A_305, %dma_start3A_306] : memref<25088x64xf32, #tpu.memory_space<vmem_shared>> -> memref<25088x64xf32, #tpu.memory_space<vmem_shared>>
      tpu.enqueue_indirect_dma source(%arg14 : memref<128x64xf32, #tpu.memory_space<vmem>>) target(%dma_start3A_307 : memref<25088x64xf32, #tpu.memory_space<vmem_shared>>) offsets(%dma_start3A_304 : memref<128xi32, #tpu.memory_space<vmem>>) semaphore(%arg21 : memref<!tpu.dma_semaphore, #tpu.memory_space<semaphore_mem>>) {add = true}
      %dma_wait3A_308 = arith.constant 0 : i32
      %dma_wait3A_309 = arith.constant 0 : i32
      %dma_wait3A_310 = tpu.memref_slice %arg16[%dma_wait3A_308, %dma_wait3A_309] : memref<2x128xi32, #tpu.memory_space<vmem>> -> memref<1x128xi32, #tpu.memory_space<vmem>>
      %dma_wait3A_311 = tpu.memref_squeeze %dma_wait3A_310 : memref<1x128xi32, #tpu.memory_space<vmem>> -> memref<128xi32, #tpu.memory_space<vmem>>
      %dma_wait3A_312 = arith.constant 0 : i32
      %dma_wait3A_313 = arith.constant 0 : i32
      %dma_wait3A_314 = tpu.memref_slice %arg7[%dma_wait3A_312, %dma_wait3A_313] : memref<25088x64xf32, #tpu.memory_space<vmem_shared>> -> memref<25088x64xf32, #tpu.memory_space<vmem_shared>>
      tpu.wait_indirect_dma semaphore(%arg21 : memref<!tpu.dma_semaphore, #tpu.memory_space<semaphore_mem>>) src(%arg14 : memref<128x64xf32, #tpu.memory_space<vmem>>) dst(%dma_wait3A_314 : memref<25088x64xf32, #tpu.memory_space<vmem_shared>>)
      %dma_start3A_315 = arith.constant 2 : i32
      %dma_start3A_316 = arith.constant 0 : i32
      %dma_start3A_317 = tpu.memref_slice %arg9[%dma_start3A_315, %dma_start3A_316] : memref<8x128xi32, #tpu.memory_space<vmem>> -> memref<1x128xi32, #tpu.memory_space<vmem>>
      %dma_start3A_318 = tpu.memref_squeeze %dma_start3A_317 : memref<1x128xi32, #tpu.memory_space<vmem>> -> memref<128xi32, #tpu.memory_space<vmem>>
      %dma_start3A_319 = arith.constant 0 : i32
      %dma_start3A_320 = arith.constant 0 : i32
      %dma_start3A_321 = tpu.memref_slice %arg2[%dma_start3A_319, %dma_start3A_320] : memref<50176x64xf32, #tpu.memory_space<hbm>> -> memref<50176x64xf32, #tpu.memory_space<hbm>>
      tpu.enqueue_indirect_dma source(%dma_start3A_321 : memref<50176x64xf32, #tpu.memory_space<hbm>>) target(%arg14 : memref<128x64xf32, #tpu.memory_space<vmem>>) offsets(%dma_start3A_318 : memref<128xi32, #tpu.memory_space<vmem>>) semaphore(%arg19 : memref<!tpu.dma_semaphore, #tpu.memory_space<semaphore_mem>>)
      %dma_wait3A_322 = arith.constant 1 : i32
      %dma_wait3A_323 = arith.constant 0 : i32
      %dma_wait3A_324 = tpu.memref_slice %arg9[%dma_wait3A_322, %dma_wait3A_323] : memref<8x128xi32, #tpu.memory_space<vmem>> -> memref<1x128xi32, #tpu.memory_space<vmem>>
      %dma_wait3A_325 = tpu.memref_squeeze %dma_wait3A_324 : memref<1x128xi32, #tpu.memory_space<vmem>> -> memref<128xi32, #tpu.memory_space<vmem>>
      %dma_wait3A_326 = arith.constant 0 : i32
      %dma_wait3A_327 = arith.constant 0 : i32
      %dma_wait3A_328 = tpu.memref_slice %arg2[%dma_wait3A_326, %dma_wait3A_327] : memref<50176x64xf32, #tpu.memory_space<hbm>> -> memref<50176x64xf32, #tpu.memory_space<hbm>>
      tpu.wait_indirect_dma semaphore(%arg20 : memref<!tpu.dma_semaphore, #tpu.memory_space<semaphore_mem>>) src(%dma_wait3A_328 : memref<50176x64xf32, #tpu.memory_space<hbm>>) dst(%arg15 : memref<128x64xf32, #tpu.memory_space<vmem>>)
      %dma_start3A_329 = arith.constant 1 : i32
      %dma_start3A_330 = arith.constant 0 : i32
      %dma_start3A_331 = tpu.memref_slice %arg16[%dma_start3A_329, %dma_start3A_330] : memref<2x128xi32, #tpu.memory_space<vmem>> -> memref<1x128xi32, #tpu.memory_space<vmem>>
      %dma_start3A_332 = tpu.memref_squeeze %dma_start3A_331 : memref<1x128xi32, #tpu.memory_space<vmem>> -> memref<128xi32, #tpu.memory_space<vmem>>
      %dma_start3A_333 = arith.constant 0 : i32
      %dma_start3A_334 = arith.constant 0 : i32
      %dma_start3A_335 = tpu.memref_slice %arg7[%dma_start3A_333, %dma_start3A_334] : memref<25088x64xf32, #tpu.memory_space<vmem_shared>> -> memref<25088x64xf32, #tpu.memory_space<vmem_shared>>
      tpu.enqueue_indirect_dma source(%arg15 : memref<128x64xf32, #tpu.memory_space<vmem>>) target(%dma_start3A_335 : memref<25088x64xf32, #tpu.memory_space<vmem_shared>>) offsets(%dma_start3A_332 : memref<128xi32, #tpu.memory_space<vmem>>) semaphore(%arg22 : memref<!tpu.dma_semaphore, #tpu.memory_space<semaphore_mem>>) {add = true}
      %dma_wait3A_336 = arith.constant 1 : i32
      %dma_wait3A_337 = arith.constant 0 : i32
      %dma_wait3A_338 = tpu.memref_slice %arg16[%dma_wait3A_336, %dma_wait3A_337] : memref<2x128xi32, #tpu.memory_space<vmem>> -> memref<1x128xi32, #tpu.memory_space<vmem>>
      %dma_wait3A_339 = tpu.memref_squeeze %dma_wait3A_338 : memref<1x128xi32, #tpu.memory_space<vmem>> -> memref<128xi32, #tpu.memory_space<vmem>>
      %dma_wait3A_340 = arith.constant 0 : i32
      %dma_wait3A_341 = arith.constant 0 : i32
      %dma_wait3A_342 = tpu.memref_slice %arg7[%dma_wait3A_340, %dma_wait3A_341] : memref<25088x64xf32, #tpu.memory_space<vmem_shared>> -> memref<25088x64xf32, #tpu.memory_space<vmem_shared>>
      tpu.wait_indirect_dma semaphore(%arg22 : memref<!tpu.dma_semaphore, #tpu.memory_space<semaphore_mem>>) src(%arg15 : memref<128x64xf32, #tpu.memory_space<vmem>>) dst(%dma_wait3A_342 : memref<25088x64xf32, #tpu.memory_space<vmem_shared>>)
      %dma_start3A_343 = arith.constant 3 : i32
      %dma_start3A_344 = arith.constant 0 : i32
      %dma_start3A_345 = tpu.memref_slice %arg9[%dma_start3A_343, %dma_start3A_344] : memref<8x128xi32, #tpu.memory_space<vmem>> -> memref<1x128xi32, #tpu.memory_space<vmem>>
      %dma_start3A_346 = tpu.memref_squeeze %dma_start3A_345 : memref<1x128xi32, #tpu.memory_space<vmem>> -> memref<128xi32, #tpu.memory_space<vmem>>
      %dma_start3A_347 = arith.constant 0 : i32
      %dma_start3A_348 = arith.constant 0 : i32
      %dma_start3A_349 = tpu.memref_slice %arg2[%dma_start3A_347, %dma_start3A_348] : memref<50176x64xf32, #tpu.memory_space<hbm>> -> memref<50176x64xf32, #tpu.memory_space<hbm>>
      tpu.enqueue_indirect_dma source(%dma_start3A_349 : memref<50176x64xf32, #tpu.memory_space<hbm>>) target(%arg15 : memref<128x64xf32, #tpu.memory_space<vmem>>) offsets(%dma_start3A_346 : memref<128xi32, #tpu.memory_space<vmem>>) semaphore(%arg20 : memref<!tpu.dma_semaphore, #tpu.memory_space<semaphore_mem>>)
      %dma_wait3A_350 = arith.constant 2 : i32
      %dma_wait3A_351 = arith.constant 0 : i32
      %dma_wait3A_352 = tpu.memref_slice %arg9[%dma_wait3A_350, %dma_wait3A_351] : memref<8x128xi32, #tpu.memory_space<vmem>> -> memref<1x128xi32, #tpu.memory_space<vmem>>
      %dma_wait3A_353 = tpu.memref_squeeze %dma_wait3A_352 : memref<1x128xi32, #tpu.memory_space<vmem>> -> memref<128xi32, #tpu.memory_space<vmem>>
      %dma_wait3A_354 = arith.constant 0 : i32
      %dma_wait3A_355 = arith.constant 0 : i32
      %dma_wait3A_356 = tpu.memref_slice %arg2[%dma_wait3A_354, %dma_wait3A_355] : memref<50176x64xf32, #tpu.memory_space<hbm>> -> memref<50176x64xf32, #tpu.memory_space<hbm>>
      tpu.wait_indirect_dma semaphore(%arg19 : memref<!tpu.dma_semaphore, #tpu.memory_space<semaphore_mem>>) src(%dma_wait3A_356 : memref<50176x64xf32, #tpu.memory_space<hbm>>) dst(%arg14 : memref<128x64xf32, #tpu.memory_space<vmem>>)
      %dma_start3A_357 = arith.constant 0 : i32
      %dma_start3A_358 = arith.constant 0 : i32
      %dma_start3A_359 = tpu.memref_slice %arg16[%dma_start3A_357, %dma_start3A_358] : memref<2x128xi32, #tpu.memory_space<vmem>> -> memref<1x128xi32, #tpu.memory_space<vmem>>
      %dma_start3A_360 = tpu.memref_squeeze %dma_start3A_359 : memref<1x128xi32, #tpu.memory_space<vmem>> -> memref<128xi32, #tpu.memory_space<vmem>>
      %dma_start3A_361 = arith.constant 0 : i32
      %dma_start3A_362 = arith.constant 0 : i32
      %dma_start3A_363 = tpu.memref_slice %arg7[%dma_start3A_361, %dma_start3A_362] : memref<25088x64xf32, #tpu.memory_space<vmem_shared>> -> memref<25088x64xf32, #tpu.memory_space<vmem_shared>>
      tpu.enqueue_indirect_dma source(%arg14 : memref<128x64xf32, #tpu.memory_space<vmem>>) target(%dma_start3A_363 : memref<25088x64xf32, #tpu.memory_space<vmem_shared>>) offsets(%dma_start3A_360 : memref<128xi32, #tpu.memory_space<vmem>>) semaphore(%arg21 : memref<!tpu.dma_semaphore, #tpu.memory_space<semaphore_mem>>) {add = true}
      %dma_wait3A_364 = arith.constant 0 : i32
      %dma_wait3A_365 = arith.constant 0 : i32
      %dma_wait3A_366 = tpu.memref_slice %arg16[%dma_wait3A_364, %dma_wait3A_365] : memref<2x128xi32, #tpu.memory_space<vmem>> -> memref<1x128xi32, #tpu.memory_space<vmem>>
      %dma_wait3A_367 = tpu.memref_squeeze %dma_wait3A_366 : memref<1x128xi32, #tpu.memory_space<vmem>> -> memref<128xi32, #tpu.memory_space<vmem>>
      %dma_wait3A_368 = arith.constant 0 : i32
      %dma_wait3A_369 = arith.constant 0 : i32
      %dma_wait3A_370 = tpu.memref_slice %arg7[%dma_wait3A_368, %dma_wait3A_369] : memref<25088x64xf32, #tpu.memory_space<vmem_shared>> -> memref<25088x64xf32, #tpu.memory_space<vmem_shared>>
      tpu.wait_indirect_dma semaphore(%arg21 : memref<!tpu.dma_semaphore, #tpu.memory_space<semaphore_mem>>) src(%arg14 : memref<128x64xf32, #tpu.memory_space<vmem>>) dst(%dma_wait3A_370 : memref<25088x64xf32, #tpu.memory_space<vmem_shared>>)
      %dma_start3A_371 = arith.constant 4 : i32
      %dma_start3A_372 = arith.constant 0 : i32
      %dma_start3A_373 = tpu.memref_slice %arg9[%dma_start3A_371, %dma_start3A_372] : memref<8x128xi32, #tpu.memory_space<vmem>> -> memref<1x128xi32, #tpu.memory_space<vmem>>
      %dma_start3A_374 = tpu.memref_squeeze %dma_start3A_373 : memref<1x128xi32, #tpu.memory_space<vmem>> -> memref<128xi32, #tpu.memory_space<vmem>>
      %dma_start3A_375 = arith.constant 0 : i32
      %dma_start3A_376 = arith.constant 0 : i32
      %dma_start3A_377 = tpu.memref_slice %arg2[%dma_start3A_375, %dma_start3A_376] : memref<50176x64xf32, #tpu.memory_space<hbm>> -> memref<50176x64xf32, #tpu.memory_space<hbm>>
      tpu.enqueue_indirect_dma source(%dma_start3A_377 : memref<50176x64xf32, #tpu.memory_space<hbm>>) target(%arg14 : memref<128x64xf32, #tpu.memory_space<vmem>>) offsets(%dma_start3A_374 : memref<128xi32, #tpu.memory_space<vmem>>) semaphore(%arg19 : memref<!tpu.dma_semaphore, #tpu.memory_space<semaphore_mem>>)
      %dma_wait3A_378 = arith.constant 3 : i32
      %dma_wait3A_379 = arith.constant 0 : i32
      %dma_wait3A_380 = tpu.memref_slice %arg9[%dma_wait3A_378, %dma_wait3A_379] : memref<8x128xi32, #tpu.memory_space<vmem>> -> memref<1x128xi32, #tpu.memory_space<vmem>>
      %dma_wait3A_381 = tpu.memref_squeeze %dma_wait3A_380 : memref<1x128xi32, #tpu.memory_space<vmem>> -> memref<128xi32, #tpu.memory_space<vmem>>
      %dma_wait3A_382 = arith.constant 0 : i32
      %dma_wait3A_383 = arith.constant 0 : i32
      %dma_wait3A_384 = tpu.memref_slice %arg2[%dma_wait3A_382, %dma_wait3A_383] : memref<50176x64xf32, #tpu.memory_space<hbm>> -> memref<50176x64xf32, #tpu.memory_space<hbm>>
      tpu.wait_indirect_dma semaphore(%arg20 : memref<!tpu.dma_semaphore, #tpu.memory_space<semaphore_mem>>) src(%dma_wait3A_384 : memref<50176x64xf32, #tpu.memory_space<hbm>>) dst(%arg15 : memref<128x64xf32, #tpu.memory_space<vmem>>)
      %dma_start3A_385 = arith.constant 1 : i32
      %dma_start3A_386 = arith.constant 0 : i32
      %dma_start3A_387 = tpu.memref_slice %arg16[%dma_start3A_385, %dma_start3A_386] : memref<2x128xi32, #tpu.memory_space<vmem>> -> memref<1x128xi32, #tpu.memory_space<vmem>>
      %dma_start3A_388 = tpu.memref_squeeze %dma_start3A_387 : memref<1x128xi32, #tpu.memory_space<vmem>> -> memref<128xi32, #tpu.memory_space<vmem>>
      %dma_start3A_389 = arith.constant 0 : i32
      %dma_start3A_390 = arith.constant 0 : i32
      %dma_start3A_391 = tpu.memref_slice %arg7[%dma_start3A_389, %dma_start3A_390] : memref<25088x64xf32, #tpu.memory_space<vmem_shared>> -> memref<25088x64xf32, #tpu.memory_space<vmem_shared>>
      tpu.enqueue_indirect_dma source(%arg15 : memref<128x64xf32, #tpu.memory_space<vmem>>) target(%dma_start3A_391 : memref<25088x64xf32, #tpu.memory_space<vmem_shared>>) offsets(%dma_start3A_388 : memref<128xi32, #tpu.memory_space<vmem>>) semaphore(%arg22 : memref<!tpu.dma_semaphore, #tpu.memory_space<semaphore_mem>>) {add = true}
      %dma_wait3A_392 = arith.constant 1 : i32
      %dma_wait3A_393 = arith.constant 0 : i32
      %dma_wait3A_394 = tpu.memref_slice %arg16[%dma_wait3A_392, %dma_wait3A_393] : memref<2x128xi32, #tpu.memory_space<vmem>> -> memref<1x128xi32, #tpu.memory_space<vmem>>
      %dma_wait3A_395 = tpu.memref_squeeze %dma_wait3A_394 : memref<1x128xi32, #tpu.memory_space<vmem>> -> memref<128xi32, #tpu.memory_space<vmem>>
      %dma_wait3A_396 = arith.constant 0 : i32
      %dma_wait3A_397 = arith.constant 0 : i32
      %dma_wait3A_398 = tpu.memref_slice %arg7[%dma_wait3A_396, %dma_wait3A_397] : memref<25088x64xf32, #tpu.memory_space<vmem_shared>> -> memref<25088x64xf32, #tpu.memory_space<vmem_shared>>
      tpu.wait_indirect_dma semaphore(%arg22 : memref<!tpu.dma_semaphore, #tpu.memory_space<semaphore_mem>>) src(%arg15 : memref<128x64xf32, #tpu.memory_space<vmem>>) dst(%dma_wait3A_398 : memref<25088x64xf32, #tpu.memory_space<vmem_shared>>)
      %dma_start3A_399 = arith.constant 5 : i32
      %dma_start3A_400 = arith.constant 0 : i32
      %dma_start3A_401 = tpu.memref_slice %arg9[%dma_start3A_399, %dma_start3A_400] : memref<8x128xi32, #tpu.memory_space<vmem>> -> memref<1x128xi32, #tpu.memory_space<vmem>>
      %dma_start3A_402 = tpu.memref_squeeze %dma_start3A_401 : memref<1x128xi32, #tpu.memory_space<vmem>> -> memref<128xi32, #tpu.memory_space<vmem>>
      %dma_start3A_403 = arith.constant 0 : i32
      %dma_start3A_404 = arith.constant 0 : i32
      %dma_start3A_405 = tpu.memref_slice %arg2[%dma_start3A_403, %dma_start3A_404] : memref<50176x64xf32, #tpu.memory_space<hbm>> -> memref<50176x64xf32, #tpu.memory_space<hbm>>
      tpu.enqueue_indirect_dma source(%dma_start3A_405 : memref<50176x64xf32, #tpu.memory_space<hbm>>) target(%arg15 : memref<128x64xf32, #tpu.memory_space<vmem>>) offsets(%dma_start3A_402 : memref<128xi32, #tpu.memory_space<vmem>>) semaphore(%arg20 : memref<!tpu.dma_semaphore, #tpu.memory_space<semaphore_mem>>)
      %dma_wait3A_406 = arith.constant 4 : i32
      %dma_wait3A_407 = arith.constant 0 : i32
      %dma_wait3A_408 = tpu.memref_slice %arg9[%dma_wait3A_406, %dma_wait3A_407] : memref<8x128xi32, #tpu.memory_space<vmem>> -> memref<1x128xi32, #tpu.memory_space<vmem>>
      %dma_wait3A_409 = tpu.memref_squeeze %dma_wait3A_408 : memref<1x128xi32, #tpu.memory_space<vmem>> -> memref<128xi32, #tpu.memory_space<vmem>>
      %dma_wait3A_410 = arith.constant 0 : i32
      %dma_wait3A_411 = arith.constant 0 : i32
      %dma_wait3A_412 = tpu.memref_slice %arg2[%dma_wait3A_410, %dma_wait3A_411] : memref<50176x64xf32, #tpu.memory_space<hbm>> -> memref<50176x64xf32, #tpu.memory_space<hbm>>
      tpu.wait_indirect_dma semaphore(%arg19 : memref<!tpu.dma_semaphore, #tpu.memory_space<semaphore_mem>>) src(%dma_wait3A_412 : memref<50176x64xf32, #tpu.memory_space<hbm>>) dst(%arg14 : memref<128x64xf32, #tpu.memory_space<vmem>>)
      %dma_start3A_413 = arith.constant 0 : i32
      %dma_start3A_414 = arith.constant 0 : i32
      %dma_start3A_415 = tpu.memref_slice %arg16[%dma_start3A_413, %dma_start3A_414] : memref<2x128xi32, #tpu.memory_space<vmem>> -> memref<1x128xi32, #tpu.memory_space<vmem>>
      %dma_start3A_416 = tpu.memref_squeeze %dma_start3A_415 : memref<1x128xi32, #tpu.memory_space<vmem>> -> memref<128xi32, #tpu.memory_space<vmem>>
      %dma_start3A_417 = arith.constant 0 : i32
      %dma_start3A_418 = arith.constant 0 : i32
      %dma_start3A_419 = tpu.memref_slice %arg7[%dma_start3A_417, %dma_start3A_418] : memref<25088x64xf32, #tpu.memory_space<vmem_shared>> -> memref<25088x64xf32, #tpu.memory_space<vmem_shared>>
      tpu.enqueue_indirect_dma source(%arg14 : memref<128x64xf32, #tpu.memory_space<vmem>>) target(%dma_start3A_419 : memref<25088x64xf32, #tpu.memory_space<vmem_shared>>) offsets(%dma_start3A_416 : memref<128xi32, #tpu.memory_space<vmem>>) semaphore(%arg21 : memref<!tpu.dma_semaphore, #tpu.memory_space<semaphore_mem>>) {add = true}
      %dma_wait3A_420 = arith.constant 0 : i32
      %dma_wait3A_421 = arith.constant 0 : i32
      %dma_wait3A_422 = tpu.memref_slice %arg16[%dma_wait3A_420, %dma_wait3A_421] : memref<2x128xi32, #tpu.memory_space<vmem>> -> memref<1x128xi32, #tpu.memory_space<vmem>>
      %dma_wait3A_423 = tpu.memref_squeeze %dma_wait3A_422 : memref<1x128xi32, #tpu.memory_space<vmem>> -> memref<128xi32, #tpu.memory_space<vmem>>
      %dma_wait3A_424 = arith.constant 0 : i32
      %dma_wait3A_425 = arith.constant 0 : i32
      %dma_wait3A_426 = tpu.memref_slice %arg7[%dma_wait3A_424, %dma_wait3A_425] : memref<25088x64xf32, #tpu.memory_space<vmem_shared>> -> memref<25088x64xf32, #tpu.memory_space<vmem_shared>>
      tpu.wait_indirect_dma semaphore(%arg21 : memref<!tpu.dma_semaphore, #tpu.memory_space<semaphore_mem>>) src(%arg14 : memref<128x64xf32, #tpu.memory_space<vmem>>) dst(%dma_wait3A_426 : memref<25088x64xf32, #tpu.memory_space<vmem_shared>>)
      %dma_start3A_427 = arith.constant 6 : i32
      %dma_start3A_428 = arith.constant 0 : i32
      %dma_start3A_429 = tpu.memref_slice %arg9[%dma_start3A_427, %dma_start3A_428] : memref<8x128xi32, #tpu.memory_space<vmem>> -> memref<1x128xi32, #tpu.memory_space<vmem>>
      %dma_start3A_430 = tpu.memref_squeeze %dma_start3A_429 : memref<1x128xi32, #tpu.memory_space<vmem>> -> memref<128xi32, #tpu.memory_space<vmem>>
      %dma_start3A_431 = arith.constant 0 : i32
      %dma_start3A_432 = arith.constant 0 : i32
      %dma_start3A_433 = tpu.memref_slice %arg2[%dma_start3A_431, %dma_start3A_432] : memref<50176x64xf32, #tpu.memory_space<hbm>> -> memref<50176x64xf32, #tpu.memory_space<hbm>>
      tpu.enqueue_indirect_dma source(%dma_start3A_433 : memref<50176x64xf32, #tpu.memory_space<hbm>>) target(%arg14 : memref<128x64xf32, #tpu.memory_space<vmem>>) offsets(%dma_start3A_430 : memref<128xi32, #tpu.memory_space<vmem>>) semaphore(%arg19 : memref<!tpu.dma_semaphore, #tpu.memory_space<semaphore_mem>>)
      %dma_wait3A_434 = arith.constant 5 : i32
      %dma_wait3A_435 = arith.constant 0 : i32
      %dma_wait3A_436 = tpu.memref_slice %arg9[%dma_wait3A_434, %dma_wait3A_435] : memref<8x128xi32, #tpu.memory_space<vmem>> -> memref<1x128xi32, #tpu.memory_space<vmem>>
      %dma_wait3A_437 = tpu.memref_squeeze %dma_wait3A_436 : memref<1x128xi32, #tpu.memory_space<vmem>> -> memref<128xi32, #tpu.memory_space<vmem>>
      %dma_wait3A_438 = arith.constant 0 : i32
      %dma_wait3A_439 = arith.constant 0 : i32
      %dma_wait3A_440 = tpu.memref_slice %arg2[%dma_wait3A_438, %dma_wait3A_439] : memref<50176x64xf32, #tpu.memory_space<hbm>> -> memref<50176x64xf32, #tpu.memory_space<hbm>>
      tpu.wait_indirect_dma semaphore(%arg20 : memref<!tpu.dma_semaphore, #tpu.memory_space<semaphore_mem>>) src(%dma_wait3A_440 : memref<50176x64xf32, #tpu.memory_space<hbm>>) dst(%arg15 : memref<128x64xf32, #tpu.memory_space<vmem>>)
      %dma_start3A_441 = arith.constant 1 : i32
      %dma_start3A_442 = arith.constant 0 : i32
      %dma_start3A_443 = tpu.memref_slice %arg16[%dma_start3A_441, %dma_start3A_442] : memref<2x128xi32, #tpu.memory_space<vmem>> -> memref<1x128xi32, #tpu.memory_space<vmem>>
      %dma_start3A_444 = tpu.memref_squeeze %dma_start3A_443 : memref<1x128xi32, #tpu.memory_space<vmem>> -> memref<128xi32, #tpu.memory_space<vmem>>
      %dma_start3A_445 = arith.constant 0 : i32
      %dma_start3A_446 = arith.constant 0 : i32
      %dma_start3A_447 = tpu.memref_slice %arg7[%dma_start3A_445, %dma_start3A_446] : memref<25088x64xf32, #tpu.memory_space<vmem_shared>> -> memref<25088x64xf32, #tpu.memory_space<vmem_shared>>
      tpu.enqueue_indirect_dma source(%arg15 : memref<128x64xf32, #tpu.memory_space<vmem>>) target(%dma_start3A_447 : memref<25088x64xf32, #tpu.memory_space<vmem_shared>>) offsets(%dma_start3A_444 : memref<128xi32, #tpu.memory_space<vmem>>) semaphore(%arg22 : memref<!tpu.dma_semaphore, #tpu.memory_space<semaphore_mem>>) {add = true}
      %dma_wait3A_448 = arith.constant 1 : i32
      %dma_wait3A_449 = arith.constant 0 : i32
      %dma_wait3A_450 = tpu.memref_slice %arg16[%dma_wait3A_448, %dma_wait3A_449] : memref<2x128xi32, #tpu.memory_space<vmem>> -> memref<1x128xi32, #tpu.memory_space<vmem>>
      %dma_wait3A_451 = tpu.memref_squeeze %dma_wait3A_450 : memref<1x128xi32, #tpu.memory_space<vmem>> -> memref<128xi32, #tpu.memory_space<vmem>>
      %dma_wait3A_452 = arith.constant 0 : i32
      %dma_wait3A_453 = arith.constant 0 : i32
      %dma_wait3A_454 = tpu.memref_slice %arg7[%dma_wait3A_452, %dma_wait3A_453] : memref<25088x64xf32, #tpu.memory_space<vmem_shared>> -> memref<25088x64xf32, #tpu.memory_space<vmem_shared>>
      tpu.wait_indirect_dma semaphore(%arg22 : memref<!tpu.dma_semaphore, #tpu.memory_space<semaphore_mem>>) src(%arg15 : memref<128x64xf32, #tpu.memory_space<vmem>>) dst(%dma_wait3A_454 : memref<25088x64xf32, #tpu.memory_space<vmem_shared>>)
      %dma_start3A_455 = arith.constant 7 : i32
      %dma_start3A_456 = arith.constant 0 : i32
      %dma_start3A_457 = tpu.memref_slice %arg9[%dma_start3A_455, %dma_start3A_456] : memref<8x128xi32, #tpu.memory_space<vmem>> -> memref<1x128xi32, #tpu.memory_space<vmem>>
      %dma_start3A_458 = tpu.memref_squeeze %dma_start3A_457 : memref<1x128xi32, #tpu.memory_space<vmem>> -> memref<128xi32, #tpu.memory_space<vmem>>
      %dma_start3A_459 = arith.constant 0 : i32
      %dma_start3A_460 = arith.constant 0 : i32
      %dma_start3A_461 = tpu.memref_slice %arg2[%dma_start3A_459, %dma_start3A_460] : memref<50176x64xf32, #tpu.memory_space<hbm>> -> memref<50176x64xf32, #tpu.memory_space<hbm>>
      tpu.enqueue_indirect_dma source(%dma_start3A_461 : memref<50176x64xf32, #tpu.memory_space<hbm>>) target(%arg15 : memref<128x64xf32, #tpu.memory_space<vmem>>) offsets(%dma_start3A_458 : memref<128xi32, #tpu.memory_space<vmem>>) semaphore(%arg20 : memref<!tpu.dma_semaphore, #tpu.memory_space<semaphore_mem>>)
      %dma_wait3A_462 = arith.constant 6 : i32
      %dma_wait3A_463 = arith.constant 0 : i32
      %dma_wait3A_464 = tpu.memref_slice %arg9[%dma_wait3A_462, %dma_wait3A_463] : memref<8x128xi32, #tpu.memory_space<vmem>> -> memref<1x128xi32, #tpu.memory_space<vmem>>
      %dma_wait3A_465 = tpu.memref_squeeze %dma_wait3A_464 : memref<1x128xi32, #tpu.memory_space<vmem>> -> memref<128xi32, #tpu.memory_space<vmem>>
      %dma_wait3A_466 = arith.constant 0 : i32
      %dma_wait3A_467 = arith.constant 0 : i32
      %dma_wait3A_468 = tpu.memref_slice %arg2[%dma_wait3A_466, %dma_wait3A_467] : memref<50176x64xf32, #tpu.memory_space<hbm>> -> memref<50176x64xf32, #tpu.memory_space<hbm>>
      tpu.wait_indirect_dma semaphore(%arg19 : memref<!tpu.dma_semaphore, #tpu.memory_space<semaphore_mem>>) src(%dma_wait3A_468 : memref<50176x64xf32, #tpu.memory_space<hbm>>) dst(%arg14 : memref<128x64xf32, #tpu.memory_space<vmem>>)
      %dma_start3A_469 = arith.constant 0 : i32
      %dma_start3A_470 = arith.constant 0 : i32
      %dma_start3A_471 = tpu.memref_slice %arg16[%dma_start3A_469, %dma_start3A_470] : memref<2x128xi32, #tpu.memory_space<vmem>> -> memref<1x128xi32, #tpu.memory_space<vmem>>
      %dma_start3A_472 = tpu.memref_squeeze %dma_start3A_471 : memref<1x128xi32, #tpu.memory_space<vmem>> -> memref<128xi32, #tpu.memory_space<vmem>>
      %dma_start3A_473 = arith.constant 0 : i32
      %dma_start3A_474 = arith.constant 0 : i32
      %dma_start3A_475 = tpu.memref_slice %arg7[%dma_start3A_473, %dma_start3A_474] : memref<25088x64xf32, #tpu.memory_space<vmem_shared>> -> memref<25088x64xf32, #tpu.memory_space<vmem_shared>>
      tpu.enqueue_indirect_dma source(%arg14 : memref<128x64xf32, #tpu.memory_space<vmem>>) target(%dma_start3A_475 : memref<25088x64xf32, #tpu.memory_space<vmem_shared>>) offsets(%dma_start3A_472 : memref<128xi32, #tpu.memory_space<vmem>>) semaphore(%arg21 : memref<!tpu.dma_semaphore, #tpu.memory_space<semaphore_mem>>) {add = true}
      %dma_wait3A_476 = arith.constant 7 : i32
      %dma_wait3A_477 = arith.constant 0 : i32
      %dma_wait3A_478 = tpu.memref_slice %arg9[%dma_wait3A_476, %dma_wait3A_477] : memref<8x128xi32, #tpu.memory_space<vmem>> -> memref<1x128xi32, #tpu.memory_space<vmem>>
      %dma_wait3A_479 = tpu.memref_squeeze %dma_wait3A_478 : memref<1x128xi32, #tpu.memory_space<vmem>> -> memref<128xi32, #tpu.memory_space<vmem>>
      %dma_wait3A_480 = arith.constant 0 : i32
      %dma_wait3A_481 = arith.constant 0 : i32
      %dma_wait3A_482 = tpu.memref_slice %arg2[%dma_wait3A_480, %dma_wait3A_481] : memref<50176x64xf32, #tpu.memory_space<hbm>> -> memref<50176x64xf32, #tpu.memory_space<hbm>>
      tpu.wait_indirect_dma semaphore(%arg20 : memref<!tpu.dma_semaphore, #tpu.memory_space<semaphore_mem>>) src(%dma_wait3A_482 : memref<50176x64xf32, #tpu.memory_space<hbm>>) dst(%arg15 : memref<128x64xf32, #tpu.memory_space<vmem>>)
      %dma_start3A_483 = arith.constant 1 : i32
      %dma_start3A_484 = arith.constant 0 : i32
      %dma_start3A_485 = tpu.memref_slice %arg16[%dma_start3A_483, %dma_start3A_484] : memref<2x128xi32, #tpu.memory_space<vmem>> -> memref<1x128xi32, #tpu.memory_space<vmem>>
      %dma_start3A_486 = tpu.memref_squeeze %dma_start3A_485 : memref<1x128xi32, #tpu.memory_space<vmem>> -> memref<128xi32, #tpu.memory_space<vmem>>
      %dma_start3A_487 = arith.constant 0 : i32
      %dma_start3A_488 = arith.constant 0 : i32
      %dma_start3A_489 = tpu.memref_slice %arg7[%dma_start3A_487, %dma_start3A_488] : memref<25088x64xf32, #tpu.memory_space<vmem_shared>> -> memref<25088x64xf32, #tpu.memory_space<vmem_shared>>
      tpu.enqueue_indirect_dma source(%arg15 : memref<128x64xf32, #tpu.memory_space<vmem>>) target(%dma_start3A_489 : memref<25088x64xf32, #tpu.memory_space<vmem_shared>>) offsets(%dma_start3A_486 : memref<128xi32, #tpu.memory_space<vmem>>) semaphore(%arg22 : memref<!tpu.dma_semaphore, #tpu.memory_space<semaphore_mem>>) {add = true}
      %add3A_490 = arith.constant 2 : i32
      %add3A_491 = arith.addi %mul3A_237, %add3A_490 : i32
      %mul3A_492 = arith.constant 1024 : i32
      %mul3A_493 = arith.muli %add3A_491, %mul3A_492 : i32
      %add3A_494 = arith.addi %mul3A_3, %mul3A_493 : i32
      %jit3A_495 = arith.constant 128 : i32
      %div3A_496 = arith.divsi %add3A_494, %jit3A_495 : i32
      %sign3A_497 = arith.constant 0 : i32
      %sign3A_498 = arith.cmpi sgt, %add3A_494, %sign3A_497 : i32
      %sign3A_499 = arith.extui %sign3A_498 : i1 to i32
      %sign3A_500 = arith.constant 0 : i32
      %sign3A_501 = arith.cmpi slt, %add3A_494, %sign3A_500 : i32
      %sign3A_502 = arith.extui %sign3A_501 : i1 to i32
      %sign3A_503 = arith.subi %sign3A_499, %sign3A_502 : i32
      %sign3A_504 = arith.constant 0 : i32
      %sign3A_505 = arith.cmpi sgt, %jit3A_495, %sign3A_504 : i32
      %sign3A_506 = arith.extui %sign3A_505 : i1 to i32
      %sign3A_507 = arith.constant 0 : i32
      %sign3A_508 = arith.cmpi slt, %jit3A_495, %sign3A_507 : i32
      %sign3A_509 = arith.extui %sign3A_508 : i1 to i32
      %sign3A_510 = arith.subi %sign3A_506, %sign3A_509 : i32
      %ne3A_511 = arith.cmpi ne, %sign3A_503, %sign3A_510 : i32
      %rem3A_512 = arith.remsi %add3A_494, %jit3A_495 : i32
      %ne3A_513 = arith.constant 0 : i32
      %ne3A_514 = arith.cmpi ne, %rem3A_512, %ne3A_513 : i32
      %and3A_515 = arith.andi %ne3A_511, %ne3A_514 : i1
      %sub3A_516 = arith.constant 1 : i32
      %sub3A_517 = arith.subi %div3A_496, %sub3A_516 : i32
      %select_n3A_518 = arith.select %and3A_515, %sub3A_517, %div3A_496 : i32
      %multiple_of3A_519 = tpu.assume_multiple %select_n3A_518, 8 : i32
      %mul3A_520 = arith.constant 1024 : i32
      %mul3A_521 = arith.muli %add3A_491, %mul3A_520 : i32
      %add3A_522 = arith.addi %mul3A_3, %mul3A_521 : i32
      %multiple_of3A_523 = tpu.assume_multiple %add3A_522, 1024 : i32
      %dma_start3A_524 = arith.constant 0 : i32
      %dma_start3A_525 = tpu.memref_slice %arg3[%multiple_of3A_519, %dma_start3A_524] : memref<6416x128xi32, #tpu.memory_space<hbm>> -> memref<8x128xi32, #tpu.memory_space<hbm>>
      %dma_start3A_526 = arith.constant 0 : i32
      %dma_start3A_527 = tpu.memref_slice %arg3[%multiple_of3A_519, %dma_start3A_526] : memref<6416x128xi32, #tpu.memory_space<hbm>> -> memref<8x128xi32, #tpu.memory_space<hbm>>
      tpu.enqueue_dma source(%dma_start3A_527 : memref<8x128xi32, #tpu.memory_space<hbm>>) target(%arg8 : memref<8x128xi32, #tpu.memory_space<vmem>>) target_semaphore(%arg17 : memref<!tpu.dma_semaphore, #tpu.memory_space<semaphore_mem>>)
      %dma_start3A_528 = arith.constant 0 : i32
      %dma_start3A_529 = tpu.memref_slice %arg4[%multiple_of3A_519, %dma_start3A_528] : memref<6416x128xi32, #tpu.memory_space<hbm>> -> memref<8x128xi32, #tpu.memory_space<hbm>>
      %dma_start3A_530 = arith.constant 0 : i32
      %dma_start3A_531 = tpu.memref_slice %arg4[%multiple_of3A_519, %dma_start3A_530] : memref<6416x128xi32, #tpu.memory_space<hbm>> -> memref<8x128xi32, #tpu.memory_space<hbm>>
      tpu.enqueue_dma source(%dma_start3A_531 : memref<8x128xi32, #tpu.memory_space<hbm>>) target(%arg9 : memref<8x128xi32, #tpu.memory_space<vmem>>) target_semaphore(%arg17 : memref<!tpu.dma_semaphore, #tpu.memory_space<semaphore_mem>>)
      %dma_start3A_532 = tpu.memref_slice %arg5[%multiple_of3A_523] : memref<821248xf32, #tpu.memory_space<hbm>> -> memref<1024xf32, #tpu.memory_space<hbm>>
      %dma_start3A_533 = tpu.memref_slice %arg5[%multiple_of3A_523] : memref<821248xf32, #tpu.memory_space<hbm>> -> memref<1024xf32, #tpu.memory_space<hbm>>
      tpu.enqueue_dma source(%dma_start3A_533 : memref<1024xf32, #tpu.memory_space<hbm>>) target(%arg10 : memref<1024xf32, #tpu.memory_space<vmem>>) target_semaphore(%arg17 : memref<!tpu.dma_semaphore, #tpu.memory_space<semaphore_mem>>)
      %mul3A_534 = arith.constant 2 : i32
      %mul3A_535 = arith.muli %mul3A_534, %scan3A_235 : i32
      %add3A_536 = arith.constant 1 : i32
      %add3A_537 = arith.addi %mul3A_535, %add3A_536 : i32
      %mul3A_538 = arith.constant 1024 : i32
      %mul3A_539 = arith.muli %add3A_537, %mul3A_538 : i32
      %add3A_540 = arith.addi %mul3A_3, %mul3A_539 : i32
      %jit3A_541 = arith.constant 128 : i32
      %div3A_542 = arith.divsi %add3A_540, %jit3A_541 : i32
      %sign3A_543 = arith.constant 0 : i32
      %sign3A_544 = arith.cmpi sgt, %add3A_540, %sign3A_543 : i32
      %sign3A_545 = arith.extui %sign3A_544 : i1 to i32
      %sign3A_546 = arith.constant 0 : i32
      %sign3A_547 = arith.cmpi slt, %add3A_540, %sign3A_546 : i32
      %sign3A_548 = arith.extui %sign3A_547 : i1 to i32
      %sign3A_549 = arith.subi %sign3A_545, %sign3A_548 : i32
      %sign3A_550 = arith.constant 0 : i32
      %sign3A_551 = arith.cmpi sgt, %jit3A_541, %sign3A_550 : i32
      %sign3A_552 = arith.extui %sign3A_551 : i1 to i32
      %sign3A_553 = arith.constant 0 : i32
      %sign3A_554 = arith.cmpi slt, %jit3A_541, %sign3A_553 : i32
      %sign3A_555 = arith.extui %sign3A_554 : i1 to i32
      %sign3A_556 = arith.subi %sign3A_552, %sign3A_555 : i32
      %ne3A_557 = arith.cmpi ne, %sign3A_549, %sign3A_556 : i32
      %rem3A_558 = arith.remsi %add3A_540, %jit3A_541 : i32
      %ne3A_559 = arith.constant 0 : i32
      %ne3A_560 = arith.cmpi ne, %rem3A_558, %ne3A_559 : i32
      %and3A_561 = arith.andi %ne3A_557, %ne3A_560 : i1
      %sub3A_562 = arith.constant 1 : i32
      %sub3A_563 = arith.subi %div3A_542, %sub3A_562 : i32
      %select_n3A_564 = arith.select %and3A_561, %sub3A_563, %div3A_542 : i32
      %multiple_of3A_565 = tpu.assume_multiple %select_n3A_564, 8 : i32
      %mul3A_566 = arith.constant 1024 : i32
      %mul3A_567 = arith.muli %add3A_537, %mul3A_566 : i32
      %add3A_568 = arith.addi %mul3A_3, %mul3A_567 : i32
      %multiple_of3A_569 = tpu.assume_multiple %add3A_568, 1024 : i32
      %dma_wait3A_570 = arith.constant 0 : i32
      %dma_wait3A_571 = tpu.memref_slice %arg3[%multiple_of3A_565, %dma_wait3A_570] : memref<6416x128xi32, #tpu.memory_space<hbm>> -> memref<8x128xi32, #tpu.memory_space<hbm>>
      %dma_wait3A_572 = arith.constant 0 : i32
      %dma_wait3A_573 = tpu.memref_slice %arg3[%multiple_of3A_565, %dma_wait3A_572] : memref<6416x128xi32, #tpu.memory_space<hbm>> -> memref<8x128xi32, #tpu.memory_space<hbm>>
      tpu.wait_dma2 semaphore(%arg18 : memref<!tpu.dma_semaphore, #tpu.memory_space<semaphore_mem>>) src(%dma_wait3A_573 : memref<8x128xi32, #tpu.memory_space<hbm>>) dst(%arg11 : memref<8x128xi32, #tpu.memory_space<vmem>>)
      %dma_wait3A_574 = arith.constant 0 : i32
      %dma_wait3A_575 = tpu.memref_slice %arg4[%multiple_of3A_565, %dma_wait3A_574] : memref<6416x128xi32, #tpu.memory_space<hbm>> -> memref<8x128xi32, #tpu.memory_space<hbm>>
      %dma_wait3A_576 = arith.constant 0 : i32
      %dma_wait3A_577 = tpu.memref_slice %arg4[%multiple_of3A_565, %dma_wait3A_576] : memref<6416x128xi32, #tpu.memory_space<hbm>> -> memref<8x128xi32, #tpu.memory_space<hbm>>
      tpu.wait_dma2 semaphore(%arg18 : memref<!tpu.dma_semaphore, #tpu.memory_space<semaphore_mem>>) src(%dma_wait3A_577 : memref<8x128xi32, #tpu.memory_space<hbm>>) dst(%arg12 : memref<8x128xi32, #tpu.memory_space<vmem>>)
      %dma_wait3A_578 = tpu.memref_slice %arg5[%multiple_of3A_569] : memref<821248xf32, #tpu.memory_space<hbm>> -> memref<1024xf32, #tpu.memory_space<hbm>>
      %dma_wait3A_579 = tpu.memref_slice %arg5[%multiple_of3A_569] : memref<821248xf32, #tpu.memory_space<hbm>> -> memref<1024xf32, #tpu.memory_space<hbm>>
      tpu.wait_dma2 semaphore(%arg18 : memref<!tpu.dma_semaphore, #tpu.memory_space<semaphore_mem>>) src(%dma_wait3A_579 : memref<1024xf32, #tpu.memory_space<hbm>>) dst(%arg13 : memref<1024xf32, #tpu.memory_space<vmem>>)
      %dma_wait3A_580 = arith.constant 0 : i32
      %dma_wait3A_581 = arith.constant 0 : i32
      %dma_wait3A_582 = tpu.memref_slice %arg16[%dma_wait3A_580, %dma_wait3A_581] : memref<2x128xi32, #tpu.memory_space<vmem>> -> memref<1x128xi32, #tpu.memory_space<vmem>>
      %dma_wait3A_583 = tpu.memref_squeeze %dma_wait3A_582 : memref<1x128xi32, #tpu.memory_space<vmem>> -> memref<128xi32, #tpu.memory_space<vmem>>
      %dma_wait3A_584 = arith.constant 0 : i32
      %dma_wait3A_585 = arith.constant 0 : i32
      %dma_wait3A_586 = tpu.memref_slice %arg7[%dma_wait3A_584, %dma_wait3A_585] : memref<25088x64xf32, #tpu.memory_space<vmem_shared>> -> memref<25088x64xf32, #tpu.memory_space<vmem_shared>>
      tpu.wait_indirect_dma semaphore(%arg21 : memref<!tpu.dma_semaphore, #tpu.memory_space<semaphore_mem>>) src(%arg14 : memref<128x64xf32, #tpu.memory_space<vmem>>) dst(%dma_wait3A_586 : memref<25088x64xf32, #tpu.memory_space<vmem_shared>>)
      %dma_start3A_587 = arith.constant 0 : i32
      %dma_start3A_588 = arith.constant 0 : i32
      %dma_start3A_589 = tpu.memref_slice %arg12[%dma_start3A_587, %dma_start3A_588] : memref<8x128xi32, #tpu.memory_space<vmem>> -> memref<1x128xi32, #tpu.memory_space<vmem>>
      %dma_start3A_590 = tpu.memref_squeeze %dma_start3A_589 : memref<1x128xi32, #tpu.memory_space<vmem>> -> memref<128xi32, #tpu.memory_space<vmem>>
      %dma_start3A_591 = arith.constant 0 : i32
      %dma_start3A_592 = arith.constant 0 : i32
      %dma_start3A_593 = tpu.memref_slice %arg2[%dma_start3A_591, %dma_start3A_592] : memref<50176x64xf32, #tpu.memory_space<hbm>> -> memref<50176x64xf32, #tpu.memory_space<hbm>>
      tpu.enqueue_indirect_dma source(%dma_start3A_593 : memref<50176x64xf32, #tpu.memory_space<hbm>>) target(%arg14 : memref<128x64xf32, #tpu.memory_space<vmem>>) offsets(%dma_start3A_590 : memref<128xi32, #tpu.memory_space<vmem>>) semaphore(%arg19 : memref<!tpu.dma_semaphore, #tpu.memory_space<semaphore_mem>>)
      %dma_wait3A_594 = arith.constant 1 : i32
      %dma_wait3A_595 = arith.constant 0 : i32
      %dma_wait3A_596 = tpu.memref_slice %arg16[%dma_wait3A_594, %dma_wait3A_595] : memref<2x128xi32, #tpu.memory_space<vmem>> -> memref<1x128xi32, #tpu.memory_space<vmem>>
      %dma_wait3A_597 = tpu.memref_squeeze %dma_wait3A_596 : memref<1x128xi32, #tpu.memory_space<vmem>> -> memref<128xi32, #tpu.memory_space<vmem>>
      %dma_wait3A_598 = arith.constant 0 : i32
      %dma_wait3A_599 = arith.constant 0 : i32
      %dma_wait3A_600 = tpu.memref_slice %arg7[%dma_wait3A_598, %dma_wait3A_599] : memref<25088x64xf32, #tpu.memory_space<vmem_shared>> -> memref<25088x64xf32, #tpu.memory_space<vmem_shared>>
      tpu.wait_indirect_dma semaphore(%arg22 : memref<!tpu.dma_semaphore, #tpu.memory_space<semaphore_mem>>) src(%arg15 : memref<128x64xf32, #tpu.memory_space<vmem>>) dst(%dma_wait3A_600 : memref<25088x64xf32, #tpu.memory_space<vmem_shared>>)
      %dma_start3A_601 = arith.constant 1 : i32
      %dma_start3A_602 = arith.constant 0 : i32
      %dma_start3A_603 = tpu.memref_slice %arg12[%dma_start3A_601, %dma_start3A_602] : memref<8x128xi32, #tpu.memory_space<vmem>> -> memref<1x128xi32, #tpu.memory_space<vmem>>
      %dma_start3A_604 = tpu.memref_squeeze %dma_start3A_603 : memref<1x128xi32, #tpu.memory_space<vmem>> -> memref<128xi32, #tpu.memory_space<vmem>>
      %dma_start3A_605 = arith.constant 0 : i32
      %dma_start3A_606 = arith.constant 0 : i32
      %dma_start3A_607 = tpu.memref_slice %arg2[%dma_start3A_605, %dma_start3A_606] : memref<50176x64xf32, #tpu.memory_space<hbm>> -> memref<50176x64xf32, #tpu.memory_space<hbm>>
      tpu.enqueue_indirect_dma source(%dma_start3A_607 : memref<50176x64xf32, #tpu.memory_space<hbm>>) target(%arg15 : memref<128x64xf32, #tpu.memory_space<vmem>>) offsets(%dma_start3A_604 : memref<128xi32, #tpu.memory_space<vmem>>) semaphore(%arg20 : memref<!tpu.dma_semaphore, #tpu.memory_space<semaphore_mem>>)
      %dma_wait3A_608 = arith.constant 0 : i32
      %dma_wait3A_609 = arith.constant 0 : i32
      %dma_wait3A_610 = tpu.memref_slice %arg12[%dma_wait3A_608, %dma_wait3A_609] : memref<8x128xi32, #tpu.memory_space<vmem>> -> memref<1x128xi32, #tpu.memory_space<vmem>>
      %dma_wait3A_611 = tpu.memref_squeeze %dma_wait3A_610 : memref<1x128xi32, #tpu.memory_space<vmem>> -> memref<128xi32, #tpu.memory_space<vmem>>
      %dma_wait3A_612 = arith.constant 0 : i32
      %dma_wait3A_613 = arith.constant 0 : i32
      %dma_wait3A_614 = tpu.memref_slice %arg2[%dma_wait3A_612, %dma_wait3A_613] : memref<50176x64xf32, #tpu.memory_space<hbm>> -> memref<50176x64xf32, #tpu.memory_space<hbm>>
      tpu.wait_indirect_dma semaphore(%arg19 : memref<!tpu.dma_semaphore, #tpu.memory_space<semaphore_mem>>) src(%dma_wait3A_614 : memref<50176x64xf32, #tpu.memory_space<hbm>>) dst(%arg14 : memref<128x64xf32, #tpu.memory_space<vmem>>)
      %dma_start3A_615 = arith.constant 0 : i32
      %dma_start3A_616 = arith.constant 0 : i32
      %dma_start3A_617 = tpu.memref_slice %arg16[%dma_start3A_615, %dma_start3A_616] : memref<2x128xi32, #tpu.memory_space<vmem>> -> memref<1x128xi32, #tpu.memory_space<vmem>>
      %dma_start3A_618 = tpu.memref_squeeze %dma_start3A_617 : memref<1x128xi32, #tpu.memory_space<vmem>> -> memref<128xi32, #tpu.memory_space<vmem>>
      %dma_start3A_619 = arith.constant 0 : i32
      %dma_start3A_620 = arith.constant 0 : i32
      %dma_start3A_621 = tpu.memref_slice %arg7[%dma_start3A_619, %dma_start3A_620] : memref<25088x64xf32, #tpu.memory_space<vmem_shared>> -> memref<25088x64xf32, #tpu.memory_space<vmem_shared>>
      tpu.enqueue_indirect_dma source(%arg14 : memref<128x64xf32, #tpu.memory_space<vmem>>) target(%dma_start3A_621 : memref<25088x64xf32, #tpu.memory_space<vmem_shared>>) offsets(%dma_start3A_618 : memref<128xi32, #tpu.memory_space<vmem>>) semaphore(%arg21 : memref<!tpu.dma_semaphore, #tpu.memory_space<semaphore_mem>>) {add = true}
      %dma_wait3A_622 = arith.constant 0 : i32
      %dma_wait3A_623 = arith.constant 0 : i32
      %dma_wait3A_624 = tpu.memref_slice %arg16[%dma_wait3A_622, %dma_wait3A_623] : memref<2x128xi32, #tpu.memory_space<vmem>> -> memref<1x128xi32, #tpu.memory_space<vmem>>
      %dma_wait3A_625 = tpu.memref_squeeze %dma_wait3A_624 : memref<1x128xi32, #tpu.memory_space<vmem>> -> memref<128xi32, #tpu.memory_space<vmem>>
      %dma_wait3A_626 = arith.constant 0 : i32
      %dma_wait3A_627 = arith.constant 0 : i32
      %dma_wait3A_628 = tpu.memref_slice %arg7[%dma_wait3A_626, %dma_wait3A_627] : memref<25088x64xf32, #tpu.memory_space<vmem_shared>> -> memref<25088x64xf32, #tpu.memory_space<vmem_shared>>
      tpu.wait_indirect_dma semaphore(%arg21 : memref<!tpu.dma_semaphore, #tpu.memory_space<semaphore_mem>>) src(%arg14 : memref<128x64xf32, #tpu.memory_space<vmem>>) dst(%dma_wait3A_628 : memref<25088x64xf32, #tpu.memory_space<vmem_shared>>)
      %dma_start3A_629 = arith.constant 2 : i32
      %dma_start3A_630 = arith.constant 0 : i32
      %dma_start3A_631 = tpu.memref_slice %arg12[%dma_start3A_629, %dma_start3A_630] : memref<8x128xi32, #tpu.memory_space<vmem>> -> memref<1x128xi32, #tpu.memory_space<vmem>>
      %dma_start3A_632 = tpu.memref_squeeze %dma_start3A_631 : memref<1x128xi32, #tpu.memory_space<vmem>> -> memref<128xi32, #tpu.memory_space<vmem>>
      %dma_start3A_633 = arith.constant 0 : i32
      %dma_start3A_634 = arith.constant 0 : i32
      %dma_start3A_635 = tpu.memref_slice %arg2[%dma_start3A_633, %dma_start3A_634] : memref<50176x64xf32, #tpu.memory_space<hbm>> -> memref<50176x64xf32, #tpu.memory_space<hbm>>
      tpu.enqueue_indirect_dma source(%dma_start3A_635 : memref<50176x64xf32, #tpu.memory_space<hbm>>) target(%arg14 : memref<128x64xf32, #tpu.memory_space<vmem>>) offsets(%dma_start3A_632 : memref<128xi32, #tpu.memory_space<vmem>>) semaphore(%arg19 : memref<!tpu.dma_semaphore, #tpu.memory_space<semaphore_mem>>)
      %dma_wait3A_636 = arith.constant 1 : i32
      %dma_wait3A_637 = arith.constant 0 : i32
      %dma_wait3A_638 = tpu.memref_slice %arg12[%dma_wait3A_636, %dma_wait3A_637] : memref<8x128xi32, #tpu.memory_space<vmem>> -> memref<1x128xi32, #tpu.memory_space<vmem>>
      %dma_wait3A_639 = tpu.memref_squeeze %dma_wait3A_638 : memref<1x128xi32, #tpu.memory_space<vmem>> -> memref<128xi32, #tpu.memory_space<vmem>>
      %dma_wait3A_640 = arith.constant 0 : i32
      %dma_wait3A_641 = arith.constant 0 : i32
      %dma_wait3A_642 = tpu.memref_slice %arg2[%dma_wait3A_640, %dma_wait3A_641] : memref<50176x64xf32, #tpu.memory_space<hbm>> -> memref<50176x64xf32, #tpu.memory_space<hbm>>
      tpu.wait_indirect_dma semaphore(%arg20 : memref<!tpu.dma_semaphore, #tpu.memory_space<semaphore_mem>>) src(%dma_wait3A_642 : memref<50176x64xf32, #tpu.memory_space<hbm>>) dst(%arg15 : memref<128x64xf32, #tpu.memory_space<vmem>>)
      %dma_start3A_643 = arith.constant 1 : i32
      %dma_start3A_644 = arith.constant 0 : i32
      %dma_start3A_645 = tpu.memref_slice %arg16[%dma_start3A_643, %dma_start3A_644] : memref<2x128xi32, #tpu.memory_space<vmem>> -> memref<1x128xi32, #tpu.memory_space<vmem>>
      %dma_start3A_646 = tpu.memref_squeeze %dma_start3A_645 : memref<1x128xi32, #tpu.memory_space<vmem>> -> memref<128xi32, #tpu.memory_space<vmem>>
      %dma_start3A_647 = arith.constant 0 : i32
      %dma_start3A_648 = arith.constant 0 : i32
      %dma_start3A_649 = tpu.memref_slice %arg7[%dma_start3A_647, %dma_start3A_648] : memref<25088x64xf32, #tpu.memory_space<vmem_shared>> -> memref<25088x64xf32, #tpu.memory_space<vmem_shared>>
      tpu.enqueue_indirect_dma source(%arg15 : memref<128x64xf32, #tpu.memory_space<vmem>>) target(%dma_start3A_649 : memref<25088x64xf32, #tpu.memory_space<vmem_shared>>) offsets(%dma_start3A_646 : memref<128xi32, #tpu.memory_space<vmem>>) semaphore(%arg22 : memref<!tpu.dma_semaphore, #tpu.memory_space<semaphore_mem>>) {add = true}
      %dma_wait3A_650 = arith.constant 1 : i32
      %dma_wait3A_651 = arith.constant 0 : i32
      %dma_wait3A_652 = tpu.memref_slice %arg16[%dma_wait3A_650, %dma_wait3A_651] : memref<2x128xi32, #tpu.memory_space<vmem>> -> memref<1x128xi32, #tpu.memory_space<vmem>>
      %dma_wait3A_653 = tpu.memref_squeeze %dma_wait3A_652 : memref<1x128xi32, #tpu.memory_space<vmem>> -> memref<128xi32, #tpu.memory_space<vmem>>
      %dma_wait3A_654 = arith.constant 0 : i32
      %dma_wait3A_655 = arith.constant 0 : i32
      %dma_wait3A_656 = tpu.memref_slice %arg7[%dma_wait3A_654, %dma_wait3A_655] : memref<25088x64xf32, #tpu.memory_space<vmem_shared>> -> memref<25088x64xf32, #tpu.memory_space<vmem_shared>>
      tpu.wait_indirect_dma semaphore(%arg22 : memref<!tpu.dma_semaphore, #tpu.memory_space<semaphore_mem>>) src(%arg15 : memref<128x64xf32, #tpu.memory_space<vmem>>) dst(%dma_wait3A_656 : memref<25088x64xf32, #tpu.memory_space<vmem_shared>>)
      %dma_start3A_657 = arith.constant 3 : i32
      %dma_start3A_658 = arith.constant 0 : i32
      %dma_start3A_659 = tpu.memref_slice %arg12[%dma_start3A_657, %dma_start3A_658] : memref<8x128xi32, #tpu.memory_space<vmem>> -> memref<1x128xi32, #tpu.memory_space<vmem>>
      %dma_start3A_660 = tpu.memref_squeeze %dma_start3A_659 : memref<1x128xi32, #tpu.memory_space<vmem>> -> memref<128xi32, #tpu.memory_space<vmem>>
      %dma_start3A_661 = arith.constant 0 : i32
      %dma_start3A_662 = arith.constant 0 : i32
      %dma_start3A_663 = tpu.memref_slice %arg2[%dma_start3A_661, %dma_start3A_662] : memref<50176x64xf32, #tpu.memory_space<hbm>> -> memref<50176x64xf32, #tpu.memory_space<hbm>>
      tpu.enqueue_indirect_dma source(%dma_start3A_663 : memref<50176x64xf32, #tpu.memory_space<hbm>>) target(%arg15 : memref<128x64xf32, #tpu.memory_space<vmem>>) offsets(%dma_start3A_660 : memref<128xi32, #tpu.memory_space<vmem>>) semaphore(%arg20 : memref<!tpu.dma_semaphore, #tpu.memory_space<semaphore_mem>>)
      %dma_wait3A_664 = arith.constant 2 : i32
      %dma_wait3A_665 = arith.constant 0 : i32
      %dma_wait3A_666 = tpu.memref_slice %arg12[%dma_wait3A_664, %dma_wait3A_665] : memref<8x128xi32, #tpu.memory_space<vmem>> -> memref<1x128xi32, #tpu.memory_space<vmem>>
      %dma_wait3A_667 = tpu.memref_squeeze %dma_wait3A_666 : memref<1x128xi32, #tpu.memory_space<vmem>> -> memref<128xi32, #tpu.memory_space<vmem>>
      %dma_wait3A_668 = arith.constant 0 : i32
      %dma_wait3A_669 = arith.constant 0 : i32
      %dma_wait3A_670 = tpu.memref_slice %arg2[%dma_wait3A_668, %dma_wait3A_669] : memref<50176x64xf32, #tpu.memory_space<hbm>> -> memref<50176x64xf32, #tpu.memory_space<hbm>>
      tpu.wait_indirect_dma semaphore(%arg19 : memref<!tpu.dma_semaphore, #tpu.memory_space<semaphore_mem>>) src(%dma_wait3A_670 : memref<50176x64xf32, #tpu.memory_space<hbm>>) dst(%arg14 : memref<128x64xf32, #tpu.memory_space<vmem>>)
      %dma_start3A_671 = arith.constant 0 : i32
      %dma_start3A_672 = arith.constant 0 : i32
      %dma_start3A_673 = tpu.memref_slice %arg16[%dma_start3A_671, %dma_start3A_672] : memref<2x128xi32, #tpu.memory_space<vmem>> -> memref<1x128xi32, #tpu.memory_space<vmem>>
      %dma_start3A_674 = tpu.memref_squeeze %dma_start3A_673 : memref<1x128xi32, #tpu.memory_space<vmem>> -> memref<128xi32, #tpu.memory_space<vmem>>
      %dma_start3A_675 = arith.constant 0 : i32
      %dma_start3A_676 = arith.constant 0 : i32
      %dma_start3A_677 = tpu.memref_slice %arg7[%dma_start3A_675, %dma_start3A_676] : memref<25088x64xf32, #tpu.memory_space<vmem_shared>> -> memref<25088x64xf32, #tpu.memory_space<vmem_shared>>
      tpu.enqueue_indirect_dma source(%arg14 : memref<128x64xf32, #tpu.memory_space<vmem>>) target(%dma_start3A_677 : memref<25088x64xf32, #tpu.memory_space<vmem_shared>>) offsets(%dma_start3A_674 : memref<128xi32, #tpu.memory_space<vmem>>) semaphore(%arg21 : memref<!tpu.dma_semaphore, #tpu.memory_space<semaphore_mem>>) {add = true}
      %dma_wait3A_678 = arith.constant 0 : i32
      %dma_wait3A_679 = arith.constant 0 : i32
      %dma_wait3A_680 = tpu.memref_slice %arg16[%dma_wait3A_678, %dma_wait3A_679] : memref<2x128xi32, #tpu.memory_space<vmem>> -> memref<1x128xi32, #tpu.memory_space<vmem>>
      %dma_wait3A_681 = tpu.memref_squeeze %dma_wait3A_680 : memref<1x128xi32, #tpu.memory_space<vmem>> -> memref<128xi32, #tpu.memory_space<vmem>>
      %dma_wait3A_682 = arith.constant 0 : i32
      %dma_wait3A_683 = arith.constant 0 : i32
      %dma_wait3A_684 = tpu.memref_slice %arg7[%dma_wait3A_682, %dma_wait3A_683] : memref<25088x64xf32, #tpu.memory_space<vmem_shared>> -> memref<25088x64xf32, #tpu.memory_space<vmem_shared>>
      tpu.wait_indirect_dma semaphore(%arg21 : memref<!tpu.dma_semaphore, #tpu.memory_space<semaphore_mem>>) src(%arg14 : memref<128x64xf32, #tpu.memory_space<vmem>>) dst(%dma_wait3A_684 : memref<25088x64xf32, #tpu.memory_space<vmem_shared>>)
      %dma_start3A_685 = arith.constant 4 : i32
      %dma_start3A_686 = arith.constant 0 : i32
      %dma_start3A_687 = tpu.memref_slice %arg12[%dma_start3A_685, %dma_start3A_686] : memref<8x128xi32, #tpu.memory_space<vmem>> -> memref<1x128xi32, #tpu.memory_space<vmem>>
      %dma_start3A_688 = tpu.memref_squeeze %dma_start3A_687 : memref<1x128xi32, #tpu.memory_space<vmem>> -> memref<128xi32, #tpu.memory_space<vmem>>
      %dma_start3A_689 = arith.constant 0 : i32
      %dma_start3A_690 = arith.constant 0 : i32
      %dma_start3A_691 = tpu.memref_slice %arg2[%dma_start3A_689, %dma_start3A_690] : memref<50176x64xf32, #tpu.memory_space<hbm>> -> memref<50176x64xf32, #tpu.memory_space<hbm>>
      tpu.enqueue_indirect_dma source(%dma_start3A_691 : memref<50176x64xf32, #tpu.memory_space<hbm>>) target(%arg14 : memref<128x64xf32, #tpu.memory_space<vmem>>) offsets(%dma_start3A_688 : memref<128xi32, #tpu.memory_space<vmem>>) semaphore(%arg19 : memref<!tpu.dma_semaphore, #tpu.memory_space<semaphore_mem>>)
      %dma_wait3A_692 = arith.constant 3 : i32
      %dma_wait3A_693 = arith.constant 0 : i32
      %dma_wait3A_694 = tpu.memref_slice %arg12[%dma_wait3A_692, %dma_wait3A_693] : memref<8x128xi32, #tpu.memory_space<vmem>> -> memref<1x128xi32, #tpu.memory_space<vmem>>
      %dma_wait3A_695 = tpu.memref_squeeze %dma_wait3A_694 : memref<1x128xi32, #tpu.memory_space<vmem>> -> memref<128xi32, #tpu.memory_space<vmem>>
      %dma_wait3A_696 = arith.constant 0 : i32
      %dma_wait3A_697 = arith.constant 0 : i32
      %dma_wait3A_698 = tpu.memref_slice %arg2[%dma_wait3A_696, %dma_wait3A_697] : memref<50176x64xf32, #tpu.memory_space<hbm>> -> memref<50176x64xf32, #tpu.memory_space<hbm>>
      tpu.wait_indirect_dma semaphore(%arg20 : memref<!tpu.dma_semaphore, #tpu.memory_space<semaphore_mem>>) src(%dma_wait3A_698 : memref<50176x64xf32, #tpu.memory_space<hbm>>) dst(%arg15 : memref<128x64xf32, #tpu.memory_space<vmem>>)
      %dma_start3A_699 = arith.constant 1 : i32
      %dma_start3A_700 = arith.constant 0 : i32
      %dma_start3A_701 = tpu.memref_slice %arg16[%dma_start3A_699, %dma_start3A_700] : memref<2x128xi32, #tpu.memory_space<vmem>> -> memref<1x128xi32, #tpu.memory_space<vmem>>
      %dma_start3A_702 = tpu.memref_squeeze %dma_start3A_701 : memref<1x128xi32, #tpu.memory_space<vmem>> -> memref<128xi32, #tpu.memory_space<vmem>>
      %dma_start3A_703 = arith.constant 0 : i32
      %dma_start3A_704 = arith.constant 0 : i32
      %dma_start3A_705 = tpu.memref_slice %arg7[%dma_start3A_703, %dma_start3A_704] : memref<25088x64xf32, #tpu.memory_space<vmem_shared>> -> memref<25088x64xf32, #tpu.memory_space<vmem_shared>>
      tpu.enqueue_indirect_dma source(%arg15 : memref<128x64xf32, #tpu.memory_space<vmem>>) target(%dma_start3A_705 : memref<25088x64xf32, #tpu.memory_space<vmem_shared>>) offsets(%dma_start3A_702 : memref<128xi32, #tpu.memory_space<vmem>>) semaphore(%arg22 : memref<!tpu.dma_semaphore, #tpu.memory_space<semaphore_mem>>) {add = true}
      %dma_wait3A_706 = arith.constant 1 : i32
      %dma_wait3A_707 = arith.constant 0 : i32
      %dma_wait3A_708 = tpu.memref_slice %arg16[%dma_wait3A_706, %dma_wait3A_707] : memref<2x128xi32, #tpu.memory_space<vmem>> -> memref<1x128xi32, #tpu.memory_space<vmem>>
      %dma_wait3A_709 = tpu.memref_squeeze %dma_wait3A_708 : memref<1x128xi32, #tpu.memory_space<vmem>> -> memref<128xi32, #tpu.memory_space<vmem>>
      %dma_wait3A_710 = arith.constant 0 : i32
      %dma_wait3A_711 = arith.constant 0 : i32
      %dma_wait3A_712 = tpu.memref_slice %arg7[%dma_wait3A_710, %dma_wait3A_711] : memref<25088x64xf32, #tpu.memory_space<vmem_shared>> -> memref<25088x64xf32, #tpu.memory_space<vmem_shared>>
      tpu.wait_indirect_dma semaphore(%arg22 : memref<!tpu.dma_semaphore, #tpu.memory_space<semaphore_mem>>) src(%arg15 : memref<128x64xf32, #tpu.memory_space<vmem>>) dst(%dma_wait3A_712 : memref<25088x64xf32, #tpu.memory_space<vmem_shared>>)
      %dma_start3A_713 = arith.constant 5 : i32
      %dma_start3A_714 = arith.constant 0 : i32
      %dma_start3A_715 = tpu.memref_slice %arg12[%dma_start3A_713, %dma_start3A_714] : memref<8x128xi32, #tpu.memory_space<vmem>> -> memref<1x128xi32, #tpu.memory_space<vmem>>
      %dma_start3A_716 = tpu.memref_squeeze %dma_start3A_715 : memref<1x128xi32, #tpu.memory_space<vmem>> -> memref<128xi32, #tpu.memory_space<vmem>>
      %dma_start3A_717 = arith.constant 0 : i32
      %dma_start3A_718 = arith.constant 0 : i32
      %dma_start3A_719 = tpu.memref_slice %arg2[%dma_start3A_717, %dma_start3A_718] : memref<50176x64xf32, #tpu.memory_space<hbm>> -> memref<50176x64xf32, #tpu.memory_space<hbm>>
      tpu.enqueue_indirect_dma source(%dma_start3A_719 : memref<50176x64xf32, #tpu.memory_space<hbm>>) target(%arg15 : memref<128x64xf32, #tpu.memory_space<vmem>>) offsets(%dma_start3A_716 : memref<128xi32, #tpu.memory_space<vmem>>) semaphore(%arg20 : memref<!tpu.dma_semaphore, #tpu.memory_space<semaphore_mem>>)
      %dma_wait3A_720 = arith.constant 4 : i32
      %dma_wait3A_721 = arith.constant 0 : i32
      %dma_wait3A_722 = tpu.memref_slice %arg12[%dma_wait3A_720, %dma_wait3A_721] : memref<8x128xi32, #tpu.memory_space<vmem>> -> memref<1x128xi32, #tpu.memory_space<vmem>>
      %dma_wait3A_723 = tpu.memref_squeeze %dma_wait3A_722 : memref<1x128xi32, #tpu.memory_space<vmem>> -> memref<128xi32, #tpu.memory_space<vmem>>
      %dma_wait3A_724 = arith.constant 0 : i32
      %dma_wait3A_725 = arith.constant 0 : i32
      %dma_wait3A_726 = tpu.memref_slice %arg2[%dma_wait3A_724, %dma_wait3A_725] : memref<50176x64xf32, #tpu.memory_space<hbm>> -> memref<50176x64xf32, #tpu.memory_space<hbm>>
      tpu.wait_indirect_dma semaphore(%arg19 : memref<!tpu.dma_semaphore, #tpu.memory_space<semaphore_mem>>) src(%dma_wait3A_726 : memref<50176x64xf32, #tpu.memory_space<hbm>>) dst(%arg14 : memref<128x64xf32, #tpu.memory_space<vmem>>)
      %dma_start3A_727 = arith.constant 0 : i32
      %dma_start3A_728 = arith.constant 0 : i32
      %dma_start3A_729 = tpu.memref_slice %arg16[%dma_start3A_727, %dma_start3A_728] : memref<2x128xi32, #tpu.memory_space<vmem>> -> memref<1x128xi32, #tpu.memory_space<vmem>>
      %dma_start3A_730 = tpu.memref_squeeze %dma_start3A_729 : memref<1x128xi32, #tpu.memory_space<vmem>> -> memref<128xi32, #tpu.memory_space<vmem>>
      %dma_start3A_731 = arith.constant 0 : i32
      %dma_start3A_732 = arith.constant 0 : i32
      %dma_start3A_733 = tpu.memref_slice %arg7[%dma_start3A_731, %dma_start3A_732] : memref<25088x64xf32, #tpu.memory_space<vmem_shared>> -> memref<25088x64xf32, #tpu.memory_space<vmem_shared>>
      tpu.enqueue_indirect_dma source(%arg14 : memref<128x64xf32, #tpu.memory_space<vmem>>) target(%dma_start3A_733 : memref<25088x64xf32, #tpu.memory_space<vmem_shared>>) offsets(%dma_start3A_730 : memref<128xi32, #tpu.memory_space<vmem>>) semaphore(%arg21 : memref<!tpu.dma_semaphore, #tpu.memory_space<semaphore_mem>>) {add = true}
      %dma_wait3A_734 = arith.constant 0 : i32
      %dma_wait3A_735 = arith.constant 0 : i32
      %dma_wait3A_736 = tpu.memref_slice %arg16[%dma_wait3A_734, %dma_wait3A_735] : memref<2x128xi32, #tpu.memory_space<vmem>> -> memref<1x128xi32, #tpu.memory_space<vmem>>
      %dma_wait3A_737 = tpu.memref_squeeze %dma_wait3A_736 : memref<1x128xi32, #tpu.memory_space<vmem>> -> memref<128xi32, #tpu.memory_space<vmem>>
      %dma_wait3A_738 = arith.constant 0 : i32
      %dma_wait3A_739 = arith.constant 0 : i32
      %dma_wait3A_740 = tpu.memref_slice %arg7[%dma_wait3A_738, %dma_wait3A_739] : memref<25088x64xf32, #tpu.memory_space<vmem_shared>> -> memref<25088x64xf32, #tpu.memory_space<vmem_shared>>
      tpu.wait_indirect_dma semaphore(%arg21 : memref<!tpu.dma_semaphore, #tpu.memory_space<semaphore_mem>>) src(%arg14 : memref<128x64xf32, #tpu.memory_space<vmem>>) dst(%dma_wait3A_740 : memref<25088x64xf32, #tpu.memory_space<vmem_shared>>)
      %dma_start3A_741 = arith.constant 6 : i32
      %dma_start3A_742 = arith.constant 0 : i32
      %dma_start3A_743 = tpu.memref_slice %arg12[%dma_start3A_741, %dma_start3A_742] : memref<8x128xi32, #tpu.memory_space<vmem>> -> memref<1x128xi32, #tpu.memory_space<vmem>>
      %dma_start3A_744 = tpu.memref_squeeze %dma_start3A_743 : memref<1x128xi32, #tpu.memory_space<vmem>> -> memref<128xi32, #tpu.memory_space<vmem>>
      %dma_start3A_745 = arith.constant 0 : i32
      %dma_start3A_746 = arith.constant 0 : i32
      %dma_start3A_747 = tpu.memref_slice %arg2[%dma_start3A_745, %dma_start3A_746] : memref<50176x64xf32, #tpu.memory_space<hbm>> -> memref<50176x64xf32, #tpu.memory_space<hbm>>
      tpu.enqueue_indirect_dma source(%dma_start3A_747 : memref<50176x64xf32, #tpu.memory_space<hbm>>) target(%arg14 : memref<128x64xf32, #tpu.memory_space<vmem>>) offsets(%dma_start3A_744 : memref<128xi32, #tpu.memory_space<vmem>>) semaphore(%arg19 : memref<!tpu.dma_semaphore, #tpu.memory_space<semaphore_mem>>)
      %dma_wait3A_748 = arith.constant 5 : i32
      %dma_wait3A_749 = arith.constant 0 : i32
      %dma_wait3A_750 = tpu.memref_slice %arg12[%dma_wait3A_748, %dma_wait3A_749] : memref<8x128xi32, #tpu.memory_space<vmem>> -> memref<1x128xi32, #tpu.memory_space<vmem>>
      %dma_wait3A_751 = tpu.memref_squeeze %dma_wait3A_750 : memref<1x128xi32, #tpu.memory_space<vmem>> -> memref<128xi32, #tpu.memory_space<vmem>>
      %dma_wait3A_752 = arith.constant 0 : i32
      %dma_wait3A_753 = arith.constant 0 : i32
      %dma_wait3A_754 = tpu.memref_slice %arg2[%dma_wait3A_752, %dma_wait3A_753] : memref<50176x64xf32, #tpu.memory_space<hbm>> -> memref<50176x64xf32, #tpu.memory_space<hbm>>
      tpu.wait_indirect_dma semaphore(%arg20 : memref<!tpu.dma_semaphore, #tpu.memory_space<semaphore_mem>>) src(%dma_wait3A_754 : memref<50176x64xf32, #tpu.memory_space<hbm>>) dst(%arg15 : memref<128x64xf32, #tpu.memory_space<vmem>>)
      %dma_start3A_755 = arith.constant 1 : i32
      %dma_start3A_756 = arith.constant 0 : i32
      %dma_start3A_757 = tpu.memref_slice %arg16[%dma_start3A_755, %dma_start3A_756] : memref<2x128xi32, #tpu.memory_space<vmem>> -> memref<1x128xi32, #tpu.memory_space<vmem>>
      %dma_start3A_758 = tpu.memref_squeeze %dma_start3A_757 : memref<1x128xi32, #tpu.memory_space<vmem>> -> memref<128xi32, #tpu.memory_space<vmem>>
      %dma_start3A_759 = arith.constant 0 : i32
      %dma_start3A_760 = arith.constant 0 : i32
      %dma_start3A_761 = tpu.memref_slice %arg7[%dma_start3A_759, %dma_start3A_760] : memref<25088x64xf32, #tpu.memory_space<vmem_shared>> -> memref<25088x64xf32, #tpu.memory_space<vmem_shared>>
      tpu.enqueue_indirect_dma source(%arg15 : memref<128x64xf32, #tpu.memory_space<vmem>>) target(%dma_start3A_761 : memref<25088x64xf32, #tpu.memory_space<vmem_shared>>) offsets(%dma_start3A_758 : memref<128xi32, #tpu.memory_space<vmem>>) semaphore(%arg22 : memref<!tpu.dma_semaphore, #tpu.memory_space<semaphore_mem>>) {add = true}
      %dma_wait3A_762 = arith.constant 1 : i32
      %dma_wait3A_763 = arith.constant 0 : i32
      %dma_wait3A_764 = tpu.memref_slice %arg16[%dma_wait3A_762, %dma_wait3A_763] : memref<2x128xi32, #tpu.memory_space<vmem>> -> memref<1x128xi32, #tpu.memory_space<vmem>>
      %dma_wait3A_765 = tpu.memref_squeeze %dma_wait3A_764 : memref<1x128xi32, #tpu.memory_space<vmem>> -> memref<128xi32, #tpu.memory_space<vmem>>
      %dma_wait3A_766 = arith.constant 0 : i32
      %dma_wait3A_767 = arith.constant 0 : i32
      %dma_wait3A_768 = tpu.memref_slice %arg7[%dma_wait3A_766, %dma_wait3A_767] : memref<25088x64xf32, #tpu.memory_space<vmem_shared>> -> memref<25088x64xf32, #tpu.memory_space<vmem_shared>>
      tpu.wait_indirect_dma semaphore(%arg22 : memref<!tpu.dma_semaphore, #tpu.memory_space<semaphore_mem>>) src(%arg15 : memref<128x64xf32, #tpu.memory_space<vmem>>) dst(%dma_wait3A_768 : memref<25088x64xf32, #tpu.memory_space<vmem_shared>>)
      %dma_start3A_769 = arith.constant 7 : i32
      %dma_start3A_770 = arith.constant 0 : i32
      %dma_start3A_771 = tpu.memref_slice %arg12[%dma_start3A_769, %dma_start3A_770] : memref<8x128xi32, #tpu.memory_space<vmem>> -> memref<1x128xi32, #tpu.memory_space<vmem>>
      %dma_start3A_772 = tpu.memref_squeeze %dma_start3A_771 : memref<1x128xi32, #tpu.memory_space<vmem>> -> memref<128xi32, #tpu.memory_space<vmem>>
      %dma_start3A_773 = arith.constant 0 : i32
      %dma_start3A_774 = arith.constant 0 : i32
      %dma_start3A_775 = tpu.memref_slice %arg2[%dma_start3A_773, %dma_start3A_774] : memref<50176x64xf32, #tpu.memory_space<hbm>> -> memref<50176x64xf32, #tpu.memory_space<hbm>>
      tpu.enqueue_indirect_dma source(%dma_start3A_775 : memref<50176x64xf32, #tpu.memory_space<hbm>>) target(%arg15 : memref<128x64xf32, #tpu.memory_space<vmem>>) offsets(%dma_start3A_772 : memref<128xi32, #tpu.memory_space<vmem>>) semaphore(%arg20 : memref<!tpu.dma_semaphore, #tpu.memory_space<semaphore_mem>>)
      %dma_wait3A_776 = arith.constant 6 : i32
      %dma_wait3A_777 = arith.constant 0 : i32
      %dma_wait3A_778 = tpu.memref_slice %arg12[%dma_wait3A_776, %dma_wait3A_777] : memref<8x128xi32, #tpu.memory_space<vmem>> -> memref<1x128xi32, #tpu.memory_space<vmem>>
      %dma_wait3A_779 = tpu.memref_squeeze %dma_wait3A_778 : memref<1x128xi32, #tpu.memory_space<vmem>> -> memref<128xi32, #tpu.memory_space<vmem>>
      %dma_wait3A_780 = arith.constant 0 : i32
      %dma_wait3A_781 = arith.constant 0 : i32
      %dma_wait3A_782 = tpu.memref_slice %arg2[%dma_wait3A_780, %dma_wait3A_781] : memref<50176x64xf32, #tpu.memory_space<hbm>> -> memref<50176x64xf32, #tpu.memory_space<hbm>>
      tpu.wait_indirect_dma semaphore(%arg19 : memref<!tpu.dma_semaphore, #tpu.memory_space<semaphore_mem>>) src(%dma_wait3A_782 : memref<50176x64xf32, #tpu.memory_space<hbm>>) dst(%arg14 : memref<128x64xf32, #tpu.memory_space<vmem>>)
      %dma_start3A_783 = arith.constant 0 : i32
      %dma_start3A_784 = arith.constant 0 : i32
      %dma_start3A_785 = tpu.memref_slice %arg16[%dma_start3A_783, %dma_start3A_784] : memref<2x128xi32, #tpu.memory_space<vmem>> -> memref<1x128xi32, #tpu.memory_space<vmem>>
      %dma_start3A_786 = tpu.memref_squeeze %dma_start3A_785 : memref<1x128xi32, #tpu.memory_space<vmem>> -> memref<128xi32, #tpu.memory_space<vmem>>
      %dma_start3A_787 = arith.constant 0 : i32
      %dma_start3A_788 = arith.constant 0 : i32
      %dma_start3A_789 = tpu.memref_slice %arg7[%dma_start3A_787, %dma_start3A_788] : memref<25088x64xf32, #tpu.memory_space<vmem_shared>> -> memref<25088x64xf32, #tpu.memory_space<vmem_shared>>
      tpu.enqueue_indirect_dma source(%arg14 : memref<128x64xf32, #tpu.memory_space<vmem>>) target(%dma_start3A_789 : memref<25088x64xf32, #tpu.memory_space<vmem_shared>>) offsets(%dma_start3A_786 : memref<128xi32, #tpu.memory_space<vmem>>) semaphore(%arg21 : memref<!tpu.dma_semaphore, #tpu.memory_space<semaphore_mem>>) {add = true}
      %dma_wait3A_790 = arith.constant 7 : i32
      %dma_wait3A_791 = arith.constant 0 : i32
      %dma_wait3A_792 = tpu.memref_slice %arg12[%dma_wait3A_790, %dma_wait3A_791] : memref<8x128xi32, #tpu.memory_space<vmem>> -> memref<1x128xi32, #tpu.memory_space<vmem>>
      %dma_wait3A_793 = tpu.memref_squeeze %dma_wait3A_792 : memref<1x128xi32, #tpu.memory_space<vmem>> -> memref<128xi32, #tpu.memory_space<vmem>>
      %dma_wait3A_794 = arith.constant 0 : i32
      %dma_wait3A_795 = arith.constant 0 : i32
      %dma_wait3A_796 = tpu.memref_slice %arg2[%dma_wait3A_794, %dma_wait3A_795] : memref<50176x64xf32, #tpu.memory_space<hbm>> -> memref<50176x64xf32, #tpu.memory_space<hbm>>
      tpu.wait_indirect_dma semaphore(%arg20 : memref<!tpu.dma_semaphore, #tpu.memory_space<semaphore_mem>>) src(%dma_wait3A_796 : memref<50176x64xf32, #tpu.memory_space<hbm>>) dst(%arg15 : memref<128x64xf32, #tpu.memory_space<vmem>>)
      %dma_start3A_797 = arith.constant 1 : i32
      %dma_start3A_798 = arith.constant 0 : i32
      %dma_start3A_799 = tpu.memref_slice %arg16[%dma_start3A_797, %dma_start3A_798] : memref<2x128xi32, #tpu.memory_space<vmem>> -> memref<1x128xi32, #tpu.memory_space<vmem>>
      %dma_start3A_800 = tpu.memref_squeeze %dma_start3A_799 : memref<1x128xi32, #tpu.memory_space<vmem>> -> memref<128xi32, #tpu.memory_space<vmem>>
      %dma_start3A_801 = arith.constant 0 : i32
      %dma_start3A_802 = arith.constant 0 : i32
      %dma_start3A_803 = tpu.memref_slice %arg7[%dma_start3A_801, %dma_start3A_802] : memref<25088x64xf32, #tpu.memory_space<vmem_shared>> -> memref<25088x64xf32, #tpu.memory_space<vmem_shared>>
      tpu.enqueue_indirect_dma source(%arg15 : memref<128x64xf32, #tpu.memory_space<vmem>>) target(%dma_start3A_803 : memref<25088x64xf32, #tpu.memory_space<vmem_shared>>) offsets(%dma_start3A_800 : memref<128xi32, #tpu.memory_space<vmem>>) semaphore(%arg22 : memref<!tpu.dma_semaphore, #tpu.memory_space<semaphore_mem>>) {add = true}
      %add3A_804 = arith.constant 2 : i32
      %add3A_805 = arith.addi %add3A_537, %add3A_804 : i32
      %mul3A_806 = arith.constant 1024 : i32
      %mul3A_807 = arith.muli %add3A_805, %mul3A_806 : i32
      %add3A_808 = arith.addi %mul3A_3, %mul3A_807 : i32
      %jit3A_809 = arith.constant 128 : i32
      %div3A_810 = arith.divsi %add3A_808, %jit3A_809 : i32
      %sign3A_811 = arith.constant 0 : i32
      %sign3A_812 = arith.cmpi sgt, %add3A_808, %sign3A_811 : i32
      %sign3A_813 = arith.extui %sign3A_812 : i1 to i32
      %sign3A_814 = arith.constant 0 : i32
      %sign3A_815 = arith.cmpi slt, %add3A_808, %sign3A_814 : i32
      %sign3A_816 = arith.extui %sign3A_815 : i1 to i32
      %sign3A_817 = arith.subi %sign3A_813, %sign3A_816 : i32
      %sign3A_818 = arith.constant 0 : i32
      %sign3A_819 = arith.cmpi sgt, %jit3A_809, %sign3A_818 : i32
      %sign3A_820 = arith.extui %sign3A_819 : i1 to i32
      %sign3A_821 = arith.constant 0 : i32
      %sign3A_822 = arith.cmpi slt, %jit3A_809, %sign3A_821 : i32
      %sign3A_823 = arith.extui %sign3A_822 : i1 to i32
      %sign3A_824 = arith.subi %sign3A_820, %sign3A_823 : i32
      %ne3A_825 = arith.cmpi ne, %sign3A_817, %sign3A_824 : i32
      %rem3A_826 = arith.remsi %add3A_808, %jit3A_809 : i32
      %ne3A_827 = arith.constant 0 : i32
      %ne3A_828 = arith.cmpi ne, %rem3A_826, %ne3A_827 : i32
      %and3A_829 = arith.andi %ne3A_825, %ne3A_828 : i1
      %sub3A_830 = arith.constant 1 : i32
      %sub3A_831 = arith.subi %div3A_810, %sub3A_830 : i32
      %select_n3A_832 = arith.select %and3A_829, %sub3A_831, %div3A_810 : i32
      %multiple_of3A_833 = tpu.assume_multiple %select_n3A_832, 8 : i32
      %mul3A_834 = arith.constant 1024 : i32
      %mul3A_835 = arith.muli %add3A_805, %mul3A_834 : i32
      %add3A_836 = arith.addi %mul3A_3, %mul3A_835 : i32
      %multiple_of3A_837 = tpu.assume_multiple %add3A_836, 1024 : i32
      %dma_start3A_838 = arith.constant 0 : i32
      %dma_start3A_839 = tpu.memref_slice %arg3[%multiple_of3A_833, %dma_start3A_838] : memref<6416x128xi32, #tpu.memory_space<hbm>> -> memref<8x128xi32, #tpu.memory_space<hbm>>
      %dma_start3A_840 = arith.constant 0 : i32
      %dma_start3A_841 = tpu.memref_slice %arg3[%multiple_of3A_833, %dma_start3A_840] : memref<6416x128xi32, #tpu.memory_space<hbm>> -> memref<8x128xi32, #tpu.memory_space<hbm>>
      tpu.enqueue_dma source(%dma_start3A_841 : memref<8x128xi32, #tpu.memory_space<hbm>>) target(%arg11 : memref<8x128xi32, #tpu.memory_space<vmem>>) target_semaphore(%arg18 : memref<!tpu.dma_semaphore, #tpu.memory_space<semaphore_mem>>)
      %dma_start3A_842 = arith.constant 0 : i32
      %dma_start3A_843 = tpu.memref_slice %arg4[%multiple_of3A_833, %dma_start3A_842] : memref<6416x128xi32, #tpu.memory_space<hbm>> -> memref<8x128xi32, #tpu.memory_space<hbm>>
      %dma_start3A_844 = arith.constant 0 : i32
      %dma_start3A_845 = tpu.memref_slice %arg4[%multiple_of3A_833, %dma_start3A_844] : memref<6416x128xi32, #tpu.memory_space<hbm>> -> memref<8x128xi32, #tpu.memory_space<hbm>>
      tpu.enqueue_dma source(%dma_start3A_845 : memref<8x128xi32, #tpu.memory_space<hbm>>) target(%arg12 : memref<8x128xi32, #tpu.memory_space<vmem>>) target_semaphore(%arg18 : memref<!tpu.dma_semaphore, #tpu.memory_space<semaphore_mem>>)
      %dma_start3A_846 = tpu.memref_slice %arg5[%multiple_of3A_837] : memref<821248xf32, #tpu.memory_space<hbm>> -> memref<1024xf32, #tpu.memory_space<hbm>>
      %dma_start3A_847 = tpu.memref_slice %arg5[%multiple_of3A_837] : memref<821248xf32, #tpu.memory_space<hbm>> -> memref<1024xf32, #tpu.memory_space<hbm>>
      tpu.enqueue_dma source(%dma_start3A_847 : memref<1024xf32, #tpu.memory_space<hbm>>) target(%arg13 : memref<1024xf32, #tpu.memory_space<vmem>>) target_semaphore(%arg18 : memref<!tpu.dma_semaphore, #tpu.memory_space<semaphore_mem>>)
      %dma_wait3A_848 = arith.constant 0 : i32
      %dma_wait3A_849 = arith.constant 0 : i32
      %dma_wait3A_850 = tpu.memref_slice %arg16[%dma_wait3A_848, %dma_wait3A_849] : memref<2x128xi32, #tpu.memory_space<vmem>> -> memref<1x128xi32, #tpu.memory_space<vmem>>
      %dma_wait3A_851 = tpu.memref_squeeze %dma_wait3A_850 : memref<1x128xi32, #tpu.memory_space<vmem>> -> memref<128xi32, #tpu.memory_space<vmem>>
      %dma_wait3A_852 = arith.constant 0 : i32
      %dma_wait3A_853 = arith.constant 0 : i32
      %dma_wait3A_854 = tpu.memref_slice %arg7[%dma_wait3A_852, %dma_wait3A_853] : memref<25088x64xf32, #tpu.memory_space<vmem_shared>> -> memref<25088x64xf32, #tpu.memory_space<vmem_shared>>
      tpu.wait_indirect_dma semaphore(%arg21 : memref<!tpu.dma_semaphore, #tpu.memory_space<semaphore_mem>>) src(%arg14 : memref<128x64xf32, #tpu.memory_space<vmem>>) dst(%dma_wait3A_854 : memref<25088x64xf32, #tpu.memory_space<vmem_shared>>)
      %dma_wait3A_855 = arith.constant 1 : i32
      %dma_wait3A_856 = arith.constant 0 : i32
      %dma_wait3A_857 = tpu.memref_slice %arg16[%dma_wait3A_855, %dma_wait3A_856] : memref<2x128xi32, #tpu.memory_space<vmem>> -> memref<1x128xi32, #tpu.memory_space<vmem>>
      %dma_wait3A_858 = tpu.memref_squeeze %dma_wait3A_857 : memref<1x128xi32, #tpu.memory_space<vmem>> -> memref<128xi32, #tpu.memory_space<vmem>>
      %dma_wait3A_859 = arith.constant 0 : i32
      %dma_wait3A_860 = arith.constant 0 : i32
      %dma_wait3A_861 = tpu.memref_slice %arg7[%dma_wait3A_859, %dma_wait3A_860] : memref<25088x64xf32, #tpu.memory_space<vmem_shared>> -> memref<25088x64xf32, #tpu.memory_space<vmem_shared>>
      tpu.wait_indirect_dma semaphore(%arg22 : memref<!tpu.dma_semaphore, #tpu.memory_space<semaphore_mem>>) src(%arg15 : memref<128x64xf32, #tpu.memory_space<vmem>>) dst(%dma_wait3A_861 : memref<25088x64xf32, #tpu.memory_space<vmem_shared>>)
    }
    %scan3A_147 = arith.constant 25 : i32
    %add3A_148 = arith.constant 51200 : i32
    %add3A_149 = arith.addi %mul3A_3, %add3A_148 : i32
    %jit3A_150 = arith.constant 128 : i32
    %div3A_151 = arith.divsi %add3A_149, %jit3A_150 : i32
    %sign3A_152 = arith.constant 0 : i32
    %sign3A_153 = arith.cmpi sgt, %add3A_149, %sign3A_152 : i32
    %sign3A_154 = arith.extui %sign3A_153 : i1 to i32
    %sign3A_155 = arith.constant 0 : i32
    %sign3A_156 = arith.cmpi slt, %add3A_149, %sign3A_155 : i32
    %sign3A_157 = arith.extui %sign3A_156 : i1 to i32
    %sign3A_158 = arith.subi %sign3A_154, %sign3A_157 : i32
    %sign3A_159 = arith.constant 0 : i32
    %sign3A_160 = arith.cmpi sgt, %jit3A_150, %sign3A_159 : i32
    %sign3A_161 = arith.extui %sign3A_160 : i1 to i32
    %sign3A_162 = arith.constant 0 : i32
    %sign3A_163 = arith.cmpi slt, %jit3A_150, %sign3A_162 : i32
    %sign3A_164 = arith.extui %sign3A_163 : i1 to i32
    %sign3A_165 = arith.subi %sign3A_161, %sign3A_164 : i32
    %ne3A_166 = arith.cmpi ne, %sign3A_158, %sign3A_165 : i32
    %rem3A_167 = arith.remsi %add3A_149, %jit3A_150 : i32
    %ne3A_168 = arith.constant 0 : i32
    %ne3A_169 = arith.cmpi ne, %rem3A_167, %ne3A_168 : i32
    %and3A_170 = arith.andi %ne3A_166, %ne3A_169 : i1
    %sub3A_171 = arith.constant 1 : i32
    %sub3A_172 = arith.subi %div3A_151, %sub3A_171 : i32
    %select_n3A_173 = arith.select %and3A_170, %sub3A_172, %div3A_151 : i32
    %multiple_of3A_174 = tpu.assume_multiple %select_n3A_173, 8 : i32
    %add3A_175 = arith.constant 51200 : i32
    %add3A_176 = arith.addi %mul3A_3, %add3A_175 : i32
    %multiple_of3A_177 = tpu.assume_multiple %add3A_176, 1024 : i32
    %dma_wait3A = arith.constant 0 : i32
    %dma_wait3A_178 = tpu.memref_slice %arg3[%multiple_of3A_174, %dma_wait3A] : memref<6416x128xi32, #tpu.memory_space<hbm>> -> memref<8x128xi32, #tpu.memory_space<hbm>>
    %dma_wait3A_179 = arith.constant 0 : i32
    %dma_wait3A_180 = tpu.memref_slice %arg3[%multiple_of3A_174, %dma_wait3A_179] : memref<6416x128xi32, #tpu.memory_space<hbm>> -> memref<8x128xi32, #tpu.memory_space<hbm>>
    tpu.wait_dma2 semaphore(%arg17 : memref<!tpu.dma_semaphore, #tpu.memory_space<semaphore_mem>>) src(%dma_wait3A_180 : memref<8x128xi32, #tpu.memory_space<hbm>>) dst(%arg8 : memref<8x128xi32, #tpu.memory_space<vmem>>)
    %dma_wait3A_181 = arith.constant 0 : i32
    %dma_wait3A_182 = tpu.memref_slice %arg4[%multiple_of3A_174, %dma_wait3A_181] : memref<6416x128xi32, #tpu.memory_space<hbm>> -> memref<8x128xi32, #tpu.memory_space<hbm>>
    %dma_wait3A_183 = arith.constant 0 : i32
    %dma_wait3A_184 = tpu.memref_slice %arg4[%multiple_of3A_174, %dma_wait3A_183] : memref<6416x128xi32, #tpu.memory_space<hbm>> -> memref<8x128xi32, #tpu.memory_space<hbm>>
    tpu.wait_dma2 semaphore(%arg17 : memref<!tpu.dma_semaphore, #tpu.memory_space<semaphore_mem>>) src(%dma_wait3A_184 : memref<8x128xi32, #tpu.memory_space<hbm>>) dst(%arg9 : memref<8x128xi32, #tpu.memory_space<vmem>>)
    %dma_wait3A_185 = tpu.memref_slice %arg5[%multiple_of3A_177] : memref<821248xf32, #tpu.memory_space<hbm>> -> memref<1024xf32, #tpu.memory_space<hbm>>
    %dma_wait3A_186 = tpu.memref_slice %arg5[%multiple_of3A_177] : memref<821248xf32, #tpu.memory_space<hbm>> -> memref<1024xf32, #tpu.memory_space<hbm>>
    tpu.wait_dma2 semaphore(%arg17 : memref<!tpu.dma_semaphore, #tpu.memory_space<semaphore_mem>>) src(%dma_wait3A_186 : memref<1024xf32, #tpu.memory_space<hbm>>) dst(%arg10 : memref<1024xf32, #tpu.memory_space<vmem>>)
    %add3A_187 = arith.constant 52224 : i32
    %add3A_188 = arith.addi %mul3A_3, %add3A_187 : i32
    %jit3A_189 = arith.constant 128 : i32
    %div3A_190 = arith.divsi %add3A_188, %jit3A_189 : i32
    %sign3A_191 = arith.constant 0 : i32
    %sign3A_192 = arith.cmpi sgt, %add3A_188, %sign3A_191 : i32
    %sign3A_193 = arith.extui %sign3A_192 : i1 to i32
    %sign3A_194 = arith.constant 0 : i32
    %sign3A_195 = arith.cmpi slt, %add3A_188, %sign3A_194 : i32
    %sign3A_196 = arith.extui %sign3A_195 : i1 to i32
    %sign3A_197 = arith.subi %sign3A_193, %sign3A_196 : i32
    %sign3A_198 = arith.constant 0 : i32
    %sign3A_199 = arith.cmpi sgt, %jit3A_189, %sign3A_198 : i32
    %sign3A_200 = arith.extui %sign3A_199 : i1 to i32
    %sign3A_201 = arith.constant 0 : i32
    %sign3A_202 = arith.cmpi slt, %jit3A_189, %sign3A_201 : i32
    %sign3A_203 = arith.extui %sign3A_202 : i1 to i32
    %sign3A_204 = arith.subi %sign3A_200, %sign3A_203 : i32
    %ne3A_205 = arith.cmpi ne, %sign3A_197, %sign3A_204 : i32
    %rem3A_206 = arith.remsi %add3A_188, %jit3A_189 : i32
    %ne3A_207 = arith.constant 0 : i32
    %ne3A_208 = arith.cmpi ne, %rem3A_206, %ne3A_207 : i32
    %and3A_209 = arith.andi %ne3A_205, %ne3A_208 : i1
    %sub3A_210 = arith.constant 1 : i32
    %sub3A_211 = arith.subi %div3A_190, %sub3A_210 : i32
    %select_n3A_212 = arith.select %and3A_209, %sub3A_211, %div3A_190 : i32
    %multiple_of3A_213 = tpu.assume_multiple %select_n3A_212, 8 : i32
    %add3A_214 = arith.constant 52224 : i32
    %add3A_215 = arith.addi %mul3A_3, %add3A_214 : i32
    %multiple_of3A_216 = tpu.assume_multiple %add3A_215, 1024 : i32
    %dma_wait3A_217 = arith.constant 0 : i32
    %dma_wait3A_218 = tpu.memref_slice %arg3[%multiple_of3A_213, %dma_wait3A_217] : memref<6416x128xi32, #tpu.memory_space<hbm>> -> memref<8x128xi32, #tpu.memory_space<hbm>>
    %dma_wait3A_219 = arith.constant 0 : i32
    %dma_wait3A_220 = tpu.memref_slice %arg3[%multiple_of3A_213, %dma_wait3A_219] : memref<6416x128xi32, #tpu.memory_space<hbm>> -> memref<8x128xi32, #tpu.memory_space<hbm>>
    tpu.wait_dma2 semaphore(%arg18 : memref<!tpu.dma_semaphore, #tpu.memory_space<semaphore_mem>>) src(%dma_wait3A_220 : memref<8x128xi32, #tpu.memory_space<hbm>>) dst(%arg11 : memref<8x128xi32, #tpu.memory_space<vmem>>)
    %dma_wait3A_221 = arith.constant 0 : i32
    %dma_wait3A_222 = tpu.memref_slice %arg4[%multiple_of3A_213, %dma_wait3A_221] : memref<6416x128xi32, #tpu.memory_space<hbm>> -> memref<8x128xi32, #tpu.memory_space<hbm>>
    %dma_wait3A_223 = arith.constant 0 : i32
    %dma_wait3A_224 = tpu.memref_slice %arg4[%multiple_of3A_213, %dma_wait3A_223] : memref<6416x128xi32, #tpu.memory_space<hbm>> -> memref<8x128xi32, #tpu.memory_space<hbm>>
    tpu.wait_dma2 semaphore(%arg18 : memref<!tpu.dma_semaphore, #tpu.memory_space<semaphore_mem>>) src(%dma_wait3A_224 : memref<8x128xi32, #tpu.memory_space<hbm>>) dst(%arg12 : memref<8x128xi32, #tpu.memory_space<vmem>>)
    %dma_wait3A_225 = tpu.memref_slice %arg5[%multiple_of3A_216] : memref<821248xf32, #tpu.memory_space<hbm>> -> memref<1024xf32, #tpu.memory_space<hbm>>
    %dma_wait3A_226 = tpu.memref_slice %arg5[%multiple_of3A_216] : memref<821248xf32, #tpu.memory_space<hbm>> -> memref<1024xf32, #tpu.memory_space<hbm>>
    tpu.wait_dma2 semaphore(%arg18 : memref<!tpu.dma_semaphore, #tpu.memory_space<semaphore_mem>>) src(%dma_wait3A_226 : memref<1024xf32, #tpu.memory_space<hbm>>) dst(%arg13 : memref<1024xf32, #tpu.memory_space<vmem>>)
    %barrier3A_227 = arith.constant 0 : index
    tpu.barrier barrier_id(%barrier3A_227)
    %mul3A_228 = arith.constant 1568 : i32
    %mul3A_229 = arith.muli %arg1, %mul3A_228 : i32
    %mul3A_230 = arith.constant 25088 : i32
    %mul3A_231 = arith.muli %arg0, %mul3A_230 : i32
    %mul3A_232 = arith.constant 1568 : i32
    %mul3A_233 = arith.muli %arg1, %mul3A_232 : i32
    %add3A_234 = arith.addi %mul3A_231, %mul3A_233 : i32
    "tpu.region"() ({
      %run_scoped3A = tpu.sem_alloc : memref<!tpu.dma_semaphore, #tpu.memory_space<semaphore_mem>>
      %dma_start3A_235 = arith.constant 0 : i32
      %dma_start3A_236 = tpu.memref_slice %arg6[%add3A_234, %dma_start3A_235] : memref<50176x64xf32, #tpu.memory_space<hbm>> -> memref<1568x64xf32, #tpu.memory_space<hbm>>
      %dma_start3A_237 = arith.constant 0 : i32
      %dma_start3A_238 = tpu.memref_slice %arg7[%mul3A_229, %dma_start3A_237] : memref<25088x64xf32, #tpu.memory_space<vmem_shared>> -> memref<1568x64xf32, #tpu.memory_space<vmem_shared>>
      tpu.enqueue_dma source(%dma_start3A_238 : memref<1568x64xf32, #tpu.memory_space<vmem_shared>>) target(%dma_start3A_236 : memref<1568x64xf32, #tpu.memory_space<hbm>>) target_semaphore(%run_scoped3A : memref<!tpu.dma_semaphore, #tpu.memory_space<semaphore_mem>>)
      %dma_wait3A_239 = arith.constant 0 : i32
      %dma_wait3A_240 = tpu.memref_slice %arg6[%add3A_234, %dma_wait3A_239] : memref<50176x64xf32, #tpu.memory_space<hbm>> -> memref<1568x64xf32, #tpu.memory_space<hbm>>
      %dma_wait3A_241 = arith.constant 0 : i32
      %dma_wait3A_242 = tpu.memref_slice %arg7[%mul3A_229, %dma_wait3A_241] : memref<25088x64xf32, #tpu.memory_space<vmem_shared>> -> memref<1568x64xf32, #tpu.memory_space<vmem_shared>>
      tpu.wait_dma2 semaphore(%run_scoped3A : memref<!tpu.dma_semaphore, #tpu.memory_space<semaphore_mem>>) src(%dma_wait3A_242 : memref<1568x64xf32, #tpu.memory_space<vmem_shared>>) dst(%dma_wait3A_240 : memref<1568x64xf32, #tpu.memory_space<hbm>>)
      tpu.yield
    }) : () -> ()
    return
  }
}

module attributes {stable_mosaic.version = 14 : i64} {
  func.func @_user_stats_body(%arg0: i32, %arg1: memref<1000x128xf32, #tpu.memory_space<vmem>>, %arg2: memref<1000x64xf32, #tpu.memory_space<vmem>>, %arg3: memref<128x64xf32, #tpu.memory_space<vmem>>, %arg4: memref<1x64xf32, #tpu.memory_space<vmem>>, %arg5: memref<1x64xf32, #tpu.memory_space<vmem>>, %arg6: memref<1x64xf32, #tpu.memory_space<vmem>>, %arg7: memref<1x64xf32, #tpu.memory_space<vmem>>, %arg8: memref<1x64xf32, #tpu.memory_space<vmem>>) attributes {dimension_semantics = [#tpu.dimension_semantics<arbitrary>], iteration_bounds = array<i64: 25>, scalar_prefetch = 0 : i64, scratch_operands = 0 : i64, tpu.core_type = #tpu.core_type<tc>, window_params = [{transform_indices = @transform_0, window_bounds = array<i64: 1000, 128>}, {transform_indices = @transform_1, window_bounds = array<i64: 1000, 64>}, {pipeline_mode = #tpu.pipeline_mode<synchronous>, transform_indices = @transform_2, window_bounds = array<i64: 128, 64>}, {pipeline_mode = #tpu.pipeline_mode<synchronous>, transform_indices = @transform_3, window_bounds = array<i64: 1, 64>}, {pipeline_mode = #tpu.pipeline_mode<synchronous>, transform_indices = @transform_4, window_bounds = array<i64: 1, 64>}, {pipeline_mode = #tpu.pipeline_mode<synchronous>, transform_indices = @transform_5, window_bounds = array<i64: 1, 64>}, {pipeline_mode = #tpu.pipeline_mode<synchronous>, transform_indices = @transform_6, window_bounds = array<i64: 1, 64>}, {pipeline_mode = #tpu.pipeline_mode<synchronous>, transform_indices = @transform_7, window_bounds = array<i64: 1, 64>}]} {
    %get3A = arith.constant 0 : index
    %get3A_0 = arith.constant 0 : index
    %get3A_1 = vector.load %arg1[%get3A, %get3A_0] : memref<1000x128xf32, #tpu.memory_space<vmem>>, vector<1000x128xf32>
    %get3A_2 = arith.constant 0 : index
    %get3A_3 = arith.constant 0 : index
    %get3A_4 = vector.load %arg3[%get3A_2, %get3A_3] : memref<128x64xf32, #tpu.memory_space<vmem>>, vector<128x64xf32>
    %dot_general3A = arith.constant dense<0.000000e+00> : vector<1000x64xf32>
    %dot_general3A_5 = tpu.matmul %get3A_1, %get3A_4, %dot_general3A {dimension_numbers = #tpu.dot_dimension_numbers<[1], [0], [0], [1], [0, 0, 1, 1], [], []>, transpose_lhs_hint = false} : vector<1000x128xf32>, vector<128x64xf32>, vector<1000x64xf32> -> vector<1000x64xf32>
    %get3A_6 = arith.constant 0 : index
    %get3A_7 = arith.constant 0 : index
    %get3A_8 = vector.load %arg4[%get3A_6, %get3A_7] : memref<1x64xf32, #tpu.memory_space<vmem>>, vector<1x64xf32>
    %add3A = vector.broadcast %get3A_8 : vector<1x64xf32> to vector<1000x64xf32>
    %add3A_9 = arith.addf %dot_general3A_5, %add3A : vector<1000x64xf32>
    %get3A_10 = arith.constant 0 : index
    %get3A_11 = arith.constant 0 : index
    %get3A_12 = vector.load %arg5[%get3A_10, %get3A_11] : memref<1x64xf32, #tpu.memory_space<vmem>>, vector<1x64xf32>
    %get3A_13 = arith.constant 0 : index
    %get3A_14 = arith.constant 0 : index
    %get3A_15 = vector.load %arg6[%get3A_13, %get3A_14] : memref<1x64xf32, #tpu.memory_space<vmem>>, vector<1x64xf32>
    %reduce_sum3A = arith.constant dense<0.000000e+00> : vector<1000xf32>
    %reduce_sum3A_16 = vector.multi_reduction <add>, %add3A_9, %reduce_sum3A [1] : vector<1000x64xf32> to vector<1000xf32>
    %broadcast_in_dim3A = vector.shape_cast %reduce_sum3A_16 : vector<1000xf32> to vector<1000x1xf32>
    %div3A = arith.constant 6.400000e+01 : f32
    %div3A_17 = vector.broadcast %div3A : f32 to vector<1000x1xf32>
    %div3A_18 = arith.divf %broadcast_in_dim3A, %div3A_17 : vector<1000x1xf32>
    %sub3A = vector.broadcast %div3A_18 : vector<1000x1xf32> to vector<1000x64xf32>
    %sub3A_19 = arith.subf %add3A_9, %sub3A : vector<1000x64xf32>
    %integer_pow3A = arith.mulf %sub3A_19, %sub3A_19 : vector<1000x64xf32>
    %reduce_sum3A_20 = arith.constant dense<0.000000e+00> : vector<1000xf32>
    %reduce_sum3A_21 = vector.multi_reduction <add>, %integer_pow3A, %reduce_sum3A_20 [1] : vector<1000x64xf32> to vector<1000xf32>
    %broadcast_in_dim3A_22 = vector.shape_cast %reduce_sum3A_21 : vector<1000xf32> to vector<1000x1xf32>
    %div3A_23 = arith.constant 6.400000e+01 : f32
    %div3A_24 = vector.broadcast %div3A_23 : f32 to vector<1000x1xf32>
    %div3A_25 = arith.divf %broadcast_in_dim3A_22, %div3A_24 : vector<1000x1xf32>
    %sub3A_26 = vector.broadcast %div3A_18 : vector<1000x1xf32> to vector<1000x64xf32>
    %sub3A_27 = arith.subf %add3A_9, %sub3A_26 : vector<1000x64xf32>
    %add3A_28 = arith.constant 9.99999974E-6 : f32
    %add3A_29 = vector.broadcast %add3A_28 : f32 to vector<1000x1xf32>
    %add3A_30 = arith.addf %div3A_25, %add3A_29 : vector<1000x1xf32>
    %rsqrt3A = math.rsqrt %add3A_30 : vector<1000x1xf32>
    %mul3A = vector.broadcast %rsqrt3A : vector<1000x1xf32> to vector<1000x64xf32>
    %mul3A_31 = arith.mulf %sub3A_27, %mul3A : vector<1000x64xf32>
    %mul3A_32 = vector.broadcast %get3A_12 : vector<1x64xf32> to vector<1000x64xf32>
    %mul3A_33 = arith.mulf %mul3A_31, %mul3A_32 : vector<1000x64xf32>
    %add3A_34 = vector.broadcast %get3A_15 : vector<1x64xf32> to vector<1000x64xf32>
    %add3A_35 = arith.addf %mul3A_33, %add3A_34 : vector<1000x64xf32>
    %ge3A = arith.constant 0.000000e+00 : f32
    %ge3A_36 = vector.broadcast %ge3A : f32 to vector<1000x64xf32>
    %ge3A_37 = arith.cmpf oge, %add3A_35, %ge3A_36 : vector<1000x64xf32>
    %mul3A_38 = arith.constant 2.000000e-01 : f32
    %mul3A_39 = vector.broadcast %mul3A_38 : f32 to vector<1000x64xf32>
    %mul3A_40 = arith.mulf %mul3A_39, %add3A_35 : vector<1000x64xf32>
    %select_n3A = arith.select %ge3A_37, %add3A_35, %mul3A_40 : vector<1000x64xi1>, vector<1000x64xf32>
    %eq3A = arith.constant 0 : i32
    %eq3A_41 = arith.cmpi eq, %arg0, %eq3A : i32
    %convert_element_type3A = arith.extui %eq3A_41 : i1 to i32
    %cond3A = arith.constant 0 : i32
    %cond3A_42 = arith.cmpi ne, %convert_element_type3A, %cond3A : i32
    scf.if %cond3A_42 {
      %broadcast_in_dim3A_65 = arith.constant 0.000000e+00 : f32
      %broadcast_in_dim3A_66 = vector.broadcast %broadcast_in_dim3A_65 : f32 to vector<1x64xf32>
      %swap3A_67 = arith.constant 0 : index
      %swap3A_68 = arith.constant 0 : index
      %swap3A_69 = vector.load %arg7[%swap3A_67, %swap3A_68] : memref<1x64xf32, #tpu.memory_space<vmem>>, vector<1x64xf32>
      tpu.vector_store %arg7[%swap3A_67, %swap3A_68], %broadcast_in_dim3A_66 {strides = array<i32>} : memref<1x64xf32, #tpu.memory_space<vmem>>, vector<1x64xf32>,
      %broadcast_in_dim3A_70 = arith.constant 0.000000e+00 : f32
      %broadcast_in_dim3A_71 = vector.broadcast %broadcast_in_dim3A_70 : f32 to vector<1x64xf32>
      %swap3A_72 = arith.constant 0 : index
      %swap3A_73 = arith.constant 0 : index
      %swap3A_74 = vector.load %arg8[%swap3A_72, %swap3A_73] : memref<1x64xf32, #tpu.memory_space<vmem>>, vector<1x64xf32>
      tpu.vector_store %arg8[%swap3A_72, %swap3A_73], %broadcast_in_dim3A_71 {strides = array<i32>} : memref<1x64xf32, #tpu.memory_space<vmem>>, vector<1x64xf32>,
    } else {
    }
    %get3A_43 = arith.constant 0 : index
    %get3A_44 = arith.constant 0 : index
    %get3A_45 = vector.load %arg7[%get3A_43, %get3A_44] : memref<1x64xf32, #tpu.memory_space<vmem>>, vector<1x64xf32>
    %reduce_sum3A_46 = arith.constant dense<0.000000e+00> : vector<64xf32>
    %reduce_sum3A_47 = vector.multi_reduction <add>, %select_n3A, %reduce_sum3A_46 [0] : vector<1000x64xf32> to vector<64xf32>
    %broadcast_in_dim3A_48 = vector.shape_cast %reduce_sum3A_47 : vector<64xf32> to vector<1x64xf32>
    %add3A_49 = arith.addf %get3A_45, %broadcast_in_dim3A_48 : vector<1x64xf32>
    %swap3A = arith.constant 0 : index
    %swap3A_50 = arith.constant 0 : index
    %swap3A_51 = vector.load %arg7[%swap3A, %swap3A_50] : memref<1x64xf32, #tpu.memory_space<vmem>>, vector<1x64xf32>
    tpu.vector_store %arg7[%swap3A, %swap3A_50], %add3A_49 {strides = array<i32>} : memref<1x64xf32, #tpu.memory_space<vmem>>, vector<1x64xf32>,
    %get3A_52 = arith.constant 0 : index
    %get3A_53 = arith.constant 0 : index
    %get3A_54 = vector.load %arg8[%get3A_52, %get3A_53] : memref<1x64xf32, #tpu.memory_space<vmem>>, vector<1x64xf32>
    %get3A_55 = arith.constant 0 : index
    %get3A_56 = arith.constant 0 : index
    %get3A_57 = vector.load %arg2[%get3A_55, %get3A_56] : memref<1000x64xf32, #tpu.memory_space<vmem>>, vector<1000x64xf32>
    %reduce_sum3A_58 = arith.constant dense<0.000000e+00> : vector<64xf32>
    %reduce_sum3A_59 = vector.multi_reduction <add>, %get3A_57, %reduce_sum3A_58 [0] : vector<1000x64xf32> to vector<64xf32>
    %broadcast_in_dim3A_60 = vector.shape_cast %reduce_sum3A_59 : vector<64xf32> to vector<1x64xf32>
    %add3A_61 = arith.addf %get3A_54, %broadcast_in_dim3A_60 : vector<1x64xf32>
    %swap3A_62 = arith.constant 0 : index
    %swap3A_63 = arith.constant 0 : index
    %swap3A_64 = vector.load %arg8[%swap3A_62, %swap3A_63] : memref<1x64xf32, #tpu.memory_space<vmem>>, vector<1x64xf32>
    tpu.vector_store %arg8[%swap3A_62, %swap3A_63], %add3A_61 {strides = array<i32>} : memref<1x64xf32, #tpu.memory_space<vmem>>, vector<1x64xf32>,
    return
  }
  func.func @transform_0(%arg0: i32) -> (i32, i32) {
    %c0_i32 = arith.constant 0 : i32
    %c0_i32_0 = arith.constant 0 : i32
    return %arg0, %c0_i32 : i32, i32
  }
  func.func @transform_1(%arg0: i32) -> (i32, i32) {
    %c0_i32 = arith.constant 0 : i32
    %c0_i32_0 = arith.constant 0 : i32
    return %arg0, %c0_i32 : i32, i32
  }
  func.func @transform_2(%arg0: i32) -> (i32, i32) {
    %c0_i32 = arith.constant 0 : i32
    %c0_i32_0 = arith.constant 0 : i32
    %c0_i32_1 = arith.constant 0 : i32
    return %c0_i32, %c0_i32_0 : i32, i32
  }
  func.func @transform_3(%arg0: i32) -> (i32, i32) {
    %c0_i32 = arith.constant 0 : i32
    %c0_i32_0 = arith.constant 0 : i32
    %c0_i32_1 = arith.constant 0 : i32
    return %c0_i32, %c0_i32_0 : i32, i32
  }
  func.func @transform_4(%arg0: i32) -> (i32, i32) {
    %c0_i32 = arith.constant 0 : i32
    %c0_i32_0 = arith.constant 0 : i32
    %c0_i32_1 = arith.constant 0 : i32
    return %c0_i32, %c0_i32_0 : i32, i32
  }
  func.func @transform_5(%arg0: i32) -> (i32, i32) {
    %c0_i32 = arith.constant 0 : i32
    %c0_i32_0 = arith.constant 0 : i32
    %c0_i32_1 = arith.constant 0 : i32
    return %c0_i32, %c0_i32_0 : i32, i32
  }
  func.func @transform_6(%arg0: i32) -> (i32, i32) {
    %c0_i32 = arith.constant 0 : i32
    %c0_i32_0 = arith.constant 0 : i32
    %c0_i32_1 = arith.constant 0 : i32
    return %c0_i32, %c0_i32_0 : i32, i32
  }
  func.func @transform_7(%arg0: i32) -> (i32, i32) {
    %c0_i32 = arith.constant 0 : i32
    %c0_i32_0 = arith.constant 0 : i32
    %c0_i32_1 = arith.constant 0 : i32
    return %c0_i32, %c0_i32_0 : i32, i32
  }
}

module attributes {stable_mosaic.version = 14 : i64} {
  func.func @_item_fuse_body(%arg0: i32, %arg1: memref<1000x512xf32, #tpu.memory_space<vmem>>, %arg2: memref<1000x384xf32, #tpu.memory_space<vmem>>, %arg3: memref<1000x64xf32, #tpu.memory_space<vmem>>, %arg4: memref<512x64xf32, #tpu.memory_space<vmem>>, %arg5: memref<1x64xf32, #tpu.memory_space<vmem>>, %arg6: memref<1x64xf32, #tpu.memory_space<vmem>>, %arg7: memref<1x64xf32, #tpu.memory_space<vmem>>, %arg8: memref<384x64xf32, #tpu.memory_space<vmem>>, %arg9: memref<1x64xf32, #tpu.memory_space<vmem>>, %arg10: memref<1x64xf32, #tpu.memory_space<vmem>>, %arg11: memref<1x64xf32, #tpu.memory_space<vmem>>, %arg12: memref<64x64xf32, #tpu.memory_space<vmem>>, %arg13: memref<64x64xf32, #tpu.memory_space<vmem>>, %arg14: memref<1x64xf32, #tpu.memory_space<vmem>>, %arg15: memref<64x128xf32, #tpu.memory_space<vmem>>, %arg16: memref<1x128xf32, #tpu.memory_space<vmem>>, %arg17: memref<1x64xf32, #tpu.memory_space<vmem>>, %arg18: memref<1x64xf32, #tpu.memory_space<vmem>>, %arg19: memref<1000x64xf32, #tpu.memory_space<vmem>>) attributes {dimension_semantics = [#tpu.dimension_semantics<arbitrary>], iteration_bounds = array<i64: 25>, scalar_prefetch = 0 : i64, scratch_operands = 0 : i64, tpu.core_type = #tpu.core_type<tc>, window_params = [{transform_indices = @transform_0, window_bounds = array<i64: 1000, 512>}, {transform_indices = @transform_1, window_bounds = array<i64: 1000, 384>}, {transform_indices = @transform_2, window_bounds = array<i64: 1000, 64>}, {pipeline_mode = #tpu.pipeline_mode<synchronous>, transform_indices = @transform_3, window_bounds = array<i64: 512, 64>}, {pipeline_mode = #tpu.pipeline_mode<synchronous>, transform_indices = @transform_4, window_bounds = array<i64: 1, 64>}, {pipeline_mode = #tpu.pipeline_mode<synchronous>, transform_indices = @transform_5, window_bounds = array<i64: 1, 64>}, {pipeline_mode = #tpu.pipeline_mode<synchronous>, transform_indices = @transform_6, window_bounds = array<i64: 1, 64>}, {pipeline_mode = #tpu.pipeline_mode<synchronous>, transform_indices = @transform_7, window_bounds = array<i64: 384, 64>}, {pipeline_mode = #tpu.pipeline_mode<synchronous>, transform_indices = @transform_8, window_bounds = array<i64: 1, 64>}, {pipeline_mode = #tpu.pipeline_mode<synchronous>, transform_indices = @transform_9, window_bounds = array<i64: 1, 64>}, {pipeline_mode = #tpu.pipeline_mode<synchronous>, transform_indices = @transform_10, window_bounds = array<i64: 1, 64>}, {pipeline_mode = #tpu.pipeline_mode<synchronous>, transform_indices = @transform_11, window_bounds = array<i64: 64, 64>}, {pipeline_mode = #tpu.pipeline_mode<synchronous>, transform_indices = @transform_12, window_bounds = array<i64: 64, 64>}, {pipeline_mode = #tpu.pipeline_mode<synchronous>, transform_indices = @transform_13, window_bounds = array<i64: 1, 64>}, {pipeline_mode = #tpu.pipeline_mode<synchronous>, transform_indices = @transform_14, window_bounds = array<i64: 64, 128>}, {pipeline_mode = #tpu.pipeline_mode<synchronous>, transform_indices = @transform_15, window_bounds = array<i64: 1, 128>}, {pipeline_mode = #tpu.pipeline_mode<synchronous>, transform_indices = @transform_16, window_bounds = array<i64: 1, 64>}, {pipeline_mode = #tpu.pipeline_mode<synchronous>, transform_indices = @transform_17, window_bounds = array<i64: 1, 64>}, {transform_indices = @transform_18, window_bounds = array<i64: 1000, 64>}]} {
    %get3A = arith.constant 0 : index
    %get3A_0 = arith.constant 0 : index
    %get3A_1 = vector.load %arg1[%get3A, %get3A_0] : memref<1000x512xf32, #tpu.memory_space<vmem>>, vector<1000x512xf32>
    %get3A_2 = arith.constant 0 : index
    %get3A_3 = arith.constant 0 : index
    %get3A_4 = vector.load %arg4[%get3A_2, %get3A_3] : memref<512x64xf32, #tpu.memory_space<vmem>>, vector<512x64xf32>
    %dot_general3A = arith.constant dense<0.000000e+00> : vector<1000x64xf32>
    %dot_general3A_5 = tpu.matmul %get3A_1, %get3A_4, %dot_general3A {dimension_numbers = #tpu.dot_dimension_numbers<[1], [0], [0], [1], [0, 0, 1, 1], [], []>, transpose_lhs_hint = false} : vector<1000x512xf32>, vector<512x64xf32>, vector<1000x64xf32> -> vector<1000x64xf32>
    %get3A_6 = arith.constant 0 : index
    %get3A_7 = arith.constant 0 : index
    %get3A_8 = vector.load %arg5[%get3A_6, %get3A_7] : memref<1x64xf32, #tpu.memory_space<vmem>>, vector<1x64xf32>
    %add3A = vector.broadcast %get3A_8 : vector<1x64xf32> to vector<1000x64xf32>
    %add3A_9 = arith.addf %dot_general3A_5, %add3A : vector<1000x64xf32>
    %get3A_10 = arith.constant 0 : index
    %get3A_11 = arith.constant 0 : index
    %get3A_12 = vector.load %arg6[%get3A_10, %get3A_11] : memref<1x64xf32, #tpu.memory_space<vmem>>, vector<1x64xf32>
    %get3A_13 = arith.constant 0 : index
    %get3A_14 = arith.constant 0 : index
    %get3A_15 = vector.load %arg7[%get3A_13, %get3A_14] : memref<1x64xf32, #tpu.memory_space<vmem>>, vector<1x64xf32>
    %reduce_sum3A = arith.constant dense<0.000000e+00> : vector<1000xf32>
    %reduce_sum3A_16 = vector.multi_reduction <add>, %add3A_9, %reduce_sum3A [1] : vector<1000x64xf32> to vector<1000xf32>
    %broadcast_in_dim3A = vector.shape_cast %reduce_sum3A_16 : vector<1000xf32> to vector<1000x1xf32>
    %div3A = arith.constant 6.400000e+01 : f32
    %div3A_17 = vector.broadcast %div3A : f32 to vector<1000x1xf32>
    %div3A_18 = arith.divf %broadcast_in_dim3A, %div3A_17 : vector<1000x1xf32>
    %sub3A = vector.broadcast %div3A_18 : vector<1000x1xf32> to vector<1000x64xf32>
    %sub3A_19 = arith.subf %add3A_9, %sub3A : vector<1000x64xf32>
    %integer_pow3A = arith.mulf %sub3A_19, %sub3A_19 : vector<1000x64xf32>
    %reduce_sum3A_20 = arith.constant dense<0.000000e+00> : vector<1000xf32>
    %reduce_sum3A_21 = vector.multi_reduction <add>, %integer_pow3A, %reduce_sum3A_20 [1] : vector<1000x64xf32> to vector<1000xf32>
    %broadcast_in_dim3A_22 = vector.shape_cast %reduce_sum3A_21 : vector<1000xf32> to vector<1000x1xf32>
    %div3A_23 = arith.constant 6.400000e+01 : f32
    %div3A_24 = vector.broadcast %div3A_23 : f32 to vector<1000x1xf32>
    %div3A_25 = arith.divf %broadcast_in_dim3A_22, %div3A_24 : vector<1000x1xf32>
    %sub3A_26 = vector.broadcast %div3A_18 : vector<1000x1xf32> to vector<1000x64xf32>
    %sub3A_27 = arith.subf %add3A_9, %sub3A_26 : vector<1000x64xf32>
    %add3A_28 = arith.constant 9.99999974E-6 : f32
    %add3A_29 = vector.broadcast %add3A_28 : f32 to vector<1000x1xf32>
    %add3A_30 = arith.addf %div3A_25, %add3A_29 : vector<1000x1xf32>
    %rsqrt3A = math.rsqrt %add3A_30 : vector<1000x1xf32>
    %mul3A = vector.broadcast %rsqrt3A : vector<1000x1xf32> to vector<1000x64xf32>
    %mul3A_31 = arith.mulf %sub3A_27, %mul3A : vector<1000x64xf32>
    %mul3A_32 = vector.broadcast %get3A_12 : vector<1x64xf32> to vector<1000x64xf32>
    %mul3A_33 = arith.mulf %mul3A_31, %mul3A_32 : vector<1000x64xf32>
    %add3A_34 = vector.broadcast %get3A_15 : vector<1x64xf32> to vector<1000x64xf32>
    %add3A_35 = arith.addf %mul3A_33, %add3A_34 : vector<1000x64xf32>
    %ge3A = arith.constant 0.000000e+00 : f32
    %ge3A_36 = vector.broadcast %ge3A : f32 to vector<1000x64xf32>
    %ge3A_37 = arith.cmpf oge, %add3A_35, %ge3A_36 : vector<1000x64xf32>
    %mul3A_38 = arith.constant 2.000000e-01 : f32
    %mul3A_39 = vector.broadcast %mul3A_38 : f32 to vector<1000x64xf32>
    %mul3A_40 = arith.mulf %mul3A_39, %add3A_35 : vector<1000x64xf32>
    %select_n3A = arith.select %ge3A_37, %add3A_35, %mul3A_40 : vector<1000x64xi1>, vector<1000x64xf32>
    %get3A_41 = arith.constant 0 : index
    %get3A_42 = arith.constant 0 : index
    %get3A_43 = vector.load %arg2[%get3A_41, %get3A_42] : memref<1000x384xf32, #tpu.memory_space<vmem>>, vector<1000x384xf32>
    %get3A_44 = arith.constant 0 : index
    %get3A_45 = arith.constant 0 : index
    %get3A_46 = vector.load %arg8[%get3A_44, %get3A_45] : memref<384x64xf32, #tpu.memory_space<vmem>>, vector<384x64xf32>
    %dot_general3A_47 = arith.constant dense<0.000000e+00> : vector<1000x64xf32>
    %dot_general3A_48 = tpu.matmul %get3A_43, %get3A_46, %dot_general3A_47 {dimension_numbers = #tpu.dot_dimension_numbers<[1], [0], [0], [1], [0, 0, 1, 1], [], []>, transpose_lhs_hint = false} : vector<1000x384xf32>, vector<384x64xf32>, vector<1000x64xf32> -> vector<1000x64xf32>
    %get3A_49 = arith.constant 0 : index
    %get3A_50 = arith.constant 0 : index
    %get3A_51 = vector.load %arg9[%get3A_49, %get3A_50] : memref<1x64xf32, #tpu.memory_space<vmem>>, vector<1x64xf32>
    %add3A_52 = vector.broadcast %get3A_51 : vector<1x64xf32> to vector<1000x64xf32>
    %add3A_53 = arith.addf %dot_general3A_48, %add3A_52 : vector<1000x64xf32>
    %get3A_54 = arith.constant 0 : index
    %get3A_55 = arith.constant 0 : index
    %get3A_56 = vector.load %arg10[%get3A_54, %get3A_55] : memref<1x64xf32, #tpu.memory_space<vmem>>, vector<1x64xf32>
    %get3A_57 = arith.constant 0 : index
    %get3A_58 = arith.constant 0 : index
    %get3A_59 = vector.load %arg11[%get3A_57, %get3A_58] : memref<1x64xf32, #tpu.memory_space<vmem>>, vector<1x64xf32>
    %reduce_sum3A_60 = arith.constant dense<0.000000e+00> : vector<1000xf32>
    %reduce_sum3A_61 = vector.multi_reduction <add>, %add3A_53, %reduce_sum3A_60 [1] : vector<1000x64xf32> to vector<1000xf32>
    %broadcast_in_dim3A_62 = vector.shape_cast %reduce_sum3A_61 : vector<1000xf32> to vector<1000x1xf32>
    %div3A_63 = arith.constant 6.400000e+01 : f32
    %div3A_64 = vector.broadcast %div3A_63 : f32 to vector<1000x1xf32>
    %div3A_65 = arith.divf %broadcast_in_dim3A_62, %div3A_64 : vector<1000x1xf32>
    %sub3A_66 = vector.broadcast %div3A_65 : vector<1000x1xf32> to vector<1000x64xf32>
    %sub3A_67 = arith.subf %add3A_53, %sub3A_66 : vector<1000x64xf32>
    %integer_pow3A_68 = arith.mulf %sub3A_67, %sub3A_67 : vector<1000x64xf32>
    %reduce_sum3A_69 = arith.constant dense<0.000000e+00> : vector<1000xf32>
    %reduce_sum3A_70 = vector.multi_reduction <add>, %integer_pow3A_68, %reduce_sum3A_69 [1] : vector<1000x64xf32> to vector<1000xf32>
    %broadcast_in_dim3A_71 = vector.shape_cast %reduce_sum3A_70 : vector<1000xf32> to vector<1000x1xf32>
    %div3A_72 = arith.constant 6.400000e+01 : f32
    %div3A_73 = vector.broadcast %div3A_72 : f32 to vector<1000x1xf32>
    %div3A_74 = arith.divf %broadcast_in_dim3A_71, %div3A_73 : vector<1000x1xf32>
    %sub3A_75 = vector.broadcast %div3A_65 : vector<1000x1xf32> to vector<1000x64xf32>
    %sub3A_76 = arith.subf %add3A_53, %sub3A_75 : vector<1000x64xf32>
    %add3A_77 = arith.constant 9.99999974E-6 : f32
    %add3A_78 = vector.broadcast %add3A_77 : f32 to vector<1000x1xf32>
    %add3A_79 = arith.addf %div3A_74, %add3A_78 : vector<1000x1xf32>
    %rsqrt3A_80 = math.rsqrt %add3A_79 : vector<1000x1xf32>
    %mul3A_81 = vector.broadcast %rsqrt3A_80 : vector<1000x1xf32> to vector<1000x64xf32>
    %mul3A_82 = arith.mulf %sub3A_76, %mul3A_81 : vector<1000x64xf32>
    %mul3A_83 = vector.broadcast %get3A_56 : vector<1x64xf32> to vector<1000x64xf32>
    %mul3A_84 = arith.mulf %mul3A_82, %mul3A_83 : vector<1000x64xf32>
    %add3A_85 = vector.broadcast %get3A_59 : vector<1x64xf32> to vector<1000x64xf32>
    %add3A_86 = arith.addf %mul3A_84, %add3A_85 : vector<1000x64xf32>
    %ge3A_87 = arith.constant 0.000000e+00 : f32
    %ge3A_88 = vector.broadcast %ge3A_87 : f32 to vector<1000x64xf32>
    %ge3A_89 = arith.cmpf oge, %add3A_86, %ge3A_88 : vector<1000x64xf32>
    %mul3A_90 = arith.constant 2.000000e-01 : f32
    %mul3A_91 = vector.broadcast %mul3A_90 : f32 to vector<1000x64xf32>
    %mul3A_92 = arith.mulf %mul3A_91, %add3A_86 : vector<1000x64xf32>
    %select_n3A_93 = arith.select %ge3A_89, %add3A_86, %mul3A_92 : vector<1000x64xi1>, vector<1000x64xf32>
    %get3A_94 = arith.constant 0 : index
    %get3A_95 = arith.constant 0 : index
    %get3A_96 = vector.load %arg17[%get3A_94, %get3A_95] : memref<1x64xf32, #tpu.memory_space<vmem>>, vector<1x64xf32>
    %mul3A_97 = arith.constant 4.000000e-05 : f32
    %mul3A_98 = vector.broadcast %mul3A_97 : f32 to vector<1x64xf32>
    %mul3A_99 = arith.mulf %get3A_96, %mul3A_98 : vector<1x64xf32>
    %get3A_100 = arith.constant 0 : index
    %get3A_101 = arith.constant 0 : index
    %get3A_102 = vector.load %arg18[%get3A_100, %get3A_101] : memref<1x64xf32, #tpu.memory_space<vmem>>, vector<1x64xf32>
    %mul3A_103 = arith.constant 4.000000e-05 : f32
    %mul3A_104 = vector.broadcast %mul3A_103 : f32 to vector<1x64xf32>
    %mul3A_105 = arith.mulf %get3A_102, %mul3A_104 : vector<1x64xf32>
    %get3A_106 = arith.constant 0 : index
    %get3A_107 = arith.constant 0 : index
    %get3A_108 = vector.load %arg3[%get3A_106, %get3A_107] : memref<1000x64xf32, #tpu.memory_space<vmem>>, vector<1000x64xf32>
    %get3A_109 = arith.constant 0 : index
    %get3A_110 = arith.constant 0 : index
    %get3A_111 = vector.load %arg13[%get3A_109, %get3A_110] : memref<64x64xf32, #tpu.memory_space<vmem>>, vector<64x64xf32>
    %dot_general3A_112 = arith.constant dense<0.000000e+00> : vector<1000x64xf32>
    %dot_general3A_113 = tpu.matmul %get3A_108, %get3A_111, %dot_general3A_112 {dimension_numbers = #tpu.dot_dimension_numbers<[1], [0], [0], [1], [0, 0, 1, 1], [], []>, transpose_lhs_hint = false} : vector<1000x64xf32>, vector<64x64xf32>, vector<1000x64xf32> -> vector<1000x64xf32>
    %get3A_114 = arith.constant 0 : index
    %get3A_115 = arith.constant 0 : index
    %get3A_116 = vector.load %arg12[%get3A_114, %get3A_115] : memref<64x64xf32, #tpu.memory_space<vmem>>, vector<64x64xf32>
    %dot_general3A_117 = arith.constant dense<0.000000e+00> : vector<1x64xf32>
    %dot_general3A_118 = tpu.matmul %mul3A_105, %get3A_116, %dot_general3A_117 {dimension_numbers = #tpu.dot_dimension_numbers<[1], [0], [0], [1], [0, 0, 1, 1], [], []>, transpose_lhs_hint = false} : vector<1x64xf32>, vector<64x64xf32>, vector<1x64xf32> -> vector<1x64xf32>
    %add3A_119 = vector.broadcast %dot_general3A_118 : vector<1x64xf32> to vector<1000x64xf32>
    %add3A_120 = arith.addf %dot_general3A_113, %add3A_119 : vector<1000x64xf32>
    %get3A_121 = arith.constant 0 : index
    %get3A_122 = arith.constant 0 : index
    %get3A_123 = vector.load %arg14[%get3A_121, %get3A_122] : memref<1x64xf32, #tpu.memory_space<vmem>>, vector<1x64xf32>
    %add3A_124 = vector.broadcast %get3A_123 : vector<1x64xf32> to vector<1000x64xf32>
    %add3A_125 = arith.addf %add3A_120, %add3A_124 : vector<1000x64xf32>
    %tanh3A = math.tanh %add3A_125 : vector<1000x64xf32>
    %get3A_126 = arith.constant 0 : index
    %get3A_127 = arith.constant 0 : index
    %get3A_128 = vector.load %arg15[%get3A_126, %get3A_127] : memref<64x128xf32, #tpu.memory_space<vmem>>, vector<64x128xf32>
    %dot_general3A_129 = arith.constant dense<0.000000e+00> : vector<1000x128xf32>
    %dot_general3A_130 = tpu.matmul %tanh3A, %get3A_128, %dot_general3A_129 {dimension_numbers = #tpu.dot_dimension_numbers<[1], [0], [0], [1], [0, 0, 1, 1], [], []>, transpose_lhs_hint = false} : vector<1000x64xf32>, vector<64x128xf32>, vector<1000x128xf32> -> vector<1000x128xf32>
    %get3A_131 = arith.constant 0 : index
    %get3A_132 = arith.constant 0 : index
    %get3A_133 = vector.load %arg16[%get3A_131, %get3A_132] : memref<1x128xf32, #tpu.memory_space<vmem>>, vector<1x128xf32>
    %add3A_134 = vector.broadcast %get3A_133 : vector<1x128xf32> to vector<1000x128xf32>
    %add3A_135 = arith.addf %dot_general3A_130, %add3A_134 : vector<1000x128xf32>
    %reduce_max3A = arith.constant dense<0xFF800000> : vector<1000xf32>
    %reduce_max3A_136 = vector.multi_reduction <maximumf>, %add3A_135, %reduce_max3A [1] : vector<1000x128xf32> to vector<1000xf32>
    %broadcast_in_dim3A_137 = vector.shape_cast %reduce_max3A_136 : vector<1000xf32> to vector<1000x1xf32>
    %sub3A_138 = vector.broadcast %broadcast_in_dim3A_137 : vector<1000x1xf32> to vector<1000x128xf32>
    %sub3A_139 = arith.subf %add3A_135, %sub3A_138 : vector<1000x128xf32>
    %exp3A = math.exp %sub3A_139 : vector<1000x128xf32>
    %reduce_sum3A_140 = arith.constant dense<0.000000e+00> : vector<1000xf32>
    %reduce_sum3A_141 = vector.multi_reduction <add>, %exp3A, %reduce_sum3A_140 [1] : vector<1000x128xf32> to vector<1000xf32>
    %broadcast_in_dim3A_142 = vector.shape_cast %reduce_sum3A_141 : vector<1000xf32> to vector<1000x1xf32>
    %div3A_143 = vector.broadcast %broadcast_in_dim3A_142 : vector<1000x1xf32> to vector<1000x128xf32>
    %div3A_144 = arith.divf %exp3A, %div3A_143 : vector<1000x128xf32>
    %slice3A = vector.extract_strided_slice %div3A_144 {offsets = [0, 0], sizes = [1000, 1], strides = [1, 1]} : vector<1000x128xf32> to vector<1000x1xf32>
    %mul3A_145 = vector.broadcast %slice3A : vector<1000x1xf32> to vector<1000x64xf32>
    %mul3A_146 = arith.mulf %mul3A_145, %select_n3A : vector<1000x64xf32>
    %add3A_147 = arith.addf %get3A_108, %mul3A_146 : vector<1000x64xf32>
    %slice3A_148 = vector.extract_strided_slice %div3A_144 {offsets = [0, 1], sizes = [1000, 1], strides = [1, 1]} : vector<1000x128xf32> to vector<1000x1xf32>
    %mul3A_149 = vector.broadcast %slice3A_148 : vector<1000x1xf32> to vector<1000x64xf32>
    %mul3A_150 = arith.mulf %mul3A_149, %select_n3A_93 : vector<1000x64xf32>
    %add3A_151 = arith.addf %add3A_147, %mul3A_150 : vector<1000x64xf32>
    %slice3A_152 = vector.extract_strided_slice %div3A_144 {offsets = [0, 2], sizes = [1000, 1], strides = [1, 1]} : vector<1000x128xf32> to vector<1000x1xf32>
    %mul3A_153 = vector.broadcast %slice3A_152 : vector<1000x1xf32> to vector<1000x64xf32>
    %mul3A_154 = vector.broadcast %mul3A_99 : vector<1x64xf32> to vector<1000x64xf32>
    %mul3A_155 = arith.mulf %mul3A_153, %mul3A_154 : vector<1000x64xf32>
    %add3A_156 = arith.addf %add3A_151, %mul3A_155 : vector<1000x64xf32>
    %swap3A = arith.constant 0 : index
    %swap3A_157 = arith.constant 0 : index
    %swap3A_158 = vector.load %arg19[%swap3A, %swap3A_157] : memref<1000x64xf32, #tpu.memory_space<vmem>>, vector<1000x64xf32>
    tpu.vector_store %arg19[%swap3A, %swap3A_157], %add3A_156 {strides = array<i32>} : memref<1000x64xf32, #tpu.memory_space<vmem>>, vector<1000x64xf32>,
    return
  }
  func.func @transform_0(%arg0: i32) -> (i32, i32) {
    %c0_i32 = arith.constant 0 : i32
    %c0_i32_0 = arith.constant 0 : i32
    return %arg0, %c0_i32 : i32, i32
  }
  func.func @transform_1(%arg0: i32) -> (i32, i32) {
    %c0_i32 = arith.constant 0 : i32
    %c0_i32_0 = arith.constant 0 : i32
    return %arg0, %c0_i32 : i32, i32
  }
  func.func @transform_2(%arg0: i32) -> (i32, i32) {
    %c0_i32 = arith.constant 0 : i32
    %c0_i32_0 = arith.constant 0 : i32
    return %arg0, %c0_i32 : i32, i32
  }
  func.func @transform_3(%arg0: i32) -> (i32, i32) {
    %c0_i32 = arith.constant 0 : i32
    %c0_i32_0 = arith.constant 0 : i32
    %c0_i32_1 = arith.constant 0 : i32
    return %c0_i32, %c0_i32_0 : i32, i32
  }
  func.func @transform_4(%arg0: i32) -> (i32, i32) {
    %c0_i32 = arith.constant 0 : i32
    %c0_i32_0 = arith.constant 0 : i32
    %c0_i32_1 = arith.constant 0 : i32
    return %c0_i32, %c0_i32_0 : i32, i32
  }
  func.func @transform_5(%arg0: i32) -> (i32, i32) {
    %c0_i32 = arith.constant 0 : i32
    %c0_i32_0 = arith.constant 0 : i32
    %c0_i32_1 = arith.constant 0 : i32
    return %c0_i32, %c0_i32_0 : i32, i32
  }
  func.func @transform_6(%arg0: i32) -> (i32, i32) {
    %c0_i32 = arith.constant 0 : i32
    %c0_i32_0 = arith.constant 0 : i32
    %c0_i32_1 = arith.constant 0 : i32
    return %c0_i32, %c0_i32_0 : i32, i32
  }
  func.func @transform_7(%arg0: i32) -> (i32, i32) {
    %c0_i32 = arith.constant 0 : i32
    %c0_i32_0 = arith.constant 0 : i32
    %c0_i32_1 = arith.constant 0 : i32
    return %c0_i32, %c0_i32_0 : i32, i32
  }
  func.func @transform_8(%arg0: i32) -> (i32, i32) {
    %c0_i32 = arith.constant 0 : i32
    %c0_i32_0 = arith.constant 0 : i32
    %c0_i32_1 = arith.constant 0 : i32
    return %c0_i32, %c0_i32_0 : i32, i32
  }
  func.func @transform_9(%arg0: i32) -> (i32, i32) {
    %c0_i32 = arith.constant 0 : i32
    %c0_i32_0 = arith.constant 0 : i32
    %c0_i32_1 = arith.constant 0 : i32
    return %c0_i32, %c0_i32_0 : i32, i32
  }
  func.func @transform_10(%arg0: i32) -> (i32, i32) {
    %c0_i32 = arith.constant 0 : i32
    %c0_i32_0 = arith.constant 0 : i32
    %c0_i32_1 = arith.constant 0 : i32
    return %c0_i32, %c0_i32_0 : i32, i32
  }
  func.func @transform_11(%arg0: i32) -> (i32, i32) {
    %c0_i32 = arith.constant 0 : i32
    %c0_i32_0 = arith.constant 0 : i32
    %c0_i32_1 = arith.constant 0 : i32
    return %c0_i32, %c0_i32_0 : i32, i32
  }
  func.func @transform_12(%arg0: i32) -> (i32, i32) {
    %c0_i32 = arith.constant 0 : i32
    %c0_i32_0 = arith.constant 0 : i32
    %c0_i32_1 = arith.constant 0 : i32
    return %c0_i32, %c0_i32_0 : i32, i32
  }
  func.func @transform_13(%arg0: i32) -> (i32, i32) {
    %c0_i32 = arith.constant 0 : i32
    %c0_i32_0 = arith.constant 0 : i32
    %c0_i32_1 = arith.constant 0 : i32
    return %c0_i32, %c0_i32_0 : i32, i32
  }
  func.func @transform_14(%arg0: i32) -> (i32, i32) {
    %c0_i32 = arith.constant 0 : i32
    %c0_i32_0 = arith.constant 0 : i32
    %c0_i32_1 = arith.constant 0 : i32
    return %c0_i32, %c0_i32_0 : i32, i32
  }
  func.func @transform_15(%arg0: i32) -> (i32, i32) {
    %c0_i32 = arith.constant 0 : i32
    %c0_i32_0 = arith.constant 0 : i32
    %c0_i32_1 = arith.constant 0 : i32
    return %c0_i32, %c0_i32_0 : i32, i32
  }
  func.func @transform_16(%arg0: i32) -> (i32, i32) {
    %c0_i32 = arith.constant 0 : i32
    %c0_i32_0 = arith.constant 0 : i32
    %c0_i32_1 = arith.constant 0 : i32
    return %c0_i32, %c0_i32_0 : i32, i32
  }
  func.func @transform_17(%arg0: i32) -> (i32, i32) {
    %c0_i32 = arith.constant 0 : i32
    %c0_i32_0 = arith.constant 0 : i32
    %c0_i32_1 = arith.constant 0 : i32
    return %c0_i32, %c0_i32_0 : i32, i32
  }
  func.func @transform_18(%arg0: i32) -> (i32, i32) {
    %c0_i32 = arith.constant 0 : i32
    %c0_i32_0 = arith.constant 0 : i32
    return %arg0, %c0_i32 : i32, i32
  }
}

module attributes {stable_mosaic.version = 14 : i64} {
  func.func @_mean3_body(%arg0: i32, %arg1: memref<1000x64xf32, #tpu.memory_space<vmem>>, %arg2: memref<1000x64xf32, #tpu.memory_space<vmem>>, %arg3: memref<1000x64xf32, #tpu.memory_space<vmem>>, %arg4: memref<1000x64xf32, #tpu.memory_space<vmem>>) attributes {dimension_semantics = [#tpu.dimension_semantics<arbitrary>], iteration_bounds = array<i64: 25>, scalar_prefetch = 0 : i64, scratch_operands = 0 : i64, tpu.core_type = #tpu.core_type<tc>, window_params = [{transform_indices = @transform_0, window_bounds = array<i64: 1000, 64>}, {transform_indices = @transform_1, window_bounds = array<i64: 1000, 64>}, {transform_indices = @transform_2, window_bounds = array<i64: 1000, 64>}, {transform_indices = @transform_3, window_bounds = array<i64: 1000, 64>}]} {
    %get3A = arith.constant 0 : index
    %get3A_0 = arith.constant 0 : index
    %get3A_1 = vector.load %arg1[%get3A, %get3A_0] : memref<1000x64xf32, #tpu.memory_space<vmem>>, vector<1000x64xf32>
    %get3A_2 = arith.constant 0 : index
    %get3A_3 = arith.constant 0 : index
    %get3A_4 = vector.load %arg2[%get3A_2, %get3A_3] : memref<1000x64xf32, #tpu.memory_space<vmem>>, vector<1000x64xf32>
    %add3A = arith.addf %get3A_1, %get3A_4 : vector<1000x64xf32>
    %get3A_5 = arith.constant 0 : index
    %get3A_6 = arith.constant 0 : index
    %get3A_7 = vector.load %arg3[%get3A_5, %get3A_6] : memref<1000x64xf32, #tpu.memory_space<vmem>>, vector<1000x64xf32>
    %add3A_8 = arith.addf %add3A, %get3A_7 : vector<1000x64xf32>
    %mul3A = arith.constant 0.333333343 : f32
    %mul3A_9 = vector.broadcast %mul3A : f32 to vector<1000x64xf32>
    %mul3A_10 = arith.mulf %add3A_8, %mul3A_9 : vector<1000x64xf32>
    %swap3A = arith.constant 0 : index
    %swap3A_11 = arith.constant 0 : index
    %swap3A_12 = vector.load %arg4[%swap3A, %swap3A_11] : memref<1000x64xf32, #tpu.memory_space<vmem>>, vector<1000x64xf32>
    tpu.vector_store %arg4[%swap3A, %swap3A_11], %mul3A_10 {strides = array<i32>} : memref<1000x64xf32, #tpu.memory_space<vmem>>, vector<1000x64xf32>,
    return
  }
  func.func @transform_0(%arg0: i32) -> (i32, i32) {
    %c0_i32 = arith.constant 0 : i32
    %c0_i32_0 = arith.constant 0 : i32
    return %arg0, %c0_i32 : i32, i32
  }
  func.func @transform_1(%arg0: i32) -> (i32, i32) {
    %c0_i32 = arith.constant 0 : i32
    %c0_i32_0 = arith.constant 0 : i32
    return %arg0, %c0_i32 : i32, i32
  }
  func.func @transform_2(%arg0: i32) -> (i32, i32) {
    %c0_i32 = arith.constant 0 : i32
    %c0_i32_0 = arith.constant 0 : i32
    return %arg0, %c0_i32 : i32, i32
  }
  func.func @transform_3(%arg0: i32) -> (i32, i32) {
    %c0_i32 = arith.constant 0 : i32
    %c0_i32_0 = arith.constant 0 : i32
    return %arg0, %c0_i32 : i32, i32
  }
}

</mosaic_0001>

<sc_bundles>
// kernel: kernel.11.cloned.1.call-start
scs
__scs_entry_jumppad:
0x0: {  	(pc) =	sbr.rel $0x88, $3  }
0x1: {  	(tag) =	ssettag $0x0;
	lr =	simm.s32 $0x1  }
0x2: {  	[smem:$0x3F89] =	sst lr;
	_ =	strace $0xD0000000  }
0x3: {  	_ = 	snop  }
0x4: {  	_ = 	snop  }
0x5: {  	_ = 	snop  }
0x6: {  	_ = 	snop  }
0x7: {  	_ = 	snop  }
__scs_overlays_trampoline_lowered:
0x8: {  	[smem:$0x3F98] =	sst s0  }
0x9: {  	[smem:$0x3F99] =	sst s1  }
0xa: {  	[smem:$0x3F9A] =	sst s2  }
0xb: {  	[smem:$0x3F9B] =	sst s3  }
0xc: {  	[smem:$0x3F9C] =	sst s4  }
0xd: {  	[smem:$0x3F9D] =	sst s5  }
0xe: {  	[smem:$0x3F9E] =	sst s6  }
0xf: {  	[smem:$0x3F9F] =	sst s7  }
0x10: {  	[smem:$0x3FA0] =	sst s8  }
0x11: {  	[smem:$0x3FA1] =	sst s9;
	s0 =	simm.s32 @!p0 $0x0  }
0x12: {  	s1 =	sld [smem:$0x3F87];
	s0 =	simm.s32 @p0 $0x1  }
0x13: {  	[smem:$0x3FA2] =	sst s0;
	s0 =	simm.s32 @!p1 $0x0  }
0x14: {  	s2 =	sld [smem:$0x3F86];
	s0 =	simm.s32 @p1 $0x1  }
0x15: {  	[smem:$0x3FA3] =	sst s0;
	s0 =	simm.s32 @!p2 $0x0  }
0x16: {  	s3 =	sld [smem:$0x3FDB];
	s0 =	simm.s32 @p2 $0x1  }
0x17: {  	s4 =	simm.s32 $0x1BF5;
	[smem:$0x3FA5] =	sst s0  }
0x18: {  	s0 =	sld [smem:$0x3F88];
	_ =	swait.ge [sflag:s4], $0x0  }
0x19: {  	s7 =	sld [smem:$0x3F89]  }
0x1a: {  	s8 =	sadd.s32 $0xFFFFE003, lr  }
0x1b: {  	s9 =	sadd.s32 $0xFFFFFEF7, lr;
	s5 =	simm.s32 $0xFFFFFFFF;
	p2 =	slt.u32 s8, $0xFFFFF086  }
0x1c: {  	p1 =	slt.u32 s9, $0xF7A;
	s5 =	simm.s32 @!p2 $0x0  }
0x1d: {  	s5 =	simm.s32 @p1 $0x1;
	p0 =	seq.s32 s7, s2  }
0x1e: {  	s7 =	smul.u32 @!p0 $0xF7A, s2;
	p2 =	seq.s32 @!p0 s5, $0x0  }
0x1f: {  	s9 =	smul.u32 $0xF7A, s1;
	s8 =	simm.s32 @!p0 $0x1BF5;
	p2 =	por !p2, p0  }
0x20: {  	[sflag:s8] =	ssyncset.s32 @!p0 $0xFFFFF086;
	s6 =	sadd.s32 @!p0 s3, s7;
	s7 =	simm.s32 @!p0 $0x108  }
0x21: {  	s3 =	sadd.s32 s3, s9;
	s6 =	sadd.s32 @!p0 $0x88, s6;
	s7 =	simm.s32 @p2 $0x1082  }
0x22: {  	[simem:s7], [sflag:s8] =	dma.local @!p0 [hbm:s6], $0xF7A  }
0x23: {  	s9 =	sor.u32 $0xD0000000, s2;
	s6 =	simm.s32 $0x108;
	_ =	swait.ge @!p0 [sflag:s8], $0x0  }
0x24: {  	s3 =	sadd.s32 $0x88, s3;
	s6 =	simm.s32 @!p1 $0x1082;
	[sflag:s4] =	ssyncset.s32 $0xFFFFF086  }
0x25: {  	[simem:s6], [sflag:s4] =	dma.local [hbm:s3], $0xF7A  }
0x26: {  	[smem:$0x3F89] =	sst s1;
	(tag) =	ssettag s2;
	_ =	strace s9  }
0x27: {  	s1 =	sld [smem:$0x3F99]  }
0x28: {  	s2 =	sld [smem:$0x3F9A]  }
0x29: {  	s4 =	sld [smem:$0x3F9C]  }
0x2a: {  	p0 =	seq.s32 s5, $0x0;
	s5 =	sld [smem:$0x3F9D]  }
0x2b: {  	s6 =	sld [smem:$0x3F9E]  }
0x2c: {  	s7 =	sld [smem:$0x3F9F]  }
0x2d: {  	s3 =	simm.s32 $0x108;
	s8 =	sld [smem:$0x3FA0]  }
0x2e: {  	s3 =	simm.s32 @!p0 $0x1082;
	s9 =	sld [smem:$0x3FA1]  }
0x2f: {  	lr =	sadd.s32 s0, s3;
	s0 =	sld [smem:$0x3F98]  }
0x30: {  	s3 =	sld [smem:$0x3F9B]  }
0x31: {  	[smem:$0x3FA4] =	sst s10  }
0x32: {  	s10 =	sld [smem:$0x3FA2];
	_ =	sdelay $0x3  }
0x33: {  	p0 =	seq.s32 s10, $0x1;
	s10 =	sld [smem:$0x3FA4];
	_ =	sdelay $0x3  }
0x34: {  	[smem:$0x3FA4] =	sst s10  }
0x35: {  	s10 =	sld [smem:$0x3FA3];
	_ =	sdelay $0x3  }
0x36: {  	p1 =	seq.s32 s10, $0x1;
	s10 =	sld [smem:$0x3FA4];
	_ =	sdelay $0x3  }
0x37: {  	[smem:$0x3FA4] =	sst s10  }
0x38: {  	s10 =	sld [smem:$0x3FA5]  }
0x39: {  	_ = 	snop;
	(pc) =	sbr.ind lr, $3  }
0x3a: {  	_ = 	snop  }
0x3b: {  	_ = 	snop  }
0x3c: {  	p2 =	seq.s32 s10, $0x1;
	s10 =	sld [smem:$0x3FA4]  }
0x3d: {  	_ =	shalt  }
0x3e: {  	_ =	shalt  }
0x3f: {  	_ =	shalt  }
0x40: {  	_ =	shalt  }
0x41: {  	_ =	shalt  }
0x42: {  	_ =	shalt  }
0x43: {  	_ =	shalt  }
0x44: {  	_ =	shalt  }
0x45: {  	_ =	shalt  }
0x46: {  	_ =	shalt  }
0x47: {  	_ =	shalt  }
0x48: {  	_ =	shalt  }
0x49: {  	_ =	shalt  }
0x4a: {  	_ =	shalt  }
0x4b: {  	_ =	shalt  }
0x4c: {  	_ =	shalt  }
0x4d: {  	_ =	shalt  }
0x4e: {  	_ =	shalt  }
0x4f: {  	_ =	shalt  }
0x50: {  	_ =	shalt  }
0x51: {  	_ =	shalt  }
0x52: {  	_ =	shalt  }
0x53: {  	_ =	shalt  }
0x54: {  	_ =	shalt  }
0x55: {  	_ =	shalt  }
0x56: {  	_ =	shalt  }
0x57: {  	_ =	shalt  }
0x58: {  	_ =	shalt  }
0x59: {  	_ =	shalt  }
0x5a: {  	_ =	shalt  }
0x5b: {  	_ =	shalt  }
0x5c: {  	_ =	shalt  }
0x5d: {  	_ =	shalt  }
0x5e: {  	_ =	shalt  }
0x5f: {  	_ =	shalt  }
0x60: {  	_ =	shalt  }
0x61: {  	_ =	shalt  }
0x62: {  	_ =	shalt  }
0x63: {  	_ =	shalt  }
0x64: {  	_ =	shalt  }
0x65: {  	_ =	shalt  }
0x66: {  	_ =	shalt  }
0x67: {  	_ =	shalt  }
0x68: {  	_ =	shalt  }
0x69: {  	_ =	shalt  }
0x6a: {  	_ =	shalt  }
0x6b: {  	_ =	shalt  }
0x6c: {  	_ =	shalt  }
0x6d: {  	_ =	shalt  }
0x6e: {  	_ =	shalt  }
0x6f: {  	_ =	shalt  }
0x70: {  	_ =	shalt  }
0x71: {  	_ =	shalt  }
0x72: {  	_ =	shalt  }
0x73: {  	_ =	shalt  }
0x74: {  	_ =	shalt  }
0x75: {  	_ =	shalt  }
0x76: {  	_ =	shalt  }
0x77: {  	_ =	shalt  }
0x78: {  	_ =	shalt  }
0x79: {  	_ =	shalt  }
0x7a: {  	_ =	shalt  }
0x7b: {  	_ =	shalt  }
0x7c: {  	_ =	shalt  }
0x7d: {  	_ =	shalt  }
0x7e: {  	_ =	shalt  }
0x7f: {  	_ =	shalt  }
0x80: {  	_ =	shalt  }
0x81: {  	_ =	shalt  }
0x82: {  	_ =	shalt  }
0x83: {  	_ =	shalt  }
0x84: {  	_ =	shalt  }
0x85: {  	_ =	shalt  }
0x86: {  	_ =	shalt  }
0x87: {  	_ =	shalt  }
.Lfunc_end0:
.L_simem_size_0:
called_computation.1_lowered:
.L_overlay_start_0:
0x88: {  	s2 =	sld [smem:$0x3FD9]  }
0x89: {  	s3 =	sld [smem:$0x3FFE];
	_ =	sdelay $0x1  }
0x8a: {  	s1 =	srdreg.scid  }
0x8b: {  	s0 =	sand.u32 $0x1, s1  }
0x8c: {  	s14 =	sshll.u32 s0, $0xA;
	s2 =	sadd.s32 s3, s2  }
0x8d: {  	s2 =	sadd.s32 s2, s14  }
0x8e: {  	[smem:$0x3FB0] =	sst s2  }
0x8f: {  	_ = 	snop  }
0x90: {  	s2 =	sld [smem:$0x3FD0];
	_ =	sdelay $0x2  }
0x91: {  	s15 =	simm.s32 $0xA;
	s4 =	simm.s32 $0x10  }
0x92: {  	[smem:s4], [sflag:s15] =	dma.local [hbm:s2], $0x1  }
0x93: {  	_ =	swait.eq [sflag:s15], $0x1  }
0x94: {  	[sflag:s15] =	ssyncset.done $0x0  }
0x95: {  	s16 =	sld [smem:$0x10];
	[sflag:s15] =	ssyncadd.s32 $0xFFFFFFFF  }
0x96: {  	s17 =	sld [smem:$0x11];
	(tm) =	ssettm $0x1  }
0x97: {  	s18 =	sld [smem:$0x3FFB];
	_ =	sdelay $0x3  }
0x98: {  	_ =	strace s18  }
0x99: {  	s4 =	sld [smem:$0x3FFC];
	_ =	sdelay $0x3  }
0x9a: {  	_ =	strace s4  }
0x9b: {  	s4 =	sld [smem:$0x3FFD];
	_ =	sdelay $0x3  }
0x9c: {  	_ =	strace s4  }
0x9d: {  	_ =	strace $0x8FFFFFFF  }
0x9e: {  	s19 =	sld [smem:$0x3FDB];
	_ =	sdelay $0x1  }
0x9f: {  	s5 =	simm.s32 $_scs_section_size  }
0xa0: {  	s6 =	simm.s32 $_size__tile_overlayer_lowered;
	s7 =	simm.s32 $_tile_overlayer_lowered  }
0xa1: {  	s22 =	simm.s32 $0x1BFF;
	s21 =	sshll.u32 s7, $0x1;
	s4 =	sadd.s32 s5, s19  }
0xa2: {  	s8 =	simm.s32 $0x0;
	s20 =	sshll.u32 s6, $0x1;
	s6 =	sadd.s32 s21, s4  }
0xa3: {  	[timem:s8], [sflag:s22] =	dma.local [hbm:s6], s20  }
0xa4: {  	_ =	swait.ge [sflag:s22], s20  }
0xa5: {  	s5 =	ssub.s32 $0x0, s20;
	[sflag:s22] =	ssyncset.done $0x0  }
0xa6: {  	[sflag:s22] =	ssyncadd.s32 s5;
	_ =	sdelay $0x1  }
0xa7: {  	s23 =	simm.s32 $0x1B8B  }
0xa8: {  	_ =	swait.ge [sflag:s23], $0x1  }
0xa9: {  	[sflag:s23] =	ssyncset.done $0x0  }
0xaa: {  	s25 =	simm.s32 $0x1B8E;
	s24 =	sld [smem:$0x3FFE];
	[sflag:s23] =	ssyncadd.s32 $0xFFFFFFFF  }
0xab: {  	s26 =	simm.s32 $execute0_lowered;
	[smem:$0x3FD2] =	sst s25  }
0xac: {  	s6 =	sshll.u32 s26, $0x1;
	_ =	strace $0x80000049;
	[dreg:$0x1] =	wrdreg $0xFFFFFFFF  }
0xad: {  	s28 =	simm.s32 $_size_execute0_lowered;
	s4 =	sadd.s32 s4, s6;
	[dreg:$0x0] =	wrdreg $0x0  }
0xae: {  	s6 =	sshll.u32 s28, $0x1;
	[dreg:$0x2] =	wrdreg s4  }
0xaf: {  	[dreg:$0x3] =	wrdreg s6  }
0xb0: {  	[dreg:$0x4] =	wrdreg $0xC0  }
0xb1: {  	_ =	task [dreg:s8], $0x5FFFF  }
0xb2: {  	[dreg:$0x1] =	wrdreg $0xFFFFFFFF  }
0xb3: {  	[dreg:$0x0] =	wrdreg $0x60  }
0xb4: {  	[dreg:$0x2] =	wrdreg s24  }
0xb5: {  	[dreg:$0x3] =	wrdreg s17  }
0xb6: {  	[dreg:$0x4] =	wrdreg s16  }
0xb7: {  	[dreg:$0x5] =	wrdreg $0x0  }
0xb8: {  	[dreg:$0x6] =	wrdreg $0x9  }
0xb9: {  	_ =	task.clear_ibuf [dreg:s8], $0x7FFFF;
	_ =	strace $0x90000049  }
0xba: {  	s29 =	simm.s32 $0x9;
	_ =	strace $0x8000004B  }
0xbb: {  	_ =	swait.ge [sflag:s29], $0x1  }
0xbc: {  	[sflag:s29] =	ssyncadd.s32 $0xFFFFFFFF  }
0xbd: {  	_ =	strace $0x9000004B  }
0xbe: {  	_ =	sfence  }
0xbf: {  	s30 =	sld [smem:$0x0];
	_ =	sdelay $0x2  }
0xc0: {  	s31 =	sshll.u32 s1, $0xD;
	s1 =	sshrl.u32 s1, $0x2  }
0xc1: {  	s3 =	sand.u32 $0x4000, s31;
	s1 =	sadd.s32 s1, s30  }
0xc2: {  	s0 =	sor.u32 s3, s0;
	s1 =	sshll.u32 s1, $0x11  }
0xc3: {  	s0 =	sor.u32 s1, s0  }
0xc4: {  	s0 =	sadd.s32 $0x8F2B, s0  }
0xc5: {  	[sflag:s0] =	ssyncadd.remote.s32 $0x1  }
0xc6: {  	_ =	sfence.sel $0xFFFF  }
0xc7: {  	[dreg:$0x0] =	wrdreg $0xFFFFFFFF;
	(pc) =	sbr.abs _section_cstart, $3  }
0xc8: {  	[dreg:$0x1] =	wrdreg $0xFFFFFFFF  }
0xc9: {  	_ =	task.clear_ibuf [dreg:s8], $0x2FFFF;
	_ =	strace $0x9FFFFFFF  }
0xca: {  	(tm) =	ssettm $0x7FFFFFFF  }
0xcb: {  	_ =	shalt  }
tec
execute0_lowered:
.L_overlay_start_1:
0x0: {  	(tag) =	ssettag $0x1  }
0x1: {  	s1 =	rddreg [dreg:$0x0]  }
0x2: {  	s6 =	rddreg [dreg:$0x1]  }
0x3: {  	s0 =	rddreg [dreg:$0x2]  }
0x4: {  	s2 =	rddreg [dreg:$0x3]  }
0x5: {  	s4 =	srdreg.scid;
	s11 =	stileid.u32;
	s3 =	simm.s32 $0x0  }
0x6: {  	s19 =	simm.s32 $0x18C80;
	s21 =	simm.s32 $0x18D00;
	s7 =	smul.u32 $0x3100, s11  }
0x7: {  	s5 =	sand.u32 $0x1, s4;
	[smem:$0x7FF] =	sst s3;
	s9 =	smul.u32 $0x62000, s11  }
0x8: {  	s4 =	sadd.s32 $0xE2400, s1;
	s10 =	sadd.s32 $0x5A00, s1;
	s25 =	smul.u32 $0x1900, s11  }
0x9: {  	s8 =	smul.u32 $0x31000, s5;
	_ =	strace $0x8000004A;
	[dreg:$0x8] =	wrdreg s19  }
0xa: {  	s5 =	ssub.s32 $0x2, s5;
	[dreg:$0x9] =	wrdreg s21;
	s19 =	simm.s32 $0x19980  }
0xb: {  	s23 =	sshrl.u32 s5, $0x1;
	s15 =	sadd.s32 s25, s10;
	[dreg:$0x11] =	wrdreg s19  }
0xc: {  	s24 =	sshrl.u32 s9, $0x2;
	s16 =	sadd.s32 s25, s0;
	[dreg:$0x5] =	wrdreg s15  }
0xd: {  	s7 =	sadd.s32 s7, s8;
	[dreg:$0x6] =	wrdreg s16;
	s8 =	sadd.s32 s25, s6  }
0xe: {  	s25 =	simm.s32 $0x18E00;
	s15 =	simm.s32 $0x18F80;
	[dreg:$0x7] =	wrdreg s8  }
0xf: {  	s1 =	sadd.s32 s7, s1;
	s7 =	ssub.s32 s5, s23;
	[dreg:$0xb] =	wrdreg s25  }
0x10: {  	s5 =	sadd.s32 s24, s2;
	s23 =	simm.s32 $0x18D80;
	[dreg:$0xe] =	wrdreg s15  }
0x11: {  	s26 =	sadd.s32 $0x2000, s5;
	[dreg:$0xa] =	wrdreg s23  }
0x12: {  	s12 =	sadd.s32 $0x4000, s5;
	[dreg:$0x15] =	wrdreg s26  }
0x13: {  	s13 =	sadd.s32 $0x6000, s5;
	[dreg:$0x16] =	wrdreg s12  }
0x14: {  	s14 =	sadd.s32 $0x8000, s5;
	[dreg:$0x17] =	wrdreg s13  }
0x15: {  	s17 =	sadd.s32 $0xC000, s5;
	[dreg:$0x18] =	wrdreg s14  }
0x16: {  	s18 =	sadd.s32 $0xE000, s5;
	[dreg:$0x1a] =	wrdreg s17  }
0x17: {  	s9 =	smul.u32 $0xC800, s11;
	s20 =	sadd.s32 $0x10000, s5;
	[dreg:$0x1b] =	wrdreg s18  }
0x18: {  	s22 =	sadd.s32 $0x12000, s5;
	[dreg:$0x1c] =	wrdreg s20  }
0x19: {  	s9 =	sshrl.u32 s9, $0x3;
	s24 =	sadd.s32 $0x14000, s5;
	[dreg:$0x1d] =	wrdreg s22  }
0x1a: {  	s28 =	simm.s32 $0x7;
	s16 =	sadd.s32 s10, s9;
	[dreg:$0x1e] =	wrdreg s24  }
0x1b: {  	s29 =	simm.s32 $0x18800;
	s23 =	sadd.s32 $0x16000, s5;
	[smem:$0x7F7] =	sst s16  }
0x1c: {  	s30 =	simm.s32 $0x18C00;
	s25 =	sadd.s32 $0x18000, s5;
	[smem:$0x7FB] =	sst s23  }
0x1d: {  	s31 =	simm.s32 $0x19000;
	s12 =	sadd.s32 $0xA000, s5;
	[smem:$0x7FC] =	sst s25  }
0x1e: {  	s11 =	simm.s32 $0x1E000;
	s26 =	simm.s32 $0x18E80;
	[dreg:$0x19] =	wrdreg s12  }
0x1f: {  	s8 =	simm.s32 $0x80;
	s14 =	sadd.s32 s0, s9;
	[dreg:$0xc] =	wrdreg s26  }
0x20: {  	s15 =	simm.s32 $0x6;
	s13 =	simm.s32 $0x18F00;
	[smem:$0x7F6] =	sst s14  }
0x21: {  	s17 =	simm.s32 $0x19880;
	s18 =	simm.s32 $0x19900;
	[dreg:$0xd] =	wrdreg s13  }
0x22: {  	s20 =	simm.s32 $0x19A00;
	s22 =	simm.s32 $0x19A80;
	[dreg:$0xf] =	wrdreg s17  }
0x23: {  	s24 =	simm.s32 $0x19B00;
	s25 =	smax.u32 s7, $0x1;
	[dreg:$0x10] =	wrdreg s18  }
0x24: {  	s7 =	simm.s32 $0x1;
	s16 =	simm.s32 $0x2;
	[dreg:$0x12] =	wrdreg s20  }
0x25: {  	s12 =	sadd.s32 s6, s9;
	s9 =	sor.u32 $0x80, s9;
	[dreg:$0x13] =	wrdreg s22  }
0x26: {  	[dreg:$0x14] =	wrdreg s24;
	s26 =	sadd.s32 $0x144400, s1;
	s1 =	simm.s32 $0x19800  }
0x27: {  	s13 =	simm.s32 $0x4;
	s14 =	simm.s32 $0x1E080;
	s17 =	simm.s32 $0x19B80  }
0x28: {  	s18 =	simm.s32 $0x0;
	[dreg:$0x1f] =	wrdreg s12;
	s6 =	sadd.s32 s6, s9  }
0x29: {  	s0 =	sadd.s32 s0, s9;
	s21 =	sadd.s32 s10, s9;
	[smem:$0x7FD] =	sst s26  }
0x2a: {  	s26 =	simm.s32 $0x1A000;
	s9 =	simm.s32 $0x1C000;
	[smem:$0x7F8] =	sst s6  }
0x2b: {  	v1 =	vlaneseq.u32;
	s10 =	simm.s32 $0x3;
	s12 =	simm.s32 $0x5;
	[smem:$0x7F9] =	sst s0  }
0x2c: {  	v0 =	vimm.f32 $0.0e+00;
	v1 =	vadd.s32 $0x61A8, v1;
	[smem:$0x7FA] =	sst s21;
	s0 =	simm.s32 $0x19400;
	s6 =	simm.s32 $0x19C00  }
.LBB2_1:
0x2d: {  	s19 =	simm.s32 $0x0;
	s20 =	simm.s32 $0x100  }
.LBB2_2:
0x2e: {  	p0 =	sne.s32 s20, $0x7F00;
	[tilespmem:s19+$0x1C030] =	vst v0  }
0x2f: {  	[tilespmem:s19+$0x1A000] =	vst v0  }
0x30: {  	[tilespmem:s19+$0x1C000] =	vst v0  }
.Ltmp0:
0x31: {  	[tilespmem:s19+$0x1A010] =	vst v0;
	(pc) =	sbr.rel @p0 .LBB2_2-.Ltmp0, $4  }
0x32: {  	[tilespmem:s19+$0x1C010] =	vst v0  }
0x33: {  	[tilespmem:s19+$0x1A020] =	vst v0  }
0x34: {  	[tilespmem:s19+$0x1C020] =	vst v0  }
0x35: {  	[tilespmem:s19+$0x1A030] =	vst v0;
	s19 =	sshra.s32 s20, $0x2;
	s20 =	sadd.s32 $0x100, s20  }
0x36: {  	[tilespmem:s19+$0x1C030] =	vst v0  }
0x37: {  	[tilespmem:s19+$0x1A000] =	vst v0  }
0x38: {  	[tilespmem:s19+$0x1C000] =	vst v0  }
0x39: {  	[tilespmem:s19+$0x1A010] =	vst v0  }
0x3a: {  	[tilespmem:s19+$0x1C010] =	vst v0  }
0x3b: {  	[tilespmem:s19+$0x1A020] =	vst v0  }
0x3c: {  	[tilespmem:s19+$0x1C020] =	vst v0  }
0x3d: {  	[tilespmem:s19+$0x1A030] =	vst v0  }
0x3e: {  	[tilespmem:$0x1E000] =	vst v1  }
0x3f: {  	[tilespmem:$0x1E010] =	vst v1  }
0x40: {  	[tilespmem:$0x1E020] =	vst v1  }
0x41: {  	[tilespmem:$0x1E030] =	vst v1  }
0x42: {  	[tilespmem:$0x1E040] =	vst v1  }
0x43: {  	[tilespmem:$0x1E050] =	vst v1  }
0x44: {  	[tilespmem:$0x1E060] =	vst v1  }
0x45: {  	[tilespmem:$0x1E070] =	vst v1  }
0x46: {  	[tilespmem:$0x1E080] =	vst v1  }
0x47: {  	[tilespmem:$0x1E090] =	vst v1  }
0x48: {  	[tilespmem:$0x1E0A0] =	vst v1  }
0x49: {  	[tilespmem:$0x1E0B0] =	vst v1  }
0x4a: {  	[tilespmem:$0x1E0C0] =	vst v1  }
0x4b: {  	[tilespmem:$0x1E0D0] =	vst v1  }
0x4c: {  	[tilespmem:$0x1E0E0] =	vst v1  }
0x4d: {  	[tilespmem:$0x1E0F0] =	vst v1  }
0x4e: {  	[spmem:s5] =	stream.linear.scatter [tilespmem:s26], [sflag:$0x7], $0x2000, $0x38;
	[tilespmem:$0x1E100] =	vst v63  }
0x4f: {  	_ =	swait.ge [sflag:s28], $0x2000  }
0x50: {  	[sflag:s28] =	ssyncset.done $0x0  }
0x51: {  	s22 =	rddreg [dreg:$0x15];
	[sflag:s28] =	ssyncadd.s32 $0xFFFFE000  }
0x52: {  	[spmem:s22] =	stream.linear.scatter [tilespmem:s26], [sflag:$0x7], $0x2000, $0x38;
	[tilespmem:$0x1E100] =	vst v63  }
0x53: {  	_ =	swait.ge [sflag:s28], $0x2000  }
0x54: {  	[sflag:s28] =	ssyncset.done $0x0  }
0x55: {  	s23 =	rddreg [dreg:$0x16];
	[sflag:s28] =	ssyncadd.s32 $0xFFFFE000  }
0x56: {  	[spmem:s23] =	stream.linear.scatter [tilespmem:s26], [sflag:$0x7], $0x2000, $0x38;
	[tilespmem:$0x1E100] =	vst v63  }
0x57: {  	_ =	swait.ge [sflag:s28], $0x2000  }
0x58: {  	[sflag:s28] =	ssyncset.done $0x0  }
0x59: {  	s24 =	rddreg [dreg:$0x17];
	[sflag:s28] =	ssyncadd.s32 $0xFFFFE000  }
0x5a: {  	[spmem:s24] =	stream.linear.scatter [tilespmem:s26], [sflag:$0x7], $0x2000, $0x38;
	[tilespmem:$0x1E100] =	vst v63  }
0x5b: {  	_ =	swait.ge [sflag:s28], $0x2000  }
0x5c: {  	[sflag:s28] =	ssyncset.done $0x0  }
0x5d: {  	s20 =	rddreg [dreg:$0x18];
	[sflag:s28] =	ssyncadd.s32 $0xFFFFE000  }
0x5e: {  	[spmem:s20] =	stream.linear.scatter [tilespmem:s26], [sflag:$0x7], $0x2000, $0x38;
	[tilespmem:$0x1E100] =	vst v63  }
0x5f: {  	_ =	swait.ge [sflag:s28], $0x2000  }
0x60: {  	[sflag:s28] =	ssyncset.done $0x0  }
0x61: {  	s21 =	rddreg [dreg:$0x19];
	[sflag:s28] =	ssyncadd.s32 $0xFFFFE000  }
0x62: {  	[spmem:s21] =	stream.linear.scatter [tilespmem:s26], [sflag:$0x7], $0x2000, $0x38;
	[tilespmem:$0x1E100] =	vst v63  }
0x63: {  	_ =	swait.ge [sflag:s28], $0x2000  }
0x64: {  	[sflag:s28] =	ssyncset.done $0x0  }
0x65: {  	s22 =	rddreg [dreg:$0x1a];
	[sflag:s28] =	ssyncadd.s32 $0xFFFFE000  }
0x66: {  	[spmem:s22] =	stream.linear.scatter [tilespmem:s26], [sflag:$0x7], $0x2000, $0x38;
	[tilespmem:$0x1E100] =	vst v63  }
0x67: {  	_ =	swait.ge [sflag:s28], $0x2000  }
0x68: {  	[sflag:s28] =	ssyncset.done $0x0  }
0x69: {  	s23 =	rddreg [dreg:$0x1b];
	[sflag:s28] =	ssyncadd.s32 $0xFFFFE000  }
0x6a: {  	[spmem:s23] =	stream.linear.scatter [tilespmem:s26], [sflag:$0x7], $0x2000, $0x38;
	[tilespmem:$0x1E100] =	vst v63  }
0x6b: {  	_ =	swait.ge [sflag:s28], $0x2000  }
0x6c: {  	[sflag:s28] =	ssyncset.done $0x0  }
0x6d: {  	s24 =	rddreg [dreg:$0x1c];
	[sflag:s28] =	ssyncadd.s32 $0xFFFFE000  }
0x6e: {  	[spmem:s24] =	stream.linear.scatter [tilespmem:s26], [sflag:$0x7], $0x2000, $0x38;
	[tilespmem:$0x1E100] =	vst v63  }
0x6f: {  	_ =	swait.ge [sflag:s28], $0x2000  }
0x70: {  	[sflag:s28] =	ssyncset.done $0x0  }
0x71: {  	s20 =	rddreg [dreg:$0x1d];
	[sflag:s28] =	ssyncadd.s32 $0xFFFFE000  }
0x72: {  	[spmem:s20] =	stream.linear.scatter [tilespmem:s26], [sflag:$0x7], $0x2000, $0x38;
	[tilespmem:$0x1E100] =	vst v63  }
0x73: {  	_ =	swait.ge [sflag:s28], $0x2000  }
0x74: {  	[sflag:s28] =	ssyncset.done $0x0  }
0x75: {  	s21 =	rddreg [dreg:$0x1e];
	[sflag:s28] =	ssyncadd.s32 $0xFFFFE000  }
0x76: {  	[spmem:s21] =	stream.linear.scatter [tilespmem:s26], [sflag:$0x7], $0x2000, $0x38;
	[tilespmem:$0x1E100] =	vst v63  }
0x77: {  	_ =	swait.ge [sflag:s28], $0x2000  }
0x78: {  	s22 =	sld [smem:$0x7FB]  }
0x79: {  	[sflag:s28] =	ssyncset.done $0x0  }
0x7a: {  	[sflag:s28] =	ssyncadd.s32 $0xFFFFE000  }
0x7b: {  	[spmem:s22] =	stream.linear.scatter [tilespmem:s26], [sflag:$0x7], $0x2000, $0x38;
	[tilespmem:$0x1E100] =	vst v63  }
0x7c: {  	_ =	swait.ge [sflag:s28], $0x2000  }
0x7d: {  	s23 =	sld [smem:$0x7FC]  }
0x7e: {  	[sflag:s28] =	ssyncset.done $0x0  }
0x7f: {  	[sflag:s28] =	ssyncadd.s32 $0xFFFFE000  }
0x80: {  	[spmem:s23] =	stream.linear.scatter [tilespmem:s26], [sflag:$0x7], $0x800, $0x38;
	[tilespmem:$0x1E100] =	vst v63  }
0x81: {  	_ =	swait.ge [sflag:s28], $0x800  }
0x82: {  	[sflag:s28] =	ssyncset.done $0x0  }
0x83: {  	[sflag:s28] =	ssyncadd.s32 $0xFFFFF800  }
0x84: {  	[bflag:$0x0] =	sbarrier.arrive $0xFFFF  }
0x85: {  	s20 =	rddreg [dreg:$0x1f]  }
0x86: {  	s19 =	simm.s32 $0x0;
	s24 =	sld [smem:$0x7F6]  }
0x87: {  	[tilespmem:s29], [sflag:$0x1] =	stream.linear.gather [hbm4b:s20+s19], $0x400, $0x38;
	[tilespmem:$0x1E100] =	vst v63  }
0x88: {  	s21 =	sld [smem:$0x7F7]  }
0x89: {  	[tilespmem:s30], [sflag:$0x1] =	stream.linear.gather [hbm4b:s24+s19], $0x400, $0x38;
	[tilespmem:$0x1E100] =	vst v63  }
0x8a: {  	s22 =	sld [smem:$0x7F8]  }
0x8b: {  	[tilespmem:s31], [sflag:$0x1] =	stream.linear.gather [hbm4b:s21+s19], $0x400, $0x38;
	[tilespmem:$0x1E100] =	vst v63  }
0x8c: {  	s23 =	sld [smem:$0x7F9]  }
0x8d: {  	[tilespmem:s0], [sflag:$0x2] =	stream.linear.gather [hbm4b:s22+s19], $0x400, $0x38;
	[tilespmem:$0x1E100] =	vst v63  }
0x8e: {  	s24 =	sld [smem:$0x7FA]  }
0x8f: {  	[tilespmem:s1], [sflag:$0x2] =	stream.linear.gather [hbm4b:s23+s19], $0x400, $0x38;
	[tilespmem:$0x1E100] =	vst v63  }
0x90: {  	_ = 	snop  }
0x91: {  	[tilespmem:s6], [sflag:$0x2] =	stream.linear.gather [hbm4b:s24+s19], $0x400, $0x38;
	[tilespmem:$0x1E100] =	vst v63  }
0x92: {  	_ =	swait.ge [sflag:s7], $0x400  }
0x93: {  	[sflag:s7] =	ssyncset.done $0x0  }
0x94: {  	[sflag:s7] =	ssyncadd.s32 $0xFFFFFC00  }
0x95: {  	_ =	swait.ge [sflag:s7], $0x400  }
0x96: {  	[sflag:s7] =	ssyncset.done $0x0  }
0x97: {  	[sflag:s7] =	ssyncadd.s32 $0xFFFFFC00  }
0x98: {  	_ =	swait.ge [sflag:s7], $0x400  }
0x99: {  	[sflag:s7] =	ssyncset.done $0x0  }
0x9a: {  	[sflag:s7] =	ssyncadd.s32 $0xFFFFFC00  }
0x9b: {  	[tilespmem:s26], [sflag:$0x3] =	stream.indirect.gather [hbm4b:s4+s8], $0x40, s30, s8, $0xb8;
	[tilespmem:$0x1E100] =	vst v63  }
0x9c: {  	s21 =	rddreg [dreg:$0x8]  }
0x9d: {  	[tilespmem:s9], [sflag:$0x4] =	stream.indirect.gather [hbm4b:s4+s8], $0x40, s21, s8, $0xb8;
	[tilespmem:$0x1E100] =	vst v63  }
0x9e: {  	_ =	swait.ge [sflag:s10], $0x2000  }
0x9f: {  	[sflag:s10] =	ssyncset.done $0x0  }
0xa0: {  	[sflag:s10] =	ssyncadd.s32 $0xFFFFE000  }
0xa1: {  	[spmem:s2] =	stream.indirect.scatter.add.f32 [tilespmem:s26], [sflag:$0x5], $0x40, s11, s8, $0xb8;
	[tilespmem:$0x1E100] =	vst v63  }
0xa2: {  	_ =	swait.ge [sflag:s12], $0x2000  }
0xa3: {  	[sflag:s12] =	ssyncset.done $0x0  }
0xa4: {  	s22 =	rddreg [dreg:$0x9];
	[sflag:s12] =	ssyncadd.s32 $0xFFFFE000  }
0xa5: {  	[tilespmem:s26], [sflag:$0x3] =	stream.indirect.gather [hbm4b:s4+s8], $0x40, s22, s8, $0xb8;
	[tilespmem:$0x1E100] =	vst v63  }
0xa6: {  	_ =	swait.ge [sflag:s13], $0x2000  }
0xa7: {  	[sflag:s13] =	ssyncset.done $0x0  }
0xa8: {  	[sflag:s13] =	ssyncadd.s32 $0xFFFFE000  }
0xa9: {  	[spmem:s2] =	stream.indirect.scatter.add.f32 [tilespmem:s9], [sflag:$0x6], $0x40, s14, s8, $0xb8;
	[tilespmem:$0x1E100] =	vst v63  }
0xaa: {  	_ =	swait.ge [sflag:s15], $0x2000  }
0xab: {  	[sflag:s15] =	ssyncset.done $0x0  }
0xac: {  	s23 =	rddreg [dreg:$0xa];
	[sflag:s15] =	ssyncadd.s32 $0xFFFFE000  }
0xad: {  	[tilespmem:s9], [sflag:$0x4] =	stream.indirect.gather [hbm4b:s4+s8], $0x40, s23, s8, $0xb8;
	[tilespmem:$0x1E100] =	vst v63  }
0xae: {  	_ =	swait.ge [sflag:s10], $0x2000  }
0xaf: {  	[sflag:s10] =	ssyncset.done $0x0  }
0xb0: {  	[sflag:s10] =	ssyncadd.s32 $0xFFFFE000  }
0xb1: {  	[spmem:s2] =	stream.indirect.scatter.add.f32 [tilespmem:s26], [sflag:$0x5], $0x40, s11, s8, $0xb8;
	[tilespmem:$0x1E100] =	vst v63  }
0xb2: {  	_ =	swait.ge [sflag:s12], $0x2000  }
0xb3: {  	[sflag:s12] =	ssyncset.done $0x0  }
0xb4: {  	s24 =	rddreg [dreg:$0xb];
	[sflag:s12] =	ssyncadd.s32 $0xFFFFE000  }
0xb5: {  	[tilespmem:s26], [sflag:$0x3] =	stream.indirect.gather [hbm4b:s4+s8], $0x40, s24, s8, $0xb8;
	[tilespmem:$0x1E100] =	vst v63  }
0xb6: {  	_ =	swait.ge [sflag:s13], $0x2000  }
0xb7: {  	[sflag:s13] =	ssyncset.done $0x0  }
0xb8: {  	[sflag:s13] =	ssyncadd.s32 $0xFFFFE000  }
0xb9: {  	[spmem:s2] =	stream.indirect.scatter.add.f32 [tilespmem:s9], [sflag:$0x6], $0x40, s14, s8, $0xb8;
	[tilespmem:$0x1E100] =	vst v63  }
0xba: {  	_ =	swait.ge [sflag:s15], $0x2000  }
0xbb: {  	[sflag:s15] =	ssyncset.done $0x0  }
0xbc: {  	s20 =	rddreg [dreg:$0xc];
	[sflag:s15] =	ssyncadd.s32 $0xFFFFE000  }
0xbd: {  	[tilespmem:s9], [sflag:$0x4] =	stream.indirect.gather [hbm4b:s4+s8], $0x40, s20, s8, $0xb8;
	[tilespmem:$0x1E100] =	vst v63  }
0xbe: {  	_ =	swait.ge [sflag:s10], $0x2000  }
0xbf: {  	[sflag:s10] =	ssyncset.done $0x0  }
0xc0: {  	[sflag:s10] =	ssyncadd.s32 $0xFFFFE000  }
0xc1: {  	[spmem:s2] =	stream.indirect.scatter.add.f32 [tilespmem:s26], [sflag:$0x5], $0x40, s11, s8, $0xb8;
	[tilespmem:$0x1E100] =	vst v63  }
0xc2: {  	_ =	swait.ge [sflag:s12], $0x2000  }
0xc3: {  	[sflag:s12] =	ssyncset.done $0x0  }
0xc4: {  	s21 =	rddreg [dreg:$0xd];
	[sflag:s12] =	ssyncadd.s32 $0xFFFFE000  }
0xc5: {  	[tilespmem:s26], [sflag:$0x3] =	stream.indirect.gather [hbm4b:s4+s8], $0x40, s21, s8, $0xb8;
	[tilespmem:$0x1E100] =	vst v63  }
0xc6: {  	_ =	swait.ge [sflag:s13], $0x2000  }
0xc7: {  	[sflag:s13] =	ssyncset.done $0x0  }
0xc8: {  	[sflag:s13] =	ssyncadd.s32 $0xFFFFE000  }
0xc9: {  	[spmem:s2] =	stream.indirect.scatter.add.f32 [tilespmem:s9], [sflag:$0x6], $0x40, s14, s8, $0xb8;
	[tilespmem:$0x1E100] =	vst v63  }
0xca: {  	_ =	swait.ge [sflag:s15], $0x2000  }
0xcb: {  	[sflag:s15] =	ssyncset.done $0x0  }
0xcc: {  	s22 =	rddreg [dreg:$0xe];
	[sflag:s15] =	ssyncadd.s32 $0xFFFFE000  }
0xcd: {  	[tilespmem:s9], [sflag:$0x4] =	stream.indirect.gather [hbm4b:s4+s8], $0x40, s22, s8, $0xb8;
	[tilespmem:$0x1E100] =	vst v63  }
0xce: {  	_ =	swait.ge [sflag:s10], $0x2000  }
0xcf: {  	[sflag:s10] =	ssyncset.done $0x0  }
0xd0: {  	[sflag:s10] =	ssyncadd.s32 $0xFFFFE000  }
0xd1: {  	[spmem:s2] =	stream.indirect.scatter.add.f32 [tilespmem:s26], [sflag:$0x5], $0x40, s11, s8, $0xb8;
	[tilespmem:$0x1E100] =	vst v63  }
0xd2: {  	_ =	swait.ge [sflag:s13], $0x2000  }
0xd3: {  	[sflag:s13] =	ssyncset.done $0x0;
	s23 =	rddreg [dreg:$0x7]  }
0xd4: {  	s24 =	rddreg [dreg:$0x6];
	[sflag:s13] =	ssyncadd.s32 $0xFFFFE000;
	s19 =	sadd.s32 $0x0, s23  }
0xd5: {  	[spmem:s2] =	stream.indirect.scatter.add.f32 [tilespmem:s9], [sflag:$0x6], $0x40, s14, s8, $0xb8;
	[tilespmem:$0x1E100] =	vst v63  }
0xd6: {  	s21 =	rddreg [dreg:$0x5];
	s20 =	sadd.s32 $0x0, s24;
	s22 =	sadd.s32 $0x100, s19  }
0xd7: {  	[tilespmem:s29], [sflag:$0x1] =	stream.linear.gather [hbm4b:s22+s3], $0x400, $0x38;
	[tilespmem:$0x1E100] =	vst v63  }
0xd8: {  	s21 =	sadd.s32 $0x0, s21;
	s23 =	sadd.s32 $0x100, s20  }
0xd9: {  	[tilespmem:s30], [sflag:$0x1] =	stream.linear.gather [hbm4b:s23+s3], $0x400, $0x38;
	[tilespmem:$0x1E100] =	vst v63  }
0xda: {  	s24 =	sadd.s32 $0x100, s21  }
0xdb: {  	[tilespmem:s31], [sflag:$0x1] =	stream.linear.gather [hbm4b:s24+s3], $0x400, $0x38;
	[tilespmem:$0x1E100] =	vst v63  }
0xdc: {  	_ =	swait.ge [sflag:s16], $0x400  }
0xdd: {  	[sflag:s16] =	ssyncset.done $0x0  }
0xde: {  	[sflag:s16] =	ssyncadd.s32 $0xFFFFFC00  }
0xdf: {  	_ =	swait.ge [sflag:s16], $0x400  }
0xe0: {  	[sflag:s16] =	ssyncset.done $0x0  }
0xe1: {  	[sflag:s16] =	ssyncadd.s32 $0xFFFFFC00  }
0xe2: {  	_ =	swait.ge [sflag:s16], $0x400  }
0xe3: {  	[sflag:s16] =	ssyncset.done $0x0  }
0xe4: {  	[sflag:s16] =	ssyncadd.s32 $0xFFFFFC00  }
0xe5: {  	_ =	swait.ge [sflag:s12], $0x2000  }
0xe6: {  	[sflag:s12] =	ssyncset.done $0x0  }
0xe7: {  	[sflag:s12] =	ssyncadd.s32 $0xFFFFE000  }
0xe8: {  	[tilespmem:s26], [sflag:$0x3] =	stream.indirect.gather [hbm4b:s4+s8], $0x40, s1, s8, $0xb8;
	[tilespmem:$0x1E100] =	vst v63  }
0xe9: {  	_ =	swait.ge [sflag:s15], $0x2000  }
0xea: {  	[sflag:s15] =	ssyncset.done $0x0  }
0xeb: {  	s23 =	rddreg [dreg:$0xf];
	[sflag:s15] =	ssyncadd.s32 $0xFFFFE000  }
0xec: {  	[tilespmem:s9], [sflag:$0x4] =	stream.indirect.gather [hbm4b:s4+s8], $0x40, s23, s8, $0xb8;
	[tilespmem:$0x1E100] =	vst v63  }
0xed: {  	_ =	swait.ge [sflag:s10], $0x2000  }
0xee: {  	[sflag:s10] =	ssyncset.done $0x0  }
0xef: {  	[sflag:s10] =	ssyncadd.s32 $0xFFFFE000  }
0xf0: {  	[spmem:s2] =	stream.indirect.scatter.add.f32 [tilespmem:s26], [sflag:$0x5], $0x40, s11, s8, $0xb8;
	[tilespmem:$0x1E100] =	vst v63  }
0xf1: {  	_ =	swait.ge [sflag:s12], $0x2000  }
0xf2: {  	[sflag:s12] =	ssyncset.done $0x0  }
0xf3: {  	s24 =	rddreg [dreg:$0x10];
	[sflag:s12] =	ssyncadd.s32 $0xFFFFE000  }
0xf4: {  	[tilespmem:s26], [sflag:$0x3] =	stream.indirect.gather [hbm4b:s4+s8], $0x40, s24, s8, $0xb8;
	[tilespmem:$0x1E100] =	vst v63  }
0xf5: {  	_ =	swait.ge [sflag:s13], $0x2000  }
0xf6: {  	[sflag:s13] =	ssyncset.done $0x0  }
0xf7: {  	[sflag:s13] =	ssyncadd.s32 $0xFFFFE000  }
0xf8: {  	[spmem:s2] =	stream.indirect.scatter.add.f32 [tilespmem:s9], [sflag:$0x6], $0x40, s14, s8, $0xb8;
	[tilespmem:$0x1E100] =	vst v63  }
0xf9: {  	_ =	swait.ge [sflag:s15], $0x2000  }
0xfa: {  	[sflag:s15] =	ssyncset.done $0x0  }
0xfb: {  	s23 =	rddreg [dreg:$0x11];
	[sflag:s15] =	ssyncadd.s32 $0xFFFFE000  }
0xfc: {  	[tilespmem:s9], [sflag:$0x4] =	stream.indirect.gather [hbm4b:s4+s8], $0x40, s23, s8, $0xb8;
	[tilespmem:$0x1E100] =	vst v63  }
0xfd: {  	_ =	swait.ge [sflag:s10], $0x2000  }
0xfe: {  	[sflag:s10] =	ssyncset.done $0x0  }
0xff: {  	[sflag:s10] =	ssyncadd.s32 $0xFFFFE000  }
0x100: {  	[spmem:s2] =	stream.indirect.scatter.add.f32 [tilespmem:s26], [sflag:$0x5], $0x40, s11, s8, $0xb8;
	[tilespmem:$0x1E100] =	vst v63  }
0x101: {  	_ =	swait.ge [sflag:s12], $0x2000  }
0x102: {  	[sflag:s12] =	ssyncset.done $0x0  }
0x103: {  	s24 =	rddreg [dreg:$0x12];
	[sflag:s12] =	ssyncadd.s32 $0xFFFFE000  }
0x104: {  	[tilespmem:s26], [sflag:$0x3] =	stream.indirect.gather [hbm4b:s4+s8], $0x40, s24, s8, $0xb8;
	[tilespmem:$0x1E100] =	vst v63  }
0x105: {  	_ =	swait.ge [sflag:s13], $0x2000  }
0x106: {  	[sflag:s13] =	ssyncset.done $0x0  }
0x107: {  	[sflag:s13] =	ssyncadd.s32 $0xFFFFE000  }
0x108: {  	[spmem:s2] =	stream.indirect.scatter.add.f32 [tilespmem:s9], [sflag:$0x6], $0x40, s14, s8, $0xb8;
	[tilespmem:$0x1E100] =	vst v63  }
0x109: {  	_ =	swait.ge [sflag:s15], $0x2000  }
0x10a: {  	[sflag:s15] =	ssyncset.done $0x0  }
0x10b: {  	s23 =	rddreg [dreg:$0x13];
	[sflag:s15] =	ssyncadd.s32 $0xFFFFE000  }
0x10c: {  	[tilespmem:s9], [sflag:$0x4] =	stream.indirect.gather [hbm4b:s4+s8], $0x40, s23, s8, $0xb8;
	[tilespmem:$0x1E100] =	vst v63  }
0x10d: {  	_ =	swait.ge [sflag:s10], $0x2000  }
0x10e: {  	[sflag:s10] =	ssyncset.done $0x0  }
0x10f: {  	[sflag:s10] =	ssyncadd.s32 $0xFFFFE000  }
0x110: {  	[spmem:s2] =	stream.indirect.scatter.add.f32 [tilespmem:s26], [sflag:$0x5], $0x40, s11, s8, $0xb8;
	[tilespmem:$0x1E100] =	vst v63  }
0x111: {  	_ =	swait.ge [sflag:s12], $0x2000  }
0x112: {  	[sflag:s12] =	ssyncset.done $0x0  }
0x113: {  	s24 =	rddreg [dreg:$0x14];
	[sflag:s12] =	ssyncadd.s32 $0xFFFFE000  }
0x114: {  	[tilespmem:s26], [sflag:$0x3] =	stream.indirect.gather [hbm4b:s4+s8], $0x40, s24, s8, $0xb8;
	[tilespmem:$0x1E100] =	vst v63  }
0x115: {  	_ =	swait.ge [sflag:s13], $0x2000  }
0x116: {  	[sflag:s13] =	ssyncset.done $0x0  }
0x117: {  	[sflag:s13] =	ssyncadd.s32 $0xFFFFE000  }
0x118: {  	[spmem:s2] =	stream.indirect.scatter.add.f32 [tilespmem:s9], [sflag:$0x6], $0x40, s14, s8, $0xb8;
	[tilespmem:$0x1E100] =	vst v63  }
0x119: {  	_ =	swait.ge [sflag:s15], $0x2000  }
0x11a: {  	[sflag:s15] =	ssyncset.done $0x0  }
0x11b: {  	[sflag:s15] =	ssyncadd.s32 $0xFFFFE000  }
0x11c: {  	[tilespmem:s9], [sflag:$0x4] =	stream.indirect.gather [hbm4b:s4+s8], $0x40, s17, s8, $0xb8;
	[tilespmem:$0x1E100] =	vst v63  }
0x11d: {  	_ =	swait.ge [sflag:s10], $0x2000  }
0x11e: {  	[sflag:s10] =	ssyncset.done $0x0  }
0x11f: {  	[sflag:s10] =	ssyncadd.s32 $0xFFFFE000  }
0x120: {  	[spmem:s2] =	stream.indirect.scatter.add.f32 [tilespmem:s26], [sflag:$0x5], $0x40, s11, s8, $0xb8;
	[tilespmem:$0x1E100] =	vst v63  }
0x121: {  	_ =	swait.ge [sflag:s13], $0x2000  }
0x122: {  	[sflag:s13] =	ssyncset.done $0x0  }
0x123: {  	[sflag:s13] =	ssyncadd.s32 $0xFFFFE000  }
0x124: {  	[spmem:s2] =	stream.indirect.scatter.add.f32 [tilespmem:s9], [sflag:$0x6], $0x40, s14, s8, $0xb8;
	[tilespmem:$0x1E100] =	vst v63  }
0x125: {  	s19 =	sadd.s32 $0x180, s19  }
0x126: {  	[tilespmem:s0], [sflag:$0x2] =	stream.linear.gather [hbm4b:s19+s3], $0x400, $0x38;
	[tilespmem:$0x1E100] =	vst v63  }
0x127: {  	s23 =	sadd.s32 $0x180, s20  }
0x128: {  	[tilespmem:s1], [sflag:$0x2] =	stream.linear.gather [hbm4b:s23+s3], $0x400, $0x38;
	[tilespmem:$0x1E100] =	vst v63  }
0x129: {  	s24 =	sadd.s32 $0x180, s21  }
0x12a: {  	[tilespmem:s6], [sflag:$0x2] =	stream.linear.gather [hbm4b:s24+s3], $0x400, $0x38;
	[tilespmem:$0x1E100] =	vst v63  }
0x12b: {  	_ =	swait.ge [sflag:s12], $0x2000  }
0x12c: {  	[sflag:s12] =	ssyncset.done $0x0  }
0x12d: {  	s19 =	simm.s32 $0x100;
	[sflag:s12] =	ssyncadd.s32 $0xFFFFE000  }
.LBB2_4:
0x12e: {  	_ =	swait.ge [sflag:s15], $0x2000  }
0x12f: {  	[sflag:s15] =	ssyncset.done $0x0  }
0x130: {  	[sflag:s15] =	ssyncadd.s32 $0xFFFFE000  }
0x131: {  	_ =	swait.ge [sflag:s7], $0x400  }
0x132: {  	[sflag:s7] =	ssyncset.done $0x0  }
0x133: {  	[sflag:s7] =	ssyncadd.s32 $0xFFFFFC00  }
0x134: {  	_ =	swait.ge [sflag:s7], $0x400  }
0x135: {  	[sflag:s7] =	ssyncset.done $0x0  }
0x136: {  	[sflag:s7] =	ssyncadd.s32 $0xFFFFFC00  }
0x137: {  	_ =	swait.ge [sflag:s7], $0x400  }
0x138: {  	[sflag:s7] =	ssyncset.done $0x0  }
0x139: {  	[sflag:s7] =	ssyncadd.s32 $0xFFFFFC00  }
0x13a: {  	[tilespmem:s26], [sflag:$0x3] =	stream.indirect.gather [hbm4b:s4+s8], $0x40, s30, s8, $0xb8;
	[tilespmem:$0x1E100] =	vst v63  }
0x13b: {  	s20 =	rddreg [dreg:$0x8]  }
0x13c: {  	[tilespmem:s9], [sflag:$0x4] =	stream.indirect.gather [hbm4b:s4+s8], $0x40, s20, s8, $0xb8;
	[tilespmem:$0x1E100] =	vst v63  }
0x13d: {  	_ =	swait.ge [sflag:s10], $0x2000  }
0x13e: {  	[sflag:s10] =	ssyncset.done $0x0  }
0x13f: {  	[sflag:s10] =	ssyncadd.s32 $0xFFFFE000  }
0x140: {  	[spmem:s2] =	stream.indirect.scatter.add.f32 [tilespmem:s26], [sflag:$0x5], $0x40, s11, s8, $0xb8;
	[tilespmem:$0x1E100] =	vst v63  }
0x141: {  	_ =	swait.ge [sflag:s12], $0x2000  }
0x142: {  	[sflag:s12] =	ssyncset.done $0x0  }
0x143: {  	s23 =	rddreg [dreg:$0x9];
	[sflag:s12] =	ssyncadd.s32 $0xFFFFE000  }
0x144: {  	[tilespmem:s26], [sflag:$0x3] =	stream.indirect.gather [hbm4b:s4+s8], $0x40, s23, s8, $0xb8;
	[tilespmem:$0x1E100] =	vst v63  }
0x145: {  	_ =	swait.ge [sflag:s13], $0x2000  }
0x146: {  	[sflag:s13] =	ssyncset.done $0x0  }
0x147: {  	[sflag:s13] =	ssyncadd.s32 $0xFFFFE000  }
0x148: {  	[spmem:s2] =	stream.indirect.scatter.add.f32 [tilespmem:s9], [sflag:$0x6], $0x40, s14, s8, $0xb8;
	[tilespmem:$0x1E100] =	vst v63  }
0x149: {  	_ =	swait.ge [sflag:s15], $0x2000  }
0x14a: {  	[sflag:s15] =	ssyncset.done $0x0  }
0x14b: {  	s24 =	rddreg [dreg:$0xa];
	[sflag:s15] =	ssyncadd.s32 $0xFFFFE000  }
0x14c: {  	[tilespmem:s9], [sflag:$0x4] =	stream.indirect.gather [hbm4b:s4+s8], $0x40, s24, s8, $0xb8;
	[tilespmem:$0x1E100] =	vst v63  }
0x14d: {  	_ =	swait.ge [sflag:s10], $0x2000  }
0x14e: {  	[sflag:s10] =	ssyncset.done $0x0  }
0x14f: {  	[sflag:s10] =	ssyncadd.s32 $0xFFFFE000  }
0x150: {  	[spmem:s2] =	stream.indirect.scatter.add.f32 [tilespmem:s26], [sflag:$0x5], $0x40, s11, s8, $0xb8;
	[tilespmem:$0x1E100] =	vst v63  }
0x151: {  	_ =	swait.ge [sflag:s12], $0x2000  }
0x152: {  	[sflag:s12] =	ssyncset.done $0x0  }
0x153: {  	s21 =	rddreg [dreg:$0xb];
	[sflag:s12] =	ssyncadd.s32 $0xFFFFE000  }
0x154: {  	[tilespmem:s26], [sflag:$0x3] =	stream.indirect.gather [hbm4b:s4+s8], $0x40, s21, s8, $0xb8;
	[tilespmem:$0x1E100] =	vst v63  }
0x155: {  	_ =	swait.ge [sflag:s13], $0x2000  }
0x156: {  	[sflag:s13] =	ssyncset.done $0x0  }
0x157: {  	[sflag:s13] =	ssyncadd.s32 $0xFFFFE000  }
0x158: {  	[spmem:s2] =	stream.indirect.scatter.add.f32 [tilespmem:s9], [sflag:$0x6], $0x40, s14, s8, $0xb8;
	[tilespmem:$0x1E100] =	vst v63  }
0x159: {  	_ =	swait.ge [sflag:s15], $0x2000  }
0x15a: {  	[sflag:s15] =	ssyncset.done $0x0  }
0x15b: {  	s23 =	rddreg [dreg:$0xc];
	[sflag:s15] =	ssyncadd.s32 $0xFFFFE000  }
0x15c: {  	[tilespmem:s9], [sflag:$0x4] =	stream.indirect.gather [hbm4b:s4+s8], $0x40, s23, s8, $0xb8;
	[tilespmem:$0x1E100] =	vst v63  }
0x15d: {  	_ =	swait.ge [sflag:s10], $0x2000  }
0x15e: {  	[sflag:s10] =	ssyncset.done $0x0  }
0x15f: {  	[sflag:s10] =	ssyncadd.s32 $0xFFFFE000  }
0x160: {  	[spmem:s2] =	stream.indirect.scatter.add.f32 [tilespmem:s26], [sflag:$0x5], $0x40, s11, s8, $0xb8;
	[tilespmem:$0x1E100] =	vst v63  }
0x161: {  	_ =	swait.ge [sflag:s12], $0x2000  }
0x162: {  	[sflag:s12] =	ssyncset.done $0x0  }
0x163: {  	s24 =	rddreg [dreg:$0xd];
	[sflag:s12] =	ssyncadd.s32 $0xFFFFE000  }
0x164: {  	[tilespmem:s26], [sflag:$0x3] =	stream.indirect.gather [hbm4b:s4+s8], $0x40, s24, s8, $0xb8;
	[tilespmem:$0x1E100] =	vst v63  }
0x165: {  	_ =	swait.ge [sflag:s13], $0x2000  }
0x166: {  	[sflag:s13] =	ssyncset.done $0x0  }
0x167: {  	[sflag:s13] =	ssyncadd.s32 $0xFFFFE000  }
0x168: {  	[spmem:s2] =	stream.indirect.scatter.add.f32 [tilespmem:s9], [sflag:$0x6], $0x40, s14, s8, $0xb8;
	[tilespmem:$0x1E100] =	vst v63  }
0x169: {  	_ =	swait.ge [sflag:s15], $0x2000  }
0x16a: {  	[sflag:s15] =	ssyncset.done $0x0  }
0x16b: {  	s21 =	rddreg [dreg:$0xe];
	[sflag:s15] =	ssyncadd.s32 $0xFFFFE000  }
0x16c: {  	[tilespmem:s9], [sflag:$0x4] =	stream.indirect.gather [hbm4b:s4+s8], $0x40, s21, s8, $0xb8;
	[tilespmem:$0x1E100] =	vst v63  }
0x16d: {  	_ =	swait.ge [sflag:s10], $0x2000  }
0x16e: {  	[sflag:s10] =	ssyncset.done $0x0  }
0x16f: {  	[sflag:s10] =	ssyncadd.s32 $0xFFFFE000  }
0x170: {  	[spmem:s2] =	stream.indirect.scatter.add.f32 [tilespmem:s26], [sflag:$0x5], $0x40, s11, s8, $0xb8;
	[tilespmem:$0x1E100] =	vst v63  }
0x171: {  	_ =	swait.ge [sflag:s13], $0x2000  }
0x172: {  	s22 =	smov.u32 s19;
	[sflag:s13] =	ssyncset.done $0x0;
	s23 =	rddreg [dreg:$0x7]  }
0x173: {  	s21 =	rddreg [dreg:$0x6];
	[sflag:s13] =	ssyncadd.s32 $0xFFFFE000;
	s20 =	sadd.s32 s22, s23  }
0x174: {  	[spmem:s2] =	stream.indirect.scatter.add.f32 [tilespmem:s9], [sflag:$0x6], $0x40, s14, s8, $0xb8;
	[tilespmem:$0x1E100] =	vst v63  }
0x175: {  	s23 =	rddreg [dreg:$0x5];
	s21 =	sadd.s32 s22, s21;
	s24 =	sadd.s32 $0x100, s20  }
0x176: {  	[tilespmem:s29], [sflag:$0x1] =	stream.linear.gather [hbm4b:s24+s3], $0x400, $0x38;
	[tilespmem:$0x1E100] =	vst v63  }
0x177: {  	s22 =	sadd.s32 s22, s23;
	s23 =	sadd.s32 $0x100, s21  }
0x178: {  	[tilespmem:s30], [sflag:$0x1] =	stream.linear.gather [hbm4b:s23+s3], $0x400, $0x38;
	[tilespmem:$0x1E100] =	vst v63  }
0x179: {  	s24 =	sadd.s32 $0x100, s22  }
0x17a: {  	[tilespmem:s31], [sflag:$0x1] =	stream.linear.gather [hbm4b:s24+s3], $0x400, $0x38;
	[tilespmem:$0x1E100] =	vst v63  }
0x17b: {  	_ =	swait.ge [sflag:s16], $0x400  }
0x17c: {  	[sflag:s16] =	ssyncset.done $0x0  }
0x17d: {  	[sflag:s16] =	ssyncadd.s32 $0xFFFFFC00  }
0x17e: {  	_ =	swait.ge [sflag:s16], $0x400  }
0x17f: {  	[sflag:s16] =	ssyncset.done $0x0  }
0x180: {  	[sflag:s16] =	ssyncadd.s32 $0xFFFFFC00  }
0x181: {  	_ =	swait.ge [sflag:s16], $0x400  }
0x182: {  	[sflag:s16] =	ssyncset.done $0x0  }
0x183: {  	[sflag:s16] =	ssyncadd.s32 $0xFFFFFC00  }
0x184: {  	_ =	swait.ge [sflag:s12], $0x2000  }
0x185: {  	[sflag:s12] =	ssyncset.done $0x0  }
0x186: {  	[sflag:s12] =	ssyncadd.s32 $0xFFFFE000  }
0x187: {  	[tilespmem:s26], [sflag:$0x3] =	stream.indirect.gather [hbm4b:s4+s8], $0x40, s1, s8, $0xb8;
	[tilespmem:$0x1E100] =	vst v63  }
0x188: {  	_ =	swait.ge [sflag:s15], $0x2000  }
0x189: {  	[sflag:s15] =	ssyncset.done $0x0  }
0x18a: {  	s24 =	rddreg [dreg:$0xf];
	[sflag:s15] =	ssyncadd.s32 $0xFFFFE000  }
0x18b: {  	[tilespmem:s9], [sflag:$0x4] =	stream.indirect.gather [hbm4b:s4+s8], $0x40, s24, s8, $0xb8;
	[tilespmem:$0x1E100] =	vst v63  }
0x18c: {  	_ =	swait.ge [sflag:s10], $0x2000  }
0x18d: {  	[sflag:s10] =	ssyncset.done $0x0  }
0x18e: {  	[sflag:s10] =	ssyncadd.s32 $0xFFFFE000  }
0x18f: {  	[spmem:s2] =	stream.indirect.scatter.add.f32 [tilespmem:s26], [sflag:$0x5], $0x40, s11, s8, $0xb8;
	[tilespmem:$0x1E100] =	vst v63  }
0x190: {  	_ =	swait.ge [sflag:s12], $0x2000  }
0x191: {  	[sflag:s12] =	ssyncset.done $0x0  }
0x192: {  	s24 =	rddreg [dreg:$0x10];
	[sflag:s12] =	ssyncadd.s32 $0xFFFFE000  }
0x193: {  	[tilespmem:s26], [sflag:$0x3] =	stream.indirect.gather [hbm4b:s4+s8], $0x40, s24, s8, $0xb8;
	[tilespmem:$0x1E100] =	vst v63  }
0x194: {  	_ =	swait.ge [sflag:s13], $0x2000  }
0x195: {  	[sflag:s13] =	ssyncset.done $0x0  }
0x196: {  	[sflag:s13] =	ssyncadd.s32 $0xFFFFE000  }
0x197: {  	[spmem:s2] =	stream.indirect.scatter.add.f32 [tilespmem:s9], [sflag:$0x6], $0x40, s14, s8, $0xb8;
	[tilespmem:$0x1E100] =	vst v63  }
0x198: {  	_ =	swait.ge [sflag:s15], $0x2000  }
0x199: {  	[sflag:s15] =	ssyncset.done $0x0  }
0x19a: {  	s24 =	rddreg [dreg:$0x11];
	[sflag:s15] =	ssyncadd.s32 $0xFFFFE000  }
0x19b: {  	[tilespmem:s9], [sflag:$0x4] =	stream.indirect.gather [hbm4b:s4+s8], $0x40, s24, s8, $0xb8;
	[tilespmem:$0x1E100] =	vst v63  }
0x19c: {  	_ =	swait.ge [sflag:s10], $0x2000  }
0x19d: {  	[sflag:s10] =	ssyncset.done $0x0  }
0x19e: {  	[sflag:s10] =	ssyncadd.s32 $0xFFFFE000  }
0x19f: {  	[spmem:s2] =	stream.indirect.scatter.add.f32 [tilespmem:s26], [sflag:$0x5], $0x40, s11, s8, $0xb8;
	[tilespmem:$0x1E100] =	vst v63  }
0x1a0: {  	_ =	swait.ge [sflag:s12], $0x2000  }
0x1a1: {  	[sflag:s12] =	ssyncset.done $0x0  }
0x1a2: {  	s24 =	rddreg [dreg:$0x12];
	[sflag:s12] =	ssyncadd.s32 $0xFFFFE000  }
0x1a3: {  	[tilespmem:s26], [sflag:$0x3] =	stream.indirect.gather [hbm4b:s4+s8], $0x40, s24, s8, $0xb8;
	[tilespmem:$0x1E100] =	vst v63  }
0x1a4: {  	_ =	swait.ge [sflag:s13], $0x2000  }
0x1a5: {  	[sflag:s13] =	ssyncset.done $0x0  }
0x1a6: {  	[sflag:s13] =	ssyncadd.s32 $0xFFFFE000  }
0x1a7: {  	[spmem:s2] =	stream.indirect.scatter.add.f32 [tilespmem:s9], [sflag:$0x6], $0x40, s14, s8, $0xb8;
	[tilespmem:$0x1E100] =	vst v63  }
0x1a8: {  	_ =	swait.ge [sflag:s15], $0x2000  }
0x1a9: {  	[sflag:s15] =	ssyncset.done $0x0  }
0x1aa: {  	s24 =	rddreg [dreg:$0x13];
	[sflag:s15] =	ssyncadd.s32 $0xFFFFE000  }
0x1ab: {  	[tilespmem:s9], [sflag:$0x4] =	stream.indirect.gather [hbm4b:s4+s8], $0x40, s24, s8, $0xb8;
	[tilespmem:$0x1E100] =	vst v63  }
0x1ac: {  	_ =	swait.ge [sflag:s10], $0x2000  }
0x1ad: {  	[sflag:s10] =	ssyncset.done $0x0  }
0x1ae: {  	[sflag:s10] =	ssyncadd.s32 $0xFFFFE000  }
0x1af: {  	[spmem:s2] =	stream.indirect.scatter.add.f32 [tilespmem:s26], [sflag:$0x5], $0x40, s11, s8, $0xb8;
	[tilespmem:$0x1E100] =	vst v63  }
0x1b0: {  	_ =	swait.ge [sflag:s12], $0x2000  }
0x1b1: {  	[sflag:s12] =	ssyncset.done $0x0  }
0x1b2: {  	s24 =	rddreg [dreg:$0x14];
	[sflag:s12] =	ssyncadd.s32 $0xFFFFE000  }
0x1b3: {  	[tilespmem:s26], [sflag:$0x3] =	stream.indirect.gather [hbm4b:s4+s8], $0x40, s24, s8, $0xb8;
	[tilespmem:$0x1E100] =	vst v63  }
0x1b4: {  	_ =	swait.ge [sflag:s13], $0x2000  }
0x1b5: {  	[sflag:s13] =	ssyncset.done $0x0  }
0x1b6: {  	[sflag:s13] =	ssyncadd.s32 $0xFFFFE000  }
0x1b7: {  	[spmem:s2] =	stream.indirect.scatter.add.f32 [tilespmem:s9], [sflag:$0x6], $0x40, s14, s8, $0xb8;
	[tilespmem:$0x1E100] =	vst v63  }
0x1b8: {  	_ =	swait.ge [sflag:s15], $0x2000  }
0x1b9: {  	[sflag:s15] =	ssyncset.done $0x0  }
0x1ba: {  	[sflag:s15] =	ssyncadd.s32 $0xFFFFE000  }
0x1bb: {  	[tilespmem:s9], [sflag:$0x4] =	stream.indirect.gather [hbm4b:s4+s8], $0x40, s17, s8, $0xb8;
	[tilespmem:$0x1E100] =	vst v63  }
0x1bc: {  	_ =	swait.ge [sflag:s10], $0x2000  }
0x1bd: {  	[sflag:s10] =	ssyncset.done $0x0  }
0x1be: {  	[sflag:s10] =	ssyncadd.s32 $0xFFFFE000  }
0x1bf: {  	[spmem:s2] =	stream.indirect.scatter.add.f32 [tilespmem:s26], [sflag:$0x5], $0x40, s11, s8, $0xb8;
	[tilespmem:$0x1E100] =	vst v63  }
0x1c0: {  	_ =	swait.ge [sflag:s13], $0x2000  }
0x1c1: {  	[sflag:s13] =	ssyncset.done $0x0  }
0x1c2: {  	[sflag:s13] =	ssyncadd.s32 $0xFFFFE000  }
0x1c3: {  	[spmem:s2] =	stream.indirect.scatter.add.f32 [tilespmem:s9], [sflag:$0x6], $0x40, s14, s8, $0xb8;
	[tilespmem:$0x1E100] =	vst v63  }
0x1c4: {  	s20 =	sadd.s32 $0x180, s20  }
0x1c5: {  	[tilespmem:s0], [sflag:$0x2] =	stream.linear.gather [hbm4b:s20+s3], $0x400, $0x38;
	[tilespmem:$0x1E100] =	vst v63  }
0x1c6: {  	p0 =	sne.s32 s19, $0x1800;
	s21 =	sadd.s32 $0x180, s21  }
0x1c7: {  	[tilespmem:s1], [sflag:$0x2] =	stream.linear.gather [hbm4b:s21+s3], $0x400, $0x38;
	[tilespmem:$0x1E100] =	vst v63  }
.Ltmp1:
0x1c8: {  	s24 =	sadd.s32 $0x180, s22;
	(pc) =	sbr.rel @p0 .LBB2_4-.Ltmp1, $4  }
0x1c9: {  	[tilespmem:s6], [sflag:$0x2] =	stream.linear.gather [hbm4b:s24+s3], $0x400, $0x38;
	[tilespmem:$0x1E100] =	vst v63  }
0x1ca: {  	_ =	swait.ge [sflag:s12], $0x2000  }
0x1cb: {  	[sflag:s12] =	ssyncset.done $0x0  }
0x1cc: {  	s19 =	sadd.s32 $0x100, s19;
	[sflag:s12] =	ssyncadd.s32 $0xFFFFE000  }
0x1cd: {  	_ =	swait.ge [sflag:s15], $0x2000  }
0x1ce: {  	[sflag:s15] =	ssyncset.done $0x0  }
0x1cf: {  	[sflag:s15] =	ssyncadd.s32 $0xFFFFE000  }
0x1d0: {  	_ =	swait.ge [sflag:s7], $0x400  }
0x1d1: {  	[sflag:s7] =	ssyncset.done $0x0  }
0x1d2: {  	[sflag:s7] =	ssyncadd.s32 $0xFFFFFC00  }
0x1d3: {  	_ =	swait.ge [sflag:s7], $0x400  }
0x1d4: {  	[sflag:s7] =	ssyncset.done $0x0  }
0x1d5: {  	[sflag:s7] =	ssyncadd.s32 $0xFFFFFC00  }
0x1d6: {  	_ =	swait.ge [sflag:s7], $0x400  }
0x1d7: {  	[sflag:s7] =	ssyncset.done $0x0  }
0x1d8: {  	[sflag:s7] =	ssyncadd.s32 $0xFFFFFC00  }
0x1d9: {  	_ =	swait.ge [sflag:s16], $0x400  }
0x1da: {  	[sflag:s16] =	ssyncset.done $0x0  }
0x1db: {  	[sflag:s16] =	ssyncadd.s32 $0xFFFFFC00  }
0x1dc: {  	_ =	swait.ge [sflag:s16], $0x400  }
0x1dd: {  	[sflag:s16] =	ssyncset.done $0x0  }
0x1de: {  	[sflag:s16] =	ssyncadd.s32 $0xFFFFFC00  }
0x1df: {  	_ =	swait.ge [sflag:s16], $0x400  }
0x1e0: {  	[sflag:s16] =	ssyncset.done $0x0  }
0x1e1: {  	[sflag:s16] =	ssyncadd.s32 $0xFFFFFC00  }
0x1e2: {  	[bflag:$0x0] =	sbarrier.arrive $0xFFFF  }
0x1e3: {  	s19 =	stileid.u32;
	s18 =	sadd.s32 $0x1, s18;
	s21 =	sld [smem:$0x7FD]  }
0x1e4: {  	s19 =	sshll.u32 s19, $0x6;
	p0 =	sne.s32 s18, s25  }
.Ltmp2:
0x1e5: {  	s20 =	sshrl.u32 s5, $0x3;
	s19 =	sor.u32 $0x1C07, s19;
	(pc) =	sbr.rel @p0 .LBB2_1-.Ltmp2, $4  }
0x1e6: {  	[hbm:s21], [sflag:s19] =	dma.local [spmem:s20], $0x3100  }
0x1e7: {  	_ =	swait.ge [sflag:s28], $0x3100  }
0x1e8: {  	[sflag:s28] =	ssyncset.done $0x0  }
0x1e9: {  	[sflag:s28] =	ssyncadd.s32 $0xFFFFCF00  }
0x1ea: {  	_ =	sfence.sel $0x180000  }
0x1eb: {  	[bflag:$0x0] =	sbarrier.arrive $0xFFFF  }
0x1ec: {  	_ =	strace $0x9000004A  }
0x1ed: {  	s0 =	stileid.u32;
	[bflag:$0x2] =	sbarrier.arrive $0xFFFF  }
0x1ee: {  	p0 =	sne.s32 s0, $0x0;
	s0 =	rddreg [dreg:$0x4]  }
0x1ef: {  	s0 =	sadd.s32 @!p0 $0x100000, s0  }
0x1f0: {  	[sflag:s0] =	ssyncadd.tile.s32 @!p0 $0x1;
	_ =	shalt  }
.Lfunc_end2:
_tile_overlayer_lowered:
.L_overlay_start_2:
0x1f1: {  	(tag) =	ssettag $0x2  }
0x1f2: {  	s0 =	rddreg [dreg:$0x0];
	s2 =	stileid.u32  }
0x1f3: {  	s1 =	rddreg [dreg:$0x1];
	p0 =	sne.s32 s2, $0x0  }
0x1f4: {  	s3 =	rddreg [dreg:$0x2];
	[bflag:$0x3] =	sbarrier.arrive $0xFFFF;
	s2 =	simm.s32 @!p0 $0x1C07  }
0x1f5: {  	[timem:s3], [sflag:s2] =	dma.local @!p0 [hbm:s0], s1  }
0x1f6: {  	s0 =	simm.s32 @!p0 $0x7  }
0x1f7: {  	_ =	swait.ge @!p0 [sflag:s0], s1  }
0x1f8: {  	s1 =	ssub.s32 @!p0 $0x0, s1;
	[sflag:s0] =	ssyncset.done @!p0 $0x0  }
0x1f9: {  	[sflag:s0] =	ssyncadd.s32 @!p0 s1  }
0x1fa: {  	[bflag:$0x3] =	sbarrier.arrive $0xFFFF  }
0x1fb: {  	_ =	shalt  }

// kernel: kernel.8.cloned.1.call-start
scs
__scs_entry_jumppad:
0x0: {  	(pc) =	sbr.rel $0x88, $3  }
0x1: {  	(tag) =	ssettag $0x0;
	lr =	simm.s32 $0x1  }
0x2: {  	[smem:$0x3F89] =	sst lr;
	_ =	strace $0xD0000000  }
0x3: {  	_ = 	snop  }
0x4: {  	_ = 	snop  }
0x5: {  	_ = 	snop  }
0x6: {  	_ = 	snop  }
0x7: {  	_ = 	snop  }
__scs_overlays_trampoline_lowered:
0x8: {  	[smem:$0x3F98] =	sst s0  }
0x9: {  	[smem:$0x3F99] =	sst s1  }
0xa: {  	[smem:$0x3F9A] =	sst s2  }
0xb: {  	[smem:$0x3F9B] =	sst s3  }
0xc: {  	[smem:$0x3F9C] =	sst s4  }
0xd: {  	[smem:$0x3F9D] =	sst s5  }
0xe: {  	[smem:$0x3F9E] =	sst s6  }
0xf: {  	[smem:$0x3F9F] =	sst s7  }
0x10: {  	[smem:$0x3FA0] =	sst s8  }
0x11: {  	[smem:$0x3FA1] =	sst s9;
	s0 =	simm.s32 @!p0 $0x0  }
0x12: {  	s1 =	sld [smem:$0x3F87];
	s0 =	simm.s32 @p0 $0x1  }
0x13: {  	[smem:$0x3FA2] =	sst s0;
	s0 =	simm.s32 @!p1 $0x0  }
0x14: {  	s2 =	sld [smem:$0x3F86];
	s0 =	simm.s32 @p1 $0x1  }
0x15: {  	[smem:$0x3FA3] =	sst s0;
	s0 =	simm.s32 @!p2 $0x0  }
0x16: {  	s3 =	sld [smem:$0x3FDB];
	s0 =	simm.s32 @p2 $0x1  }
0x17: {  	s4 =	simm.s32 $0x1BF5;
	[smem:$0x3FA5] =	sst s0  }
0x18: {  	s0 =	sld [smem:$0x3F88];
	_ =	swait.ge [sflag:s4], $0x0  }
0x19: {  	s7 =	sld [smem:$0x3F89]  }
0x1a: {  	s8 =	sadd.s32 $0xFFFFE003, lr  }
0x1b: {  	s9 =	sadd.s32 $0xFFFFFEF7, lr;
	s5 =	simm.s32 $0xFFFFFFFF;
	p2 =	slt.u32 s8, $0xFFFFF086  }
0x1c: {  	p1 =	slt.u32 s9, $0xF7A;
	s5 =	simm.s32 @!p2 $0x0  }
0x1d: {  	s5 =	simm.s32 @p1 $0x1;
	p0 =	seq.s32 s7, s2  }
0x1e: {  	s7 =	smul.u32 @!p0 $0xF7A, s2;
	p2 =	seq.s32 @!p0 s5, $0x0  }
0x1f: {  	s9 =	smul.u32 $0xF7A, s1;
	s8 =	simm.s32 @!p0 $0x1BF5;
	p2 =	por !p2, p0  }
0x20: {  	[sflag:s8] =	ssyncset.s32 @!p0 $0xFFFFF086;
	s6 =	sadd.s32 @!p0 s3, s7;
	s7 =	simm.s32 @!p0 $0x108  }
0x21: {  	s3 =	sadd.s32 s3, s9;
	s6 =	sadd.s32 @!p0 $0x88, s6;
	s7 =	simm.s32 @p2 $0x1082  }
0x22: {  	[simem:s7], [sflag:s8] =	dma.local @!p0 [hbm:s6], $0xF7A  }
0x23: {  	s9 =	sor.u32 $0xD0000000, s2;
	s6 =	simm.s32 $0x108;
	_ =	swait.ge @!p0 [sflag:s8], $0x0  }
0x24: {  	s3 =	sadd.s32 $0x88, s3;
	s6 =	simm.s32 @!p1 $0x1082;
	[sflag:s4] =	ssyncset.s32 $0xFFFFF086  }
0x25: {  	[simem:s6], [sflag:s4] =	dma.local [hbm:s3], $0xF7A  }
0x26: {  	[smem:$0x3F89] =	sst s1;
	(tag) =	ssettag s2;
	_ =	strace s9  }
0x27: {  	s1 =	sld [smem:$0x3F99]  }
0x28: {  	s2 =	sld [smem:$0x3F9A]  }
0x29: {  	s4 =	sld [smem:$0x3F9C]  }
0x2a: {  	p0 =	seq.s32 s5, $0x0;
	s5 =	sld [smem:$0x3F9D]  }
0x2b: {  	s6 =	sld [smem:$0x3F9E]  }
0x2c: {  	s7 =	sld [smem:$0x3F9F]  }
0x2d: {  	s3 =	simm.s32 $0x108;
	s8 =	sld [smem:$0x3FA0]  }
0x2e: {  	s3 =	simm.s32 @!p0 $0x1082;
	s9 =	sld [smem:$0x3FA1]  }
0x2f: {  	lr =	sadd.s32 s0, s3;
	s0 =	sld [smem:$0x3F98]  }
0x30: {  	s3 =	sld [smem:$0x3F9B]  }
0x31: {  	[smem:$0x3FA4] =	sst s10  }
0x32: {  	s10 =	sld [smem:$0x3FA2];
	_ =	sdelay $0x3  }
0x33: {  	p0 =	seq.s32 s10, $0x1;
	s10 =	sld [smem:$0x3FA4];
	_ =	sdelay $0x3  }
0x34: {  	[smem:$0x3FA4] =	sst s10  }
0x35: {  	s10 =	sld [smem:$0x3FA3];
	_ =	sdelay $0x3  }
0x36: {  	p1 =	seq.s32 s10, $0x1;
	s10 =	sld [smem:$0x3FA4];
	_ =	sdelay $0x3  }
0x37: {  	[smem:$0x3FA4] =	sst s10  }
0x38: {  	s10 =	sld [smem:$0x3FA5]  }
0x39: {  	_ = 	snop;
	(pc) =	sbr.ind lr, $3  }
0x3a: {  	_ = 	snop  }
0x3b: {  	_ = 	snop  }
0x3c: {  	p2 =	seq.s32 s10, $0x1;
	s10 =	sld [smem:$0x3FA4]  }
0x3d: {  	_ =	shalt  }
0x3e: {  	_ =	shalt  }
0x3f: {  	_ =	shalt  }
0x40: {  	_ =	shalt  }
0x41: {  	_ =	shalt  }
0x42: {  	_ =	shalt  }
0x43: {  	_ =	shalt  }
0x44: {  	_ =	shalt  }
0x45: {  	_ =	shalt  }
0x46: {  	_ =	shalt  }
0x47: {  	_ =	shalt  }
0x48: {  	_ =	shalt  }
0x49: {  	_ =	shalt  }
0x4a: {  	_ =	shalt  }
0x4b: {  	_ =	shalt  }
0x4c: {  	_ =	shalt  }
0x4d: {  	_ =	shalt  }
0x4e: {  	_ =	shalt  }
0x4f: {  	_ =	shalt  }
0x50: {  	_ =	shalt  }
0x51: {  	_ =	shalt  }
0x52: {  	_ =	shalt  }
0x53: {  	_ =	shalt  }
0x54: {  	_ =	shalt  }
0x55: {  	_ =	shalt  }
0x56: {  	_ =	shalt  }
0x57: {  	_ =	shalt  }
0x58: {  	_ =	shalt  }
0x59: {  	_ =	shalt  }
0x5a: {  	_ =	shalt  }
0x5b: {  	_ =	shalt  }
0x5c: {  	_ =	shalt  }
0x5d: {  	_ =	shalt  }
0x5e: {  	_ =	shalt  }
0x5f: {  	_ =	shalt  }
0x60: {  	_ =	shalt  }
0x61: {  	_ =	shalt  }
0x62: {  	_ =	shalt  }
0x63: {  	_ =	shalt  }
0x64: {  	_ =	shalt  }
0x65: {  	_ =	shalt  }
0x66: {  	_ =	shalt  }
0x67: {  	_ =	shalt  }
0x68: {  	_ =	shalt  }
0x69: {  	_ =	shalt  }
0x6a: {  	_ =	shalt  }
0x6b: {  	_ =	shalt  }
0x6c: {  	_ =	shalt  }
0x6d: {  	_ =	shalt  }
0x6e: {  	_ =	shalt  }
0x6f: {  	_ =	shalt  }
0x70: {  	_ =	shalt  }
0x71: {  	_ =	shalt  }
0x72: {  	_ =	shalt  }
0x73: {  	_ =	shalt  }
0x74: {  	_ =	shalt  }
0x75: {  	_ =	shalt  }
0x76: {  	_ =	shalt  }
0x77: {  	_ =	shalt  }
0x78: {  	_ =	shalt  }
0x79: {  	_ =	shalt  }
0x7a: {  	_ =	shalt  }
0x7b: {  	_ =	shalt  }
0x7c: {  	_ =	shalt  }
0x7d: {  	_ =	shalt  }
0x7e: {  	_ =	shalt  }
0x7f: {  	_ =	shalt  }
0x80: {  	_ =	shalt  }
0x81: {  	_ =	shalt  }
0x82: {  	_ =	shalt  }
0x83: {  	_ =	shalt  }
0x84: {  	_ =	shalt  }
0x85: {  	_ =	shalt  }
0x86: {  	_ =	shalt  }
0x87: {  	_ =	shalt  }
.Lfunc_end0:
.L_simem_size_0:
called_computation_lowered:
.L_overlay_start_0:
0x88: {  	s2 =	sld [smem:$0x3FD9]  }
0x89: {  	s3 =	sld [smem:$0x3FFE];
	_ =	sdelay $0x1  }
0x8a: {  	s1 =	srdreg.scid  }
0x8b: {  	s0 =	sand.u32 $0x1, s1  }
0x8c: {  	s14 =	sshll.u32 s0, $0xA;
	s2 =	sadd.s32 s3, s2  }
0x8d: {  	s2 =	sadd.s32 s2, s14  }
0x8e: {  	[smem:$0x3FB0] =	sst s2  }
0x8f: {  	_ = 	snop  }
0x90: {  	s2 =	sld [smem:$0x3FD0];
	_ =	sdelay $0x2  }
0x91: {  	s15 =	simm.s32 $0xA;
	s4 =	simm.s32 $0x10  }
0x92: {  	[smem:s4], [sflag:s15] =	dma.local [hbm:s2], $0x1  }
0x93: {  	_ =	swait.eq [sflag:s15], $0x1  }
0x94: {  	[sflag:s15] =	ssyncset.done $0x0  }
0x95: {  	s16 =	sld [smem:$0x10];
	[sflag:s15] =	ssyncadd.s32 $0xFFFFFFFF  }
0x96: {  	s17 =	sld [smem:$0x11];
	(tm) =	ssettm $0x1  }
0x97: {  	s18 =	sld [smem:$0x3FFB];
	_ =	sdelay $0x3  }
0x98: {  	_ =	strace s18  }
0x99: {  	s4 =	sld [smem:$0x3FFC];
	_ =	sdelay $0x3  }
0x9a: {  	_ =	strace s4  }
0x9b: {  	s4 =	sld [smem:$0x3FFD];
	_ =	sdelay $0x3  }
0x9c: {  	_ =	strace s4  }
0x9d: {  	_ =	strace $0x8FFFFFFF  }
0x9e: {  	s19 =	sld [smem:$0x3FDB];
	_ =	sdelay $0x1  }
0x9f: {  	s5 =	simm.s32 $_scs_section_size  }
0xa0: {  	s6 =	simm.s32 $_size__tile_overlayer_lowered;
	s7 =	simm.s32 $_tile_overlayer_lowered  }
0xa1: {  	s22 =	simm.s32 $0x1BFF;
	s21 =	sshll.u32 s7, $0x1;
	s4 =	sadd.s32 s5, s19  }
0xa2: {  	s8 =	simm.s32 $0x0;
	s20 =	sshll.u32 s6, $0x1;
	s6 =	sadd.s32 s21, s4  }
0xa3: {  	[timem:s8], [sflag:s22] =	dma.local [hbm:s6], s20  }
0xa4: {  	_ =	swait.ge [sflag:s22], s20  }
0xa5: {  	s5 =	ssub.s32 $0x0, s20;
	[sflag:s22] =	ssyncset.done $0x0  }
0xa6: {  	[sflag:s22] =	ssyncadd.s32 s5;
	_ =	sdelay $0x1  }
0xa7: {  	s23 =	simm.s32 $0x1B8B  }
0xa8: {  	_ =	swait.ge [sflag:s23], $0x1  }
0xa9: {  	[sflag:s23] =	ssyncset.done $0x0  }
0xaa: {  	s25 =	simm.s32 $0x1B8E;
	s24 =	sld [smem:$0x3FFE];
	[sflag:s23] =	ssyncadd.s32 $0xFFFFFFFF  }
0xab: {  	s26 =	simm.s32 $execute0_lowered;
	[smem:$0x3FD2] =	sst s25  }
0xac: {  	s6 =	sshll.u32 s26, $0x1;
	_ =	strace $0x80000046;
	[dreg:$0x1] =	wrdreg $0xFFFFFFFF  }
0xad: {  	s28 =	simm.s32 $_size_execute0_lowered;
	s4 =	sadd.s32 s4, s6;
	[dreg:$0x0] =	wrdreg $0x0  }
0xae: {  	s6 =	sshll.u32 s28, $0x1;
	[dreg:$0x2] =	wrdreg s4  }
0xaf: {  	[dreg:$0x3] =	wrdreg s6  }
0xb0: {  	[dreg:$0x4] =	wrdreg $0xC0  }
0xb1: {  	_ =	task [dreg:s8], $0x5FFFF  }
0xb2: {  	[dreg:$0x1] =	wrdreg $0xFFFFFFFF  }
0xb3: {  	[dreg:$0x0] =	wrdreg $0x60  }
0xb4: {  	[dreg:$0x2] =	wrdreg s24  }
0xb5: {  	[dreg:$0x3] =	wrdreg s17  }
0xb6: {  	[dreg:$0x4] =	wrdreg s16  }
0xb7: {  	[dreg:$0x5] =	wrdreg $0x0  }
0xb8: {  	[dreg:$0x6] =	wrdreg $0x9  }
0xb9: {  	_ =	task.clear_ibuf [dreg:s8], $0x7FFFF;
	_ =	strace $0x90000046  }
0xba: {  	s29 =	simm.s32 $0x9;
	_ =	strace $0x80000048  }
0xbb: {  	_ =	swait.ge [sflag:s29], $0x1  }
0xbc: {  	[sflag:s29] =	ssyncadd.s32 $0xFFFFFFFF  }
0xbd: {  	_ =	strace $0x90000048  }
0xbe: {  	_ =	sfence  }
0xbf: {  	s30 =	sld [smem:$0x0];
	_ =	sdelay $0x2  }
0xc0: {  	s31 =	sshll.u32 s1, $0xD;
	s1 =	sshrl.u32 s1, $0x2  }
0xc1: {  	s3 =	sand.u32 $0x4000, s31;
	s1 =	sadd.s32 s1, s30  }
0xc2: {  	s0 =	sor.u32 s3, s0;
	s1 =	sshll.u32 s1, $0x11  }
0xc3: {  	s0 =	sor.u32 s1, s0  }
0xc4: {  	s0 =	sadd.s32 $0x8F2B, s0  }
0xc5: {  	[sflag:s0] =	ssyncadd.remote.s32 $0x1  }
0xc6: {  	_ =	sfence.sel $0xFFFF  }
0xc7: {  	[dreg:$0x0] =	wrdreg $0xFFFFFFFF;
	(pc) =	sbr.abs _section_cstart, $3  }
0xc8: {  	[dreg:$0x1] =	wrdreg $0xFFFFFFFF  }
0xc9: {  	_ =	task.clear_ibuf [dreg:s8], $0x2FFFF;
	_ =	strace $0x9FFFFFFF  }
0xca: {  	(tm) =	ssettm $0x7FFFFFFF  }
0xcb: {  	_ =	shalt  }
tec
execute0_lowered:
.L_overlay_start_1:
0x0: {  	(tag) =	ssettag $0x1  }
0x1: {  	s1 =	rddreg [dreg:$0x0]  }
0x2: {  	s6 =	rddreg [dreg:$0x1]  }
0x3: {  	s0 =	rddreg [dreg:$0x2]  }
0x4: {  	s2 =	rddreg [dreg:$0x3]  }
0x5: {  	s3 =	simm.s32 $0x0;
	s4 =	srdreg.scid;
	s11 =	stileid.u32  }
0x6: {  	s19 =	simm.s32 $0x18C80;
	s21 =	simm.s32 $0x18D00;
	s7 =	smul.u32 $0x3100, s11  }
0x7: {  	[smem:$0x7FF] =	sst s3;
	s5 =	sand.u32 $0x1, s4;
	s9 =	smul.u32 $0x62000, s11  }
0x8: {  	s4 =	sadd.s32 $0x1A6400, s1;
	s10 =	sadd.s32 $0x5A00, s1;
	s25 =	smul.u32 $0x1900, s11  }
0x9: {  	_ =	strace $0x80000047;
	s8 =	smul.u32 $0x31000, s5;
	[dreg:$0x8] =	wrdreg s19  }
0xa: {  	s5 =	ssub.s32 $0x2, s5;
	[dreg:$0x9] =	wrdreg s21;
	s19 =	simm.s32 $0x19980  }
0xb: {  	s23 =	sshrl.u32 s5, $0x1;
	s15 =	sadd.s32 s25, s10;
	[dreg:$0x11] =	wrdreg s19  }
0xc: {  	s24 =	sshrl.u32 s9, $0x2;
	s16 =	sadd.s32 s25, s0;
	[dreg:$0x5] =	wrdreg s15  }
0xd: {  	s7 =	sadd.s32 s7, s8;
	[dreg:$0x6] =	wrdreg s16;
	s8 =	sadd.s32 s25, s6  }
0xe: {  	s25 =	simm.s32 $0x18E00;
	s15 =	simm.s32 $0x18F80;
	[dreg:$0x7] =	wrdreg s8  }
0xf: {  	s1 =	sadd.s32 s7, s1;
	s7 =	ssub.s32 s5, s23;
	[dreg:$0xb] =	wrdreg s25  }
0x10: {  	s5 =	sadd.s32 s24, s2;
	s23 =	simm.s32 $0x18D80;
	[dreg:$0xe] =	wrdreg s15  }
0x11: {  	s26 =	sadd.s32 $0x2000, s5;
	[dreg:$0xa] =	wrdreg s23  }
0x12: {  	s12 =	sadd.s32 $0x4000, s5;
	[dreg:$0x15] =	wrdreg s26  }
0x13: {  	s13 =	sadd.s32 $0x6000, s5;
	[dreg:$0x16] =	wrdreg s12  }
0x14: {  	s14 =	sadd.s32 $0x8000, s5;
	[dreg:$0x17] =	wrdreg s13  }
0x15: {  	s17 =	sadd.s32 $0xC000, s5;
	[dreg:$0x18] =	wrdreg s14  }
0x16: {  	s18 =	sadd.s32 $0xE000, s5;
	[dreg:$0x1a] =	wrdreg s17  }
0x17: {  	s9 =	smul.u32 $0xC800, s11;
	s20 =	sadd.s32 $0x10000, s5;
	[dreg:$0x1b] =	wrdreg s18  }
0x18: {  	s22 =	sadd.s32 $0x12000, s5;
	[dreg:$0x1c] =	wrdreg s20  }
0x19: {  	s9 =	sshrl.u32 s9, $0x3;
	s24 =	sadd.s32 $0x14000, s5;
	[dreg:$0x1d] =	wrdreg s22  }
0x1a: {  	s28 =	simm.s32 $0x7;
	s16 =	sadd.s32 s10, s9;
	[dreg:$0x1e] =	wrdreg s24  }
0x1b: {  	s29 =	simm.s32 $0x18800;
	s23 =	sadd.s32 $0x16000, s5;
	[smem:$0x7F7] =	sst s16  }
0x1c: {  	s30 =	simm.s32 $0x18C00;
	s25 =	sadd.s32 $0x18000, s5;
	[smem:$0x7FB] =	sst s23  }
0x1d: {  	s31 =	simm.s32 $0x19000;
	s12 =	sadd.s32 $0xA000, s5;
	[smem:$0x7FC] =	sst s25  }
0x1e: {  	s11 =	simm.s32 $0x1E000;
	s26 =	simm.s32 $0x18E80;
	[dreg:$0x19] =	wrdreg s12  }
0x1f: {  	s8 =	simm.s32 $0x80;
	s14 =	sadd.s32 s0, s9;
	[dreg:$0xc] =	wrdreg s26  }
0x20: {  	s15 =	simm.s32 $0x6;
	s13 =	simm.s32 $0x18F00;
	[smem:$0x7F6] =	sst s14  }
0x21: {  	s17 =	simm.s32 $0x19880;
	s18 =	simm.s32 $0x19900;
	[dreg:$0xd] =	wrdreg s13  }
0x22: {  	s20 =	simm.s32 $0x19A00;
	s22 =	simm.s32 $0x19A80;
	[dreg:$0xf] =	wrdreg s17  }
0x23: {  	s24 =	simm.s32 $0x19B00;
	s25 =	smax.u32 s7, $0x1;
	[dreg:$0x10] =	wrdreg s18  }
0x24: {  	s7 =	simm.s32 $0x1;
	s16 =	simm.s32 $0x2;
	[dreg:$0x12] =	wrdreg s20  }
0x25: {  	s12 =	sadd.s32 s6, s9;
	s9 =	sor.u32 $0x80, s9;
	[dreg:$0x13] =	wrdreg s22  }
0x26: {  	[dreg:$0x14] =	wrdreg s24;
	s26 =	sadd.s32 $0xE2400, s1;
	s1 =	simm.s32 $0x19800  }
0x27: {  	s13 =	simm.s32 $0x4;
	s14 =	simm.s32 $0x1E080;
	s17 =	simm.s32 $0x19B80  }
0x28: {  	s18 =	simm.s32 $0x0;
	[dreg:$0x1f] =	wrdreg s12;
	s6 =	sadd.s32 s6, s9  }
0x29: {  	s0 =	sadd.s32 s0, s9;
	s21 =	sadd.s32 s10, s9;
	[smem:$0x7FD] =	sst s26  }
0x2a: {  	s26 =	simm.s32 $0x1A000;
	s9 =	simm.s32 $0x1C000;
	[smem:$0x7F8] =	sst s6  }
0x2b: {  	v1 =	vlaneseq.u32;
	s10 =	simm.s32 $0x3;
	s12 =	simm.s32 $0x5;
	[smem:$0x7F9] =	sst s0  }
0x2c: {  	v0 =	vimm.f32 $0.0e+00;
	v1 =	vadd.s32 $0x61A8, v1;
	[smem:$0x7FA] =	sst s21;
	s0 =	simm.s32 $0x19400;
	s6 =	simm.s32 $0x19C00  }
.LBB2_1:
0x2d: {  	s19 =	simm.s32 $0x0;
	s20 =	simm.s32 $0x100  }
.LBB2_2:
0x2e: {  	p0 =	sne.s32 s20, $0x7F00;
	[tilespmem:s19+$0x1C030] =	vst v0  }
0x2f: {  	[tilespmem:s19+$0x1A000] =	vst v0  }
0x30: {  	[tilespmem:s19+$0x1C000] =	vst v0  }
.Ltmp0:
0x31: {  	[tilespmem:s19+$0x1A010] =	vst v0;
	(pc) =	sbr.rel @p0 .LBB2_2-.Ltmp0, $4  }
0x32: {  	[tilespmem:s19+$0x1C010] =	vst v0  }
0x33: {  	[tilespmem:s19+$0x1A020] =	vst v0  }
0x34: {  	[tilespmem:s19+$0x1C020] =	vst v0  }
0x35: {  	[tilespmem:s19+$0x1A030] =	vst v0;
	s19 =	sshra.s32 s20, $0x2;
	s20 =	sadd.s32 $0x100, s20  }
0x36: {  	[tilespmem:s19+$0x1C030] =	vst v0  }
0x37: {  	[tilespmem:s19+$0x1A000] =	vst v0  }
0x38: {  	[tilespmem:s19+$0x1C000] =	vst v0  }
0x39: {  	[tilespmem:s19+$0x1A010] =	vst v0  }
0x3a: {  	[tilespmem:s19+$0x1C010] =	vst v0  }
0x3b: {  	[tilespmem:s19+$0x1A020] =	vst v0  }
0x3c: {  	[tilespmem:s19+$0x1C020] =	vst v0  }
0x3d: {  	[tilespmem:s19+$0x1A030] =	vst v0  }
0x3e: {  	[tilespmem:$0x1E000] =	vst v1  }
0x3f: {  	[tilespmem:$0x1E010] =	vst v1  }
0x40: {  	[tilespmem:$0x1E020] =	vst v1  }
0x41: {  	[tilespmem:$0x1E030] =	vst v1  }
0x42: {  	[tilespmem:$0x1E040] =	vst v1  }
0x43: {  	[tilespmem:$0x1E050] =	vst v1  }
0x44: {  	[tilespmem:$0x1E060] =	vst v1  }
0x45: {  	[tilespmem:$0x1E070] =	vst v1  }
0x46: {  	[tilespmem:$0x1E080] =	vst v1  }
0x47: {  	[tilespmem:$0x1E090] =	vst v1  }
0x48: {  	[tilespmem:$0x1E0A0] =	vst v1  }
0x49: {  	[tilespmem:$0x1E0B0] =	vst v1  }
0x4a: {  	[tilespmem:$0x1E0C0] =	vst v1  }
0x4b: {  	[tilespmem:$0x1E0D0] =	vst v1  }
0x4c: {  	[tilespmem:$0x1E0E0] =	vst v1  }
0x4d: {  	[tilespmem:$0x1E0F0] =	vst v1  }
0x4e: {  	[spmem:s5] =	stream.linear.scatter [tilespmem:s26], [sflag:$0x7], $0x2000, $0x38;
	[tilespmem:$0x1E100] =	vst v63  }
0x4f: {  	_ =	swait.ge [sflag:s28], $0x2000  }
0x50: {  	[sflag:s28] =	ssyncset.done $0x0  }
0x51: {  	s22 =	rddreg [dreg:$0x15];
	[sflag:s28] =	ssyncadd.s32 $0xFFFFE000  }
0x52: {  	[spmem:s22] =	stream.linear.scatter [tilespmem:s26], [sflag:$0x7], $0x2000, $0x38;
	[tilespmem:$0x1E100] =	vst v63  }
0x53: {  	_ =	swait.ge [sflag:s28], $0x2000  }
0x54: {  	[sflag:s28] =	ssyncset.done $0x0  }
0x55: {  	s23 =	rddreg [dreg:$0x16];
	[sflag:s28] =	ssyncadd.s32 $0xFFFFE000  }
0x56: {  	[spmem:s23] =	stream.linear.scatter [tilespmem:s26], [sflag:$0x7], $0x2000, $0x38;
	[tilespmem:$0x1E100] =	vst v63  }
0x57: {  	_ =	swait.ge [sflag:s28], $0x2000  }
0x58: {  	[sflag:s28] =	ssyncset.done $0x0  }
0x59: {  	s24 =	rddreg [dreg:$0x17];
	[sflag:s28] =	ssyncadd.s32 $0xFFFFE000  }
0x5a: {  	[spmem:s24] =	stream.linear.scatter [tilespmem:s26], [sflag:$0x7], $0x2000, $0x38;
	[tilespmem:$0x1E100] =	vst v63  }
0x5b: {  	_ =	swait.ge [sflag:s28], $0x2000  }
0x5c: {  	[sflag:s28] =	ssyncset.done $0x0  }
0x5d: {  	s20 =	rddreg [dreg:$0x18];
	[sflag:s28] =	ssyncadd.s32 $0xFFFFE000  }
0x5e: {  	[spmem:s20] =	stream.linear.scatter [tilespmem:s26], [sflag:$0x7], $0x2000, $0x38;
	[tilespmem:$0x1E100] =	vst v63  }
0x5f: {  	_ =	swait.ge [sflag:s28], $0x2000  }
0x60: {  	[sflag:s28] =	ssyncset.done $0x0  }
0x61: {  	s21 =	rddreg [dreg:$0x19];
	[sflag:s28] =	ssyncadd.s32 $0xFFFFE000  }
0x62: {  	[spmem:s21] =	stream.linear.scatter [tilespmem:s26], [sflag:$0x7], $0x2000, $0x38;
	[tilespmem:$0x1E100] =	vst v63  }
0x63: {  	_ =	swait.ge [sflag:s28], $0x2000  }
0x64: {  	[sflag:s28] =	ssyncset.done $0x0  }
0x65: {  	s22 =	rddreg [dreg:$0x1a];
	[sflag:s28] =	ssyncadd.s32 $0xFFFFE000  }
0x66: {  	[spmem:s22] =	stream.linear.scatter [tilespmem:s26], [sflag:$0x7], $0x2000, $0x38;
	[tilespmem:$0x1E100] =	vst v63  }
0x67: {  	_ =	swait.ge [sflag:s28], $0x2000  }
0x68: {  	[sflag:s28] =	ssyncset.done $0x0  }
0x69: {  	s23 =	rddreg [dreg:$0x1b];
	[sflag:s28] =	ssyncadd.s32 $0xFFFFE000  }
0x6a: {  	[spmem:s23] =	stream.linear.scatter [tilespmem:s26], [sflag:$0x7], $0x2000, $0x38;
	[tilespmem:$0x1E100] =	vst v63  }
0x6b: {  	_ =	swait.ge [sflag:s28], $0x2000  }
0x6c: {  	[sflag:s28] =	ssyncset.done $0x0  }
0x6d: {  	s24 =	rddreg [dreg:$0x1c];
	[sflag:s28] =	ssyncadd.s32 $0xFFFFE000  }
0x6e: {  	[spmem:s24] =	stream.linear.scatter [tilespmem:s26], [sflag:$0x7], $0x2000, $0x38;
	[tilespmem:$0x1E100] =	vst v63  }
0x6f: {  	_ =	swait.ge [sflag:s28], $0x2000  }
0x70: {  	[sflag:s28] =	ssyncset.done $0x0  }
0x71: {  	s20 =	rddreg [dreg:$0x1d];
	[sflag:s28] =	ssyncadd.s32 $0xFFFFE000  }
0x72: {  	[spmem:s20] =	stream.linear.scatter [tilespmem:s26], [sflag:$0x7], $0x2000, $0x38;
	[tilespmem:$0x1E100] =	vst v63  }
0x73: {  	_ =	swait.ge [sflag:s28], $0x2000  }
0x74: {  	[sflag:s28] =	ssyncset.done $0x0  }
0x75: {  	s21 =	rddreg [dreg:$0x1e];
	[sflag:s28] =	ssyncadd.s32 $0xFFFFE000  }
0x76: {  	[spmem:s21] =	stream.linear.scatter [tilespmem:s26], [sflag:$0x7], $0x2000, $0x38;
	[tilespmem:$0x1E100] =	vst v63  }
0x77: {  	_ =	swait.ge [sflag:s28], $0x2000  }
0x78: {  	s22 =	sld [smem:$0x7FB]  }
0x79: {  	[sflag:s28] =	ssyncset.done $0x0  }
0x7a: {  	[sflag:s28] =	ssyncadd.s32 $0xFFFFE000  }
0x7b: {  	[spmem:s22] =	stream.linear.scatter [tilespmem:s26], [sflag:$0x7], $0x2000, $0x38;
	[tilespmem:$0x1E100] =	vst v63  }
0x7c: {  	_ =	swait.ge [sflag:s28], $0x2000  }
0x7d: {  	s23 =	sld [smem:$0x7FC]  }
0x7e: {  	[sflag:s28] =	ssyncset.done $0x0  }
0x7f: {  	[sflag:s28] =	ssyncadd.s32 $0xFFFFE000  }
0x80: {  	[spmem:s23] =	stream.linear.scatter [tilespmem:s26], [sflag:$0x7], $0x800, $0x38;
	[tilespmem:$0x1E100] =	vst v63  }
0x81: {  	_ =	swait.ge [sflag:s28], $0x800  }
0x82: {  	[sflag:s28] =	ssyncset.done $0x0  }
0x83: {  	[sflag:s28] =	ssyncadd.s32 $0xFFFFF800  }
0x84: {  	[bflag:$0x0] =	sbarrier.arrive $0xFFFF  }
0x85: {  	s20 =	rddreg [dreg:$0x1f]  }
0x86: {  	s19 =	simm.s32 $0x0;
	s24 =	sld [smem:$0x7F6]  }
0x87: {  	[tilespmem:s29], [sflag:$0x1] =	stream.linear.gather [hbm4b:s20+s19], $0x400, $0x38;
	[tilespmem:$0x1E100] =	vst v63  }
0x88: {  	s21 =	sld [smem:$0x7F7]  }
0x89: {  	[tilespmem:s30], [sflag:$0x1] =	stream.linear.gather [hbm4b:s24+s19], $0x400, $0x38;
	[tilespmem:$0x1E100] =	vst v63  }
0x8a: {  	s22 =	sld [smem:$0x7F8]  }
0x8b: {  	[tilespmem:s31], [sflag:$0x1] =	stream.linear.gather [hbm4b:s21+s19], $0x400, $0x38;
	[tilespmem:$0x1E100] =	vst v63  }
0x8c: {  	s23 =	sld [smem:$0x7F9]  }
0x8d: {  	[tilespmem:s0], [sflag:$0x2] =	stream.linear.gather [hbm4b:s22+s19], $0x400, $0x38;
	[tilespmem:$0x1E100] =	vst v63  }
0x8e: {  	s24 =	sld [smem:$0x7FA]  }
0x8f: {  	[tilespmem:s1], [sflag:$0x2] =	stream.linear.gather [hbm4b:s23+s19], $0x400, $0x38;
	[tilespmem:$0x1E100] =	vst v63  }
0x90: {  	_ = 	snop  }
0x91: {  	[tilespmem:s6], [sflag:$0x2] =	stream.linear.gather [hbm4b:s24+s19], $0x400, $0x38;
	[tilespmem:$0x1E100] =	vst v63  }
0x92: {  	_ =	swait.ge [sflag:s7], $0x400  }
0x93: {  	[sflag:s7] =	ssyncset.done $0x0  }
0x94: {  	[sflag:s7] =	ssyncadd.s32 $0xFFFFFC00  }
0x95: {  	_ =	swait.ge [sflag:s7], $0x400  }
0x96: {  	[sflag:s7] =	ssyncset.done $0x0  }
0x97: {  	[sflag:s7] =	ssyncadd.s32 $0xFFFFFC00  }
0x98: {  	_ =	swait.ge [sflag:s7], $0x400  }
0x99: {  	[sflag:s7] =	ssyncset.done $0x0  }
0x9a: {  	[sflag:s7] =	ssyncadd.s32 $0xFFFFFC00  }
0x9b: {  	[tilespmem:s26], [sflag:$0x3] =	stream.indirect.gather [hbm4b:s4+s8], $0x40, s30, s8, $0xb8;
	[tilespmem:$0x1E100] =	vst v63  }
0x9c: {  	s21 =	rddreg [dreg:$0x8]  }
0x9d: {  	[tilespmem:s9], [sflag:$0x4] =	stream.indirect.gather [hbm4b:s4+s8], $0x40, s21, s8, $0xb8;
	[tilespmem:$0x1E100] =	vst v63  }
0x9e: {  	_ =	swait.ge [sflag:s10], $0x2000  }
0x9f: {  	[sflag:s10] =	ssyncset.done $0x0  }
0xa0: {  	[sflag:s10] =	ssyncadd.s32 $0xFFFFE000  }
0xa1: {  	[spmem:s2] =	stream.indirect.scatter.add.f32 [tilespmem:s26], [sflag:$0x5], $0x40, s11, s8, $0xb8;
	[tilespmem:$0x1E100] =	vst v63  }
0xa2: {  	_ =	swait.ge [sflag:s12], $0x2000  }
0xa3: {  	[sflag:s12] =	ssyncset.done $0x0  }
0xa4: {  	s22 =	rddreg [dreg:$0x9];
	[sflag:s12] =	ssyncadd.s32 $0xFFFFE000  }
0xa5: {  	[tilespmem:s26], [sflag:$0x3] =	stream.indirect.gather [hbm4b:s4+s8], $0x40, s22, s8, $0xb8;
	[tilespmem:$0x1E100] =	vst v63  }
0xa6: {  	_ =	swait.ge [sflag:s13], $0x2000  }
0xa7: {  	[sflag:s13] =	ssyncset.done $0x0  }
0xa8: {  	[sflag:s13] =	ssyncadd.s32 $0xFFFFE000  }
0xa9: {  	[spmem:s2] =	stream.indirect.scatter.add.f32 [tilespmem:s9], [sflag:$0x6], $0x40, s14, s8, $0xb8;
	[tilespmem:$0x1E100] =	vst v63  }
0xaa: {  	_ =	swait.ge [sflag:s15], $0x2000  }
0xab: {  	[sflag:s15] =	ssyncset.done $0x0  }
0xac: {  	s23 =	rddreg [dreg:$0xa];
	[sflag:s15] =	ssyncadd.s32 $0xFFFFE000  }
0xad: {  	[tilespmem:s9], [sflag:$0x4] =	stream.indirect.gather [hbm4b:s4+s8], $0x40, s23, s8, $0xb8;
	[tilespmem:$0x1E100] =	vst v63  }
0xae: {  	_ =	swait.ge [sflag:s10], $0x2000  }
0xaf: {  	[sflag:s10] =	ssyncset.done $0x0  }
0xb0: {  	[sflag:s10] =	ssyncadd.s32 $0xFFFFE000  }
0xb1: {  	[spmem:s2] =	stream.indirect.scatter.add.f32 [tilespmem:s26], [sflag:$0x5], $0x40, s11, s8, $0xb8;
	[tilespmem:$0x1E100] =	vst v63  }
0xb2: {  	_ =	swait.ge [sflag:s12], $0x2000  }
0xb3: {  	[sflag:s12] =	ssyncset.done $0x0  }
0xb4: {  	s24 =	rddreg [dreg:$0xb];
	[sflag:s12] =	ssyncadd.s32 $0xFFFFE000  }
0xb5: {  	[tilespmem:s26], [sflag:$0x3] =	stream.indirect.gather [hbm4b:s4+s8], $0x40, s24, s8, $0xb8;
	[tilespmem:$0x1E100] =	vst v63  }
0xb6: {  	_ =	swait.ge [sflag:s13], $0x2000  }
0xb7: {  	[sflag:s13] =	ssyncset.done $0x0  }
0xb8: {  	[sflag:s13] =	ssyncadd.s32 $0xFFFFE000  }
0xb9: {  	[spmem:s2] =	stream.indirect.scatter.add.f32 [tilespmem:s9], [sflag:$0x6], $0x40, s14, s8, $0xb8;
	[tilespmem:$0x1E100] =	vst v63  }
0xba: {  	_ =	swait.ge [sflag:s15], $0x2000  }
0xbb: {  	[sflag:s15] =	ssyncset.done $0x0  }
0xbc: {  	s20 =	rddreg [dreg:$0xc];
	[sflag:s15] =	ssyncadd.s32 $0xFFFFE000  }
0xbd: {  	[tilespmem:s9], [sflag:$0x4] =	stream.indirect.gather [hbm4b:s4+s8], $0x40, s20, s8, $0xb8;
	[tilespmem:$0x1E100] =	vst v63  }
0xbe: {  	_ =	swait.ge [sflag:s10], $0x2000  }
0xbf: {  	[sflag:s10] =	ssyncset.done $0x0  }
0xc0: {  	[sflag:s10] =	ssyncadd.s32 $0xFFFFE000  }
0xc1: {  	[spmem:s2] =	stream.indirect.scatter.add.f32 [tilespmem:s26], [sflag:$0x5], $0x40, s11, s8, $0xb8;
	[tilespmem:$0x1E100] =	vst v63  }
0xc2: {  	_ =	swait.ge [sflag:s12], $0x2000  }
0xc3: {  	[sflag:s12] =	ssyncset.done $0x0  }
0xc4: {  	s21 =	rddreg [dreg:$0xd];
	[sflag:s12] =	ssyncadd.s32 $0xFFFFE000  }
0xc5: {  	[tilespmem:s26], [sflag:$0x3] =	stream.indirect.gather [hbm4b:s4+s8], $0x40, s21, s8, $0xb8;
	[tilespmem:$0x1E100] =	vst v63  }
0xc6: {  	_ =	swait.ge [sflag:s13], $0x2000  }
0xc7: {  	[sflag:s13] =	ssyncset.done $0x0  }
0xc8: {  	[sflag:s13] =	ssyncadd.s32 $0xFFFFE000  }
0xc9: {  	[spmem:s2] =	stream.indirect.scatter.add.f32 [tilespmem:s9], [sflag:$0x6], $0x40, s14, s8, $0xb8;
	[tilespmem:$0x1E100] =	vst v63  }
0xca: {  	_ =	swait.ge [sflag:s15], $0x2000  }
0xcb: {  	[sflag:s15] =	ssyncset.done $0x0  }
0xcc: {  	s22 =	rddreg [dreg:$0xe];
	[sflag:s15] =	ssyncadd.s32 $0xFFFFE000  }
0xcd: {  	[tilespmem:s9], [sflag:$0x4] =	stream.indirect.gather [hbm4b:s4+s8], $0x40, s22, s8, $0xb8;
	[tilespmem:$0x1E100] =	vst v63  }
0xce: {  	_ =	swait.ge [sflag:s10], $0x2000  }
0xcf: {  	[sflag:s10] =	ssyncset.done $0x0  }
0xd0: {  	[sflag:s10] =	ssyncadd.s32 $0xFFFFE000  }
0xd1: {  	[spmem:s2] =	stream.indirect.scatter.add.f32 [tilespmem:s26], [sflag:$0x5], $0x40, s11, s8, $0xb8;
	[tilespmem:$0x1E100] =	vst v63  }
0xd2: {  	_ =	swait.ge [sflag:s13], $0x2000  }
0xd3: {  	[sflag:s13] =	ssyncset.done $0x0;
	s23 =	rddreg [dreg:$0x7]  }
0xd4: {  	s24 =	rddreg [dreg:$0x6];
	[sflag:s13] =	ssyncadd.s32 $0xFFFFE000;
	s19 =	sadd.s32 $0x0, s23  }
0xd5: {  	[spmem:s2] =	stream.indirect.scatter.add.f32 [tilespmem:s9], [sflag:$0x6], $0x40, s14, s8, $0xb8;
	[tilespmem:$0x1E100] =	vst v63  }
0xd6: {  	s21 =	rddreg [dreg:$0x5];
	s20 =	sadd.s32 $0x0, s24;
	s22 =	sadd.s32 $0x100, s19  }
0xd7: {  	[tilespmem:s29], [sflag:$0x1] =	stream.linear.gather [hbm4b:s22+s3], $0x400, $0x38;
	[tilespmem:$0x1E100] =	vst v63  }
0xd8: {  	s21 =	sadd.s32 $0x0, s21;
	s23 =	sadd.s32 $0x100, s20  }
0xd9: {  	[tilespmem:s30], [sflag:$0x1] =	stream.linear.gather [hbm4b:s23+s3], $0x400, $0x38;
	[tilespmem:$0x1E100] =	vst v63  }
0xda: {  	s24 =	sadd.s32 $0x100, s21  }
0xdb: {  	[tilespmem:s31], [sflag:$0x1] =	stream.linear.gather [hbm4b:s24+s3], $0x400, $0x38;
	[tilespmem:$0x1E100] =	vst v63  }
0xdc: {  	_ =	swait.ge [sflag:s16], $0x400  }
0xdd: {  	[sflag:s16] =	ssyncset.done $0x0  }
0xde: {  	[sflag:s16] =	ssyncadd.s32 $0xFFFFFC00  }
0xdf: {  	_ =	swait.ge [sflag:s16], $0x400  }
0xe0: {  	[sflag:s16] =	ssyncset.done $0x0  }
0xe1: {  	[sflag:s16] =	ssyncadd.s32 $0xFFFFFC00  }
0xe2: {  	_ =	swait.ge [sflag:s16], $0x400  }
0xe3: {  	[sflag:s16] =	ssyncset.done $0x0  }
0xe4: {  	[sflag:s16] =	ssyncadd.s32 $0xFFFFFC00  }
0xe5: {  	_ =	swait.ge [sflag:s12], $0x2000  }
0xe6: {  	[sflag:s12] =	ssyncset.done $0x0  }
0xe7: {  	[sflag:s12] =	ssyncadd.s32 $0xFFFFE000  }
0xe8: {  	[tilespmem:s26], [sflag:$0x3] =	stream.indirect.gather [hbm4b:s4+s8], $0x40, s1, s8, $0xb8;
	[tilespmem:$0x1E100] =	vst v63  }
0xe9: {  	_ =	swait.ge [sflag:s15], $0x2000  }
0xea: {  	[sflag:s15] =	ssyncset.done $0x0  }
0xeb: {  	s23 =	rddreg [dreg:$0xf];
	[sflag:s15] =	ssyncadd.s32 $0xFFFFE000  }
0xec: {  	[tilespmem:s9], [sflag:$0x4] =	stream.indirect.gather [hbm4b:s4+s8], $0x40, s23, s8, $0xb8;
	[tilespmem:$0x1E100] =	vst v63  }
0xed: {  	_ =	swait.ge [sflag:s10], $0x2000  }
0xee: {  	[sflag:s10] =	ssyncset.done $0x0  }
0xef: {  	[sflag:s10] =	ssyncadd.s32 $0xFFFFE000  }
0xf0: {  	[spmem:s2] =	stream.indirect.scatter.add.f32 [tilespmem:s26], [sflag:$0x5], $0x40, s11, s8, $0xb8;
	[tilespmem:$0x1E100] =	vst v63  }
0xf1: {  	_ =	swait.ge [sflag:s12], $0x2000  }
0xf2: {  	[sflag:s12] =	ssyncset.done $0x0  }
0xf3: {  	s24 =	rddreg [dreg:$0x10];
	[sflag:s12] =	ssyncadd.s32 $0xFFFFE000  }
0xf4: {  	[tilespmem:s26], [sflag:$0x3] =	stream.indirect.gather [hbm4b:s4+s8], $0x40, s24, s8, $0xb8;
	[tilespmem:$0x1E100] =	vst v63  }
0xf5: {  	_ =	swait.ge [sflag:s13], $0x2000  }
0xf6: {  	[sflag:s13] =	ssyncset.done $0x0  }
0xf7: {  	[sflag:s13] =	ssyncadd.s32 $0xFFFFE000  }
0xf8: {  	[spmem:s2] =	stream.indirect.scatter.add.f32 [tilespmem:s9], [sflag:$0x6], $0x40, s14, s8, $0xb8;
	[tilespmem:$0x1E100] =	vst v63  }
0xf9: {  	_ =	swait.ge [sflag:s15], $0x2000  }
0xfa: {  	[sflag:s15] =	ssyncset.done $0x0  }
0xfb: {  	s23 =	rddreg [dreg:$0x11];
	[sflag:s15] =	ssyncadd.s32 $0xFFFFE000  }
0xfc: {  	[tilespmem:s9], [sflag:$0x4] =	stream.indirect.gather [hbm4b:s4+s8], $0x40, s23, s8, $0xb8;
	[tilespmem:$0x1E100] =	vst v63  }
0xfd: {  	_ =	swait.ge [sflag:s10], $0x2000  }
0xfe: {  	[sflag:s10] =	ssyncset.done $0x0  }
0xff: {  	[sflag:s10] =	ssyncadd.s32 $0xFFFFE000  }
0x100: {  	[spmem:s2] =	stream.indirect.scatter.add.f32 [tilespmem:s26], [sflag:$0x5], $0x40, s11, s8, $0xb8;
	[tilespmem:$0x1E100] =	vst v63  }
0x101: {  	_ =	swait.ge [sflag:s12], $0x2000  }
0x102: {  	[sflag:s12] =	ssyncset.done $0x0  }
0x103: {  	s24 =	rddreg [dreg:$0x12];
	[sflag:s12] =	ssyncadd.s32 $0xFFFFE000  }
0x104: {  	[tilespmem:s26], [sflag:$0x3] =	stream.indirect.gather [hbm4b:s4+s8], $0x40, s24, s8, $0xb8;
	[tilespmem:$0x1E100] =	vst v63  }
0x105: {  	_ =	swait.ge [sflag:s13], $0x2000  }
0x106: {  	[sflag:s13] =	ssyncset.done $0x0  }
0x107: {  	[sflag:s13] =	ssyncadd.s32 $0xFFFFE000  }
0x108: {  	[spmem:s2] =	stream.indirect.scatter.add.f32 [tilespmem:s9], [sflag:$0x6], $0x40, s14, s8, $0xb8;
	[tilespmem:$0x1E100] =	vst v63  }
0x109: {  	_ =	swait.ge [sflag:s15], $0x2000  }
0x10a: {  	[sflag:s15] =	ssyncset.done $0x0  }
0x10b: {  	s23 =	rddreg [dreg:$0x13];
	[sflag:s15] =	ssyncadd.s32 $0xFFFFE000  }
0x10c: {  	[tilespmem:s9], [sflag:$0x4] =	stream.indirect.gather [hbm4b:s4+s8], $0x40, s23, s8, $0xb8;
	[tilespmem:$0x1E100] =	vst v63  }
0x10d: {  	_ =	swait.ge [sflag:s10], $0x2000  }
0x10e: {  	[sflag:s10] =	ssyncset.done $0x0  }
0x10f: {  	[sflag:s10] =	ssyncadd.s32 $0xFFFFE000  }
0x110: {  	[spmem:s2] =	stream.indirect.scatter.add.f32 [tilespmem:s26], [sflag:$0x5], $0x40, s11, s8, $0xb8;
	[tilespmem:$0x1E100] =	vst v63  }
0x111: {  	_ =	swait.ge [sflag:s12], $0x2000  }
0x112: {  	[sflag:s12] =	ssyncset.done $0x0  }
0x113: {  	s24 =	rddreg [dreg:$0x14];
	[sflag:s12] =	ssyncadd.s32 $0xFFFFE000  }
0x114: {  	[tilespmem:s26], [sflag:$0x3] =	stream.indirect.gather [hbm4b:s4+s8], $0x40, s24, s8, $0xb8;
	[tilespmem:$0x1E100] =	vst v63  }
0x115: {  	_ =	swait.ge [sflag:s13], $0x2000  }
0x116: {  	[sflag:s13] =	ssyncset.done $0x0  }
0x117: {  	[sflag:s13] =	ssyncadd.s32 $0xFFFFE000  }
0x118: {  	[spmem:s2] =	stream.indirect.scatter.add.f32 [tilespmem:s9], [sflag:$0x6], $0x40, s14, s8, $0xb8;
	[tilespmem:$0x1E100] =	vst v63  }
0x119: {  	_ =	swait.ge [sflag:s15], $0x2000  }
0x11a: {  	[sflag:s15] =	ssyncset.done $0x0  }
0x11b: {  	[sflag:s15] =	ssyncadd.s32 $0xFFFFE000  }
0x11c: {  	[tilespmem:s9], [sflag:$0x4] =	stream.indirect.gather [hbm4b:s4+s8], $0x40, s17, s8, $0xb8;
	[tilespmem:$0x1E100] =	vst v63  }
0x11d: {  	_ =	swait.ge [sflag:s10], $0x2000  }
0x11e: {  	[sflag:s10] =	ssyncset.done $0x0  }
0x11f: {  	[sflag:s10] =	ssyncadd.s32 $0xFFFFE000  }
0x120: {  	[spmem:s2] =	stream.indirect.scatter.add.f32 [tilespmem:s26], [sflag:$0x5], $0x40, s11, s8, $0xb8;
	[tilespmem:$0x1E100] =	vst v63  }
0x121: {  	_ =	swait.ge [sflag:s13], $0x2000  }
0x122: {  	[sflag:s13] =	ssyncset.done $0x0  }
0x123: {  	[sflag:s13] =	ssyncadd.s32 $0xFFFFE000  }
0x124: {  	[spmem:s2] =	stream.indirect.scatter.add.f32 [tilespmem:s9], [sflag:$0x6], $0x40, s14, s8, $0xb8;
	[tilespmem:$0x1E100] =	vst v63  }
0x125: {  	s19 =	sadd.s32 $0x180, s19  }
0x126: {  	[tilespmem:s0], [sflag:$0x2] =	stream.linear.gather [hbm4b:s19+s3], $0x400, $0x38;
	[tilespmem:$0x1E100] =	vst v63  }
0x127: {  	s23 =	sadd.s32 $0x180, s20  }
0x128: {  	[tilespmem:s1], [sflag:$0x2] =	stream.linear.gather [hbm4b:s23+s3], $0x400, $0x38;
	[tilespmem:$0x1E100] =	vst v63  }
0x129: {  	s24 =	sadd.s32 $0x180, s21  }
0x12a: {  	[tilespmem:s6], [sflag:$0x2] =	stream.linear.gather [hbm4b:s24+s3], $0x400, $0x38;
	[tilespmem:$0x1E100] =	vst v63  }
0x12b: {  	_ =	swait.ge [sflag:s12], $0x2000  }
0x12c: {  	[sflag:s12] =	ssyncset.done $0x0  }
0x12d: {  	s19 =	simm.s32 $0x100;
	[sflag:s12] =	ssyncadd.s32 $0xFFFFE000  }
.LBB2_4:
0x12e: {  	_ =	swait.ge [sflag:s15], $0x2000  }
0x12f: {  	[sflag:s15] =	ssyncset.done $0x0  }
0x130: {  	[sflag:s15] =	ssyncadd.s32 $0xFFFFE000  }
0x131: {  	_ =	swait.ge [sflag:s7], $0x400  }
0x132: {  	[sflag:s7] =	ssyncset.done $0x0  }
0x133: {  	[sflag:s7] =	ssyncadd.s32 $0xFFFFFC00  }
0x134: {  	_ =	swait.ge [sflag:s7], $0x400  }
0x135: {  	[sflag:s7] =	ssyncset.done $0x0  }
0x136: {  	[sflag:s7] =	ssyncadd.s32 $0xFFFFFC00  }
0x137: {  	_ =	swait.ge [sflag:s7], $0x400  }
0x138: {  	[sflag:s7] =	ssyncset.done $0x0  }
0x139: {  	[sflag:s7] =	ssyncadd.s32 $0xFFFFFC00  }
0x13a: {  	[tilespmem:s26], [sflag:$0x3] =	stream.indirect.gather [hbm4b:s4+s8], $0x40, s30, s8, $0xb8;
	[tilespmem:$0x1E100] =	vst v63  }
0x13b: {  	s20 =	rddreg [dreg:$0x8]  }
0x13c: {  	[tilespmem:s9], [sflag:$0x4] =	stream.indirect.gather [hbm4b:s4+s8], $0x40, s20, s8, $0xb8;
	[tilespmem:$0x1E100] =	vst v63  }
0x13d: {  	_ =	swait.ge [sflag:s10], $0x2000  }
0x13e: {  	[sflag:s10] =	ssyncset.done $0x0  }
0x13f: {  	[sflag:s10] =	ssyncadd.s32 $0xFFFFE000  }
0x140: {  	[spmem:s2] =	stream.indirect.scatter.add.f32 [tilespmem:s26], [sflag:$0x5], $0x40, s11, s8, $0xb8;
	[tilespmem:$0x1E100] =	vst v63  }
0x141: {  	_ =	swait.ge [sflag:s12], $0x2000  }
0x142: {  	[sflag:s12] =	ssyncset.done $0x0  }
0x143: {  	s23 =	rddreg [dreg:$0x9];
	[sflag:s12] =	ssyncadd.s32 $0xFFFFE000  }
0x144: {  	[tilespmem:s26], [sflag:$0x3] =	stream.indirect.gather [hbm4b:s4+s8], $0x40, s23, s8, $0xb8;
	[tilespmem:$0x1E100] =	vst v63  }
0x145: {  	_ =	swait.ge [sflag:s13], $0x2000  }
0x146: {  	[sflag:s13] =	ssyncset.done $0x0  }
0x147: {  	[sflag:s13] =	ssyncadd.s32 $0xFFFFE000  }
0x148: {  	[spmem:s2] =	stream.indirect.scatter.add.f32 [tilespmem:s9], [sflag:$0x6], $0x40, s14, s8, $0xb8;
	[tilespmem:$0x1E100] =	vst v63  }
0x149: {  	_ =	swait.ge [sflag:s15], $0x2000  }
0x14a: {  	[sflag:s15] =	ssyncset.done $0x0  }
0x14b: {  	s24 =	rddreg [dreg:$0xa];
	[sflag:s15] =	ssyncadd.s32 $0xFFFFE000  }
0x14c: {  	[tilespmem:s9], [sflag:$0x4] =	stream.indirect.gather [hbm4b:s4+s8], $0x40, s24, s8, $0xb8;
	[tilespmem:$0x1E100] =	vst v63  }
0x14d: {  	_ =	swait.ge [sflag:s10], $0x2000  }
0x14e: {  	[sflag:s10] =	ssyncset.done $0x0  }
0x14f: {  	[sflag:s10] =	ssyncadd.s32 $0xFFFFE000  }
0x150: {  	[spmem:s2] =	stream.indirect.scatter.add.f32 [tilespmem:s26], [sflag:$0x5], $0x40, s11, s8, $0xb8;
	[tilespmem:$0x1E100] =	vst v63  }
0x151: {  	_ =	swait.ge [sflag:s12], $0x2000  }
0x152: {  	[sflag:s12] =	ssyncset.done $0x0  }
0x153: {  	s21 =	rddreg [dreg:$0xb];
	[sflag:s12] =	ssyncadd.s32 $0xFFFFE000  }
0x154: {  	[tilespmem:s26], [sflag:$0x3] =	stream.indirect.gather [hbm4b:s4+s8], $0x40, s21, s8, $0xb8;
	[tilespmem:$0x1E100] =	vst v63  }
0x155: {  	_ =	swait.ge [sflag:s13], $0x2000  }
0x156: {  	[sflag:s13] =	ssyncset.done $0x0  }
0x157: {  	[sflag:s13] =	ssyncadd.s32 $0xFFFFE000  }
0x158: {  	[spmem:s2] =	stream.indirect.scatter.add.f32 [tilespmem:s9], [sflag:$0x6], $0x40, s14, s8, $0xb8;
	[tilespmem:$0x1E100] =	vst v63  }
0x159: {  	_ =	swait.ge [sflag:s15], $0x2000  }
0x15a: {  	[sflag:s15] =	ssyncset.done $0x0  }
0x15b: {  	s23 =	rddreg [dreg:$0xc];
	[sflag:s15] =	ssyncadd.s32 $0xFFFFE000  }
0x15c: {  	[tilespmem:s9], [sflag:$0x4] =	stream.indirect.gather [hbm4b:s4+s8], $0x40, s23, s8, $0xb8;
	[tilespmem:$0x1E100] =	vst v63  }
0x15d: {  	_ =	swait.ge [sflag:s10], $0x2000  }
0x15e: {  	[sflag:s10] =	ssyncset.done $0x0  }
0x15f: {  	[sflag:s10] =	ssyncadd.s32 $0xFFFFE000  }
0x160: {  	[spmem:s2] =	stream.indirect.scatter.add.f32 [tilespmem:s26], [sflag:$0x5], $0x40, s11, s8, $0xb8;
	[tilespmem:$0x1E100] =	vst v63  }
0x161: {  	_ =	swait.ge [sflag:s12], $0x2000  }
0x162: {  	[sflag:s12] =	ssyncset.done $0x0  }
0x163: {  	s24 =	rddreg [dreg:$0xd];
	[sflag:s12] =	ssyncadd.s32 $0xFFFFE000  }
0x164: {  	[tilespmem:s26], [sflag:$0x3] =	stream.indirect.gather [hbm4b:s4+s8], $0x40, s24, s8, $0xb8;
	[tilespmem:$0x1E100] =	vst v63  }
0x165: {  	_ =	swait.ge [sflag:s13], $0x2000  }
0x166: {  	[sflag:s13] =	ssyncset.done $0x0  }
0x167: {  	[sflag:s13] =	ssyncadd.s32 $0xFFFFE000  }
0x168: {  	[spmem:s2] =	stream.indirect.scatter.add.f32 [tilespmem:s9], [sflag:$0x6], $0x40, s14, s8, $0xb8;
	[tilespmem:$0x1E100] =	vst v63  }
0x169: {  	_ =	swait.ge [sflag:s15], $0x2000  }
0x16a: {  	[sflag:s15] =	ssyncset.done $0x0  }
0x16b: {  	s21 =	rddreg [dreg:$0xe];
	[sflag:s15] =	ssyncadd.s32 $0xFFFFE000  }
0x16c: {  	[tilespmem:s9], [sflag:$0x4] =	stream.indirect.gather [hbm4b:s4+s8], $0x40, s21, s8, $0xb8;
	[tilespmem:$0x1E100] =	vst v63  }
0x16d: {  	_ =	swait.ge [sflag:s10], $0x2000  }
0x16e: {  	[sflag:s10] =	ssyncset.done $0x0  }
0x16f: {  	[sflag:s10] =	ssyncadd.s32 $0xFFFFE000  }
0x170: {  	[spmem:s2] =	stream.indirect.scatter.add.f32 [tilespmem:s26], [sflag:$0x5], $0x40, s11, s8, $0xb8;
	[tilespmem:$0x1E100] =	vst v63  }
0x171: {  	_ =	swait.ge [sflag:s13], $0x2000  }
0x172: {  	s22 =	smov.u32 s19;
	[sflag:s13] =	ssyncset.done $0x0;
	s23 =	rddreg [dreg:$0x7]  }
0x173: {  	s21 =	rddreg [dreg:$0x6];
	[sflag:s13] =	ssyncadd.s32 $0xFFFFE000;
	s20 =	sadd.s32 s22, s23  }
0x174: {  	[spmem:s2] =	stream.indirect.scatter.add.f32 [tilespmem:s9], [sflag:$0x6], $0x40, s14, s8, $0xb8;
	[tilespmem:$0x1E100] =	vst v63  }
0x175: {  	s23 =	rddreg [dreg:$0x5];
	s21 =	sadd.s32 s22, s21;
	s24 =	sadd.s32 $0x100, s20  }
0x176: {  	[tilespmem:s29], [sflag:$0x1] =	stream.linear.gather [hbm4b:s24+s3], $0x400, $0x38;
	[tilespmem:$0x1E100] =	vst v63  }
0x177: {  	s22 =	sadd.s32 s22, s23;
	s23 =	sadd.s32 $0x100, s21  }
0x178: {  	[tilespmem:s30], [sflag:$0x1] =	stream.linear.gather [hbm4b:s23+s3], $0x400, $0x38;
	[tilespmem:$0x1E100] =	vst v63  }
0x179: {  	s24 =	sadd.s32 $0x100, s22  }
0x17a: {  	[tilespmem:s31], [sflag:$0x1] =	stream.linear.gather [hbm4b:s24+s3], $0x400, $0x38;
	[tilespmem:$0x1E100] =	vst v63  }
0x17b: {  	_ =	swait.ge [sflag:s16], $0x400  }
0x17c: {  	[sflag:s16] =	ssyncset.done $0x0  }
0x17d: {  	[sflag:s16] =	ssyncadd.s32 $0xFFFFFC00  }
0x17e: {  	_ =	swait.ge [sflag:s16], $0x400  }
0x17f: {  	[sflag:s16] =	ssyncset.done $0x0  }
0x180: {  	[sflag:s16] =	ssyncadd.s32 $0xFFFFFC00  }
0x181: {  	_ =	swait.ge [sflag:s16], $0x400  }
0x182: {  	[sflag:s16] =	ssyncset.done $0x0  }
0x183: {  	[sflag:s16] =	ssyncadd.s32 $0xFFFFFC00  }
0x184: {  	_ =	swait.ge [sflag:s12], $0x2000  }
0x185: {  	[sflag:s12] =	ssyncset.done $0x0  }
0x186: {  	[sflag:s12] =	ssyncadd.s32 $0xFFFFE000  }
0x187: {  	[tilespmem:s26], [sflag:$0x3] =	stream.indirect.gather [hbm4b:s4+s8], $0x40, s1, s8, $0xb8;
	[tilespmem:$0x1E100] =	vst v63  }
0x188: {  	_ =	swait.ge [sflag:s15], $0x2000  }
0x189: {  	[sflag:s15] =	ssyncset.done $0x0  }
0x18a: {  	s24 =	rddreg [dreg:$0xf];
	[sflag:s15] =	ssyncadd.s32 $0xFFFFE000  }
0x18b: {  	[tilespmem:s9], [sflag:$0x4] =	stream.indirect.gather [hbm4b:s4+s8], $0x40, s24, s8, $0xb8;
	[tilespmem:$0x1E100] =	vst v63  }
0x18c: {  	_ =	swait.ge [sflag:s10], $0x2000  }
0x18d: {  	[sflag:s10] =	ssyncset.done $0x0  }
0x18e: {  	[sflag:s10] =	ssyncadd.s32 $0xFFFFE000  }
0x18f: {  	[spmem:s2] =	stream.indirect.scatter.add.f32 [tilespmem:s26], [sflag:$0x5], $0x40, s11, s8, $0xb8;
	[tilespmem:$0x1E100] =	vst v63  }
0x190: {  	_ =	swait.ge [sflag:s12], $0x2000  }
0x191: {  	[sflag:s12] =	ssyncset.done $0x0  }
0x192: {  	s24 =	rddreg [dreg:$0x10];
	[sflag:s12] =	ssyncadd.s32 $0xFFFFE000  }
0x193: {  	[tilespmem:s26], [sflag:$0x3] =	stream.indirect.gather [hbm4b:s4+s8], $0x40, s24, s8, $0xb8;
	[tilespmem:$0x1E100] =	vst v63  }
0x194: {  	_ =	swait.ge [sflag:s13], $0x2000  }
0x195: {  	[sflag:s13] =	ssyncset.done $0x0  }
0x196: {  	[sflag:s13] =	ssyncadd.s32 $0xFFFFE000  }
0x197: {  	[spmem:s2] =	stream.indirect.scatter.add.f32 [tilespmem:s9], [sflag:$0x6], $0x40, s14, s8, $0xb8;
	[tilespmem:$0x1E100] =	vst v63  }
0x198: {  	_ =	swait.ge [sflag:s15], $0x2000  }
0x199: {  	[sflag:s15] =	ssyncset.done $0x0  }
0x19a: {  	s24 =	rddreg [dreg:$0x11];
	[sflag:s15] =	ssyncadd.s32 $0xFFFFE000  }
0x19b: {  	[tilespmem:s9], [sflag:$0x4] =	stream.indirect.gather [hbm4b:s4+s8], $0x40, s24, s8, $0xb8;
	[tilespmem:$0x1E100] =	vst v63  }
0x19c: {  	_ =	swait.ge [sflag:s10], $0x2000  }
0x19d: {  	[sflag:s10] =	ssyncset.done $0x0  }
0x19e: {  	[sflag:s10] =	ssyncadd.s32 $0xFFFFE000  }
0x19f: {  	[spmem:s2] =	stream.indirect.scatter.add.f32 [tilespmem:s26], [sflag:$0x5], $0x40, s11, s8, $0xb8;
	[tilespmem:$0x1E100] =	vst v63  }
0x1a0: {  	_ =	swait.ge [sflag:s12], $0x2000  }
0x1a1: {  	[sflag:s12] =	ssyncset.done $0x0  }
0x1a2: {  	s24 =	rddreg [dreg:$0x12];
	[sflag:s12] =	ssyncadd.s32 $0xFFFFE000  }
0x1a3: {  	[tilespmem:s26], [sflag:$0x3] =	stream.indirect.gather [hbm4b:s4+s8], $0x40, s24, s8, $0xb8;
	[tilespmem:$0x1E100] =	vst v63  }
0x1a4: {  	_ =	swait.ge [sflag:s13], $0x2000  }
0x1a5: {  	[sflag:s13] =	ssyncset.done $0x0  }
0x1a6: {  	[sflag:s13] =	ssyncadd.s32 $0xFFFFE000  }
0x1a7: {  	[spmem:s2] =	stream.indirect.scatter.add.f32 [tilespmem:s9], [sflag:$0x6], $0x40, s14, s8, $0xb8;
	[tilespmem:$0x1E100] =	vst v63  }
0x1a8: {  	_ =	swait.ge [sflag:s15], $0x2000  }
0x1a9: {  	[sflag:s15] =	ssyncset.done $0x0  }
0x1aa: {  	s24 =	rddreg [dreg:$0x13];
	[sflag:s15] =	ssyncadd.s32 $0xFFFFE000  }
0x1ab: {  	[tilespmem:s9], [sflag:$0x4] =	stream.indirect.gather [hbm4b:s4+s8], $0x40, s24, s8, $0xb8;
	[tilespmem:$0x1E100] =	vst v63  }
0x1ac: {  	_ =	swait.ge [sflag:s10], $0x2000  }
0x1ad: {  	[sflag:s10] =	ssyncset.done $0x0  }
0x1ae: {  	[sflag:s10] =	ssyncadd.s32 $0xFFFFE000  }
0x1af: {  	[spmem:s2] =	stream.indirect.scatter.add.f32 [tilespmem:s26], [sflag:$0x5], $0x40, s11, s8, $0xb8;
	[tilespmem:$0x1E100] =	vst v63  }
0x1b0: {  	_ =	swait.ge [sflag:s12], $0x2000  }
0x1b1: {  	[sflag:s12] =	ssyncset.done $0x0  }
0x1b2: {  	s24 =	rddreg [dreg:$0x14];
	[sflag:s12] =	ssyncadd.s32 $0xFFFFE000  }
0x1b3: {  	[tilespmem:s26], [sflag:$0x3] =	stream.indirect.gather [hbm4b:s4+s8], $0x40, s24, s8, $0xb8;
	[tilespmem:$0x1E100] =	vst v63  }
0x1b4: {  	_ =	swait.ge [sflag:s13], $0x2000  }
0x1b5: {  	[sflag:s13] =	ssyncset.done $0x0  }
0x1b6: {  	[sflag:s13] =	ssyncadd.s32 $0xFFFFE000  }
0x1b7: {  	[spmem:s2] =	stream.indirect.scatter.add.f32 [tilespmem:s9], [sflag:$0x6], $0x40, s14, s8, $0xb8;
	[tilespmem:$0x1E100] =	vst v63  }
0x1b8: {  	_ =	swait.ge [sflag:s15], $0x2000  }
0x1b9: {  	[sflag:s15] =	ssyncset.done $0x0  }
0x1ba: {  	[sflag:s15] =	ssyncadd.s32 $0xFFFFE000  }
0x1bb: {  	[tilespmem:s9], [sflag:$0x4] =	stream.indirect.gather [hbm4b:s4+s8], $0x40, s17, s8, $0xb8;
	[tilespmem:$0x1E100] =	vst v63  }
0x1bc: {  	_ =	swait.ge [sflag:s10], $0x2000  }
0x1bd: {  	[sflag:s10] =	ssyncset.done $0x0  }
0x1be: {  	[sflag:s10] =	ssyncadd.s32 $0xFFFFE000  }
0x1bf: {  	[spmem:s2] =	stream.indirect.scatter.add.f32 [tilespmem:s26], [sflag:$0x5], $0x40, s11, s8, $0xb8;
	[tilespmem:$0x1E100] =	vst v63  }
0x1c0: {  	_ =	swait.ge [sflag:s13], $0x2000  }
0x1c1: {  	[sflag:s13] =	ssyncset.done $0x0  }
0x1c2: {  	[sflag:s13] =	ssyncadd.s32 $0xFFFFE000  }
0x1c3: {  	[spmem:s2] =	stream.indirect.scatter.add.f32 [tilespmem:s9], [sflag:$0x6], $0x40, s14, s8, $0xb8;
	[tilespmem:$0x1E100] =	vst v63  }
0x1c4: {  	s20 =	sadd.s32 $0x180, s20  }
0x1c5: {  	[tilespmem:s0], [sflag:$0x2] =	stream.linear.gather [hbm4b:s20+s3], $0x400, $0x38;
	[tilespmem:$0x1E100] =	vst v63  }
0x1c6: {  	p0 =	sne.s32 s19, $0x1800;
	s21 =	sadd.s32 $0x180, s21  }
0x1c7: {  	[tilespmem:s1], [sflag:$0x2] =	stream.linear.gather [hbm4b:s21+s3], $0x400, $0x38;
	[tilespmem:$0x1E100] =	vst v63  }
.Ltmp1:
0x1c8: {  	s24 =	sadd.s32 $0x180, s22;
	(pc) =	sbr.rel @p0 .LBB2_4-.Ltmp1, $4  }
0x1c9: {  	[tilespmem:s6], [sflag:$0x2] =	stream.linear.gather [hbm4b:s24+s3], $0x400, $0x38;
	[tilespmem:$0x1E100] =	vst v63  }
0x1ca: {  	_ =	swait.ge [sflag:s12], $0x2000  }
0x1cb: {  	[sflag:s12] =	ssyncset.done $0x0  }
0x1cc: {  	s19 =	sadd.s32 $0x100, s19;
	[sflag:s12] =	ssyncadd.s32 $0xFFFFE000  }
0x1cd: {  	_ =	swait.ge [sflag:s15], $0x2000  }
0x1ce: {  	[sflag:s15] =	ssyncset.done $0x0  }
0x1cf: {  	[sflag:s15] =	ssyncadd.s32 $0xFFFFE000  }
0x1d0: {  	_ =	swait.ge [sflag:s7], $0x400  }
0x1d1: {  	[sflag:s7] =	ssyncset.done $0x0  }
0x1d2: {  	[sflag:s7] =	ssyncadd.s32 $0xFFFFFC00  }
0x1d3: {  	_ =	swait.ge [sflag:s7], $0x400  }
0x1d4: {  	[sflag:s7] =	ssyncset.done $0x0  }
0x1d5: {  	[sflag:s7] =	ssyncadd.s32 $0xFFFFFC00  }
0x1d6: {  	_ =	swait.ge [sflag:s7], $0x400  }
0x1d7: {  	[sflag:s7] =	ssyncset.done $0x0  }
0x1d8: {  	[sflag:s7] =	ssyncadd.s32 $0xFFFFFC00  }
0x1d9: {  	_ =	swait.ge [sflag:s16], $0x400  }
0x1da: {  	[sflag:s16] =	ssyncset.done $0x0  }
0x1db: {  	[sflag:s16] =	ssyncadd.s32 $0xFFFFFC00  }
0x1dc: {  	_ =	swait.ge [sflag:s16], $0x400  }
0x1dd: {  	[sflag:s16] =	ssyncset.done $0x0  }
0x1de: {  	[sflag:s16] =	ssyncadd.s32 $0xFFFFFC00  }
0x1df: {  	_ =	swait.ge [sflag:s16], $0x400  }
0x1e0: {  	[sflag:s16] =	ssyncset.done $0x0  }
0x1e1: {  	[sflag:s16] =	ssyncadd.s32 $0xFFFFFC00  }
0x1e2: {  	[bflag:$0x0] =	sbarrier.arrive $0xFFFF  }
0x1e3: {  	s19 =	stileid.u32;
	s18 =	sadd.s32 $0x1, s18;
	s21 =	sld [smem:$0x7FD]  }
0x1e4: {  	s19 =	sshll.u32 s19, $0x6;
	p0 =	sne.s32 s18, s25  }
.Ltmp2:
0x1e5: {  	s20 =	sshrl.u32 s5, $0x3;
	s19 =	sor.u32 $0x1C07, s19;
	(pc) =	sbr.rel @p0 .LBB2_1-.Ltmp2, $4  }
0x1e6: {  	[hbm:s21], [sflag:s19] =	dma.local [spmem:s20], $0x3100  }
0x1e7: {  	_ =	swait.ge [sflag:s28], $0x3100  }
0x1e8: {  	[sflag:s28] =	ssyncset.done $0x0  }
0x1e9: {  	[sflag:s28] =	ssyncadd.s32 $0xFFFFCF00  }
0x1ea: {  	_ =	sfence.sel $0x180000  }
0x1eb: {  	[bflag:$0x0] =	sbarrier.arrive $0xFFFF  }
0x1ec: {  	_ =	strace $0x90000047  }
0x1ed: {  	s0 =	stileid.u32;
	[bflag:$0x2] =	sbarrier.arrive $0xFFFF  }
0x1ee: {  	p0 =	sne.s32 s0, $0x0;
	s0 =	rddreg [dreg:$0x4]  }
0x1ef: {  	s0 =	sadd.s32 @!p0 $0x100000, s0  }
0x1f0: {  	[sflag:s0] =	ssyncadd.tile.s32 @!p0 $0x1;
	_ =	shalt  }
.Lfunc_end2:
_tile_overlayer_lowered:
.L_overlay_start_2:
0x1f1: {  	(tag) =	ssettag $0x2  }
0x1f2: {  	s0 =	rddreg [dreg:$0x0];
	s2 =	stileid.u32  }
0x1f3: {  	s1 =	rddreg [dreg:$0x1];
	p0 =	sne.s32 s2, $0x0  }
0x1f4: {  	s3 =	rddreg [dreg:$0x2];
	[bflag:$0x3] =	sbarrier.arrive $0xFFFF;
	s2 =	simm.s32 @!p0 $0x1C07  }
0x1f5: {  	[timem:s3], [sflag:s2] =	dma.local @!p0 [hbm:s0], s1  }
0x1f6: {  	s0 =	simm.s32 @!p0 $0x7  }
0x1f7: {  	_ =	swait.ge @!p0 [sflag:s0], s1  }
0x1f8: {  	s1 =	ssub.s32 @!p0 $0x0, s1;
	[sflag:s0] =	ssyncset.done @!p0 $0x0  }
0x1f9: {  	[sflag:s0] =	ssyncadd.s32 @!p0 s1  }
0x1fa: {  	[bflag:$0x3] =	sbarrier.arrive $0xFFFF  }
0x1fb: {  	_ =	shalt  }

</sc_bundles>
